<compile_context>
chip_gen: v7x
topology: tpu7x:2x2x1
jax: 0.10.2.dev20260603
libtpu: 0.0.44.dev20260713+nightly
codegen_flags: <defaults>
</compile_context>

<pallas_src>
import functools

import jax
import jax.numpy as jnp
from jax import lax
from jax.experimental import pallas as pl
from jax.experimental.pallas import tpu as pltpu
from jax.experimental.pallas import tpu_sc as plsc

N = 10000
NP = 10240
E = 320000
D = 128

NC = 2
NS = 16
NW = NC * NS

EPT = E // NW
CA = 2000
CB = 3200
QS = 2000
FPT = D // NW

_mesh = plsc.VectorSubcoreMesh(core_axis_name="c", subcore_axis_name="s")
_sc_params = pltpu.CompilerParams(needs_layout_passes=False)


def _dense_body(x_ref, W_ref, b_ref, att_ref, yT_ref, a_ref, m_ref):
    j = pl.program_id(0)
    y = jnp.dot(x_ref[...], W_ref[...], preferred_element_type=jnp.float32)
    y = y + b_ref[...]
    yT = y.T
    yT_ref[...] = yT
    av = jnp.sum(yT * att_ref[...], axis=0, keepdims=True)
    av = jnp.where(av > 0, av, 0.2 * av)
    a_ref[...] = av
    bm = jnp.max(av)

    @pl.when(j == 0)
    def _():
        m_ref[0, 0] = bm

    @pl.when(j > 0)
    def _():
        m_ref[0, 0] = jnp.maximum(m_ref[0, 0], bm)


def _dense(xp, W, b, att):
    nb = NP // 1024
    return pl.pallas_call(
        _dense_body,
        grid=(nb,),
        in_specs=[
            pl.BlockSpec((1024, D), lambda j: (j, 0)),
            pl.BlockSpec((D, D), lambda j: (0, 0)),
            pl.BlockSpec((1, D), lambda j: (0, 0)),
            pl.BlockSpec((D, 1), lambda j: (0, 0)),
        ],
        out_specs=[
            pl.BlockSpec((D, 1024), lambda j: (0, j)),
            pl.BlockSpec((1, 1024), lambda j: (0, j)),
            pl.BlockSpec(memory_space=pltpu.SMEM),
        ],
        out_shape=[
            jax.ShapeDtypeStruct((D, NP), jnp.float32),
            jax.ShapeDtypeStruct((1, NP), jnp.float32),
            jax.ShapeDtypeStruct((1, 1), jnp.float32),
        ],
    )(xp, W, b, att)


def _segsum_body(src_h, dst_h, a2_h, zero_h, s2_h, a2_v, srcb, dstb, pb, s_sh):
    cid = lax.axis_index("c")
    sid = lax.axis_index("s")
    wid = cid * NS + sid
    pltpu.sync_copy(a2_h, a2_v)

    @pl.when(sid == 0)
    def _():
        pltpu.sync_copy(zero_h, s_sh)

    plsc.subcore_barrier()

    base = wid * EPT

    def chunk(ci, carry):
        off = base + ci * CA
        pltpu.sync_copy(src_h.at[pl.ds(off, CA)], srcb)
        pltpu.sync_copy(dst_h.at[pl.ds(off, CA)], dstb)

        def vec(i, c2):
            s = srcb[pl.ds(i * 16, 16)]
            av = plsc.load_gather(a2_v, [s])
            pb[pl.ds(i * 16, 16)] = jnp.exp(av)
            return c2

        lax.fori_loop(0, CA // 16, vec, 0)
        pltpu.sync_copy(pb, s_sh.at[dstb], add=True)
        return carry

    lax.fori_loop(0, EPT // CA, chunk, 0)
    plsc.subcore_barrier()

    @pl.when(sid == 0)
    def _():
        pltpu.sync_copy(s_sh, s2_h.at[pl.ds(cid * NP, NP)])


_segsum = functools.partial(
    pl.kernel,
    out_type=jax.ShapeDtypeStruct((2 * NP,), jnp.float32),
    mesh=_mesh,
    scratch_types=[
        pltpu.VMEM((N,), jnp.float32),
        pltpu.VMEM((CA,), jnp.int32),
        pltpu.VMEM((CA,), jnp.int32),
        pltpu.VMEM((CA,), jnp.float32),
        pltpu.VMEM_SHARED((NP,), jnp.float32),
    ],
    compiler_params=_sc_params,
)(_segsum_body)


def _edgew_body(src_h, dst_h, a2_h, s2_h, w_h, a2_v, sinv, t0, t1, srcb, dstb, wb):
    cid = lax.axis_index("c")
    sid = lax.axis_index("s")
    wid = cid * NS + sid
    pltpu.sync_copy(a2_h, a2_v)

    def stage(k, carry):
        pltpu.sync_copy(s2_h.at[pl.ds(k * QS, QS)], t0)
        pltpu.sync_copy(s2_h.at[pl.ds(NP + k * QS, QS)], t1)

        def vec(i, c2):
            s = t0[pl.ds(i * 16, 16)] + t1[pl.ds(i * 16, 16)]
            sinv[pl.ds(k * QS + i * 16, 16)] = 1.0 / (s + 1e-16)
            return c2

        lax.fori_loop(0, QS // 16, vec, 0)
        return carry

    lax.fori_loop(0, N // QS, stage, 0)

    base = wid * EPT

    def chunk(ci, carry):
        off = base + ci * CA
        pltpu.sync_copy(src_h.at[pl.ds(off, CA)], srcb)
        pltpu.sync_copy(dst_h.at[pl.ds(off, CA)], dstb)

        def vec(i, c2):
            s = srcb[pl.ds(i * 16, 16)]
            d = dstb[pl.ds(i * 16, 16)]
            p = jnp.exp(plsc.load_gather(a2_v, [s]))
            iv = plsc.load_gather(sinv, [d])
            wb[pl.ds(i * 16, 16)] = p * iv
            return c2

        lax.fori_loop(0, CA // 16, vec, 0)
        pltpu.sync_copy(wb, w_h.at[pl.ds(off, CA)])
        return carry

    lax.fori_loop(0, EPT // CA, chunk, 0)


_edgew = functools.partial(
    pl.kernel,
    out_type=jax.ShapeDtypeStruct((E,), jnp.float32),
    mesh=_mesh,
    scratch_types=[
        pltpu.VMEM((N,), jnp.float32),
        pltpu.VMEM((N,), jnp.float32),
        pltpu.VMEM((QS,), jnp.float32),
        pltpu.VMEM((QS,), jnp.float32),
        pltpu.VMEM((CA,), jnp.int32),
        pltpu.VMEM((CA,), jnp.int32),
        pltpu.VMEM((CA,), jnp.float32),
    ],
    compiler_params=_sc_params,
)(_edgew_body)


def _minagg_body(src_h, dst_h, w_h, ypk_h, outPk_h,
                 ybuf, outb, dupchk,
                 sb0, db0, wb0, sb1, db1, wb1, sem0, sem1):
    cid = lax.axis_index("c")
    sid = lax.axis_index("s")

    pltpu.sync_copy(ypk_h.at[pl.ds(sid * 4 * NP, 4 * NP)], ybuf)

    inf16 = jnp.full((16,), 0x7F807F80, jnp.int32)

    def init(i, carry):
        outb[pl.ds(i * 16, 16)] = inf16
        return carry

    lax.fori_loop(0, (4 * NP) // 16, init, 0)

    sbufs = (sb0, sb1)
    dbufs = (db0, db1)
    wbufs = (wb0, wb1)
    sems = (sem0, sem1)
    EH = E // 2
    ebase = cid * EH
    nchunks = EH // CB
    nv = CB // 16
    iota16 = lax.iota(jnp.int32, 16)

    def start(ci, b):
        off = ebase + ci * CB
        pltpu.async_copy(src_h.at[pl.ds(off, CB)], sbufs[b], sems[b])
        pltpu.async_copy(dst_h.at[pl.ds(off, CB)], dbufs[b], sems[b])
        pltpu.async_copy(w_h.at[pl.ds(off, CB)], wbufs[b], sems[b])

    def wait(ci, b):
        off = ebase + ci * CB
        pltpu.make_async_copy(src_h.at[pl.ds(off, CB)], sbufs[b], sems[b]).wait()
        pltpu.make_async_copy(dst_h.at[pl.ds(off, CB)], dbufs[b], sems[b]).wait()
        pltpu.make_async_copy(w_h.at[pl.ds(off, CB)], wbufs[b], sems[b]).wait()

    for b in (0, 1):
        start(b, b)

    m16 = jnp.int32(-65536)

    def load_group(sb, db, wb, i):
        s = sb[pl.ds(i * 16, 16)]
        d = db[pl.ds(i * 16, 16)]
        w = wb[pl.ds(i * 16, 16)]
        vs = []
        for k in range(4):
            yk = plsc.load_gather(ybuf, [s + k * NP])
            flo = lax.bitcast_convert_type(lax.shift_left(yk, 16), jnp.float32)
            fhi = lax.bitcast_convert_type(lax.bitwise_and(yk, m16), jnp.float32)
            vp = plsc.pack(w * flo, w * fhi, format=plsc.PackFormat.INTERLEAVED)
            vs.append(plsc.bitcast(vp, jnp.int32))
        return d, vs

    def _bmin(a32, b32):
        a = plsc.bitcast(a32, jnp.bfloat16)
        b = plsc.bitcast(b32, jnp.bfloat16)
        return plsc.bitcast(jnp.minimum(a, b), jnp.int32)

    def rmw_fast(d, vs):
        for k in range(4):
            dd = d + k * NP
            c = plsc.load_gather(outb, [dd])
            plsc.store_scatter(outb, [dd], _bmin(c, vs[k]))

    def rmw_retry(d, vs):
        def cond(m):
            return plsc.all_reduce_population_count(m)[0] > 0

        def body(m):
            lost = jnp.zeros((16,), jnp.bool_)
            for k in range(4):
                dd = d + k * NP
                c = plsc.load_gather(outb, [dd], mask=m)
                nvv = _bmin(c, vs[k])
                plsc.store_scatter(outb, [dd], nvv, mask=m)
                chk = plsc.load_gather(outb, [dd], mask=m)
                lo_c = lax.bitcast_convert_type(lax.shift_left(chk, 16), jnp.float32)
                hi_c = lax.bitcast_convert_type(lax.bitwise_and(chk, m16), jnp.float32)
                lo_n = lax.bitcast_convert_type(lax.shift_left(nvv, 16), jnp.float32)
                hi_n = lax.bitcast_convert_type(lax.bitwise_and(nvv, m16), jnp.float32)
                bad = jnp.logical_or(lo_c > lo_n, hi_c > hi_n)
                lost = jnp.logical_or(lost, jnp.logical_and(m, bad))
            return lost

        lax.while_loop(cond, body, jnp.full((16,), True, jnp.bool_))

    def process(b):
        sb, db, wb = sbufs[b], dbufs[b], wbufs[b]

        def vec(i, carry):
            groups = [load_group(sb, db, wb, 4 * i + g) for g in range(4)]
            for g, (dg, _) in enumerate(groups):
                plsc.store_scatter(dupchk, [dg], iota16 + 16 * g)
            bad = jnp.zeros((16,), jnp.bool_)
            for g, (dg, _) in enumerate(groups):
                rd = plsc.load_gather(dupchk, [dg])
                bad = jnp.logical_or(bad, rd != iota16 + 16 * g)
            nbad = plsc.all_reduce_population_count(bad)[0]

            def fast(_):
                for dg, vg in groups:
                    rmw_fast(dg, vg)
                return 0

            def slow(_):
                for dg, vg in groups:
                    rmw_retry(dg, vg)
                return 0

            lax.cond(nbad == 0, fast, slow, 0)
            return carry

        lax.fori_loop(0, nv // 4, vec, 0)

    def pair(cj, carry):
        for b in (0, 1):
            ci = cj * 2 + b
            wait(ci, b)
            process(b)
            nci = ci + 2

            @pl.when(nci < nchunks)
            def _():
                start(nci, b)

        return carry

    lax.fori_loop(0, nchunks // 2, pair, 0)
    pltpu.sync_copy(outb, outPk_h.at[pl.ds((cid * NS + sid) * 4 * NP, 4 * NP)])


_minagg = functools.partial(
    pl.kernel,
    out_type=jax.ShapeDtypeStruct((2 * (D // 2) * NP,), jnp.int32),
    mesh=_mesh,
    scratch_types=[
        pltpu.VMEM((4 * NP,), jnp.int32),
        pltpu.VMEM((4 * NP,), jnp.int32),
        pltpu.VMEM((N,), jnp.int32),
        pltpu.VMEM((CB,), jnp.int32),
        pltpu.VMEM((CB,), jnp.int32),
        pltpu.VMEM((CB,), jnp.float32),
        pltpu.VMEM((CB,), jnp.int32),
        pltpu.VMEM((CB,), jnp.int32),
        pltpu.VMEM((CB,), jnp.float32),
        pltpu.SemaphoreType.DMA,
        pltpu.SemaphoreType.DMA,
    ],
    compiler_params=_sc_params,
)(_minagg_body)


def _epi_body(p0_ref, p1_ref, s2_ref, x_ref, o_ref):
    u0 = p0_ref[...]
    u1 = p1_ref[...]
    m16 = jnp.int32(-65536)
    lo0 = lax.bitcast_convert_type(lax.shift_left(u0, 16), jnp.float32)
    hi0 = lax.bitcast_convert_type(lax.bitwise_and(u0, m16), jnp.float32)
    lo1 = lax.bitcast_convert_type(lax.shift_left(u1, 16), jnp.float32)
    hi1 = lax.bitcast_convert_type(lax.bitwise_and(u1, m16), jnp.float32)
    agg_lo = jnp.minimum(lo0, lo1)
    agg_hi = jnp.minimum(hi0, hi1)
    s = s2_ref[0:1, :] + s2_ref[1:2, :]
    agg_lo = jnp.where(s > 0, agg_lo, 0.0)
    agg_hi = jnp.where(s > 0, agg_hi, 0.0)
    x = x_ref[...]
    o_ref[:, 0:64] = agg_lo.T + x[:, 0:64]
    o_ref[:, 64:128] = agg_hi.T + x[:, 64:128]


def _epilogue(outPk0, outPk1, s2, xp):
    nb = NP // 1024
    return pl.pallas_call(
        _epi_body,
        grid=(nb,),
        in_specs=[
            pl.BlockSpec((D // 2, 1024), lambda j: (0, j)),
            pl.BlockSpec((D // 2, 1024), lambda j: (0, j)),
            pl.BlockSpec((2, 1024), lambda j: (0, j)),
            pl.BlockSpec((1024, D), lambda j: (j, 0)),
        ],
        out_specs=pl.BlockSpec((1024, D), lambda j: (j, 0)),
        out_shape=jax.ShapeDtypeStruct((NP, D), jnp.float32),
    )(outPk0, outPk1, s2, xp)


def kernel(x, edge_index, W_msg, b_msg, att_msg):
    src = edge_index[0]
    dst = edge_index[1]
    xp = jnp.pad(x, ((0, NP - N), (0, 0)))
    yT, a, m = _dense(xp, W_msg, b_msg.reshape(1, D), att_msg.reshape(D, 1))
    a2 = a[0, :N] - m[0, 0]
    zeros = jnp.zeros((NP,), jnp.float32)
    s2 = _segsum(src, dst, a2, zeros)
    w = _edgew(src, dst, a2, s2)
    yb16 = lax.bitcast_convert_type(yT.astype(jnp.bfloat16), jnp.uint16)
    ypk = (yb16[: D // 2, :].astype(jnp.uint32)
           | (yb16[D // 2:, :].astype(jnp.uint32) << 16))
    ypk = lax.bitcast_convert_type(ypk, jnp.int32).reshape(D // 2 * NP)
    outPk = _minagg(src, dst, w, ypk).reshape(2, D // 2, NP)
    out = _epilogue(outPk[0], outPk[1], s2.reshape(2, NP), xp)
    return out[:N]

# --- scband reference (transcript-rebuilt; emitter-appended) ---
"""Pipeline reference for scband-general-conv-multi-attention-58385785422518 (READ-ONLY COPY).

The authoritative reference and input builder live on the scoring server;
editing this copy changes nothing except your own understanding.
"""

import jax, jax.numpy as jnp
import numpy as np

N = 10000
E = 320000
D = 128

def setup_inputs(seed: int = 0) -> dict:
    key = jax.random.key(seed)
    k1, k2, k3, k4 = jax.random.split(key, 4)
    x = jax.random.normal(k1, (N, D), dtype=jnp.float32)
    edge_index = jax.random.randint(k2, (2, E), 0, N, dtype=jnp.int32)
    # GeneralConv params (heads=1): lin_msg Linear(D, D*heads), additive attention vector att_msg[1, heads, D]
    W_msg = jax.random.normal(k3, (D, D), dtype=jnp.float32) * (1.0 / np.sqrt(D))
    b_msg = jnp.zeros((D,), dtype=jnp.float32)
    att_msg = jax.random.normal(k4, (1, 1, D), dtype=jnp.float32) * 0.1
    return {"x": x, "edge_index": edge_index, "W_msg": W_msg, "b_msg": b_msg, "att_msg": att_msg}


def reference(x, edge_index, W_msg, b_msg, att_msg):
    # PyG GeneralConv(in=out=128, aggr='min', attention=True, attention_type='additive',
    # heads=1, directed_msg=True, l2_normalize=False). lin_self is Identity since in==out.
    src = edge_index[0]
    dst = edge_index[1]
    # message_basic: lin_msg(x_j)
    msg = x[src] @ W_msg + b_msg                                  # [E, D] (heads=1)
    # additive attention: alpha = (x_j_out * att_msg).sum(-1), leaky_relu, segment softmax over dst
    alpha = jnp.sum(msg * att_msg.reshape(1, D), axis=-1)          # [E]
    alpha = jax.nn.leaky_relu(alpha, negative_slope=0.2)
    seg_max = jax.ops.segment_max(alpha, dst, num_segments=N)     # [N]
    alpha = jnp.exp(alpha - seg_max[dst])
    seg_sum = jax.ops.segment_sum(alpha, dst, num_segments=N)     # [N]
    alpha = alpha / (seg_sum[dst] + 1e-16)
    wmsg = msg * alpha[:, None]                                   # [E, D]; mean over heads=1 is identity
    # aggr='min' over incoming edges; PyG fills empty segments with 0
    agg = jax.ops.segment_min(wmsg, dst, num_segments=N)          # [N, D]
    deg = jax.ops.segment_sum(jnp.ones((E,), jnp.float32), dst, num_segments=N)
    agg = jnp.where((deg > 0)[:, None], agg, 0.0)
    # out = aggregated + lin_self(x); lin_self = Identity (in_channels == out_channels, no skip_linear)
    return agg + x

if __name__ == "__main__":
    import jax
    _d = setup_inputs()
    print(jax.jit(kernel)(*tuple(_d.values())))

</pallas_src>

<mosaic_0001>
#map = affine_map<(d0, d1) -> (0)>
module attributes {stable_mosaic.version = 14 : i64} {
  func.func @_minagg_body(%arg0: i32, %arg1: i32, %arg2: memref<320000xi32, #tpu.memory_space<hbm>>, %arg3: memref<320000xi32, #tpu.memory_space<hbm>>, %arg4: memref<320000xf32, #tpu.memory_space<hbm>>, %arg5: memref<655360xi32, #tpu.memory_space<hbm>>, %arg6: memref<1310720xi32, #tpu.memory_space<hbm>>, %arg7: memref<40960xi32, #tpu.memory_space<vmem>>, %arg8: memref<40960xi32, #tpu.memory_space<vmem>>, %arg9: memref<10000xi32, #tpu.memory_space<vmem>>, %arg10: memref<3200xi32, #tpu.memory_space<vmem>>, %arg11: memref<3200xi32, #tpu.memory_space<vmem>>, %arg12: memref<3200xf32, #tpu.memory_space<vmem>>, %arg13: memref<3200xi32, #tpu.memory_space<vmem>>, %arg14: memref<3200xi32, #tpu.memory_space<vmem>>, %arg15: memref<3200xf32, #tpu.memory_space<vmem>>, %arg16: memref<!tpu.dma_semaphore, #tpu.memory_space<semaphore_mem>>, %arg17: memref<!tpu.dma_semaphore, #tpu.memory_space<semaphore_mem>>) attributes {dimension_semantics = [#tpu.dimension_semantics<core_parallel>, #tpu.dimension_semantics<subcore_parallel>], iteration_bounds = array<i64: 2, 16>, scalar_prefetch = 0 : i64, scratch_operands = 11 : i64, tpu.core_type = #tpu.core_type<sc_vector_subcore>, window_params = [{transform_indices = #map}, {transform_indices = #map}, {transform_indices = #map}, {transform_indices = #map}, {transform_indices = #map}]} {
    %mul3A = arith.constant 4 : i32
    %mul3A_0 = arith.muli %arg1, %mul3A : i32
    %mul3A_1 = arith.constant 10240 : i32
    %mul3A_2 = arith.muli %mul3A_0, %mul3A_1 : i32
    "tpu.region"() ({
      %run_scoped3A = tpu.sem_alloc : memref<!tpu.dma_semaphore, #tpu.memory_space<semaphore_mem>>
      %dma_start3A_39 = tpu.memref_slice %arg5[%mul3A_2] : memref<655360xi32, #tpu.memory_space<hbm>> -> memref<40960xi32, #tpu.memory_space<hbm>>
      %dma_start3A_40 = tpu.memref_slice %arg5[%mul3A_2] : memref<655360xi32, #tpu.memory_space<hbm>> -> memref<40960xi32, #tpu.memory_space<hbm>>
      tpu.enqueue_dma source(%dma_start3A_40 : memref<40960xi32, #tpu.memory_space<hbm>>) target(%arg7 : memref<40960xi32, #tpu.memory_space<vmem>>) target_semaphore(%run_scoped3A : memref<!tpu.dma_semaphore, #tpu.memory_space<semaphore_mem>>)
      %dma_wait3A = tpu.memref_slice %arg5[%mul3A_2] : memref<655360xi32, #tpu.memory_space<hbm>> -> memref<40960xi32, #tpu.memory_space<hbm>>
      %dma_wait3A_41 = tpu.memref_slice %arg5[%mul3A_2] : memref<655360xi32, #tpu.memory_space<hbm>> -> memref<40960xi32, #tpu.memory_space<hbm>>
      tpu.wait_dma2 semaphore(%run_scoped3A : memref<!tpu.dma_semaphore, #tpu.memory_space<semaphore_mem>>) src(%dma_wait3A_41 : memref<40960xi32, #tpu.memory_space<hbm>>) dst(%arg7 : memref<40960xi32, #tpu.memory_space<vmem>>)
      tpu.yield
    }) : () -> ()
    %broadcast_in_dim3A = arith.constant 2139127680 : i32
    %broadcast_in_dim3A_3 = vector.broadcast %broadcast_in_dim3A : i32 to vector<16xi32>
    %scan3A = arith.constant 0 : i32
    %scan3A_4 = arith.constant 0 : i32
    %scan3A_5 = arith.constant 2560 : i32
    %scan3A_6 = arith.addi %scan3A_4, %scan3A_5 : i32
    %scan3A_7 = arith.constant 1 : i32
    scf.for %scan3A_39 = %scan3A_4 to %scan3A_6 step %scan3A_7  : i32 {
      %mul3A_40 = arith.constant 16 : i32
      %mul3A_41 = arith.muli %scan3A_39, %mul3A_40 : i32
      %swap3A = arith.index_cast %mul3A_41 : i32 to index
      %swap3A_42 = tpu.vector_load %arg8[%swap3A] {strides = array<i32>} : memref<40960xi32, #tpu.memory_space<vmem>>, vector<16xi32>,
      tpu.vector_store %arg8[%swap3A], %broadcast_in_dim3A_3 {strides = array<i32>} : memref<40960xi32, #tpu.memory_space<vmem>>, vector<16xi32>,
    }
    %scan3A_8 = arith.constant 2560 : i32
    %mul3A_9 = arith.constant 160000 : i32
    %mul3A_10 = arith.muli %arg0, %mul3A_9 : i32
    %iota3A = tpu.iota {dimensions = array<i32: 0>} : vector<16xi32>
    %add3A = arith.constant 0 : i32
    %add3A_11 = arith.addi %mul3A_10, %add3A : i32
    %dma_start3A = tpu.memref_slice %arg2[%add3A_11] : memref<320000xi32, #tpu.memory_space<hbm>> -> memref<3200xi32, #tpu.memory_space<hbm>>
    %dma_start3A_12 = tpu.memref_slice %arg2[%add3A_11] : memref<320000xi32, #tpu.memory_space<hbm>> -> memref<3200xi32, #tpu.memory_space<hbm>>
    tpu.enqueue_dma source(%dma_start3A_12 : memref<3200xi32, #tpu.memory_space<hbm>>) target(%arg10 : memref<3200xi32, #tpu.memory_space<vmem>>) target_semaphore(%arg16 : memref<!tpu.dma_semaphore, #tpu.memory_space<semaphore_mem>>)
    %dma_start3A_13 = tpu.memref_slice %arg3[%add3A_11] : memref<320000xi32, #tpu.memory_space<hbm>> -> memref<3200xi32, #tpu.memory_space<hbm>>
    %dma_start3A_14 = tpu.memref_slice %arg3[%add3A_11] : memref<320000xi32, #tpu.memory_space<hbm>> -> memref<3200xi32, #tpu.memory_space<hbm>>
    tpu.enqueue_dma source(%dma_start3A_14 : memref<3200xi32, #tpu.memory_space<hbm>>) target(%arg11 : memref<3200xi32, #tpu.memory_space<vmem>>) target_semaphore(%arg16 : memref<!tpu.dma_semaphore, #tpu.memory_space<semaphore_mem>>)
    %dma_start3A_15 = tpu.memref_slice %arg4[%add3A_11] : memref<320000xf32, #tpu.memory_space<hbm>> -> memref<3200xf32, #tpu.memory_space<hbm>>
    %dma_start3A_16 = tpu.memref_slice %arg4[%add3A_11] : memref<320000xf32, #tpu.memory_space<hbm>> -> memref<3200xf32, #tpu.memory_space<hbm>>
    tpu.enqueue_dma source(%dma_start3A_16 : memref<3200xf32, #tpu.memory_space<hbm>>) target(%arg12 : memref<3200xf32, #tpu.memory_space<vmem>>) target_semaphore(%arg16 : memref<!tpu.dma_semaphore, #tpu.memory_space<semaphore_mem>>)
    %add3A_17 = arith.constant 3200 : i32
    %add3A_18 = arith.addi %mul3A_10, %add3A_17 : i32
    %dma_start3A_19 = tpu.memref_slice %arg2[%add3A_18] : memref<320000xi32, #tpu.memory_space<hbm>> -> memref<3200xi32, #tpu.memory_space<hbm>>
    %dma_start3A_20 = tpu.memref_slice %arg2[%add3A_18] : memref<320000xi32, #tpu.memory_space<hbm>> -> memref<3200xi32, #tpu.memory_space<hbm>>
    tpu.enqueue_dma source(%dma_start3A_20 : memref<3200xi32, #tpu.memory_space<hbm>>) target(%arg13 : memref<3200xi32, #tpu.memory_space<vmem>>) target_semaphore(%arg17 : memref<!tpu.dma_semaphore, #tpu.memory_space<semaphore_mem>>)
    %dma_start3A_21 = tpu.memref_slice %arg3[%add3A_18] : memref<320000xi32, #tpu.memory_space<hbm>> -> memref<3200xi32, #tpu.memory_space<hbm>>
    %dma_start3A_22 = tpu.memref_slice %arg3[%add3A_18] : memref<320000xi32, #tpu.memory_space<hbm>> -> memref<3200xi32, #tpu.memory_space<hbm>>
    tpu.enqueue_dma source(%dma_start3A_22 : memref<3200xi32, #tpu.memory_space<hbm>>) target(%arg14 : memref<3200xi32, #tpu.memory_space<vmem>>) target_semaphore(%arg17 : memref<!tpu.dma_semaphore, #tpu.memory_space<semaphore_mem>>)
    %dma_start3A_23 = tpu.memref_slice %arg4[%add3A_18] : memref<320000xf32, #tpu.memory_space<hbm>> -> memref<3200xf32, #tpu.memory_space<hbm>>
    %dma_start3A_24 = tpu.memref_slice %arg4[%add3A_18] : memref<320000xf32, #tpu.memory_space<hbm>> -> memref<3200xf32, #tpu.memory_space<hbm>>
    tpu.enqueue_dma source(%dma_start3A_24 : memref<3200xf32, #tpu.memory_space<hbm>>) target(%arg15 : memref<3200xf32, #tpu.memory_space<vmem>>) target_semaphore(%arg17 : memref<!tpu.dma_semaphore, #tpu.memory_space<semaphore_mem>>)
    %scan3A_25 = arith.constant 0 : i32
    %scan3A_26 = arith.constant -65536 : i32
    %scan3A_27 = arith.constant 0 : i32
    %scan3A_28 = arith.constant 25 : i32
    %scan3A_29 = arith.addi %scan3A_27, %scan3A_28 : i32
    %scan3A_30 = arith.constant 1 : i32
    scf.for %scan3A_39 = %scan3A_27 to %scan3A_29 step %scan3A_30  : i32 {
      %mul3A_40 = arith.constant 2 : i32
      %mul3A_41 = arith.muli %scan3A_39, %mul3A_40 : i32
      %add3A_42 = arith.constant 0 : i32
      %add3A_43 = arith.addi %mul3A_41, %add3A_42 : i32
      %mul3A_44 = arith.constant 3200 : i32
      %mul3A_45 = arith.muli %add3A_43, %mul3A_44 : i32
      %add3A_46 = arith.addi %mul3A_10, %mul3A_45 : i32
      %dma_wait3A = tpu.memref_slice %arg2[%add3A_46] : memref<320000xi32, #tpu.memory_space<hbm>> -> memref<3200xi32, #tpu.memory_space<hbm>>
      %dma_wait3A_47 = tpu.memref_slice %arg2[%add3A_46] : memref<320000xi32, #tpu.memory_space<hbm>> -> memref<3200xi32, #tpu.memory_space<hbm>>
      tpu.wait_dma2 semaphore(%arg16 : memref<!tpu.dma_semaphore, #tpu.memory_space<semaphore_mem>>) src(%dma_wait3A_47 : memref<3200xi32, #tpu.memory_space<hbm>>) dst(%arg10 : memref<3200xi32, #tpu.memory_space<vmem>>)
      %dma_wait3A_48 = tpu.memref_slice %arg3[%add3A_46] : memref<320000xi32, #tpu.memory_space<hbm>> -> memref<3200xi32, #tpu.memory_space<hbm>>
      %dma_wait3A_49 = tpu.memref_slice %arg3[%add3A_46] : memref<320000xi32, #tpu.memory_space<hbm>> -> memref<3200xi32, #tpu.memory_space<hbm>>
      tpu.wait_dma2 semaphore(%arg16 : memref<!tpu.dma_semaphore, #tpu.memory_space<semaphore_mem>>) src(%dma_wait3A_49 : memref<3200xi32, #tpu.memory_space<hbm>>) dst(%arg11 : memref<3200xi32, #tpu.memory_space<vmem>>)
      %dma_wait3A_50 = tpu.memref_slice %arg4[%add3A_46] : memref<320000xf32, #tpu.memory_space<hbm>> -> memref<3200xf32, #tpu.memory_space<hbm>>
      %dma_wait3A_51 = tpu.memref_slice %arg4[%add3A_46] : memref<320000xf32, #tpu.memory_space<hbm>> -> memref<3200xf32, #tpu.memory_space<hbm>>
      tpu.wait_dma2 semaphore(%arg16 : memref<!tpu.dma_semaphore, #tpu.memory_space<semaphore_mem>>) src(%dma_wait3A_51 : memref<3200xf32, #tpu.memory_space<hbm>>) dst(%arg12 : memref<3200xf32, #tpu.memory_space<vmem>>)
      %scan3A_52 = arith.constant 0 : i32
      %scan3A_53 = arith.constant 0 : i32
      %scan3A_54 = arith.constant 50 : i32
      %scan3A_55 = arith.addi %scan3A_53, %scan3A_54 : i32
      %scan3A_56 = arith.constant 1 : i32
      scf.for %scan3A_88 = %scan3A_53 to %scan3A_55 step %scan3A_56  : i32 {
        %mul3A_89 = arith.constant 4 : i32
        %mul3A_90 = arith.muli %mul3A_89, %scan3A_88 : i32
        %add3A_91 = arith.constant 0 : i32
        %add3A_92 = arith.addi %mul3A_90, %add3A_91 : i32
        %mul3A_93 = arith.constant 16 : i32
        %mul3A_94 = arith.muli %add3A_92, %mul3A_93 : i32
        %get3A = arith.index_cast %mul3A_94 : i32 to index
        %get3A_95 = tpu.vector_load %arg10[%get3A] {strides = array<i32>} : memref<3200xi32, #tpu.memory_space<vmem>>, vector<16xi32>,
        %mul3A_96 = arith.constant 16 : i32
        %mul3A_97 = arith.muli %add3A_92, %mul3A_96 : i32
        %get3A_98 = arith.index_cast %mul3A_97 : i32 to index
        %get3A_99 = tpu.vector_load %arg11[%get3A_98] {strides = array<i32>} : memref<3200xi32, #tpu.memory_space<vmem>>, vector<16xi32>,
        %mul3A_100 = arith.constant 16 : i32
        %mul3A_101 = arith.muli %add3A_92, %mul3A_100 : i32
        %get3A_102 = arith.index_cast %mul3A_101 : i32 to index
        %get3A_103 = tpu.vector_load %arg12[%get3A_102] {strides = array<i32>} : memref<3200xf32, #tpu.memory_space<vmem>>, vector<16xf32>,
        %add3A_104 = arith.constant 0 : i32
        %add3A_105 = vector.broadcast %add3A_104 : i32 to vector<16xi32>
        %add3A_106 = arith.addi %get3A_95, %add3A_105 : vector<16xi32>
        %gather3A = tpu.vector_load_idx %arg7[%add3A_106] : memref<40960xi32, #tpu.memory_space<vmem>>[vector<16xi32>], vector<16xi32>,
        %shift_left3A = arith.constant 16 : i32
        %shift_left3A_107 = vector.broadcast %shift_left3A : i32 to vector<16xi32>
        %shift_left3A_108 = arith.shli %gather3A, %shift_left3A_107 : vector<16xi32>
        %bitcast_convert_type3A = tpu.bitcast %shift_left3A_108 : vector<16xi32> -> vector<16xf32>
        %and3A = vector.broadcast %scan3A_26 : i32 to vector<16xi32>
        %and3A_109 = arith.andi %gather3A, %and3A : vector<16xi32>
        %bitcast_convert_type3A_110 = tpu.bitcast %and3A_109 : vector<16xi32> -> vector<16xf32>
        %mul3A_111 = arith.mulf %get3A_103, %bitcast_convert_type3A : vector<16xf32>
        %mul3A_112 = arith.mulf %get3A_103, %bitcast_convert_type3A_110 : vector<16xf32>
        %pack3A = tpu.pack_subelements %mul3A_111, %mul3A_112 {pack_format = #tpu.pack_format<interleaved>, positions = array<i32: 0, 1>} : vector<16xf32>, vector<16xf32> -> vector<32xbf16>
        %bitcast3A = vector.bitcast %pack3A : vector<32xbf16> to vector<16xi32>
        %add3A_113 = arith.constant 10240 : i32
        %add3A_114 = vector.broadcast %add3A_113 : i32 to vector<16xi32>
        %add3A_115 = arith.addi %get3A_95, %add3A_114 : vector<16xi32>
        %gather3A_116 = tpu.vector_load_idx %arg7[%add3A_115] : memref<40960xi32, #tpu.memory_space<vmem>>[vector<16xi32>], vector<16xi32>,
        %shift_left3A_117 = arith.constant 16 : i32
        %shift_left3A_118 = vector.broadcast %shift_left3A_117 : i32 to vector<16xi32>
        %shift_left3A_119 = arith.shli %gather3A_116, %shift_left3A_118 : vector<16xi32>
        %bitcast_convert_type3A_120 = tpu.bitcast %shift_left3A_119 : vector<16xi32> -> vector<16xf32>
        %and3A_121 = vector.broadcast %scan3A_26 : i32 to vector<16xi32>
        %and3A_122 = arith.andi %gather3A_116, %and3A_121 : vector<16xi32>
        %bitcast_convert_type3A_123 = tpu.bitcast %and3A_122 : vector<16xi32> -> vector<16xf32>
        %mul3A_124 = arith.mulf %get3A_103, %bitcast_convert_type3A_120 : vector<16xf32>
        %mul3A_125 = arith.mulf %get3A_103, %bitcast_convert_type3A_123 : vector<16xf32>
        %pack3A_126 = tpu.pack_subelements %mul3A_124, %mul3A_125 {pack_format = #tpu.pack_format<interleaved>, positions = array<i32: 0, 1>} : vector<16xf32>, vector<16xf32> -> vector<32xbf16>
        %bitcast3A_127 = vector.bitcast %pack3A_126 : vector<32xbf16> to vector<16xi32>
        %add3A_128 = arith.constant 20480 : i32
        %add3A_129 = vector.broadcast %add3A_128 : i32 to vector<16xi32>
        %add3A_130 = arith.addi %get3A_95, %add3A_129 : vector<16xi32>
        %gather3A_131 = tpu.vector_load_idx %arg7[%add3A_130] : memref<40960xi32, #tpu.memory_space<vmem>>[vector<16xi32>], vector<16xi32>,
        %shift_left3A_132 = arith.constant 16 : i32
        %shift_left3A_133 = vector.broadcast %shift_left3A_132 : i32 to vector<16xi32>
        %shift_left3A_134 = arith.shli %gather3A_131, %shift_left3A_133 : vector<16xi32>
        %bitcast_convert_type3A_135 = tpu.bitcast %shift_left3A_134 : vector<16xi32> -> vector<16xf32>
        %and3A_136 = vector.broadcast %scan3A_26 : i32 to vector<16xi32>
        %and3A_137 = arith.andi %gather3A_131, %and3A_136 : vector<16xi32>
        %bitcast_convert_type3A_138 = tpu.bitcast %and3A_137 : vector<16xi32> -> vector<16xf32>
        %mul3A_139 = arith.mulf %get3A_103, %bitcast_convert_type3A_135 : vector<16xf32>
        %mul3A_140 = arith.mulf %get3A_103, %bitcast_convert_type3A_138 : vector<16xf32>
        %pack3A_141 = tpu.pack_subelements %mul3A_139, %mul3A_140 {pack_format = #tpu.pack_format<interleaved>, positions = array<i32: 0, 1>} : vector<16xf32>, vector<16xf32> -> vector<32xbf16>
        %bitcast3A_142 = vector.bitcast %pack3A_141 : vector<32xbf16> to vector<16xi32>
        %add3A_143 = arith.constant 30720 : i32
        %add3A_144 = vector.broadcast %add3A_143 : i32 to vector<16xi32>
        %add3A_145 = arith.addi %get3A_95, %add3A_144 : vector<16xi32>
        %gather3A_146 = tpu.vector_load_idx %arg7[%add3A_145] : memref<40960xi32, #tpu.memory_space<vmem>>[vector<16xi32>], vector<16xi32>,
        %shift_left3A_147 = arith.constant 16 : i32
        %shift_left3A_148 = vector.broadcast %shift_left3A_147 : i32 to vector<16xi32>
        %shift_left3A_149 = arith.shli %gather3A_146, %shift_left3A_148 : vector<16xi32>
        %bitcast_convert_type3A_150 = tpu.bitcast %shift_left3A_149 : vector<16xi32> -> vector<16xf32>
        %and3A_151 = vector.broadcast %scan3A_26 : i32 to vector<16xi32>
        %and3A_152 = arith.andi %gather3A_146, %and3A_151 : vector<16xi32>
        %bitcast_convert_type3A_153 = tpu.bitcast %and3A_152 : vector<16xi32> -> vector<16xf32>
        %mul3A_154 = arith.mulf %get3A_103, %bitcast_convert_type3A_150 : vector<16xf32>
        %mul3A_155 = arith.mulf %get3A_103, %bitcast_convert_type3A_153 : vector<16xf32>
        %pack3A_156 = tpu.pack_subelements %mul3A_154, %mul3A_155 {pack_format = #tpu.pack_format<interleaved>, positions = array<i32: 0, 1>} : vector<16xf32>, vector<16xf32> -> vector<32xbf16>
        %bitcast3A_157 = vector.bitcast %pack3A_156 : vector<32xbf16> to vector<16xi32>
        %mul3A_158 = arith.constant 4 : i32
        %mul3A_159 = arith.muli %mul3A_158, %scan3A_88 : i32
        %add3A_160 = arith.constant 1 : i32
        %add3A_161 = arith.addi %mul3A_159, %add3A_160 : i32
        %mul3A_162 = arith.constant 16 : i32
        %mul3A_163 = arith.muli %add3A_161, %mul3A_162 : i32
        %get3A_164 = arith.index_cast %mul3A_163 : i32 to index
        %get3A_165 = tpu.vector_load %arg10[%get3A_164] {strides = array<i32>} : memref<3200xi32, #tpu.memory_space<vmem>>, vector<16xi32>,
        %mul3A_166 = arith.constant 16 : i32
        %mul3A_167 = arith.muli %add3A_161, %mul3A_166 : i32
        %get3A_168 = arith.index_cast %mul3A_167 : i32 to index
        %get3A_169 = tpu.vector_load %arg11[%get3A_168] {strides = array<i32>} : memref<3200xi32, #tpu.memory_space<vmem>>, vector<16xi32>,
        %mul3A_170 = arith.constant 16 : i32
        %mul3A_171 = arith.muli %add3A_161, %mul3A_170 : i32
        %get3A_172 = arith.index_cast %mul3A_171 : i32 to index
        %get3A_173 = tpu.vector_load %arg12[%get3A_172] {strides = array<i32>} : memref<3200xf32, #tpu.memory_space<vmem>>, vector<16xf32>,
        %add3A_174 = arith.constant 0 : i32
        %add3A_175 = vector.broadcast %add3A_174 : i32 to vector<16xi32>
        %add3A_176 = arith.addi %get3A_165, %add3A_175 : vector<16xi32>
        %gather3A_177 = tpu.vector_load_idx %arg7[%add3A_176] : memref<40960xi32, #tpu.memory_space<vmem>>[vector<16xi32>], vector<16xi32>,
        %shift_left3A_178 = arith.constant 16 : i32
        %shift_left3A_179 = vector.broadcast %shift_left3A_178 : i32 to vector<16xi32>
        %shift_left3A_180 = arith.shli %gather3A_177, %shift_left3A_179 : vector<16xi32>
        %bitcast_convert_type3A_181 = tpu.bitcast %shift_left3A_180 : vector<16xi32> -> vector<16xf32>
        %and3A_182 = vector.broadcast %scan3A_26 : i32 to vector<16xi32>
        %and3A_183 = arith.andi %gather3A_177, %and3A_182 : vector<16xi32>
        %bitcast_convert_type3A_184 = tpu.bitcast %and3A_183 : vector<16xi32> -> vector<16xf32>
        %mul3A_185 = arith.mulf %get3A_173, %bitcast_convert_type3A_181 : vector<16xf32>
        %mul3A_186 = arith.mulf %get3A_173, %bitcast_convert_type3A_184 : vector<16xf32>
        %pack3A_187 = tpu.pack_subelements %mul3A_185, %mul3A_186 {pack_format = #tpu.pack_format<interleaved>, positions = array<i32: 0, 1>} : vector<16xf32>, vector<16xf32> -> vector<32xbf16>
        %bitcast3A_188 = vector.bitcast %pack3A_187 : vector<32xbf16> to vector<16xi32>
        %add3A_189 = arith.constant 10240 : i32
        %add3A_190 = vector.broadcast %add3A_189 : i32 to vector<16xi32>
        %add3A_191 = arith.addi %get3A_165, %add3A_190 : vector<16xi32>
        %gather3A_192 = tpu.vector_load_idx %arg7[%add3A_191] : memref<40960xi32, #tpu.memory_space<vmem>>[vector<16xi32>], vector<16xi32>,
        %shift_left3A_193 = arith.constant 16 : i32
        %shift_left3A_194 = vector.broadcast %shift_left3A_193 : i32 to vector<16xi32>
        %shift_left3A_195 = arith.shli %gather3A_192, %shift_left3A_194 : vector<16xi32>
        %bitcast_convert_type3A_196 = tpu.bitcast %shift_left3A_195 : vector<16xi32> -> vector<16xf32>
        %and3A_197 = vector.broadcast %scan3A_26 : i32 to vector<16xi32>
        %and3A_198 = arith.andi %gather3A_192, %and3A_197 : vector<16xi32>
        %bitcast_convert_type3A_199 = tpu.bitcast %and3A_198 : vector<16xi32> -> vector<16xf32>
        %mul3A_200 = arith.mulf %get3A_173, %bitcast_convert_type3A_196 : vector<16xf32>
        %mul3A_201 = arith.mulf %get3A_173, %bitcast_convert_type3A_199 : vector<16xf32>
        %pack3A_202 = tpu.pack_subelements %mul3A_200, %mul3A_201 {pack_format = #tpu.pack_format<interleaved>, positions = array<i32: 0, 1>} : vector<16xf32>, vector<16xf32> -> vector<32xbf16>
        %bitcast3A_203 = vector.bitcast %pack3A_202 : vector<32xbf16> to vector<16xi32>
        %add3A_204 = arith.constant 20480 : i32
        %add3A_205 = vector.broadcast %add3A_204 : i32 to vector<16xi32>
        %add3A_206 = arith.addi %get3A_165, %add3A_205 : vector<16xi32>
        %gather3A_207 = tpu.vector_load_idx %arg7[%add3A_206] : memref<40960xi32, #tpu.memory_space<vmem>>[vector<16xi32>], vector<16xi32>,
        %shift_left3A_208 = arith.constant 16 : i32
        %shift_left3A_209 = vector.broadcast %shift_left3A_208 : i32 to vector<16xi32>
        %shift_left3A_210 = arith.shli %gather3A_207, %shift_left3A_209 : vector<16xi32>
        %bitcast_convert_type3A_211 = tpu.bitcast %shift_left3A_210 : vector<16xi32> -> vector<16xf32>
        %and3A_212 = vector.broadcast %scan3A_26 : i32 to vector<16xi32>
        %and3A_213 = arith.andi %gather3A_207, %and3A_212 : vector<16xi32>
        %bitcast_convert_type3A_214 = tpu.bitcast %and3A_213 : vector<16xi32> -> vector<16xf32>
        %mul3A_215 = arith.mulf %get3A_173, %bitcast_convert_type3A_211 : vector<16xf32>
        %mul3A_216 = arith.mulf %get3A_173, %bitcast_convert_type3A_214 : vector<16xf32>
        %pack3A_217 = tpu.pack_subelements %mul3A_215, %mul3A_216 {pack_format = #tpu.pack_format<interleaved>, positions = array<i32: 0, 1>} : vector<16xf32>, vector<16xf32> -> vector<32xbf16>
        %bitcast3A_218 = vector.bitcast %pack3A_217 : vector<32xbf16> to vector<16xi32>
        %add3A_219 = arith.constant 30720 : i32
        %add3A_220 = vector.broadcast %add3A_219 : i32 to vector<16xi32>
        %add3A_221 = arith.addi %get3A_165, %add3A_220 : vector<16xi32>
        %gather3A_222 = tpu.vector_load_idx %arg7[%add3A_221] : memref<40960xi32, #tpu.memory_space<vmem>>[vector<16xi32>], vector<16xi32>,
        %shift_left3A_223 = arith.constant 16 : i32
        %shift_left3A_224 = vector.broadcast %shift_left3A_223 : i32 to vector<16xi32>
        %shift_left3A_225 = arith.shli %gather3A_222, %shift_left3A_224 : vector<16xi32>
        %bitcast_convert_type3A_226 = tpu.bitcast %shift_left3A_225 : vector<16xi32> -> vector<16xf32>
        %and3A_227 = vector.broadcast %scan3A_26 : i32 to vector<16xi32>
        %and3A_228 = arith.andi %gather3A_222, %and3A_227 : vector<16xi32>
        %bitcast_convert_type3A_229 = tpu.bitcast %and3A_228 : vector<16xi32> -> vector<16xf32>
        %mul3A_230 = arith.mulf %get3A_173, %bitcast_convert_type3A_226 : vector<16xf32>
        %mul3A_231 = arith.mulf %get3A_173, %bitcast_convert_type3A_229 : vector<16xf32>
        %pack3A_232 = tpu.pack_subelements %mul3A_230, %mul3A_231 {pack_format = #tpu.pack_format<interleaved>, positions = array<i32: 0, 1>} : vector<16xf32>, vector<16xf32> -> vector<32xbf16>
        %bitcast3A_233 = vector.bitcast %pack3A_232 : vector<32xbf16> to vector<16xi32>
        %mul3A_234 = arith.constant 4 : i32
        %mul3A_235 = arith.muli %mul3A_234, %scan3A_88 : i32
        %add3A_236 = arith.constant 2 : i32
        %add3A_237 = arith.addi %mul3A_235, %add3A_236 : i32
        %mul3A_238 = arith.constant 16 : i32
        %mul3A_239 = arith.muli %add3A_237, %mul3A_238 : i32
        %get3A_240 = arith.index_cast %mul3A_239 : i32 to index
        %get3A_241 = tpu.vector_load %arg10[%get3A_240] {strides = array<i32>} : memref<3200xi32, #tpu.memory_space<vmem>>, vector<16xi32>,
        %mul3A_242 = arith.constant 16 : i32
        %mul3A_243 = arith.muli %add3A_237, %mul3A_242 : i32
        %get3A_244 = arith.index_cast %mul3A_243 : i32 to index
        %get3A_245 = tpu.vector_load %arg11[%get3A_244] {strides = array<i32>} : memref<3200xi32, #tpu.memory_space<vmem>>, vector<16xi32>,
        %mul3A_246 = arith.constant 16 : i32
        %mul3A_247 = arith.muli %add3A_237, %mul3A_246 : i32
        %get3A_248 = arith.index_cast %mul3A_247 : i32 to index
        %get3A_249 = tpu.vector_load %arg12[%get3A_248] {strides = array<i32>} : memref<3200xf32, #tpu.memory_space<vmem>>, vector<16xf32>,
        %add3A_250 = arith.constant 0 : i32
        %add3A_251 = vector.broadcast %add3A_250 : i32 to vector<16xi32>
        %add3A_252 = arith.addi %get3A_241, %add3A_251 : vector<16xi32>
        %gather3A_253 = tpu.vector_load_idx %arg7[%add3A_252] : memref<40960xi32, #tpu.memory_space<vmem>>[vector<16xi32>], vector<16xi32>,
        %shift_left3A_254 = arith.constant 16 : i32
        %shift_left3A_255 = vector.broadcast %shift_left3A_254 : i32 to vector<16xi32>
        %shift_left3A_256 = arith.shli %gather3A_253, %shift_left3A_255 : vector<16xi32>
        %bitcast_convert_type3A_257 = tpu.bitcast %shift_left3A_256 : vector<16xi32> -> vector<16xf32>
        %and3A_258 = vector.broadcast %scan3A_26 : i32 to vector<16xi32>
        %and3A_259 = arith.andi %gather3A_253, %and3A_258 : vector<16xi32>
        %bitcast_convert_type3A_260 = tpu.bitcast %and3A_259 : vector<16xi32> -> vector<16xf32>
        %mul3A_261 = arith.mulf %get3A_249, %bitcast_convert_type3A_257 : vector<16xf32>
        %mul3A_262 = arith.mulf %get3A_249, %bitcast_convert_type3A_260 : vector<16xf32>
        %pack3A_263 = tpu.pack_subelements %mul3A_261, %mul3A_262 {pack_format = #tpu.pack_format<interleaved>, positions = array<i32: 0, 1>} : vector<16xf32>, vector<16xf32> -> vector<32xbf16>
        %bitcast3A_264 = vector.bitcast %pack3A_263 : vector<32xbf16> to vector<16xi32>
        %add3A_265 = arith.constant 10240 : i32
        %add3A_266 = vector.broadcast %add3A_265 : i32 to vector<16xi32>
        %add3A_267 = arith.addi %get3A_241, %add3A_266 : vector<16xi32>
        %gather3A_268 = tpu.vector_load_idx %arg7[%add3A_267] : memref<40960xi32, #tpu.memory_space<vmem>>[vector<16xi32>], vector<16xi32>,
        %shift_left3A_269 = arith.constant 16 : i32
        %shift_left3A_270 = vector.broadcast %shift_left3A_269 : i32 to vector<16xi32>
        %shift_left3A_271 = arith.shli %gather3A_268, %shift_left3A_270 : vector<16xi32>
        %bitcast_convert_type3A_272 = tpu.bitcast %shift_left3A_271 : vector<16xi32> -> vector<16xf32>
        %and3A_273 = vector.broadcast %scan3A_26 : i32 to vector<16xi32>
        %and3A_274 = arith.andi %gather3A_268, %and3A_273 : vector<16xi32>
        %bitcast_convert_type3A_275 = tpu.bitcast %and3A_274 : vector<16xi32> -> vector<16xf32>
        %mul3A_276 = arith.mulf %get3A_249, %bitcast_convert_type3A_272 : vector<16xf32>
        %mul3A_277 = arith.mulf %get3A_249, %bitcast_convert_type3A_275 : vector<16xf32>
        %pack3A_278 = tpu.pack_subelements %mul3A_276, %mul3A_277 {pack_format = #tpu.pack_format<interleaved>, positions = array<i32: 0, 1>} : vector<16xf32>, vector<16xf32> -> vector<32xbf16>
        %bitcast3A_279 = vector.bitcast %pack3A_278 : vector<32xbf16> to vector<16xi32>
        %add3A_280 = arith.constant 20480 : i32
        %add3A_281 = vector.broadcast %add3A_280 : i32 to vector<16xi32>
        %add3A_282 = arith.addi %get3A_241, %add3A_281 : vector<16xi32>
        %gather3A_283 = tpu.vector_load_idx %arg7[%add3A_282] : memref<40960xi32, #tpu.memory_space<vmem>>[vector<16xi32>], vector<16xi32>,
        %shift_left3A_284 = arith.constant 16 : i32
        %shift_left3A_285 = vector.broadcast %shift_left3A_284 : i32 to vector<16xi32>
        %shift_left3A_286 = arith.shli %gather3A_283, %shift_left3A_285 : vector<16xi32>
        %bitcast_convert_type3A_287 = tpu.bitcast %shift_left3A_286 : vector<16xi32> -> vector<16xf32>
        %and3A_288 = vector.broadcast %scan3A_26 : i32 to vector<16xi32>
        %and3A_289 = arith.andi %gather3A_283, %and3A_288 : vector<16xi32>
        %bitcast_convert_type3A_290 = tpu.bitcast %and3A_289 : vector<16xi32> -> vector<16xf32>
        %mul3A_291 = arith.mulf %get3A_249, %bitcast_convert_type3A_287 : vector<16xf32>
        %mul3A_292 = arith.mulf %get3A_249, %bitcast_convert_type3A_290 : vector<16xf32>
        %pack3A_293 = tpu.pack_subelements %mul3A_291, %mul3A_292 {pack_format = #tpu.pack_format<interleaved>, positions = array<i32: 0, 1>} : vector<16xf32>, vector<16xf32> -> vector<32xbf16>
        %bitcast3A_294 = vector.bitcast %pack3A_293 : vector<32xbf16> to vector<16xi32>
        %add3A_295 = arith.constant 30720 : i32
        %add3A_296 = vector.broadcast %add3A_295 : i32 to vector<16xi32>
        %add3A_297 = arith.addi %get3A_241, %add3A_296 : vector<16xi32>
        %gather3A_298 = tpu.vector_load_idx %arg7[%add3A_297] : memref<40960xi32, #tpu.memory_space<vmem>>[vector<16xi32>], vector<16xi32>,
        %shift_left3A_299 = arith.constant 16 : i32
        %shift_left3A_300 = vector.broadcast %shift_left3A_299 : i32 to vector<16xi32>
        %shift_left3A_301 = arith.shli %gather3A_298, %shift_left3A_300 : vector<16xi32>
        %bitcast_convert_type3A_302 = tpu.bitcast %shift_left3A_301 : vector<16xi32> -> vector<16xf32>
        %and3A_303 = vector.broadcast %scan3A_26 : i32 to vector<16xi32>
        %and3A_304 = arith.andi %gather3A_298, %and3A_303 : vector<16xi32>
        %bitcast_convert_type3A_305 = tpu.bitcast %and3A_304 : vector<16xi32> -> vector<16xf32>
        %mul3A_306 = arith.mulf %get3A_249, %bitcast_convert_type3A_302 : vector<16xf32>
        %mul3A_307 = arith.mulf %get3A_249, %bitcast_convert_type3A_305 : vector<16xf32>
        %pack3A_308 = tpu.pack_subelements %mul3A_306, %mul3A_307 {pack_format = #tpu.pack_format<interleaved>, positions = array<i32: 0, 1>} : vector<16xf32>, vector<16xf32> -> vector<32xbf16>
        %bitcast3A_309 = vector.bitcast %pack3A_308 : vector<32xbf16> to vector<16xi32>
        %mul3A_310 = arith.constant 4 : i32
        %mul3A_311 = arith.muli %mul3A_310, %scan3A_88 : i32
        %add3A_312 = arith.constant 3 : i32
        %add3A_313 = arith.addi %mul3A_311, %add3A_312 : i32
        %mul3A_314 = arith.constant 16 : i32
        %mul3A_315 = arith.muli %add3A_313, %mul3A_314 : i32
        %get3A_316 = arith.index_cast %mul3A_315 : i32 to index
        %get3A_317 = tpu.vector_load %arg10[%get3A_316] {strides = array<i32>} : memref<3200xi32, #tpu.memory_space<vmem>>, vector<16xi32>,
        %mul3A_318 = arith.constant 16 : i32
        %mul3A_319 = arith.muli %add3A_313, %mul3A_318 : i32
        %get3A_320 = arith.index_cast %mul3A_319 : i32 to index
        %get3A_321 = tpu.vector_load %arg11[%get3A_320] {strides = array<i32>} : memref<3200xi32, #tpu.memory_space<vmem>>, vector<16xi32>,
        %mul3A_322 = arith.constant 16 : i32
        %mul3A_323 = arith.muli %add3A_313, %mul3A_322 : i32
        %get3A_324 = arith.index_cast %mul3A_323 : i32 to index
        %get3A_325 = tpu.vector_load %arg12[%get3A_324] {strides = array<i32>} : memref<3200xf32, #tpu.memory_space<vmem>>, vector<16xf32>,
        %add3A_326 = arith.constant 0 : i32
        %add3A_327 = vector.broadcast %add3A_326 : i32 to vector<16xi32>
        %add3A_328 = arith.addi %get3A_317, %add3A_327 : vector<16xi32>
        %gather3A_329 = tpu.vector_load_idx %arg7[%add3A_328] : memref<40960xi32, #tpu.memory_space<vmem>>[vector<16xi32>], vector<16xi32>,
        %shift_left3A_330 = arith.constant 16 : i32
        %shift_left3A_331 = vector.broadcast %shift_left3A_330 : i32 to vector<16xi32>
        %shift_left3A_332 = arith.shli %gather3A_329, %shift_left3A_331 : vector<16xi32>
        %bitcast_convert_type3A_333 = tpu.bitcast %shift_left3A_332 : vector<16xi32> -> vector<16xf32>
        %and3A_334 = vector.broadcast %scan3A_26 : i32 to vector<16xi32>
        %and3A_335 = arith.andi %gather3A_329, %and3A_334 : vector<16xi32>
        %bitcast_convert_type3A_336 = tpu.bitcast %and3A_335 : vector<16xi32> -> vector<16xf32>
        %mul3A_337 = arith.mulf %get3A_325, %bitcast_convert_type3A_333 : vector<16xf32>
        %mul3A_338 = arith.mulf %get3A_325, %bitcast_convert_type3A_336 : vector<16xf32>
        %pack3A_339 = tpu.pack_subelements %mul3A_337, %mul3A_338 {pack_format = #tpu.pack_format<interleaved>, positions = array<i32: 0, 1>} : vector<16xf32>, vector<16xf32> -> vector<32xbf16>
        %bitcast3A_340 = vector.bitcast %pack3A_339 : vector<32xbf16> to vector<16xi32>
        %add3A_341 = arith.constant 10240 : i32
        %add3A_342 = vector.broadcast %add3A_341 : i32 to vector<16xi32>
        %add3A_343 = arith.addi %get3A_317, %add3A_342 : vector<16xi32>
        %gather3A_344 = tpu.vector_load_idx %arg7[%add3A_343] : memref<40960xi32, #tpu.memory_space<vmem>>[vector<16xi32>], vector<16xi32>,
        %shift_left3A_345 = arith.constant 16 : i32
        %shift_left3A_346 = vector.broadcast %shift_left3A_345 : i32 to vector<16xi32>
        %shift_left3A_347 = arith.shli %gather3A_344, %shift_left3A_346 : vector<16xi32>
        %bitcast_convert_type3A_348 = tpu.bitcast %shift_left3A_347 : vector<16xi32> -> vector<16xf32>
        %and3A_349 = vector.broadcast %scan3A_26 : i32 to vector<16xi32>
        %and3A_350 = arith.andi %gather3A_344, %and3A_349 : vector<16xi32>
        %bitcast_convert_type3A_351 = tpu.bitcast %and3A_350 : vector<16xi32> -> vector<16xf32>
        %mul3A_352 = arith.mulf %get3A_325, %bitcast_convert_type3A_348 : vector<16xf32>
        %mul3A_353 = arith.mulf %get3A_325, %bitcast_convert_type3A_351 : vector<16xf32>
        %pack3A_354 = tpu.pack_subelements %mul3A_352, %mul3A_353 {pack_format = #tpu.pack_format<interleaved>, positions = array<i32: 0, 1>} : vector<16xf32>, vector<16xf32> -> vector<32xbf16>
        %bitcast3A_355 = vector.bitcast %pack3A_354 : vector<32xbf16> to vector<16xi32>
        %add3A_356 = arith.constant 20480 : i32
        %add3A_357 = vector.broadcast %add3A_356 : i32 to vector<16xi32>
        %add3A_358 = arith.addi %get3A_317, %add3A_357 : vector<16xi32>
        %gather3A_359 = tpu.vector_load_idx %arg7[%add3A_358] : memref<40960xi32, #tpu.memory_space<vmem>>[vector<16xi32>], vector<16xi32>,
        %shift_left3A_360 = arith.constant 16 : i32
        %shift_left3A_361 = vector.broadcast %shift_left3A_360 : i32 to vector<16xi32>
        %shift_left3A_362 = arith.shli %gather3A_359, %shift_left3A_361 : vector<16xi32>
        %bitcast_convert_type3A_363 = tpu.bitcast %shift_left3A_362 : vector<16xi32> -> vector<16xf32>
        %and3A_364 = vector.broadcast %scan3A_26 : i32 to vector<16xi32>
        %and3A_365 = arith.andi %gather3A_359, %and3A_364 : vector<16xi32>
        %bitcast_convert_type3A_366 = tpu.bitcast %and3A_365 : vector<16xi32> -> vector<16xf32>
        %mul3A_367 = arith.mulf %get3A_325, %bitcast_convert_type3A_363 : vector<16xf32>
        %mul3A_368 = arith.mulf %get3A_325, %bitcast_convert_type3A_366 : vector<16xf32>
        %pack3A_369 = tpu.pack_subelements %mul3A_367, %mul3A_368 {pack_format = #tpu.pack_format<interleaved>, positions = array<i32: 0, 1>} : vector<16xf32>, vector<16xf32> -> vector<32xbf16>
        %bitcast3A_370 = vector.bitcast %pack3A_369 : vector<32xbf16> to vector<16xi32>
        %add3A_371 = arith.constant 30720 : i32
        %add3A_372 = vector.broadcast %add3A_371 : i32 to vector<16xi32>
        %add3A_373 = arith.addi %get3A_317, %add3A_372 : vector<16xi32>
        %gather3A_374 = tpu.vector_load_idx %arg7[%add3A_373] : memref<40960xi32, #tpu.memory_space<vmem>>[vector<16xi32>], vector<16xi32>,
        %shift_left3A_375 = arith.constant 16 : i32
        %shift_left3A_376 = vector.broadcast %shift_left3A_375 : i32 to vector<16xi32>
        %shift_left3A_377 = arith.shli %gather3A_374, %shift_left3A_376 : vector<16xi32>
        %bitcast_convert_type3A_378 = tpu.bitcast %shift_left3A_377 : vector<16xi32> -> vector<16xf32>
        %and3A_379 = vector.broadcast %scan3A_26 : i32 to vector<16xi32>
        %and3A_380 = arith.andi %gather3A_374, %and3A_379 : vector<16xi32>
        %bitcast_convert_type3A_381 = tpu.bitcast %and3A_380 : vector<16xi32> -> vector<16xf32>
        %mul3A_382 = arith.mulf %get3A_325, %bitcast_convert_type3A_378 : vector<16xf32>
        %mul3A_383 = arith.mulf %get3A_325, %bitcast_convert_type3A_381 : vector<16xf32>
        %pack3A_384 = tpu.pack_subelements %mul3A_382, %mul3A_383 {pack_format = #tpu.pack_format<interleaved>, positions = array<i32: 0, 1>} : vector<16xf32>, vector<16xf32> -> vector<32xbf16>
        %bitcast3A_385 = vector.bitcast %pack3A_384 : vector<32xbf16> to vector<16xi32>
        %add3A_386 = arith.constant 0 : i32
        %add3A_387 = vector.broadcast %add3A_386 : i32 to vector<16xi32>
        %add3A_388 = arith.addi %iota3A, %add3A_387 : vector<16xi32>
        tpu.vector_store_idx %arg9[%get3A_99], %add3A_388 : memref<10000xi32, #tpu.memory_space<vmem>>[vector<16xi32>], vector<16xi32>,
        %add3A_389 = arith.constant 16 : i32
        %add3A_390 = vector.broadcast %add3A_389 : i32 to vector<16xi32>
        %add3A_391 = arith.addi %iota3A, %add3A_390 : vector<16xi32>
        tpu.vector_store_idx %arg9[%get3A_169], %add3A_391 : memref<10000xi32, #tpu.memory_space<vmem>>[vector<16xi32>], vector<16xi32>,
        %add3A_392 = arith.constant 32 : i32
        %add3A_393 = vector.broadcast %add3A_392 : i32 to vector<16xi32>
        %add3A_394 = arith.addi %iota3A, %add3A_393 : vector<16xi32>
        tpu.vector_store_idx %arg9[%get3A_245], %add3A_394 : memref<10000xi32, #tpu.memory_space<vmem>>[vector<16xi32>], vector<16xi32>,
        %add3A_395 = arith.constant 48 : i32
        %add3A_396 = vector.broadcast %add3A_395 : i32 to vector<16xi32>
        %add3A_397 = arith.addi %iota3A, %add3A_396 : vector<16xi32>
        tpu.vector_store_idx %arg9[%get3A_321], %add3A_397 : memref<10000xi32, #tpu.memory_space<vmem>>[vector<16xi32>], vector<16xi32>,
        %broadcast_in_dim3A_398 = arith.constant false
        %broadcast_in_dim3A_399 = vector.broadcast %broadcast_in_dim3A_398 : i1 to vector<16xi1>
        %gather3A_400 = tpu.vector_load_idx %arg9[%get3A_99] : memref<10000xi32, #tpu.memory_space<vmem>>[vector<16xi32>], vector<16xi32>,
        %add3A_401 = arith.constant 0 : i32
        %add3A_402 = vector.broadcast %add3A_401 : i32 to vector<16xi32>
        %add3A_403 = arith.addi %iota3A, %add3A_402 : vector<16xi32>
        %ne3A = arith.cmpi ne, %gather3A_400, %add3A_403 : vector<16xi32>
        %or3A = arith.ori %broadcast_in_dim3A_399, %ne3A : vector<16xi1>
        %gather3A_404 = tpu.vector_load_idx %arg9[%get3A_169] : memref<10000xi32, #tpu.memory_space<vmem>>[vector<16xi32>], vector<16xi32>,
        %add3A_405 = arith.constant 16 : i32
        %add3A_406 = vector.broadcast %add3A_405 : i32 to vector<16xi32>
        %add3A_407 = arith.addi %iota3A, %add3A_406 : vector<16xi32>
        %ne3A_408 = arith.cmpi ne, %gather3A_404, %add3A_407 : vector<16xi32>
        %or3A_409 = arith.ori %or3A, %ne3A_408 : vector<16xi1>
        %gather3A_410 = tpu.vector_load_idx %arg9[%get3A_245] : memref<10000xi32, #tpu.memory_space<vmem>>[vector<16xi32>], vector<16xi32>,
        %add3A_411 = arith.constant 32 : i32
        %add3A_412 = vector.broadcast %add3A_411 : i32 to vector<16xi32>
        %add3A_413 = arith.addi %iota3A, %add3A_412 : vector<16xi32>
        %ne3A_414 = arith.cmpi ne, %gather3A_410, %add3A_413 : vector<16xi32>
        %or3A_415 = arith.ori %or3A_409, %ne3A_414 : vector<16xi1>
        %gather3A_416 = tpu.vector_load_idx %arg9[%get3A_321] : memref<10000xi32, #tpu.memory_space<vmem>>[vector<16xi32>], vector<16xi32>,
        %add3A_417 = arith.constant 48 : i32
        %add3A_418 = vector.broadcast %add3A_417 : i32 to vector<16xi32>
        %add3A_419 = arith.addi %iota3A, %add3A_418 : vector<16xi32>
        %ne3A_420 = arith.cmpi ne, %gather3A_416, %add3A_419 : vector<16xi32>
        %or3A_421 = arith.ori %or3A_415, %ne3A_420 : vector<16xi1>
        %all_reduce_population_count3A = tpu.all_reduce %or3A_421 {dim = 0 : i64, kind = #tpu.reduction_kind<sum>} : vector<16xi1> -> vector<16xi32>
        %slice3A = vector.extract_strided_slice %all_reduce_population_count3A {offsets = [0], sizes = [1], strides = [1]} : vector<16xi32> to vector<1xi32>
        %squeeze3A = vector.extract %slice3A[0] : i32 from vector<1xi32>
        %eq3A = arith.constant 0 : i32
        %eq3A_422 = arith.cmpi eq, %squeeze3A, %eq3A : i32
        %convert_element_type3A_423 = arith.extui %eq3A_422 : i1 to i32
        %cond3A_424 = arith.constant 0 : i32
        %cond3A_425 = arith.constant 0 : i32
        %cond3A_426 = arith.cmpi ne, %convert_element_type3A_423, %cond3A_425 : i32
        %cond3A_427 = scf.if %cond3A_426 -> (i32) {
          %add3A_428 = arith.constant 0 : i32
          %add3A_429 = vector.broadcast %add3A_428 : i32 to vector<16xi32>
          %add3A_430 = arith.addi %get3A_99, %add3A_429 : vector<16xi32>
          %gather3A_431 = tpu.vector_load_idx %arg8[%add3A_430] : memref<40960xi32, #tpu.memory_space<vmem>>[vector<16xi32>], vector<16xi32>,
          %bitcast3A_432 = vector.bitcast %gather3A_431 : vector<16xi32> to vector<32xbf16>
          %bitcast3A_433 = vector.bitcast %bitcast3A : vector<16xi32> to vector<32xbf16>
          %min3A = arith.minimumf %bitcast3A_432, %bitcast3A_433 : vector<32xbf16>
          %bitcast3A_434 = vector.bitcast %min3A : vector<32xbf16> to vector<16xi32>
          tpu.vector_store_idx %arg8[%add3A_430], %bitcast3A_434 : memref<40960xi32, #tpu.memory_space<vmem>>[vector<16xi32>], vector<16xi32>,
          %add3A_435 = arith.constant 10240 : i32
          %add3A_436 = vector.broadcast %add3A_435 : i32 to vector<16xi32>
          %add3A_437 = arith.addi %get3A_99, %add3A_436 : vector<16xi32>
          %gather3A_438 = tpu.vector_load_idx %arg8[%add3A_437] : memref<40960xi32, #tpu.memory_space<vmem>>[vector<16xi32>], vector<16xi32>,
          %bitcast3A_439 = vector.bitcast %gather3A_438 : vector<16xi32> to vector<32xbf16>
          %bitcast3A_440 = vector.bitcast %bitcast3A_127 : vector<16xi32> to vector<32xbf16>
          %min3A_441 = arith.minimumf %bitcast3A_439, %bitcast3A_440 : vector<32xbf16>
          %bitcast3A_442 = vector.bitcast %min3A_441 : vector<32xbf16> to vector<16xi32>
          tpu.vector_store_idx %arg8[%add3A_437], %bitcast3A_442 : memref<40960xi32, #tpu.memory_space<vmem>>[vector<16xi32>], vector<16xi32>,
          %add3A_443 = arith.constant 20480 : i32
          %add3A_444 = vector.broadcast %add3A_443 : i32 to vector<16xi32>
          %add3A_445 = arith.addi %get3A_99, %add3A_444 : vector<16xi32>
          %gather3A_446 = tpu.vector_load_idx %arg8[%add3A_445] : memref<40960xi32, #tpu.memory_space<vmem>>[vector<16xi32>], vector<16xi32>,
          %bitcast3A_447 = vector.bitcast %gather3A_446 : vector<16xi32> to vector<32xbf16>
          %bitcast3A_448 = vector.bitcast %bitcast3A_142 : vector<16xi32> to vector<32xbf16>
          %min3A_449 = arith.minimumf %bitcast3A_447, %bitcast3A_448 : vector<32xbf16>
          %bitcast3A_450 = vector.bitcast %min3A_449 : vector<32xbf16> to vector<16xi32>
          tpu.vector_store_idx %arg8[%add3A_445], %bitcast3A_450 : memref<40960xi32, #tpu.memory_space<vmem>>[vector<16xi32>], vector<16xi32>,
          %add3A_451 = arith.constant 30720 : i32
          %add3A_452 = vector.broadcast %add3A_451 : i32 to vector<16xi32>
          %add3A_453 = arith.addi %get3A_99, %add3A_452 : vector<16xi32>
          %gather3A_454 = tpu.vector_load_idx %arg8[%add3A_453] : memref<40960xi32, #tpu.memory_space<vmem>>[vector<16xi32>], vector<16xi32>,
          %bitcast3A_455 = vector.bitcast %gather3A_454 : vector<16xi32> to vector<32xbf16>
          %bitcast3A_456 = vector.bitcast %bitcast3A_157 : vector<16xi32> to vector<32xbf16>
          %min3A_457 = arith.minimumf %bitcast3A_455, %bitcast3A_456 : vector<32xbf16>
          %bitcast3A_458 = vector.bitcast %min3A_457 : vector<32xbf16> to vector<16xi32>
          tpu.vector_store_idx %arg8[%add3A_453], %bitcast3A_458 : memref<40960xi32, #tpu.memory_space<vmem>>[vector<16xi32>], vector<16xi32>,
          %add3A_459 = arith.constant 0 : i32
          %add3A_460 = vector.broadcast %add3A_459 : i32 to vector<16xi32>
          %add3A_461 = arith.addi %get3A_169, %add3A_460 : vector<16xi32>
          %gather3A_462 = tpu.vector_load_idx %arg8[%add3A_461] : memref<40960xi32, #tpu.memory_space<vmem>>[vector<16xi32>], vector<16xi32>,
          %bitcast3A_463 = vector.bitcast %gather3A_462 : vector<16xi32> to vector<32xbf16>
          %bitcast3A_464 = vector.bitcast %bitcast3A_188 : vector<16xi32> to vector<32xbf16>
          %min3A_465 = arith.minimumf %bitcast3A_463, %bitcast3A_464 : vector<32xbf16>
          %bitcast3A_466 = vector.bitcast %min3A_465 : vector<32xbf16> to vector<16xi32>
          tpu.vector_store_idx %arg8[%add3A_461], %bitcast3A_466 : memref<40960xi32, #tpu.memory_space<vmem>>[vector<16xi32>], vector<16xi32>,
          %add3A_467 = arith.constant 10240 : i32
          %add3A_468 = vector.broadcast %add3A_467 : i32 to vector<16xi32>
          %add3A_469 = arith.addi %get3A_169, %add3A_468 : vector<16xi32>
          %gather3A_470 = tpu.vector_load_idx %arg8[%add3A_469] : memref<40960xi32, #tpu.memory_space<vmem>>[vector<16xi32>], vector<16xi32>,
          %bitcast3A_471 = vector.bitcast %gather3A_470 : vector<16xi32> to vector<32xbf16>
          %bitcast3A_472 = vector.bitcast %bitcast3A_203 : vector<16xi32> to vector<32xbf16>
          %min3A_473 = arith.minimumf %bitcast3A_471, %bitcast3A_472 : vector<32xbf16>
          %bitcast3A_474 = vector.bitcast %min3A_473 : vector<32xbf16> to vector<16xi32>
          tpu.vector_store_idx %arg8[%add3A_469], %bitcast3A_474 : memref<40960xi32, #tpu.memory_space<vmem>>[vector<16xi32>], vector<16xi32>,
          %add3A_475 = arith.constant 20480 : i32
          %add3A_476 = vector.broadcast %add3A_475 : i32 to vector<16xi32>
          %add3A_477 = arith.addi %get3A_169, %add3A_476 : vector<16xi32>
          %gather3A_478 = tpu.vector_load_idx %arg8[%add3A_477] : memref<40960xi32, #tpu.memory_space<vmem>>[vector<16xi32>], vector<16xi32>,
          %bitcast3A_479 = vector.bitcast %gather3A_478 : vector<16xi32> to vector<32xbf16>
          %bitcast3A_480 = vector.bitcast %bitcast3A_218 : vector<16xi32> to vector<32xbf16>
          %min3A_481 = arith.minimumf %bitcast3A_479, %bitcast3A_480 : vector<32xbf16>
          %bitcast3A_482 = vector.bitcast %min3A_481 : vector<32xbf16> to vector<16xi32>
          tpu.vector_store_idx %arg8[%add3A_477], %bitcast3A_482 : memref<40960xi32, #tpu.memory_space<vmem>>[vector<16xi32>], vector<16xi32>,
          %add3A_483 = arith.constant 30720 : i32
          %add3A_484 = vector.broadcast %add3A_483 : i32 to vector<16xi32>
          %add3A_485 = arith.addi %get3A_169, %add3A_484 : vector<16xi32>
          %gather3A_486 = tpu.vector_load_idx %arg8[%add3A_485] : memref<40960xi32, #tpu.memory_space<vmem>>[vector<16xi32>], vector<16xi32>,
          %bitcast3A_487 = vector.bitcast %gather3A_486 : vector<16xi32> to vector<32xbf16>
          %bitcast3A_488 = vector.bitcast %bitcast3A_233 : vector<16xi32> to vector<32xbf16>
          %min3A_489 = arith.minimumf %bitcast3A_487, %bitcast3A_488 : vector<32xbf16>
          %bitcast3A_490 = vector.bitcast %min3A_489 : vector<32xbf16> to vector<16xi32>
          tpu.vector_store_idx %arg8[%add3A_485], %bitcast3A_490 : memref<40960xi32, #tpu.memory_space<vmem>>[vector<16xi32>], vector<16xi32>,
          %add3A_491 = arith.constant 0 : i32
          %add3A_492 = vector.broadcast %add3A_491 : i32 to vector<16xi32>
          %add3A_493 = arith.addi %get3A_245, %add3A_492 : vector<16xi32>
          %gather3A_494 = tpu.vector_load_idx %arg8[%add3A_493] : memref<40960xi32, #tpu.memory_space<vmem>>[vector<16xi32>], vector<16xi32>,
          %bitcast3A_495 = vector.bitcast %gather3A_494 : vector<16xi32> to vector<32xbf16>
          %bitcast3A_496 = vector.bitcast %bitcast3A_264 : vector<16xi32> to vector<32xbf16>
          %min3A_497 = arith.minimumf %bitcast3A_495, %bitcast3A_496 : vector<32xbf16>
          %bitcast3A_498 = vector.bitcast %min3A_497 : vector<32xbf16> to vector<16xi32>
          tpu.vector_store_idx %arg8[%add3A_493], %bitcast3A_498 : memref<40960xi32, #tpu.memory_space<vmem>>[vector<16xi32>], vector<16xi32>,
          %add3A_499 = arith.constant 10240 : i32
          %add3A_500 = vector.broadcast %add3A_499 : i32 to vector<16xi32>
          %add3A_501 = arith.addi %get3A_245, %add3A_500 : vector<16xi32>
          %gather3A_502 = tpu.vector_load_idx %arg8[%add3A_501] : memref<40960xi32, #tpu.memory_space<vmem>>[vector<16xi32>], vector<16xi32>,
          %bitcast3A_503 = vector.bitcast %gather3A_502 : vector<16xi32> to vector<32xbf16>
          %bitcast3A_504 = vector.bitcast %bitcast3A_279 : vector<16xi32> to vector<32xbf16>
          %min3A_505 = arith.minimumf %bitcast3A_503, %bitcast3A_504 : vector<32xbf16>
          %bitcast3A_506 = vector.bitcast %min3A_505 : vector<32xbf16> to vector<16xi32>
          tpu.vector_store_idx %arg8[%add3A_501], %bitcast3A_506 : memref<40960xi32, #tpu.memory_space<vmem>>[vector<16xi32>], vector<16xi32>,
          %add3A_507 = arith.constant 20480 : i32
          %add3A_508 = vector.broadcast %add3A_507 : i32 to vector<16xi32>
          %add3A_509 = arith.addi %get3A_245, %add3A_508 : vector<16xi32>
          %gather3A_510 = tpu.vector_load_idx %arg8[%add3A_509] : memref<40960xi32, #tpu.memory_space<vmem>>[vector<16xi32>], vector<16xi32>,
          %bitcast3A_511 = vector.bitcast %gather3A_510 : vector<16xi32> to vector<32xbf16>
          %bitcast3A_512 = vector.bitcast %bitcast3A_294 : vector<16xi32> to vector<32xbf16>
          %min3A_513 = arith.minimumf %bitcast3A_511, %bitcast3A_512 : vector<32xbf16>
          %bitcast3A_514 = vector.bitcast %min3A_513 : vector<32xbf16> to vector<16xi32>
          tpu.vector_store_idx %arg8[%add3A_509], %bitcast3A_514 : memref<40960xi32, #tpu.memory_space<vmem>>[vector<16xi32>], vector<16xi32>,
          %add3A_515 = arith.constant 30720 : i32
          %add3A_516 = vector.broadcast %add3A_515 : i32 to vector<16xi32>
          %add3A_517 = arith.addi %get3A_245, %add3A_516 : vector<16xi32>
          %gather3A_518 = tpu.vector_load_idx %arg8[%add3A_517] : memref<40960xi32, #tpu.memory_space<vmem>>[vector<16xi32>], vector<16xi32>,
          %bitcast3A_519 = vector.bitcast %gather3A_518 : vector<16xi32> to vector<32xbf16>
          %bitcast3A_520 = vector.bitcast %bitcast3A_309 : vector<16xi32> to vector<32xbf16>
          %min3A_521 = arith.minimumf %bitcast3A_519, %bitcast3A_520 : vector<32xbf16>
          %bitcast3A_522 = vector.bitcast %min3A_521 : vector<32xbf16> to vector<16xi32>
          tpu.vector_store_idx %arg8[%add3A_517], %bitcast3A_522 : memref<40960xi32, #tpu.memory_space<vmem>>[vector<16xi32>], vector<16xi32>,
          %add3A_523 = arith.constant 0 : i32
          %add3A_524 = vector.broadcast %add3A_523 : i32 to vector<16xi32>
          %add3A_525 = arith.addi %get3A_321, %add3A_524 : vector<16xi32>
          %gather3A_526 = tpu.vector_load_idx %arg8[%add3A_525] : memref<40960xi32, #tpu.memory_space<vmem>>[vector<16xi32>], vector<16xi32>,
          %bitcast3A_527 = vector.bitcast %gather3A_526 : vector<16xi32> to vector<32xbf16>
          %bitcast3A_528 = vector.bitcast %bitcast3A_340 : vector<16xi32> to vector<32xbf16>
          %min3A_529 = arith.minimumf %bitcast3A_527, %bitcast3A_528 : vector<32xbf16>
          %bitcast3A_530 = vector.bitcast %min3A_529 : vector<32xbf16> to vector<16xi32>
          tpu.vector_store_idx %arg8[%add3A_525], %bitcast3A_530 : memref<40960xi32, #tpu.memory_space<vmem>>[vector<16xi32>], vector<16xi32>,
          %add3A_531 = arith.constant 10240 : i32
          %add3A_532 = vector.broadcast %add3A_531 : i32 to vector<16xi32>
          %add3A_533 = arith.addi %get3A_321, %add3A_532 : vector<16xi32>
          %gather3A_534 = tpu.vector_load_idx %arg8[%add3A_533] : memref<40960xi32, #tpu.memory_space<vmem>>[vector<16xi32>], vector<16xi32>,
          %bitcast3A_535 = vector.bitcast %gather3A_534 : vector<16xi32> to vector<32xbf16>
          %bitcast3A_536 = vector.bitcast %bitcast3A_355 : vector<16xi32> to vector<32xbf16>
          %min3A_537 = arith.minimumf %bitcast3A_535, %bitcast3A_536 : vector<32xbf16>
          %bitcast3A_538 = vector.bitcast %min3A_537 : vector<32xbf16> to vector<16xi32>
          tpu.vector_store_idx %arg8[%add3A_533], %bitcast3A_538 : memref<40960xi32, #tpu.memory_space<vmem>>[vector<16xi32>], vector<16xi32>,
          %add3A_539 = arith.constant 20480 : i32
          %add3A_540 = vector.broadcast %add3A_539 : i32 to vector<16xi32>
          %add3A_541 = arith.addi %get3A_321, %add3A_540 : vector<16xi32>
          %gather3A_542 = tpu.vector_load_idx %arg8[%add3A_541] : memref<40960xi32, #tpu.memory_space<vmem>>[vector<16xi32>], vector<16xi32>,
          %bitcast3A_543 = vector.bitcast %gather3A_542 : vector<16xi32> to vector<32xbf16>
          %bitcast3A_544 = vector.bitcast %bitcast3A_370 : vector<16xi32> to vector<32xbf16>
          %min3A_545 = arith.minimumf %bitcast3A_543, %bitcast3A_544 : vector<32xbf16>
          %bitcast3A_546 = vector.bitcast %min3A_545 : vector<32xbf16> to vector<16xi32>
          tpu.vector_store_idx %arg8[%add3A_541], %bitcast3A_546 : memref<40960xi32, #tpu.memory_space<vmem>>[vector<16xi32>], vector<16xi32>,
          %add3A_547 = arith.constant 30720 : i32
          %add3A_548 = vector.broadcast %add3A_547 : i32 to vector<16xi32>
          %add3A_549 = arith.addi %get3A_321, %add3A_548 : vector<16xi32>
          %gather3A_550 = tpu.vector_load_idx %arg8[%add3A_549] : memref<40960xi32, #tpu.memory_space<vmem>>[vector<16xi32>], vector<16xi32>,
          %bitcast3A_551 = vector.bitcast %gather3A_550 : vector<16xi32> to vector<32xbf16>
          %bitcast3A_552 = vector.bitcast %bitcast3A_385 : vector<16xi32> to vector<32xbf16>
          %min3A_553 = arith.minimumf %bitcast3A_551, %bitcast3A_552 : vector<32xbf16>
          %bitcast3A_554 = vector.bitcast %min3A_553 : vector<32xbf16> to vector<16xi32>
          tpu.vector_store_idx %arg8[%add3A_549], %bitcast3A_554 : memref<40960xi32, #tpu.memory_space<vmem>>[vector<16xi32>], vector<16xi32>,
          %cond3A_555 = arith.constant 0 : i32
          scf.yield %cond3A_555 : i32
        } else {
          %broadcast_in_dim3A_428 = arith.constant true
          %broadcast_in_dim3A_429 = vector.broadcast %broadcast_in_dim3A_428 : i1 to vector<16xi1>
          %while3A = scf.while (%while3A_440 = %broadcast_in_dim3A_429) : (vector<16xi1>) -> vector<16xi1> {
            %all_reduce_population_count3A_441 = tpu.all_reduce %while3A_440 {dim = 0 : i64, kind = #tpu.reduction_kind<sum>} : vector<16xi1> -> vector<16xi32>
            %slice3A_442 = vector.extract_strided_slice %all_reduce_population_count3A_441 {offsets = [0], sizes = [1], strides = [1]} : vector<16xi32> to vector<1xi32>
            %squeeze3A_443 = vector.extract %slice3A_442[0] : i32 from vector<1xi32>
            %gt3A = arith.constant 0 : i32
            %gt3A_444 = arith.cmpi sgt, %squeeze3A_443, %gt3A : i32
            scf.condition(%gt3A_444) %while3A_440 : vector<16xi1>
          } do {
          ^bb0(%while3A_440: vector<16xi1>):
            %broadcast_in_dim3A_441 = arith.constant false
            %broadcast_in_dim3A_442 = vector.broadcast %broadcast_in_dim3A_441 : i1 to vector<16xi1>
            %add3A_443 = arith.constant 0 : i32
            %add3A_444 = vector.broadcast %add3A_443 : i32 to vector<16xi32>
            %add3A_445 = arith.addi %get3A_99, %add3A_444 : vector<16xi32>
            %gather3A_446 = tpu.vector_load_idx %arg8[%add3A_445] masked %while3A_440 : memref<40960xi32, #tpu.memory_space<vmem>>[vector<16xi32>], vector<16xi32>, vector<16xi1>
            %bitcast3A_447 = vector.bitcast %gather3A_446 : vector<16xi32> to vector<32xbf16>
            %bitcast3A_448 = vector.bitcast %bitcast3A : vector<16xi32> to vector<32xbf16>
            %min3A = arith.minimumf %bitcast3A_447, %bitcast3A_448 : vector<32xbf16>
            %bitcast3A_449 = vector.bitcast %min3A : vector<32xbf16> to vector<16xi32>
            tpu.vector_store_idx %arg8[%add3A_445], %bitcast3A_449 masked %while3A_440 : memref<40960xi32, #tpu.memory_space<vmem>>[vector<16xi32>], vector<16xi32>, vector<16xi1>
            %gather3A_450 = tpu.vector_load_idx %arg8[%add3A_445] masked %while3A_440 : memref<40960xi32, #tpu.memory_space<vmem>>[vector<16xi32>], vector<16xi32>, vector<16xi1>
            %shift_left3A_451 = arith.constant 16 : i32
            %shift_left3A_452 = vector.broadcast %shift_left3A_451 : i32 to vector<16xi32>
            %shift_left3A_453 = arith.shli %gather3A_450, %shift_left3A_452 : vector<16xi32>
            %bitcast_convert_type3A_454 = tpu.bitcast %shift_left3A_453 : vector<16xi32> -> vector<16xf32>
            %and3A_455 = vector.broadcast %scan3A_26 : i32 to vector<16xi32>
            %and3A_456 = arith.andi %gather3A_450, %and3A_455 : vector<16xi32>
            %bitcast_convert_type3A_457 = tpu.bitcast %and3A_456 : vector<16xi32> -> vector<16xf32>
            %shift_left3A_458 = arith.constant 16 : i32
            %shift_left3A_459 = vector.broadcast %shift_left3A_458 : i32 to vector<16xi32>
            %shift_left3A_460 = arith.shli %bitcast3A_449, %shift_left3A_459 : vector<16xi32>
            %bitcast_convert_type3A_461 = tpu.bitcast %shift_left3A_460 : vector<16xi32> -> vector<16xf32>
            %and3A_462 = vector.broadcast %scan3A_26 : i32 to vector<16xi32>
            %and3A_463 = arith.andi %bitcast3A_449, %and3A_462 : vector<16xi32>
            %bitcast_convert_type3A_464 = tpu.bitcast %and3A_463 : vector<16xi32> -> vector<16xf32>
            %gt3A = arith.cmpf ogt, %bitcast_convert_type3A_454, %bitcast_convert_type3A_461 : vector<16xf32>
            %gt3A_465 = arith.cmpf ogt, %bitcast_convert_type3A_457, %bitcast_convert_type3A_464 : vector<16xf32>
            %or3A_466 = arith.ori %gt3A, %gt3A_465 : vector<16xi1>
            %and3A_467 = arith.andi %while3A_440, %or3A_466 : vector<16xi1>
            %or3A_468 = arith.ori %broadcast_in_dim3A_442, %and3A_467 : vector<16xi1>
            %add3A_469 = arith.constant 10240 : i32
            %add3A_470 = vector.broadcast %add3A_469 : i32 to vector<16xi32>
            %add3A_471 = arith.addi %get3A_99, %add3A_470 : vector<16xi32>
            %gather3A_472 = tpu.vector_load_idx %arg8[%add3A_471] masked %while3A_440 : memref<40960xi32, #tpu.memory_space<vmem>>[vector<16xi32>], vector<16xi32>, vector<16xi1>
            %bitcast3A_473 = vector.bitcast %gather3A_472 : vector<16xi32> to vector<32xbf16>
            %bitcast3A_474 = vector.bitcast %bitcast3A_127 : vector<16xi32> to vector<32xbf16>
            %min3A_475 = arith.minimumf %bitcast3A_473, %bitcast3A_474 : vector<32xbf16>
            %bitcast3A_476 = vector.bitcast %min3A_475 : vector<32xbf16> to vector<16xi32>
            tpu.vector_store_idx %arg8[%add3A_471], %bitcast3A_476 masked %while3A_440 : memref<40960xi32, #tpu.memory_space<vmem>>[vector<16xi32>], vector<16xi32>, vector<16xi1>
            %gather3A_477 = tpu.vector_load_idx %arg8[%add3A_471] masked %while3A_440 : memref<40960xi32, #tpu.memory_space<vmem>>[vector<16xi32>], vector<16xi32>, vector<16xi1>
            %shift_left3A_478 = arith.constant 16 : i32
            %shift_left3A_479 = vector.broadcast %shift_left3A_478 : i32 to vector<16xi32>
            %shift_left3A_480 = arith.shli %gather3A_477, %shift_left3A_479 : vector<16xi32>
            %bitcast_convert_type3A_481 = tpu.bitcast %shift_left3A_480 : vector<16xi32> -> vector<16xf32>
            %and3A_482 = vector.broadcast %scan3A_26 : i32 to vector<16xi32>
            %and3A_483 = arith.andi %gather3A_477, %and3A_482 : vector<16xi32>
            %bitcast_convert_type3A_484 = tpu.bitcast %and3A_483 : vector<16xi32> -> vector<16xf32>
            %shift_left3A_485 = arith.constant 16 : i32
            %shift_left3A_486 = vector.broadcast %shift_left3A_485 : i32 to vector<16xi32>
            %shift_left3A_487 = arith.shli %bitcast3A_476, %shift_left3A_486 : vector<16xi32>
            %bitcast_convert_type3A_488 = tpu.bitcast %shift_left3A_487 : vector<16xi32> -> vector<16xf32>
            %and3A_489 = vector.broadcast %scan3A_26 : i32 to vector<16xi32>
            %and3A_490 = arith.andi %bitcast3A_476, %and3A_489 : vector<16xi32>
            %bitcast_convert_type3A_491 = tpu.bitcast %and3A_490 : vector<16xi32> -> vector<16xf32>
            %gt3A_492 = arith.cmpf ogt, %bitcast_convert_type3A_481, %bitcast_convert_type3A_488 : vector<16xf32>
            %gt3A_493 = arith.cmpf ogt, %bitcast_convert_type3A_484, %bitcast_convert_type3A_491 : vector<16xf32>
            %or3A_494 = arith.ori %gt3A_492, %gt3A_493 : vector<16xi1>
            %and3A_495 = arith.andi %while3A_440, %or3A_494 : vector<16xi1>
            %or3A_496 = arith.ori %or3A_468, %and3A_495 : vector<16xi1>
            %add3A_497 = arith.constant 20480 : i32
            %add3A_498 = vector.broadcast %add3A_497 : i32 to vector<16xi32>
            %add3A_499 = arith.addi %get3A_99, %add3A_498 : vector<16xi32>
            %gather3A_500 = tpu.vector_load_idx %arg8[%add3A_499] masked %while3A_440 : memref<40960xi32, #tpu.memory_space<vmem>>[vector<16xi32>], vector<16xi32>, vector<16xi1>
            %bitcast3A_501 = vector.bitcast %gather3A_500 : vector<16xi32> to vector<32xbf16>
            %bitcast3A_502 = vector.bitcast %bitcast3A_142 : vector<16xi32> to vector<32xbf16>
            %min3A_503 = arith.minimumf %bitcast3A_501, %bitcast3A_502 : vector<32xbf16>
            %bitcast3A_504 = vector.bitcast %min3A_503 : vector<32xbf16> to vector<16xi32>
            tpu.vector_store_idx %arg8[%add3A_499], %bitcast3A_504 masked %while3A_440 : memref<40960xi32, #tpu.memory_space<vmem>>[vector<16xi32>], vector<16xi32>, vector<16xi1>
            %gather3A_505 = tpu.vector_load_idx %arg8[%add3A_499] masked %while3A_440 : memref<40960xi32, #tpu.memory_space<vmem>>[vector<16xi32>], vector<16xi32>, vector<16xi1>
            %shift_left3A_506 = arith.constant 16 : i32
            %shift_left3A_507 = vector.broadcast %shift_left3A_506 : i32 to vector<16xi32>
            %shift_left3A_508 = arith.shli %gather3A_505, %shift_left3A_507 : vector<16xi32>
            %bitcast_convert_type3A_509 = tpu.bitcast %shift_left3A_508 : vector<16xi32> -> vector<16xf32>
            %and3A_510 = vector.broadcast %scan3A_26 : i32 to vector<16xi32>
            %and3A_511 = arith.andi %gather3A_505, %and3A_510 : vector<16xi32>
            %bitcast_convert_type3A_512 = tpu.bitcast %and3A_511 : vector<16xi32> -> vector<16xf32>
            %shift_left3A_513 = arith.constant 16 : i32
            %shift_left3A_514 = vector.broadcast %shift_left3A_513 : i32 to vector<16xi32>
            %shift_left3A_515 = arith.shli %bitcast3A_504, %shift_left3A_514 : vector<16xi32>
            %bitcast_convert_type3A_516 = tpu.bitcast %shift_left3A_515 : vector<16xi32> -> vector<16xf32>
            %and3A_517 = vector.broadcast %scan3A_26 : i32 to vector<16xi32>
            %and3A_518 = arith.andi %bitcast3A_504, %and3A_517 : vector<16xi32>
            %bitcast_convert_type3A_519 = tpu.bitcast %and3A_518 : vector<16xi32> -> vector<16xf32>
            %gt3A_520 = arith.cmpf ogt, %bitcast_convert_type3A_509, %bitcast_convert_type3A_516 : vector<16xf32>
            %gt3A_521 = arith.cmpf ogt, %bitcast_convert_type3A_512, %bitcast_convert_type3A_519 : vector<16xf32>
            %or3A_522 = arith.ori %gt3A_520, %gt3A_521 : vector<16xi1>
            %and3A_523 = arith.andi %while3A_440, %or3A_522 : vector<16xi1>
            %or3A_524 = arith.ori %or3A_496, %and3A_523 : vector<16xi1>
            %add3A_525 = arith.constant 30720 : i32
            %add3A_526 = vector.broadcast %add3A_525 : i32 to vector<16xi32>
            %add3A_527 = arith.addi %get3A_99, %add3A_526 : vector<16xi32>
            %gather3A_528 = tpu.vector_load_idx %arg8[%add3A_527] masked %while3A_440 : memref<40960xi32, #tpu.memory_space<vmem>>[vector<16xi32>], vector<16xi32>, vector<16xi1>
            %bitcast3A_529 = vector.bitcast %gather3A_528 : vector<16xi32> to vector<32xbf16>
            %bitcast3A_530 = vector.bitcast %bitcast3A_157 : vector<16xi32> to vector<32xbf16>
            %min3A_531 = arith.minimumf %bitcast3A_529, %bitcast3A_530 : vector<32xbf16>
            %bitcast3A_532 = vector.bitcast %min3A_531 : vector<32xbf16> to vector<16xi32>
            tpu.vector_store_idx %arg8[%add3A_527], %bitcast3A_532 masked %while3A_440 : memref<40960xi32, #tpu.memory_space<vmem>>[vector<16xi32>], vector<16xi32>, vector<16xi1>
            %gather3A_533 = tpu.vector_load_idx %arg8[%add3A_527] masked %while3A_440 : memref<40960xi32, #tpu.memory_space<vmem>>[vector<16xi32>], vector<16xi32>, vector<16xi1>
            %shift_left3A_534 = arith.constant 16 : i32
            %shift_left3A_535 = vector.broadcast %shift_left3A_534 : i32 to vector<16xi32>
            %shift_left3A_536 = arith.shli %gather3A_533, %shift_left3A_535 : vector<16xi32>
            %bitcast_convert_type3A_537 = tpu.bitcast %shift_left3A_536 : vector<16xi32> -> vector<16xf32>
            %and3A_538 = vector.broadcast %scan3A_26 : i32 to vector<16xi32>
            %and3A_539 = arith.andi %gather3A_533, %and3A_538 : vector<16xi32>
            %bitcast_convert_type3A_540 = tpu.bitcast %and3A_539 : vector<16xi32> -> vector<16xf32>
            %shift_left3A_541 = arith.constant 16 : i32
            %shift_left3A_542 = vector.broadcast %shift_left3A_541 : i32 to vector<16xi32>
            %shift_left3A_543 = arith.shli %bitcast3A_532, %shift_left3A_542 : vector<16xi32>
            %bitcast_convert_type3A_544 = tpu.bitcast %shift_left3A_543 : vector<16xi32> -> vector<16xf32>
            %and3A_545 = vector.broadcast %scan3A_26 : i32 to vector<16xi32>
            %and3A_546 = arith.andi %bitcast3A_532, %and3A_545 : vector<16xi32>
            %bitcast_convert_type3A_547 = tpu.bitcast %and3A_546 : vector<16xi32> -> vector<16xf32>
            %gt3A_548 = arith.cmpf ogt, %bitcast_convert_type3A_537, %bitcast_convert_type3A_544 : vector<16xf32>
            %gt3A_549 = arith.cmpf ogt, %bitcast_convert_type3A_540, %bitcast_convert_type3A_547 : vector<16xf32>
            %or3A_550 = arith.ori %gt3A_548, %gt3A_549 : vector<16xi1>
            %and3A_551 = arith.andi %while3A_440, %or3A_550 : vector<16xi1>
            %or3A_552 = arith.ori %or3A_524, %and3A_551 : vector<16xi1>
            scf.yield %or3A_552 : vector<16xi1>
          }
          %broadcast_in_dim3A_430 = arith.constant true
          %broadcast_in_dim3A_431 = vector.broadcast %broadcast_in_dim3A_430 : i1 to vector<16xi1>
          %while3A_432 = scf.while (%while3A_440 = %broadcast_in_dim3A_431) : (vector<16xi1>) -> vector<16xi1> {
            %all_reduce_population_count3A_441 = tpu.all_reduce %while3A_440 {dim = 0 : i64, kind = #tpu.reduction_kind<sum>} : vector<16xi1> -> vector<16xi32>
            %slice3A_442 = vector.extract_strided_slice %all_reduce_population_count3A_441 {offsets = [0], sizes = [1], strides = [1]} : vector<16xi32> to vector<1xi32>
            %squeeze3A_443 = vector.extract %slice3A_442[0] : i32 from vector<1xi32>
            %gt3A = arith.constant 0 : i32
            %gt3A_444 = arith.cmpi sgt, %squeeze3A_443, %gt3A : i32
            scf.condition(%gt3A_444) %while3A_440 : vector<16xi1>
          } do {
          ^bb0(%while3A_440: vector<16xi1>):
            %broadcast_in_dim3A_441 = arith.constant false
            %broadcast_in_dim3A_442 = vector.broadcast %broadcast_in_dim3A_441 : i1 to vector<16xi1>
            %add3A_443 = arith.constant 0 : i32
            %add3A_444 = vector.broadcast %add3A_443 : i32 to vector<16xi32>
            %add3A_445 = arith.addi %get3A_169, %add3A_444 : vector<16xi32>
            %gather3A_446 = tpu.vector_load_idx %arg8[%add3A_445] masked %while3A_440 : memref<40960xi32, #tpu.memory_space<vmem>>[vector<16xi32>], vector<16xi32>, vector<16xi1>
            %bitcast3A_447 = vector.bitcast %gather3A_446 : vector<16xi32> to vector<32xbf16>
            %bitcast3A_448 = vector.bitcast %bitcast3A_188 : vector<16xi32> to vector<32xbf16>
            %min3A = arith.minimumf %bitcast3A_447, %bitcast3A_448 : vector<32xbf16>
            %bitcast3A_449 = vector.bitcast %min3A : vector<32xbf16> to vector<16xi32>
            tpu.vector_store_idx %arg8[%add3A_445], %bitcast3A_449 masked %while3A_440 : memref<40960xi32, #tpu.memory_space<vmem>>[vector<16xi32>], vector<16xi32>, vector<16xi1>
            %gather3A_450 = tpu.vector_load_idx %arg8[%add3A_445] masked %while3A_440 : memref<40960xi32, #tpu.memory_space<vmem>>[vector<16xi32>], vector<16xi32>, vector<16xi1>
            %shift_left3A_451 = arith.constant 16 : i32
            %shift_left3A_452 = vector.broadcast %shift_left3A_451 : i32 to vector<16xi32>
            %shift_left3A_453 = arith.shli %gather3A_450, %shift_left3A_452 : vector<16xi32>
            %bitcast_convert_type3A_454 = tpu.bitcast %shift_left3A_453 : vector<16xi32> -> vector<16xf32>
            %and3A_455 = vector.broadcast %scan3A_26 : i32 to vector<16xi32>
            %and3A_456 = arith.andi %gather3A_450, %and3A_455 : vector<16xi32>
            %bitcast_convert_type3A_457 = tpu.bitcast %and3A_456 : vector<16xi32> -> vector<16xf32>
            %shift_left3A_458 = arith.constant 16 : i32
            %shift_left3A_459 = vector.broadcast %shift_left3A_458 : i32 to vector<16xi32>
            %shift_left3A_460 = arith.shli %bitcast3A_449, %shift_left3A_459 : vector<16xi32>
            %bitcast_convert_type3A_461 = tpu.bitcast %shift_left3A_460 : vector<16xi32> -> vector<16xf32>
            %and3A_462 = vector.broadcast %scan3A_26 : i32 to vector<16xi32>
            %and3A_463 = arith.andi %bitcast3A_449, %and3A_462 : vector<16xi32>
            %bitcast_convert_type3A_464 = tpu.bitcast %and3A_463 : vector<16xi32> -> vector<16xf32>
            %gt3A = arith.cmpf ogt, %bitcast_convert_type3A_454, %bitcast_convert_type3A_461 : vector<16xf32>
            %gt3A_465 = arith.cmpf ogt, %bitcast_convert_type3A_457, %bitcast_convert_type3A_464 : vector<16xf32>
            %or3A_466 = arith.ori %gt3A, %gt3A_465 : vector<16xi1>
            %and3A_467 = arith.andi %while3A_440, %or3A_466 : vector<16xi1>
            %or3A_468 = arith.ori %broadcast_in_dim3A_442, %and3A_467 : vector<16xi1>
            %add3A_469 = arith.constant 10240 : i32
            %add3A_470 = vector.broadcast %add3A_469 : i32 to vector<16xi32>
            %add3A_471 = arith.addi %get3A_169, %add3A_470 : vector<16xi32>
            %gather3A_472 = tpu.vector_load_idx %arg8[%add3A_471] masked %while3A_440 : memref<40960xi32, #tpu.memory_space<vmem>>[vector<16xi32>], vector<16xi32>, vector<16xi1>
            %bitcast3A_473 = vector.bitcast %gather3A_472 : vector<16xi32> to vector<32xbf16>
            %bitcast3A_474 = vector.bitcast %bitcast3A_203 : vector<16xi32> to vector<32xbf16>
            %min3A_475 = arith.minimumf %bitcast3A_473, %bitcast3A_474 : vector<32xbf16>
            %bitcast3A_476 = vector.bitcast %min3A_475 : vector<32xbf16> to vector<16xi32>
            tpu.vector_store_idx %arg8[%add3A_471], %bitcast3A_476 masked %while3A_440 : memref<40960xi32, #tpu.memory_space<vmem>>[vector<16xi32>], vector<16xi32>, vector<16xi1>
            %gather3A_477 = tpu.vector_load_idx %arg8[%add3A_471] masked %while3A_440 : memref<40960xi32, #tpu.memory_space<vmem>>[vector<16xi32>], vector<16xi32>, vector<16xi1>
            %shift_left3A_478 = arith.constant 16 : i32
            %shift_left3A_479 = vector.broadcast %shift_left3A_478 : i32 to vector<16xi32>
            %shift_left3A_480 = arith.shli %gather3A_477, %shift_left3A_479 : vector<16xi32>
            %bitcast_convert_type3A_481 = tpu.bitcast %shift_left3A_480 : vector<16xi32> -> vector<16xf32>
            %and3A_482 = vector.broadcast %scan3A_26 : i32 to vector<16xi32>
            %and3A_483 = arith.andi %gather3A_477, %and3A_482 : vector<16xi32>
            %bitcast_convert_type3A_484 = tpu.bitcast %and3A_483 : vector<16xi32> -> vector<16xf32>
            %shift_left3A_485 = arith.constant 16 : i32
            %shift_left3A_486 = vector.broadcast %shift_left3A_485 : i32 to vector<16xi32>
            %shift_left3A_487 = arith.shli %bitcast3A_476, %shift_left3A_486 : vector<16xi32>
            %bitcast_convert_type3A_488 = tpu.bitcast %shift_left3A_487 : vector<16xi32> -> vector<16xf32>
            %and3A_489 = vector.broadcast %scan3A_26 : i32 to vector<16xi32>
            %and3A_490 = arith.andi %bitcast3A_476, %and3A_489 : vector<16xi32>
            %bitcast_convert_type3A_491 = tpu.bitcast %and3A_490 : vector<16xi32> -> vector<16xf32>
            %gt3A_492 = arith.cmpf ogt, %bitcast_convert_type3A_481, %bitcast_convert_type3A_488 : vector<16xf32>
            %gt3A_493 = arith.cmpf ogt, %bitcast_convert_type3A_484, %bitcast_convert_type3A_491 : vector<16xf32>
            %or3A_494 = arith.ori %gt3A_492, %gt3A_493 : vector<16xi1>
            %and3A_495 = arith.andi %while3A_440, %or3A_494 : vector<16xi1>
            %or3A_496 = arith.ori %or3A_468, %and3A_495 : vector<16xi1>
            %add3A_497 = arith.constant 20480 : i32
            %add3A_498 = vector.broadcast %add3A_497 : i32 to vector<16xi32>
            %add3A_499 = arith.addi %get3A_169, %add3A_498 : vector<16xi32>
            %gather3A_500 = tpu.vector_load_idx %arg8[%add3A_499] masked %while3A_440 : memref<40960xi32, #tpu.memory_space<vmem>>[vector<16xi32>], vector<16xi32>, vector<16xi1>
            %bitcast3A_501 = vector.bitcast %gather3A_500 : vector<16xi32> to vector<32xbf16>
            %bitcast3A_502 = vector.bitcast %bitcast3A_218 : vector<16xi32> to vector<32xbf16>
            %min3A_503 = arith.minimumf %bitcast3A_501, %bitcast3A_502 : vector<32xbf16>
            %bitcast3A_504 = vector.bitcast %min3A_503 : vector<32xbf16> to vector<16xi32>
            tpu.vector_store_idx %arg8[%add3A_499], %bitcast3A_504 masked %while3A_440 : memref<40960xi32, #tpu.memory_space<vmem>>[vector<16xi32>], vector<16xi32>, vector<16xi1>
            %gather3A_505 = tpu.vector_load_idx %arg8[%add3A_499] masked %while3A_440 : memref<40960xi32, #tpu.memory_space<vmem>>[vector<16xi32>], vector<16xi32>, vector<16xi1>
            %shift_left3A_506 = arith.constant 16 : i32
            %shift_left3A_507 = vector.broadcast %shift_left3A_506 : i32 to vector<16xi32>
            %shift_left3A_508 = arith.shli %gather3A_505, %shift_left3A_507 : vector<16xi32>
            %bitcast_convert_type3A_509 = tpu.bitcast %shift_left3A_508 : vector<16xi32> -> vector<16xf32>
            %and3A_510 = vector.broadcast %scan3A_26 : i32 to vector<16xi32>
            %and3A_511 = arith.andi %gather3A_505, %and3A_510 : vector<16xi32>
            %bitcast_convert_type3A_512 = tpu.bitcast %and3A_511 : vector<16xi32> -> vector<16xf32>
            %shift_left3A_513 = arith.constant 16 : i32
            %shift_left3A_514 = vector.broadcast %shift_left3A_513 : i32 to vector<16xi32>
            %shift_left3A_515 = arith.shli %bitcast3A_504, %shift_left3A_514 : vector<16xi32>
            %bitcast_convert_type3A_516 = tpu.bitcast %shift_left3A_515 : vector<16xi32> -> vector<16xf32>
            %and3A_517 = vector.broadcast %scan3A_26 : i32 to vector<16xi32>
            %and3A_518 = arith.andi %bitcast3A_504, %and3A_517 : vector<16xi32>
            %bitcast_convert_type3A_519 = tpu.bitcast %and3A_518 : vector<16xi32> -> vector<16xf32>
            %gt3A_520 = arith.cmpf ogt, %bitcast_convert_type3A_509, %bitcast_convert_type3A_516 : vector<16xf32>
            %gt3A_521 = arith.cmpf ogt, %bitcast_convert_type3A_512, %bitcast_convert_type3A_519 : vector<16xf32>
            %or3A_522 = arith.ori %gt3A_520, %gt3A_521 : vector<16xi1>
            %and3A_523 = arith.andi %while3A_440, %or3A_522 : vector<16xi1>
            %or3A_524 = arith.ori %or3A_496, %and3A_523 : vector<16xi1>
            %add3A_525 = arith.constant 30720 : i32
            %add3A_526 = vector.broadcast %add3A_525 : i32 to vector<16xi32>
            %add3A_527 = arith.addi %get3A_169, %add3A_526 : vector<16xi32>
            %gather3A_528 = tpu.vector_load_idx %arg8[%add3A_527] masked %while3A_440 : memref<40960xi32, #tpu.memory_space<vmem>>[vector<16xi32>], vector<16xi32>, vector<16xi1>
            %bitcast3A_529 = vector.bitcast %gather3A_528 : vector<16xi32> to vector<32xbf16>
            %bitcast3A_530 = vector.bitcast %bitcast3A_233 : vector<16xi32> to vector<32xbf16>
            %min3A_531 = arith.minimumf %bitcast3A_529, %bitcast3A_530 : vector<32xbf16>
            %bitcast3A_532 = vector.bitcast %min3A_531 : vector<32xbf16> to vector<16xi32>
            tpu.vector_store_idx %arg8[%add3A_527], %bitcast3A_532 masked %while3A_440 : memref<40960xi32, #tpu.memory_space<vmem>>[vector<16xi32>], vector<16xi32>, vector<16xi1>
            %gather3A_533 = tpu.vector_load_idx %arg8[%add3A_527] masked %while3A_440 : memref<40960xi32, #tpu.memory_space<vmem>>[vector<16xi32>], vector<16xi32>, vector<16xi1>
            %shift_left3A_534 = arith.constant 16 : i32
            %shift_left3A_535 = vector.broadcast %shift_left3A_534 : i32 to vector<16xi32>
            %shift_left3A_536 = arith.shli %gather3A_533, %shift_left3A_535 : vector<16xi32>
            %bitcast_convert_type3A_537 = tpu.bitcast %shift_left3A_536 : vector<16xi32> -> vector<16xf32>
            %and3A_538 = vector.broadcast %scan3A_26 : i32 to vector<16xi32>
            %and3A_539 = arith.andi %gather3A_533, %and3A_538 : vector<16xi32>
            %bitcast_convert_type3A_540 = tpu.bitcast %and3A_539 : vector<16xi32> -> vector<16xf32>
            %shift_left3A_541 = arith.constant 16 : i32
            %shift_left3A_542 = vector.broadcast %shift_left3A_541 : i32 to vector<16xi32>
            %shift_left3A_543 = arith.shli %bitcast3A_532, %shift_left3A_542 : vector<16xi32>
            %bitcast_convert_type3A_544 = tpu.bitcast %shift_left3A_543 : vector<16xi32> -> vector<16xf32>
            %and3A_545 = vector.broadcast %scan3A_26 : i32 to vector<16xi32>
            %and3A_546 = arith.andi %bitcast3A_532, %and3A_545 : vector<16xi32>
            %bitcast_convert_type3A_547 = tpu.bitcast %and3A_546 : vector<16xi32> -> vector<16xf32>
            %gt3A_548 = arith.cmpf ogt, %bitcast_convert_type3A_537, %bitcast_convert_type3A_544 : vector<16xf32>
            %gt3A_549 = arith.cmpf ogt, %bitcast_convert_type3A_540, %bitcast_convert_type3A_547 : vector<16xf32>
            %or3A_550 = arith.ori %gt3A_548, %gt3A_549 : vector<16xi1>
            %and3A_551 = arith.andi %while3A_440, %or3A_550 : vector<16xi1>
            %or3A_552 = arith.ori %or3A_524, %and3A_551 : vector<16xi1>
            scf.yield %or3A_552 : vector<16xi1>
          }
          %broadcast_in_dim3A_433 = arith.constant true
          %broadcast_in_dim3A_434 = vector.broadcast %broadcast_in_dim3A_433 : i1 to vector<16xi1>
          %while3A_435 = scf.while (%while3A_440 = %broadcast_in_dim3A_434) : (vector<16xi1>) -> vector<16xi1> {
            %all_reduce_population_count3A_441 = tpu.all_reduce %while3A_440 {dim = 0 : i64, kind = #tpu.reduction_kind<sum>} : vector<16xi1> -> vector<16xi32>
            %slice3A_442 = vector.extract_strided_slice %all_reduce_population_count3A_441 {offsets = [0], sizes = [1], strides = [1]} : vector<16xi32> to vector<1xi32>
            %squeeze3A_443 = vector.extract %slice3A_442[0] : i32 from vector<1xi32>
            %gt3A = arith.constant 0 : i32
            %gt3A_444 = arith.cmpi sgt, %squeeze3A_443, %gt3A : i32
            scf.condition(%gt3A_444) %while3A_440 : vector<16xi1>
          } do {
          ^bb0(%while3A_440: vector<16xi1>):
            %broadcast_in_dim3A_441 = arith.constant false
            %broadcast_in_dim3A_442 = vector.broadcast %broadcast_in_dim3A_441 : i1 to vector<16xi1>
            %add3A_443 = arith.constant 0 : i32
            %add3A_444 = vector.broadcast %add3A_443 : i32 to vector<16xi32>
            %add3A_445 = arith.addi %get3A_245, %add3A_444 : vector<16xi32>
            %gather3A_446 = tpu.vector_load_idx %arg8[%add3A_445] masked %while3A_440 : memref<40960xi32, #tpu.memory_space<vmem>>[vector<16xi32>], vector<16xi32>, vector<16xi1>
            %bitcast3A_447 = vector.bitcast %gather3A_446 : vector<16xi32> to vector<32xbf16>
            %bitcast3A_448 = vector.bitcast %bitcast3A_264 : vector<16xi32> to vector<32xbf16>
            %min3A = arith.minimumf %bitcast3A_447, %bitcast3A_448 : vector<32xbf16>
            %bitcast3A_449 = vector.bitcast %min3A : vector<32xbf16> to vector<16xi32>
            tpu.vector_store_idx %arg8[%add3A_445], %bitcast3A_449 masked %while3A_440 : memref<40960xi32, #tpu.memory_space<vmem>>[vector<16xi32>], vector<16xi32>, vector<16xi1>
            %gather3A_450 = tpu.vector_load_idx %arg8[%add3A_445] masked %while3A_440 : memref<40960xi32, #tpu.memory_space<vmem>>[vector<16xi32>], vector<16xi32>, vector<16xi1>
            %shift_left3A_451 = arith.constant 16 : i32
            %shift_left3A_452 = vector.broadcast %shift_left3A_451 : i32 to vector<16xi32>
            %shift_left3A_453 = arith.shli %gather3A_450, %shift_left3A_452 : vector<16xi32>
            %bitcast_convert_type3A_454 = tpu.bitcast %shift_left3A_453 : vector<16xi32> -> vector<16xf32>
            %and3A_455 = vector.broadcast %scan3A_26 : i32 to vector<16xi32>
            %and3A_456 = arith.andi %gather3A_450, %and3A_455 : vector<16xi32>
            %bitcast_convert_type3A_457 = tpu.bitcast %and3A_456 : vector<16xi32> -> vector<16xf32>
            %shift_left3A_458 = arith.constant 16 : i32
            %shift_left3A_459 = vector.broadcast %shift_left3A_458 : i32 to vector<16xi32>
            %shift_left3A_460 = arith.shli %bitcast3A_449, %shift_left3A_459 : vector<16xi32>
            %bitcast_convert_type3A_461 = tpu.bitcast %shift_left3A_460 : vector<16xi32> -> vector<16xf32>
            %and3A_462 = vector.broadcast %scan3A_26 : i32 to vector<16xi32>
            %and3A_463 = arith.andi %bitcast3A_449, %and3A_462 : vector<16xi32>
            %bitcast_convert_type3A_464 = tpu.bitcast %and3A_463 : vector<16xi32> -> vector<16xf32>
            %gt3A = arith.cmpf ogt, %bitcast_convert_type3A_454, %bitcast_convert_type3A_461 : vector<16xf32>
            %gt3A_465 = arith.cmpf ogt, %bitcast_convert_type3A_457, %bitcast_convert_type3A_464 : vector<16xf32>
            %or3A_466 = arith.ori %gt3A, %gt3A_465 : vector<16xi1>
            %and3A_467 = arith.andi %while3A_440, %or3A_466 : vector<16xi1>
            %or3A_468 = arith.ori %broadcast_in_dim3A_442, %and3A_467 : vector<16xi1>
            %add3A_469 = arith.constant 10240 : i32
            %add3A_470 = vector.broadcast %add3A_469 : i32 to vector<16xi32>
            %add3A_471 = arith.addi %get3A_245, %add3A_470 : vector<16xi32>
            %gather3A_472 = tpu.vector_load_idx %arg8[%add3A_471] masked %while3A_440 : memref<40960xi32, #tpu.memory_space<vmem>>[vector<16xi32>], vector<16xi32>, vector<16xi1>
            %bitcast3A_473 = vector.bitcast %gather3A_472 : vector<16xi32> to vector<32xbf16>
            %bitcast3A_474 = vector.bitcast %bitcast3A_279 : vector<16xi32> to vector<32xbf16>
            %min3A_475 = arith.minimumf %bitcast3A_473, %bitcast3A_474 : vector<32xbf16>
            %bitcast3A_476 = vector.bitcast %min3A_475 : vector<32xbf16> to vector<16xi32>
            tpu.vector_store_idx %arg8[%add3A_471], %bitcast3A_476 masked %while3A_440 : memref<40960xi32, #tpu.memory_space<vmem>>[vector<16xi32>], vector<16xi32>, vector<16xi1>
            %gather3A_477 = tpu.vector_load_idx %arg8[%add3A_471] masked %while3A_440 : memref<40960xi32, #tpu.memory_space<vmem>>[vector<16xi32>], vector<16xi32>, vector<16xi1>
            %shift_left3A_478 = arith.constant 16 : i32
            %shift_left3A_479 = vector.broadcast %shift_left3A_478 : i32 to vector<16xi32>
            %shift_left3A_480 = arith.shli %gather3A_477, %shift_left3A_479 : vector<16xi32>
            %bitcast_convert_type3A_481 = tpu.bitcast %shift_left3A_480 : vector<16xi32> -> vector<16xf32>
            %and3A_482 = vector.broadcast %scan3A_26 : i32 to vector<16xi32>
            %and3A_483 = arith.andi %gather3A_477, %and3A_482 : vector<16xi32>
            %bitcast_convert_type3A_484 = tpu.bitcast %and3A_483 : vector<16xi32> -> vector<16xf32>
            %shift_left3A_485 = arith.constant 16 : i32
            %shift_left3A_486 = vector.broadcast %shift_left3A_485 : i32 to vector<16xi32>
            %shift_left3A_487 = arith.shli %bitcast3A_476, %shift_left3A_486 : vector<16xi32>
            %bitcast_convert_type3A_488 = tpu.bitcast %shift_left3A_487 : vector<16xi32> -> vector<16xf32>
            %and3A_489 = vector.broadcast %scan3A_26 : i32 to vector<16xi32>
            %and3A_490 = arith.andi %bitcast3A_476, %and3A_489 : vector<16xi32>
            %bitcast_convert_type3A_491 = tpu.bitcast %and3A_490 : vector<16xi32> -> vector<16xf32>
            %gt3A_492 = arith.cmpf ogt, %bitcast_convert_type3A_481, %bitcast_convert_type3A_488 : vector<16xf32>
            %gt3A_493 = arith.cmpf ogt, %bitcast_convert_type3A_484, %bitcast_convert_type3A_491 : vector<16xf32>
            %or3A_494 = arith.ori %gt3A_492, %gt3A_493 : vector<16xi1>
            %and3A_495 = arith.andi %while3A_440, %or3A_494 : vector<16xi1>
            %or3A_496 = arith.ori %or3A_468, %and3A_495 : vector<16xi1>
            %add3A_497 = arith.constant 20480 : i32
            %add3A_498 = vector.broadcast %add3A_497 : i32 to vector<16xi32>
            %add3A_499 = arith.addi %get3A_245, %add3A_498 : vector<16xi32>
            %gather3A_500 = tpu.vector_load_idx %arg8[%add3A_499] masked %while3A_440 : memref<40960xi32, #tpu.memory_space<vmem>>[vector<16xi32>], vector<16xi32>, vector<16xi1>
            %bitcast3A_501 = vector.bitcast %gather3A_500 : vector<16xi32> to vector<32xbf16>
            %bitcast3A_502 = vector.bitcast %bitcast3A_294 : vector<16xi32> to vector<32xbf16>
            %min3A_503 = arith.minimumf %bitcast3A_501, %bitcast3A_502 : vector<32xbf16>
            %bitcast3A_504 = vector.bitcast %min3A_503 : vector<32xbf16> to vector<16xi32>
            tpu.vector_store_idx %arg8[%add3A_499], %bitcast3A_504 masked %while3A_440 : memref<40960xi32, #tpu.memory_space<vmem>>[vector<16xi32>], vector<16xi32>, vector<16xi1>
            %gather3A_505 = tpu.vector_load_idx %arg8[%add3A_499] masked %while3A_440 : memref<40960xi32, #tpu.memory_space<vmem>>[vector<16xi32>], vector<16xi32>, vector<16xi1>
            %shift_left3A_506 = arith.constant 16 : i32
            %shift_left3A_507 = vector.broadcast %shift_left3A_506 : i32 to vector<16xi32>
            %shift_left3A_508 = arith.shli %gather3A_505, %shift_left3A_507 : vector<16xi32>
            %bitcast_convert_type3A_509 = tpu.bitcast %shift_left3A_508 : vector<16xi32> -> vector<16xf32>
            %and3A_510 = vector.broadcast %scan3A_26 : i32 to vector<16xi32>
            %and3A_511 = arith.andi %gather3A_505, %and3A_510 : vector<16xi32>
            %bitcast_convert_type3A_512 = tpu.bitcast %and3A_511 : vector<16xi32> -> vector<16xf32>
            %shift_left3A_513 = arith.constant 16 : i32
            %shift_left3A_514 = vector.broadcast %shift_left3A_513 : i32 to vector<16xi32>
            %shift_left3A_515 = arith.shli %bitcast3A_504, %shift_left3A_514 : vector<16xi32>
            %bitcast_convert_type3A_516 = tpu.bitcast %shift_left3A_515 : vector<16xi32> -> vector<16xf32>
            %and3A_517 = vector.broadcast %scan3A_26 : i32 to vector<16xi32>
            %and3A_518 = arith.andi %bitcast3A_504, %and3A_517 : vector<16xi32>
            %bitcast_convert_type3A_519 = tpu.bitcast %and3A_518 : vector<16xi32> -> vector<16xf32>
            %gt3A_520 = arith.cmpf ogt, %bitcast_convert_type3A_509, %bitcast_convert_type3A_516 : vector<16xf32>
            %gt3A_521 = arith.cmpf ogt, %bitcast_convert_type3A_512, %bitcast_convert_type3A_519 : vector<16xf32>
            %or3A_522 = arith.ori %gt3A_520, %gt3A_521 : vector<16xi1>
            %and3A_523 = arith.andi %while3A_440, %or3A_522 : vector<16xi1>
            %or3A_524 = arith.ori %or3A_496, %and3A_523 : vector<16xi1>
            %add3A_525 = arith.constant 30720 : i32
            %add3A_526 = vector.broadcast %add3A_525 : i32 to vector<16xi32>
            %add3A_527 = arith.addi %get3A_245, %add3A_526 : vector<16xi32>
            %gather3A_528 = tpu.vector_load_idx %arg8[%add3A_527] masked %while3A_440 : memref<40960xi32, #tpu.memory_space<vmem>>[vector<16xi32>], vector<16xi32>, vector<16xi1>
            %bitcast3A_529 = vector.bitcast %gather3A_528 : vector<16xi32> to vector<32xbf16>
            %bitcast3A_530 = vector.bitcast %bitcast3A_309 : vector<16xi32> to vector<32xbf16>
            %min3A_531 = arith.minimumf %bitcast3A_529, %bitcast3A_530 : vector<32xbf16>
            %bitcast3A_532 = vector.bitcast %min3A_531 : vector<32xbf16> to vector<16xi32>
            tpu.vector_store_idx %arg8[%add3A_527], %bitcast3A_532 masked %while3A_440 : memref<40960xi32, #tpu.memory_space<vmem>>[vector<16xi32>], vector<16xi32>, vector<16xi1>
            %gather3A_533 = tpu.vector_load_idx %arg8[%add3A_527] masked %while3A_440 : memref<40960xi32, #tpu.memory_space<vmem>>[vector<16xi32>], vector<16xi32>, vector<16xi1>
            %shift_left3A_534 = arith.constant 16 : i32
            %shift_left3A_535 = vector.broadcast %shift_left3A_534 : i32 to vector<16xi32>
            %shift_left3A_536 = arith.shli %gather3A_533, %shift_left3A_535 : vector<16xi32>
            %bitcast_convert_type3A_537 = tpu.bitcast %shift_left3A_536 : vector<16xi32> -> vector<16xf32>
            %and3A_538 = vector.broadcast %scan3A_26 : i32 to vector<16xi32>
            %and3A_539 = arith.andi %gather3A_533, %and3A_538 : vector<16xi32>
            %bitcast_convert_type3A_540 = tpu.bitcast %and3A_539 : vector<16xi32> -> vector<16xf32>
            %shift_left3A_541 = arith.constant 16 : i32
            %shift_left3A_542 = vector.broadcast %shift_left3A_541 : i32 to vector<16xi32>
            %shift_left3A_543 = arith.shli %bitcast3A_532, %shift_left3A_542 : vector<16xi32>
            %bitcast_convert_type3A_544 = tpu.bitcast %shift_left3A_543 : vector<16xi32> -> vector<16xf32>
            %and3A_545 = vector.broadcast %scan3A_26 : i32 to vector<16xi32>
            %and3A_546 = arith.andi %bitcast3A_532, %and3A_545 : vector<16xi32>
            %bitcast_convert_type3A_547 = tpu.bitcast %and3A_546 : vector<16xi32> -> vector<16xf32>
            %gt3A_548 = arith.cmpf ogt, %bitcast_convert_type3A_537, %bitcast_convert_type3A_544 : vector<16xf32>
            %gt3A_549 = arith.cmpf ogt, %bitcast_convert_type3A_540, %bitcast_convert_type3A_547 : vector<16xf32>
            %or3A_550 = arith.ori %gt3A_548, %gt3A_549 : vector<16xi1>
            %and3A_551 = arith.andi %while3A_440, %or3A_550 : vector<16xi1>
            %or3A_552 = arith.ori %or3A_524, %and3A_551 : vector<16xi1>
            scf.yield %or3A_552 : vector<16xi1>
          }
          %broadcast_in_dim3A_436 = arith.constant true
          %broadcast_in_dim3A_437 = vector.broadcast %broadcast_in_dim3A_436 : i1 to vector<16xi1>
          %while3A_438 = scf.while (%while3A_440 = %broadcast_in_dim3A_437) : (vector<16xi1>) -> vector<16xi1> {
            %all_reduce_population_count3A_441 = tpu.all_reduce %while3A_440 {dim = 0 : i64, kind = #tpu.reduction_kind<sum>} : vector<16xi1> -> vector<16xi32>
            %slice3A_442 = vector.extract_strided_slice %all_reduce_population_count3A_441 {offsets = [0], sizes = [1], strides = [1]} : vector<16xi32> to vector<1xi32>
            %squeeze3A_443 = vector.extract %slice3A_442[0] : i32 from vector<1xi32>
            %gt3A = arith.constant 0 : i32
            %gt3A_444 = arith.cmpi sgt, %squeeze3A_443, %gt3A : i32
            scf.condition(%gt3A_444) %while3A_440 : vector<16xi1>
          } do {
          ^bb0(%while3A_440: vector<16xi1>):
            %broadcast_in_dim3A_441 = arith.constant false
            %broadcast_in_dim3A_442 = vector.broadcast %broadcast_in_dim3A_441 : i1 to vector<16xi1>
            %add3A_443 = arith.constant 0 : i32
            %add3A_444 = vector.broadcast %add3A_443 : i32 to vector<16xi32>
            %add3A_445 = arith.addi %get3A_321, %add3A_444 : vector<16xi32>
            %gather3A_446 = tpu.vector_load_idx %arg8[%add3A_445] masked %while3A_440 : memref<40960xi32, #tpu.memory_space<vmem>>[vector<16xi32>], vector<16xi32>, vector<16xi1>
            %bitcast3A_447 = vector.bitcast %gather3A_446 : vector<16xi32> to vector<32xbf16>
            %bitcast3A_448 = vector.bitcast %bitcast3A_340 : vector<16xi32> to vector<32xbf16>
            %min3A = arith.minimumf %bitcast3A_447, %bitcast3A_448 : vector<32xbf16>
            %bitcast3A_449 = vector.bitcast %min3A : vector<32xbf16> to vector<16xi32>
            tpu.vector_store_idx %arg8[%add3A_445], %bitcast3A_449 masked %while3A_440 : memref<40960xi32, #tpu.memory_space<vmem>>[vector<16xi32>], vector<16xi32>, vector<16xi1>
            %gather3A_450 = tpu.vector_load_idx %arg8[%add3A_445] masked %while3A_440 : memref<40960xi32, #tpu.memory_space<vmem>>[vector<16xi32>], vector<16xi32>, vector<16xi1>
            %shift_left3A_451 = arith.constant 16 : i32
            %shift_left3A_452 = vector.broadcast %shift_left3A_451 : i32 to vector<16xi32>
            %shift_left3A_453 = arith.shli %gather3A_450, %shift_left3A_452 : vector<16xi32>
            %bitcast_convert_type3A_454 = tpu.bitcast %shift_left3A_453 : vector<16xi32> -> vector<16xf32>
            %and3A_455 = vector.broadcast %scan3A_26 : i32 to vector<16xi32>
            %and3A_456 = arith.andi %gather3A_450, %and3A_455 : vector<16xi32>
            %bitcast_convert_type3A_457 = tpu.bitcast %and3A_456 : vector<16xi32> -> vector<16xf32>
            %shift_left3A_458 = arith.constant 16 : i32
            %shift_left3A_459 = vector.broadcast %shift_left3A_458 : i32 to vector<16xi32>
            %shift_left3A_460 = arith.shli %bitcast3A_449, %shift_left3A_459 : vector<16xi32>
            %bitcast_convert_type3A_461 = tpu.bitcast %shift_left3A_460 : vector<16xi32> -> vector<16xf32>
            %and3A_462 = vector.broadcast %scan3A_26 : i32 to vector<16xi32>
            %and3A_463 = arith.andi %bitcast3A_449, %and3A_462 : vector<16xi32>
            %bitcast_convert_type3A_464 = tpu.bitcast %and3A_463 : vector<16xi32> -> vector<16xf32>
            %gt3A = arith.cmpf ogt, %bitcast_convert_type3A_454, %bitcast_convert_type3A_461 : vector<16xf32>
            %gt3A_465 = arith.cmpf ogt, %bitcast_convert_type3A_457, %bitcast_convert_type3A_464 : vector<16xf32>
            %or3A_466 = arith.ori %gt3A, %gt3A_465 : vector<16xi1>
            %and3A_467 = arith.andi %while3A_440, %or3A_466 : vector<16xi1>
            %or3A_468 = arith.ori %broadcast_in_dim3A_442, %and3A_467 : vector<16xi1>
            %add3A_469 = arith.constant 10240 : i32
            %add3A_470 = vector.broadcast %add3A_469 : i32 to vector<16xi32>
            %add3A_471 = arith.addi %get3A_321, %add3A_470 : vector<16xi32>
            %gather3A_472 = tpu.vector_load_idx %arg8[%add3A_471] masked %while3A_440 : memref<40960xi32, #tpu.memory_space<vmem>>[vector<16xi32>], vector<16xi32>, vector<16xi1>
            %bitcast3A_473 = vector.bitcast %gather3A_472 : vector<16xi32> to vector<32xbf16>
            %bitcast3A_474 = vector.bitcast %bitcast3A_355 : vector<16xi32> to vector<32xbf16>
            %min3A_475 = arith.minimumf %bitcast3A_473, %bitcast3A_474 : vector<32xbf16>
            %bitcast3A_476 = vector.bitcast %min3A_475 : vector<32xbf16> to vector<16xi32>
            tpu.vector_store_idx %arg8[%add3A_471], %bitcast3A_476 masked %while3A_440 : memref<40960xi32, #tpu.memory_space<vmem>>[vector<16xi32>], vector<16xi32>, vector<16xi1>
            %gather3A_477 = tpu.vector_load_idx %arg8[%add3A_471] masked %while3A_440 : memref<40960xi32, #tpu.memory_space<vmem>>[vector<16xi32>], vector<16xi32>, vector<16xi1>
            %shift_left3A_478 = arith.constant 16 : i32
            %shift_left3A_479 = vector.broadcast %shift_left3A_478 : i32 to vector<16xi32>
            %shift_left3A_480 = arith.shli %gather3A_477, %shift_left3A_479 : vector<16xi32>
            %bitcast_convert_type3A_481 = tpu.bitcast %shift_left3A_480 : vector<16xi32> -> vector<16xf32>
            %and3A_482 = vector.broadcast %scan3A_26 : i32 to vector<16xi32>
            %and3A_483 = arith.andi %gather3A_477, %and3A_482 : vector<16xi32>
            %bitcast_convert_type3A_484 = tpu.bitcast %and3A_483 : vector<16xi32> -> vector<16xf32>
            %shift_left3A_485 = arith.constant 16 : i32
            %shift_left3A_486 = vector.broadcast %shift_left3A_485 : i32 to vector<16xi32>
            %shift_left3A_487 = arith.shli %bitcast3A_476, %shift_left3A_486 : vector<16xi32>
            %bitcast_convert_type3A_488 = tpu.bitcast %shift_left3A_487 : vector<16xi32> -> vector<16xf32>
            %and3A_489 = vector.broadcast %scan3A_26 : i32 to vector<16xi32>
            %and3A_490 = arith.andi %bitcast3A_476, %and3A_489 : vector<16xi32>
            %bitcast_convert_type3A_491 = tpu.bitcast %and3A_490 : vector<16xi32> -> vector<16xf32>
            %gt3A_492 = arith.cmpf ogt, %bitcast_convert_type3A_481, %bitcast_convert_type3A_488 : vector<16xf32>
            %gt3A_493 = arith.cmpf ogt, %bitcast_convert_type3A_484, %bitcast_convert_type3A_491 : vector<16xf32>
            %or3A_494 = arith.ori %gt3A_492, %gt3A_493 : vector<16xi1>
            %and3A_495 = arith.andi %while3A_440, %or3A_494 : vector<16xi1>
            %or3A_496 = arith.ori %or3A_468, %and3A_495 : vector<16xi1>
            %add3A_497 = arith.constant 20480 : i32
            %add3A_498 = vector.broadcast %add3A_497 : i32 to vector<16xi32>
            %add3A_499 = arith.addi %get3A_321, %add3A_498 : vector<16xi32>
            %gather3A_500 = tpu.vector_load_idx %arg8[%add3A_499] masked %while3A_440 : memref<40960xi32, #tpu.memory_space<vmem>>[vector<16xi32>], vector<16xi32>, vector<16xi1>
            %bitcast3A_501 = vector.bitcast %gather3A_500 : vector<16xi32> to vector<32xbf16>
            %bitcast3A_502 = vector.bitcast %bitcast3A_370 : vector<16xi32> to vector<32xbf16>
            %min3A_503 = arith.minimumf %bitcast3A_501, %bitcast3A_502 : vector<32xbf16>
            %bitcast3A_504 = vector.bitcast %min3A_503 : vector<32xbf16> to vector<16xi32>
            tpu.vector_store_idx %arg8[%add3A_499], %bitcast3A_504 masked %while3A_440 : memref<40960xi32, #tpu.memory_space<vmem>>[vector<16xi32>], vector<16xi32>, vector<16xi1>
            %gather3A_505 = tpu.vector_load_idx %arg8[%add3A_499] masked %while3A_440 : memref<40960xi32, #tpu.memory_space<vmem>>[vector<16xi32>], vector<16xi32>, vector<16xi1>
            %shift_left3A_506 = arith.constant 16 : i32
            %shift_left3A_507 = vector.broadcast %shift_left3A_506 : i32 to vector<16xi32>
            %shift_left3A_508 = arith.shli %gather3A_505, %shift_left3A_507 : vector<16xi32>
            %bitcast_convert_type3A_509 = tpu.bitcast %shift_left3A_508 : vector<16xi32> -> vector<16xf32>
            %and3A_510 = vector.broadcast %scan3A_26 : i32 to vector<16xi32>
            %and3A_511 = arith.andi %gather3A_505, %and3A_510 : vector<16xi32>
            %bitcast_convert_type3A_512 = tpu.bitcast %and3A_511 : vector<16xi32> -> vector<16xf32>
            %shift_left3A_513 = arith.constant 16 : i32
            %shift_left3A_514 = vector.broadcast %shift_left3A_513 : i32 to vector<16xi32>
            %shift_left3A_515 = arith.shli %bitcast3A_504, %shift_left3A_514 : vector<16xi32>
            %bitcast_convert_type3A_516 = tpu.bitcast %shift_left3A_515 : vector<16xi32> -> vector<16xf32>
            %and3A_517 = vector.broadcast %scan3A_26 : i32 to vector<16xi32>
            %and3A_518 = arith.andi %bitcast3A_504, %and3A_517 : vector<16xi32>
            %bitcast_convert_type3A_519 = tpu.bitcast %and3A_518 : vector<16xi32> -> vector<16xf32>
            %gt3A_520 = arith.cmpf ogt, %bitcast_convert_type3A_509, %bitcast_convert_type3A_516 : vector<16xf32>
            %gt3A_521 = arith.cmpf ogt, %bitcast_convert_type3A_512, %bitcast_convert_type3A_519 : vector<16xf32>
            %or3A_522 = arith.ori %gt3A_520, %gt3A_521 : vector<16xi1>
            %and3A_523 = arith.andi %while3A_440, %or3A_522 : vector<16xi1>
            %or3A_524 = arith.ori %or3A_496, %and3A_523 : vector<16xi1>
            %add3A_525 = arith.constant 30720 : i32
            %add3A_526 = vector.broadcast %add3A_525 : i32 to vector<16xi32>
            %add3A_527 = arith.addi %get3A_321, %add3A_526 : vector<16xi32>
            %gather3A_528 = tpu.vector_load_idx %arg8[%add3A_527] masked %while3A_440 : memref<40960xi32, #tpu.memory_space<vmem>>[vector<16xi32>], vector<16xi32>, vector<16xi1>
            %bitcast3A_529 = vector.bitcast %gather3A_528 : vector<16xi32> to vector<32xbf16>
            %bitcast3A_530 = vector.bitcast %bitcast3A_385 : vector<16xi32> to vector<32xbf16>
            %min3A_531 = arith.minimumf %bitcast3A_529, %bitcast3A_530 : vector<32xbf16>
            %bitcast3A_532 = vector.bitcast %min3A_531 : vector<32xbf16> to vector<16xi32>
            tpu.vector_store_idx %arg8[%add3A_527], %bitcast3A_532 masked %while3A_440 : memref<40960xi32, #tpu.memory_space<vmem>>[vector<16xi32>], vector<16xi32>, vector<16xi1>
            %gather3A_533 = tpu.vector_load_idx %arg8[%add3A_527] masked %while3A_440 : memref<40960xi32, #tpu.memory_space<vmem>>[vector<16xi32>], vector<16xi32>, vector<16xi1>
            %shift_left3A_534 = arith.constant 16 : i32
            %shift_left3A_535 = vector.broadcast %shift_left3A_534 : i32 to vector<16xi32>
            %shift_left3A_536 = arith.shli %gather3A_533, %shift_left3A_535 : vector<16xi32>
            %bitcast_convert_type3A_537 = tpu.bitcast %shift_left3A_536 : vector<16xi32> -> vector<16xf32>
            %and3A_538 = vector.broadcast %scan3A_26 : i32 to vector<16xi32>
            %and3A_539 = arith.andi %gather3A_533, %and3A_538 : vector<16xi32>
            %bitcast_convert_type3A_540 = tpu.bitcast %and3A_539 : vector<16xi32> -> vector<16xf32>
            %shift_left3A_541 = arith.constant 16 : i32
            %shift_left3A_542 = vector.broadcast %shift_left3A_541 : i32 to vector<16xi32>
            %shift_left3A_543 = arith.shli %bitcast3A_532, %shift_left3A_542 : vector<16xi32>
            %bitcast_convert_type3A_544 = tpu.bitcast %shift_left3A_543 : vector<16xi32> -> vector<16xf32>
            %and3A_545 = vector.broadcast %scan3A_26 : i32 to vector<16xi32>
            %and3A_546 = arith.andi %bitcast3A_532, %and3A_545 : vector<16xi32>
            %bitcast_convert_type3A_547 = tpu.bitcast %and3A_546 : vector<16xi32> -> vector<16xf32>
            %gt3A_548 = arith.cmpf ogt, %bitcast_convert_type3A_537, %bitcast_convert_type3A_544 : vector<16xf32>
            %gt3A_549 = arith.cmpf ogt, %bitcast_convert_type3A_540, %bitcast_convert_type3A_547 : vector<16xf32>
            %or3A_550 = arith.ori %gt3A_548, %gt3A_549 : vector<16xi1>
            %and3A_551 = arith.andi %while3A_440, %or3A_550 : vector<16xi1>
            %or3A_552 = arith.ori %or3A_524, %and3A_551 : vector<16xi1>
            scf.yield %or3A_552 : vector<16xi1>
          }
          %cond3A_439 = arith.constant 0 : i32
          scf.yield %cond3A_439 : i32
        }
      }
      %scan3A_57 = arith.constant 50 : i32
      %add3A_58 = arith.constant 2 : i32
      %add3A_59 = arith.addi %add3A_43, %add3A_58 : i32
      %lt3A = arith.constant 50 : i32
      %lt3A_60 = arith.cmpi slt, %add3A_59, %lt3A : i32
      %convert_element_type3A = arith.extui %lt3A_60 : i1 to i32
      %cond3A = arith.constant 0 : i32
      %cond3A_61 = arith.cmpi ne, %convert_element_type3A, %cond3A : i32
      scf.if %cond3A_61 {
        %mul3A_88 = arith.constant 3200 : i32
        %mul3A_89 = arith.muli %add3A_59, %mul3A_88 : i32
        %add3A_90 = arith.addi %mul3A_10, %mul3A_89 : i32
        %dma_start3A_91 = tpu.memref_slice %arg2[%add3A_90] : memref<320000xi32, #tpu.memory_space<hbm>> -> memref<3200xi32, #tpu.memory_space<hbm>>
        %dma_start3A_92 = tpu.memref_slice %arg2[%add3A_90] : memref<320000xi32, #tpu.memory_space<hbm>> -> memref<3200xi32, #tpu.memory_space<hbm>>
        tpu.enqueue_dma source(%dma_start3A_92 : memref<3200xi32, #tpu.memory_space<hbm>>) target(%arg10 : memref<3200xi32, #tpu.memory_space<vmem>>) target_semaphore(%arg16 : memref<!tpu.dma_semaphore, #tpu.memory_space<semaphore_mem>>)
        %dma_start3A_93 = tpu.memref_slice %arg3[%add3A_90] : memref<320000xi32, #tpu.memory_space<hbm>> -> memref<3200xi32, #tpu.memory_space<hbm>>
        %dma_start3A_94 = tpu.memref_slice %arg3[%add3A_90] : memref<320000xi32, #tpu.memory_space<hbm>> -> memref<3200xi32, #tpu.memory_space<hbm>>
        tpu.enqueue_dma source(%dma_start3A_94 : memref<3200xi32, #tpu.memory_space<hbm>>) target(%arg11 : memref<3200xi32, #tpu.memory_space<vmem>>) target_semaphore(%arg16 : memref<!tpu.dma_semaphore, #tpu.memory_space<semaphore_mem>>)
        %dma_start3A_95 = tpu.memref_slice %arg4[%add3A_90] : memref<320000xf32, #tpu.memory_space<hbm>> -> memref<3200xf32, #tpu.memory_space<hbm>>
        %dma_start3A_96 = tpu.memref_slice %arg4[%add3A_90] : memref<320000xf32, #tpu.memory_space<hbm>> -> memref<3200xf32, #tpu.memory_space<hbm>>
        tpu.enqueue_dma source(%dma_start3A_96 : memref<3200xf32, #tpu.memory_space<hbm>>) target(%arg12 : memref<3200xf32, #tpu.memory_space<vmem>>) target_semaphore(%arg16 : memref<!tpu.dma_semaphore, #tpu.memory_space<semaphore_mem>>)
      } else {
      }
      %mul3A_62 = arith.constant 2 : i32
      %mul3A_63 = arith.muli %scan3A_39, %mul3A_62 : i32
      %add3A_64 = arith.constant 1 : i32
      %add3A_65 = arith.addi %mul3A_63, %add3A_64 : i32
      %mul3A_66 = arith.constant 3200 : i32
      %mul3A_67 = arith.muli %add3A_65, %mul3A_66 : i32
      %add3A_68 = arith.addi %mul3A_10, %mul3A_67 : i32
      %dma_wait3A_69 = tpu.memref_slice %arg2[%add3A_68] : memref<320000xi32, #tpu.memory_space<hbm>> -> memref<3200xi32, #tpu.memory_space<hbm>>
      %dma_wait3A_70 = tpu.memref_slice %arg2[%add3A_68] : memref<320000xi32, #tpu.memory_space<hbm>> -> memref<3200xi32, #tpu.memory_space<hbm>>
      tpu.wait_dma2 semaphore(%arg17 : memref<!tpu.dma_semaphore, #tpu.memory_space<semaphore_mem>>) src(%dma_wait3A_70 : memref<3200xi32, #tpu.memory_space<hbm>>) dst(%arg13 : memref<3200xi32, #tpu.memory_space<vmem>>)
      %dma_wait3A_71 = tpu.memref_slice %arg3[%add3A_68] : memref<320000xi32, #tpu.memory_space<hbm>> -> memref<3200xi32, #tpu.memory_space<hbm>>
      %dma_wait3A_72 = tpu.memref_slice %arg3[%add3A_68] : memref<320000xi32, #tpu.memory_space<hbm>> -> memref<3200xi32, #tpu.memory_space<hbm>>
      tpu.wait_dma2 semaphore(%arg17 : memref<!tpu.dma_semaphore, #tpu.memory_space<semaphore_mem>>) src(%dma_wait3A_72 : memref<3200xi32, #tpu.memory_space<hbm>>) dst(%arg14 : memref<3200xi32, #tpu.memory_space<vmem>>)
      %dma_wait3A_73 = tpu.memref_slice %arg4[%add3A_68] : memref<320000xf32, #tpu.memory_space<hbm>> -> memref<3200xf32, #tpu.memory_space<hbm>>
      %dma_wait3A_74 = tpu.memref_slice %arg4[%add3A_68] : memref<320000xf32, #tpu.memory_space<hbm>> -> memref<3200xf32, #tpu.memory_space<hbm>>
      tpu.wait_dma2 semaphore(%arg17 : memref<!tpu.dma_semaphore, #tpu.memory_space<semaphore_mem>>) src(%dma_wait3A_74 : memref<3200xf32, #tpu.memory_space<hbm>>) dst(%arg15 : memref<3200xf32, #tpu.memory_space<vmem>>)
      %scan3A_75 = arith.constant 0 : i32
      %scan3A_76 = arith.constant 0 : i32
      %scan3A_77 = arith.constant 50 : i32
      %scan3A_78 = arith.addi %scan3A_76, %scan3A_77 : i32
      %scan3A_79 = arith.constant 1 : i32
      scf.for %scan3A_88 = %scan3A_76 to %scan3A_78 step %scan3A_79  : i32 {
        %mul3A_89 = arith.constant 4 : i32
        %mul3A_90 = arith.muli %mul3A_89, %scan3A_88 : i32
        %add3A_91 = arith.constant 0 : i32
        %add3A_92 = arith.addi %mul3A_90, %add3A_91 : i32
        %mul3A_93 = arith.constant 16 : i32
        %mul3A_94 = arith.muli %add3A_92, %mul3A_93 : i32
        %get3A = arith.index_cast %mul3A_94 : i32 to index
        %get3A_95 = tpu.vector_load %arg13[%get3A] {strides = array<i32>} : memref<3200xi32, #tpu.memory_space<vmem>>, vector<16xi32>,
        %mul3A_96 = arith.constant 16 : i32
        %mul3A_97 = arith.muli %add3A_92, %mul3A_96 : i32
        %get3A_98 = arith.index_cast %mul3A_97 : i32 to index
        %get3A_99 = tpu.vector_load %arg14[%get3A_98] {strides = array<i32>} : memref<3200xi32, #tpu.memory_space<vmem>>, vector<16xi32>,
        %mul3A_100 = arith.constant 16 : i32
        %mul3A_101 = arith.muli %add3A_92, %mul3A_100 : i32
        %get3A_102 = arith.index_cast %mul3A_101 : i32 to index
        %get3A_103 = tpu.vector_load %arg15[%get3A_102] {strides = array<i32>} : memref<3200xf32, #tpu.memory_space<vmem>>, vector<16xf32>,
        %add3A_104 = arith.constant 0 : i32
        %add3A_105 = vector.broadcast %add3A_104 : i32 to vector<16xi32>
        %add3A_106 = arith.addi %get3A_95, %add3A_105 : vector<16xi32>
        %gather3A = tpu.vector_load_idx %arg7[%add3A_106] : memref<40960xi32, #tpu.memory_space<vmem>>[vector<16xi32>], vector<16xi32>,
        %shift_left3A = arith.constant 16 : i32
        %shift_left3A_107 = vector.broadcast %shift_left3A : i32 to vector<16xi32>
        %shift_left3A_108 = arith.shli %gather3A, %shift_left3A_107 : vector<16xi32>
        %bitcast_convert_type3A = tpu.bitcast %shift_left3A_108 : vector<16xi32> -> vector<16xf32>
        %and3A = vector.broadcast %scan3A_26 : i32 to vector<16xi32>
        %and3A_109 = arith.andi %gather3A, %and3A : vector<16xi32>
        %bitcast_convert_type3A_110 = tpu.bitcast %and3A_109 : vector<16xi32> -> vector<16xf32>
        %mul3A_111 = arith.mulf %get3A_103, %bitcast_convert_type3A : vector<16xf32>
        %mul3A_112 = arith.mulf %get3A_103, %bitcast_convert_type3A_110 : vector<16xf32>
        %pack3A = tpu.pack_subelements %mul3A_111, %mul3A_112 {pack_format = #tpu.pack_format<interleaved>, positions = array<i32: 0, 1>} : vector<16xf32>, vector<16xf32> -> vector<32xbf16>
        %bitcast3A = vector.bitcast %pack3A : vector<32xbf16> to vector<16xi32>
        %add3A_113 = arith.constant 10240 : i32
        %add3A_114 = vector.broadcast %add3A_113 : i32 to vector<16xi32>
        %add3A_115 = arith.addi %get3A_95, %add3A_114 : vector<16xi32>
        %gather3A_116 = tpu.vector_load_idx %arg7[%add3A_115] : memref<40960xi32, #tpu.memory_space<vmem>>[vector<16xi32>], vector<16xi32>,
        %shift_left3A_117 = arith.constant 16 : i32
        %shift_left3A_118 = vector.broadcast %shift_left3A_117 : i32 to vector<16xi32>
        %shift_left3A_119 = arith.shli %gather3A_116, %shift_left3A_118 : vector<16xi32>
        %bitcast_convert_type3A_120 = tpu.bitcast %shift_left3A_119 : vector<16xi32> -> vector<16xf32>
        %and3A_121 = vector.broadcast %scan3A_26 : i32 to vector<16xi32>
        %and3A_122 = arith.andi %gather3A_116, %and3A_121 : vector<16xi32>
        %bitcast_convert_type3A_123 = tpu.bitcast %and3A_122 : vector<16xi32> -> vector<16xf32>
        %mul3A_124 = arith.mulf %get3A_103, %bitcast_convert_type3A_120 : vector<16xf32>
        %mul3A_125 = arith.mulf %get3A_103, %bitcast_convert_type3A_123 : vector<16xf32>
        %pack3A_126 = tpu.pack_subelements %mul3A_124, %mul3A_125 {pack_format = #tpu.pack_format<interleaved>, positions = array<i32: 0, 1>} : vector<16xf32>, vector<16xf32> -> vector<32xbf16>
        %bitcast3A_127 = vector.bitcast %pack3A_126 : vector<32xbf16> to vector<16xi32>
        %add3A_128 = arith.constant 20480 : i32
        %add3A_129 = vector.broadcast %add3A_128 : i32 to vector<16xi32>
        %add3A_130 = arith.addi %get3A_95, %add3A_129 : vector<16xi32>
        %gather3A_131 = tpu.vector_load_idx %arg7[%add3A_130] : memref<40960xi32, #tpu.memory_space<vmem>>[vector<16xi32>], vector<16xi32>,
        %shift_left3A_132 = arith.constant 16 : i32
        %shift_left3A_133 = vector.broadcast %shift_left3A_132 : i32 to vector<16xi32>
        %shift_left3A_134 = arith.shli %gather3A_131, %shift_left3A_133 : vector<16xi32>
        %bitcast_convert_type3A_135 = tpu.bitcast %shift_left3A_134 : vector<16xi32> -> vector<16xf32>
        %and3A_136 = vector.broadcast %scan3A_26 : i32 to vector<16xi32>
        %and3A_137 = arith.andi %gather3A_131, %and3A_136 : vector<16xi32>
        %bitcast_convert_type3A_138 = tpu.bitcast %and3A_137 : vector<16xi32> -> vector<16xf32>
        %mul3A_139 = arith.mulf %get3A_103, %bitcast_convert_type3A_135 : vector<16xf32>
        %mul3A_140 = arith.mulf %get3A_103, %bitcast_convert_type3A_138 : vector<16xf32>
        %pack3A_141 = tpu.pack_subelements %mul3A_139, %mul3A_140 {pack_format = #tpu.pack_format<interleaved>, positions = array<i32: 0, 1>} : vector<16xf32>, vector<16xf32> -> vector<32xbf16>
        %bitcast3A_142 = vector.bitcast %pack3A_141 : vector<32xbf16> to vector<16xi32>
        %add3A_143 = arith.constant 30720 : i32
        %add3A_144 = vector.broadcast %add3A_143 : i32 to vector<16xi32>
        %add3A_145 = arith.addi %get3A_95, %add3A_144 : vector<16xi32>
        %gather3A_146 = tpu.vector_load_idx %arg7[%add3A_145] : memref<40960xi32, #tpu.memory_space<vmem>>[vector<16xi32>], vector<16xi32>,
        %shift_left3A_147 = arith.constant 16 : i32
        %shift_left3A_148 = vector.broadcast %shift_left3A_147 : i32 to vector<16xi32>
        %shift_left3A_149 = arith.shli %gather3A_146, %shift_left3A_148 : vector<16xi32>
        %bitcast_convert_type3A_150 = tpu.bitcast %shift_left3A_149 : vector<16xi32> -> vector<16xf32>
        %and3A_151 = vector.broadcast %scan3A_26 : i32 to vector<16xi32>
        %and3A_152 = arith.andi %gather3A_146, %and3A_151 : vector<16xi32>
        %bitcast_convert_type3A_153 = tpu.bitcast %and3A_152 : vector<16xi32> -> vector<16xf32>
        %mul3A_154 = arith.mulf %get3A_103, %bitcast_convert_type3A_150 : vector<16xf32>
        %mul3A_155 = arith.mulf %get3A_103, %bitcast_convert_type3A_153 : vector<16xf32>
        %pack3A_156 = tpu.pack_subelements %mul3A_154, %mul3A_155 {pack_format = #tpu.pack_format<interleaved>, positions = array<i32: 0, 1>} : vector<16xf32>, vector<16xf32> -> vector<32xbf16>
        %bitcast3A_157 = vector.bitcast %pack3A_156 : vector<32xbf16> to vector<16xi32>
        %mul3A_158 = arith.constant 4 : i32
        %mul3A_159 = arith.muli %mul3A_158, %scan3A_88 : i32
        %add3A_160 = arith.constant 1 : i32
        %add3A_161 = arith.addi %mul3A_159, %add3A_160 : i32
        %mul3A_162 = arith.constant 16 : i32
        %mul3A_163 = arith.muli %add3A_161, %mul3A_162 : i32
        %get3A_164 = arith.index_cast %mul3A_163 : i32 to index
        %get3A_165 = tpu.vector_load %arg13[%get3A_164] {strides = array<i32>} : memref<3200xi32, #tpu.memory_space<vmem>>, vector<16xi32>,
        %mul3A_166 = arith.constant 16 : i32
        %mul3A_167 = arith.muli %add3A_161, %mul3A_166 : i32
        %get3A_168 = arith.index_cast %mul3A_167 : i32 to index
        %get3A_169 = tpu.vector_load %arg14[%get3A_168] {strides = array<i32>} : memref<3200xi32, #tpu.memory_space<vmem>>, vector<16xi32>,
        %mul3A_170 = arith.constant 16 : i32
        %mul3A_171 = arith.muli %add3A_161, %mul3A_170 : i32
        %get3A_172 = arith.index_cast %mul3A_171 : i32 to index
        %get3A_173 = tpu.vector_load %arg15[%get3A_172] {strides = array<i32>} : memref<3200xf32, #tpu.memory_space<vmem>>, vector<16xf32>,
        %add3A_174 = arith.constant 0 : i32
        %add3A_175 = vector.broadcast %add3A_174 : i32 to vector<16xi32>
        %add3A_176 = arith.addi %get3A_165, %add3A_175 : vector<16xi32>
        %gather3A_177 = tpu.vector_load_idx %arg7[%add3A_176] : memref<40960xi32, #tpu.memory_space<vmem>>[vector<16xi32>], vector<16xi32>,
        %shift_left3A_178 = arith.constant 16 : i32
        %shift_left3A_179 = vector.broadcast %shift_left3A_178 : i32 to vector<16xi32>
        %shift_left3A_180 = arith.shli %gather3A_177, %shift_left3A_179 : vector<16xi32>
        %bitcast_convert_type3A_181 = tpu.bitcast %shift_left3A_180 : vector<16xi32> -> vector<16xf32>
        %and3A_182 = vector.broadcast %scan3A_26 : i32 to vector<16xi32>
        %and3A_183 = arith.andi %gather3A_177, %and3A_182 : vector<16xi32>
        %bitcast_convert_type3A_184 = tpu.bitcast %and3A_183 : vector<16xi32> -> vector<16xf32>
        %mul3A_185 = arith.mulf %get3A_173, %bitcast_convert_type3A_181 : vector<16xf32>
        %mul3A_186 = arith.mulf %get3A_173, %bitcast_convert_type3A_184 : vector<16xf32>
        %pack3A_187 = tpu.pack_subelements %mul3A_185, %mul3A_186 {pack_format = #tpu.pack_format<interleaved>, positions = array<i32: 0, 1>} : vector<16xf32>, vector<16xf32> -> vector<32xbf16>
        %bitcast3A_188 = vector.bitcast %pack3A_187 : vector<32xbf16> to vector<16xi32>
        %add3A_189 = arith.constant 10240 : i32
        %add3A_190 = vector.broadcast %add3A_189 : i32 to vector<16xi32>
        %add3A_191 = arith.addi %get3A_165, %add3A_190 : vector<16xi32>
        %gather3A_192 = tpu.vector_load_idx %arg7[%add3A_191] : memref<40960xi32, #tpu.memory_space<vmem>>[vector<16xi32>], vector<16xi32>,
        %shift_left3A_193 = arith.constant 16 : i32
        %shift_left3A_194 = vector.broadcast %shift_left3A_193 : i32 to vector<16xi32>
        %shift_left3A_195 = arith.shli %gather3A_192, %shift_left3A_194 : vector<16xi32>
        %bitcast_convert_type3A_196 = tpu.bitcast %shift_left3A_195 : vector<16xi32> -> vector<16xf32>
        %and3A_197 = vector.broadcast %scan3A_26 : i32 to vector<16xi32>
        %and3A_198 = arith.andi %gather3A_192, %and3A_197 : vector<16xi32>
        %bitcast_convert_type3A_199 = tpu.bitcast %and3A_198 : vector<16xi32> -> vector<16xf32>
        %mul3A_200 = arith.mulf %get3A_173, %bitcast_convert_type3A_196 : vector<16xf32>
        %mul3A_201 = arith.mulf %get3A_173, %bitcast_convert_type3A_199 : vector<16xf32>
        %pack3A_202 = tpu.pack_subelements %mul3A_200, %mul3A_201 {pack_format = #tpu.pack_format<interleaved>, positions = array<i32: 0, 1>} : vector<16xf32>, vector<16xf32> -> vector<32xbf16>
        %bitcast3A_203 = vector.bitcast %pack3A_202 : vector<32xbf16> to vector<16xi32>
        %add3A_204 = arith.constant 20480 : i32
        %add3A_205 = vector.broadcast %add3A_204 : i32 to vector<16xi32>
        %add3A_206 = arith.addi %get3A_165, %add3A_205 : vector<16xi32>
        %gather3A_207 = tpu.vector_load_idx %arg7[%add3A_206] : memref<40960xi32, #tpu.memory_space<vmem>>[vector<16xi32>], vector<16xi32>,
        %shift_left3A_208 = arith.constant 16 : i32
        %shift_left3A_209 = vector.broadcast %shift_left3A_208 : i32 to vector<16xi32>
        %shift_left3A_210 = arith.shli %gather3A_207, %shift_left3A_209 : vector<16xi32>
        %bitcast_convert_type3A_211 = tpu.bitcast %shift_left3A_210 : vector<16xi32> -> vector<16xf32>
        %and3A_212 = vector.broadcast %scan3A_26 : i32 to vector<16xi32>
        %and3A_213 = arith.andi %gather3A_207, %and3A_212 : vector<16xi32>
        %bitcast_convert_type3A_214 = tpu.bitcast %and3A_213 : vector<16xi32> -> vector<16xf32>
        %mul3A_215 = arith.mulf %get3A_173, %bitcast_convert_type3A_211 : vector<16xf32>
        %mul3A_216 = arith.mulf %get3A_173, %bitcast_convert_type3A_214 : vector<16xf32>
        %pack3A_217 = tpu.pack_subelements %mul3A_215, %mul3A_216 {pack_format = #tpu.pack_format<interleaved>, positions = array<i32: 0, 1>} : vector<16xf32>, vector<16xf32> -> vector<32xbf16>
        %bitcast3A_218 = vector.bitcast %pack3A_217 : vector<32xbf16> to vector<16xi32>
        %add3A_219 = arith.constant 30720 : i32
        %add3A_220 = vector.broadcast %add3A_219 : i32 to vector<16xi32>
        %add3A_221 = arith.addi %get3A_165, %add3A_220 : vector<16xi32>
        %gather3A_222 = tpu.vector_load_idx %arg7[%add3A_221] : memref<40960xi32, #tpu.memory_space<vmem>>[vector<16xi32>], vector<16xi32>,
        %shift_left3A_223 = arith.constant 16 : i32
        %shift_left3A_224 = vector.broadcast %shift_left3A_223 : i32 to vector<16xi32>
        %shift_left3A_225 = arith.shli %gather3A_222, %shift_left3A_224 : vector<16xi32>
        %bitcast_convert_type3A_226 = tpu.bitcast %shift_left3A_225 : vector<16xi32> -> vector<16xf32>
        %and3A_227 = vector.broadcast %scan3A_26 : i32 to vector<16xi32>
        %and3A_228 = arith.andi %gather3A_222, %and3A_227 : vector<16xi32>
        %bitcast_convert_type3A_229 = tpu.bitcast %and3A_228 : vector<16xi32> -> vector<16xf32>
        %mul3A_230 = arith.mulf %get3A_173, %bitcast_convert_type3A_226 : vector<16xf32>
        %mul3A_231 = arith.mulf %get3A_173, %bitcast_convert_type3A_229 : vector<16xf32>
        %pack3A_232 = tpu.pack_subelements %mul3A_230, %mul3A_231 {pack_format = #tpu.pack_format<interleaved>, positions = array<i32: 0, 1>} : vector<16xf32>, vector<16xf32> -> vector<32xbf16>
        %bitcast3A_233 = vector.bitcast %pack3A_232 : vector<32xbf16> to vector<16xi32>
        %mul3A_234 = arith.constant 4 : i32
        %mul3A_235 = arith.muli %mul3A_234, %scan3A_88 : i32
        %add3A_236 = arith.constant 2 : i32
        %add3A_237 = arith.addi %mul3A_235, %add3A_236 : i32
        %mul3A_238 = arith.constant 16 : i32
        %mul3A_239 = arith.muli %add3A_237, %mul3A_238 : i32
        %get3A_240 = arith.index_cast %mul3A_239 : i32 to index
        %get3A_241 = tpu.vector_load %arg13[%get3A_240] {strides = array<i32>} : memref<3200xi32, #tpu.memory_space<vmem>>, vector<16xi32>,
        %mul3A_242 = arith.constant 16 : i32
        %mul3A_243 = arith.muli %add3A_237, %mul3A_242 : i32
        %get3A_244 = arith.index_cast %mul3A_243 : i32 to index
        %get3A_245 = tpu.vector_load %arg14[%get3A_244] {strides = array<i32>} : memref<3200xi32, #tpu.memory_space<vmem>>, vector<16xi32>,
        %mul3A_246 = arith.constant 16 : i32
        %mul3A_247 = arith.muli %add3A_237, %mul3A_246 : i32
        %get3A_248 = arith.index_cast %mul3A_247 : i32 to index
        %get3A_249 = tpu.vector_load %arg15[%get3A_248] {strides = array<i32>} : memref<3200xf32, #tpu.memory_space<vmem>>, vector<16xf32>,
        %add3A_250 = arith.constant 0 : i32
        %add3A_251 = vector.broadcast %add3A_250 : i32 to vector<16xi32>
        %add3A_252 = arith.addi %get3A_241, %add3A_251 : vector<16xi32>
        %gather3A_253 = tpu.vector_load_idx %arg7[%add3A_252] : memref<40960xi32, #tpu.memory_space<vmem>>[vector<16xi32>], vector<16xi32>,
        %shift_left3A_254 = arith.constant 16 : i32
        %shift_left3A_255 = vector.broadcast %shift_left3A_254 : i32 to vector<16xi32>
        %shift_left3A_256 = arith.shli %gather3A_253, %shift_left3A_255 : vector<16xi32>
        %bitcast_convert_type3A_257 = tpu.bitcast %shift_left3A_256 : vector<16xi32> -> vector<16xf32>
        %and3A_258 = vector.broadcast %scan3A_26 : i32 to vector<16xi32>
        %and3A_259 = arith.andi %gather3A_253, %and3A_258 : vector<16xi32>
        %bitcast_convert_type3A_260 = tpu.bitcast %and3A_259 : vector<16xi32> -> vector<16xf32>
        %mul3A_261 = arith.mulf %get3A_249, %bitcast_convert_type3A_257 : vector<16xf32>
        %mul3A_262 = arith.mulf %get3A_249, %bitcast_convert_type3A_260 : vector<16xf32>
        %pack3A_263 = tpu.pack_subelements %mul3A_261, %mul3A_262 {pack_format = #tpu.pack_format<interleaved>, positions = array<i32: 0, 1>} : vector<16xf32>, vector<16xf32> -> vector<32xbf16>
        %bitcast3A_264 = vector.bitcast %pack3A_263 : vector<32xbf16> to vector<16xi32>
        %add3A_265 = arith.constant 10240 : i32
        %add3A_266 = vector.broadcast %add3A_265 : i32 to vector<16xi32>
        %add3A_267 = arith.addi %get3A_241, %add3A_266 : vector<16xi32>
        %gather3A_268 = tpu.vector_load_idx %arg7[%add3A_267] : memref<40960xi32, #tpu.memory_space<vmem>>[vector<16xi32>], vector<16xi32>,
        %shift_left3A_269 = arith.constant 16 : i32
        %shift_left3A_270 = vector.broadcast %shift_left3A_269 : i32 to vector<16xi32>
        %shift_left3A_271 = arith.shli %gather3A_268, %shift_left3A_270 : vector<16xi32>
        %bitcast_convert_type3A_272 = tpu.bitcast %shift_left3A_271 : vector<16xi32> -> vector<16xf32>
        %and3A_273 = vector.broadcast %scan3A_26 : i32 to vector<16xi32>
        %and3A_274 = arith.andi %gather3A_268, %and3A_273 : vector<16xi32>
        %bitcast_convert_type3A_275 = tpu.bitcast %and3A_274 : vector<16xi32> -> vector<16xf32>
        %mul3A_276 = arith.mulf %get3A_249, %bitcast_convert_type3A_272 : vector<16xf32>
        %mul3A_277 = arith.mulf %get3A_249, %bitcast_convert_type3A_275 : vector<16xf32>
        %pack3A_278 = tpu.pack_subelements %mul3A_276, %mul3A_277 {pack_format = #tpu.pack_format<interleaved>, positions = array<i32: 0, 1>} : vector<16xf32>, vector<16xf32> -> vector<32xbf16>
        %bitcast3A_279 = vector.bitcast %pack3A_278 : vector<32xbf16> to vector<16xi32>
        %add3A_280 = arith.constant 20480 : i32
        %add3A_281 = vector.broadcast %add3A_280 : i32 to vector<16xi32>
        %add3A_282 = arith.addi %get3A_241, %add3A_281 : vector<16xi32>
        %gather3A_283 = tpu.vector_load_idx %arg7[%add3A_282] : memref<40960xi32, #tpu.memory_space<vmem>>[vector<16xi32>], vector<16xi32>,
        %shift_left3A_284 = arith.constant 16 : i32
        %shift_left3A_285 = vector.broadcast %shift_left3A_284 : i32 to vector<16xi32>
        %shift_left3A_286 = arith.shli %gather3A_283, %shift_left3A_285 : vector<16xi32>
        %bitcast_convert_type3A_287 = tpu.bitcast %shift_left3A_286 : vector<16xi32> -> vector<16xf32>
        %and3A_288 = vector.broadcast %scan3A_26 : i32 to vector<16xi32>
        %and3A_289 = arith.andi %gather3A_283, %and3A_288 : vector<16xi32>
        %bitcast_convert_type3A_290 = tpu.bitcast %and3A_289 : vector<16xi32> -> vector<16xf32>
        %mul3A_291 = arith.mulf %get3A_249, %bitcast_convert_type3A_287 : vector<16xf32>
        %mul3A_292 = arith.mulf %get3A_249, %bitcast_convert_type3A_290 : vector<16xf32>
        %pack3A_293 = tpu.pack_subelements %mul3A_291, %mul3A_292 {pack_format = #tpu.pack_format<interleaved>, positions = array<i32: 0, 1>} : vector<16xf32>, vector<16xf32> -> vector<32xbf16>
        %bitcast3A_294 = vector.bitcast %pack3A_293 : vector<32xbf16> to vector<16xi32>
        %add3A_295 = arith.constant 30720 : i32
        %add3A_296 = vector.broadcast %add3A_295 : i32 to vector<16xi32>
        %add3A_297 = arith.addi %get3A_241, %add3A_296 : vector<16xi32>
        %gather3A_298 = tpu.vector_load_idx %arg7[%add3A_297] : memref<40960xi32, #tpu.memory_space<vmem>>[vector<16xi32>], vector<16xi32>,
        %shift_left3A_299 = arith.constant 16 : i32
        %shift_left3A_300 = vector.broadcast %shift_left3A_299 : i32 to vector<16xi32>
        %shift_left3A_301 = arith.shli %gather3A_298, %shift_left3A_300 : vector<16xi32>
        %bitcast_convert_type3A_302 = tpu.bitcast %shift_left3A_301 : vector<16xi32> -> vector<16xf32>
        %and3A_303 = vector.broadcast %scan3A_26 : i32 to vector<16xi32>
        %and3A_304 = arith.andi %gather3A_298, %and3A_303 : vector<16xi32>
        %bitcast_convert_type3A_305 = tpu.bitcast %and3A_304 : vector<16xi32> -> vector<16xf32>
        %mul3A_306 = arith.mulf %get3A_249, %bitcast_convert_type3A_302 : vector<16xf32>
        %mul3A_307 = arith.mulf %get3A_249, %bitcast_convert_type3A_305 : vector<16xf32>
        %pack3A_308 = tpu.pack_subelements %mul3A_306, %mul3A_307 {pack_format = #tpu.pack_format<interleaved>, positions = array<i32: 0, 1>} : vector<16xf32>, vector<16xf32> -> vector<32xbf16>
        %bitcast3A_309 = vector.bitcast %pack3A_308 : vector<32xbf16> to vector<16xi32>
        %mul3A_310 = arith.constant 4 : i32
        %mul3A_311 = arith.muli %mul3A_310, %scan3A_88 : i32
        %add3A_312 = arith.constant 3 : i32
        %add3A_313 = arith.addi %mul3A_311, %add3A_312 : i32
        %mul3A_314 = arith.constant 16 : i32
        %mul3A_315 = arith.muli %add3A_313, %mul3A_314 : i32
        %get3A_316 = arith.index_cast %mul3A_315 : i32 to index
        %get3A_317 = tpu.vector_load %arg13[%get3A_316] {strides = array<i32>} : memref<3200xi32, #tpu.memory_space<vmem>>, vector<16xi32>,
        %mul3A_318 = arith.constant 16 : i32
        %mul3A_319 = arith.muli %add3A_313, %mul3A_318 : i32
        %get3A_320 = arith.index_cast %mul3A_319 : i32 to index
        %get3A_321 = tpu.vector_load %arg14[%get3A_320] {strides = array<i32>} : memref<3200xi32, #tpu.memory_space<vmem>>, vector<16xi32>,
        %mul3A_322 = arith.constant 16 : i32
        %mul3A_323 = arith.muli %add3A_313, %mul3A_322 : i32
        %get3A_324 = arith.index_cast %mul3A_323 : i32 to index
        %get3A_325 = tpu.vector_load %arg15[%get3A_324] {strides = array<i32>} : memref<3200xf32, #tpu.memory_space<vmem>>, vector<16xf32>,
        %add3A_326 = arith.constant 0 : i32
        %add3A_327 = vector.broadcast %add3A_326 : i32 to vector<16xi32>
        %add3A_328 = arith.addi %get3A_317, %add3A_327 : vector<16xi32>
        %gather3A_329 = tpu.vector_load_idx %arg7[%add3A_328] : memref<40960xi32, #tpu.memory_space<vmem>>[vector<16xi32>], vector<16xi32>,
        %shift_left3A_330 = arith.constant 16 : i32
        %shift_left3A_331 = vector.broadcast %shift_left3A_330 : i32 to vector<16xi32>
        %shift_left3A_332 = arith.shli %gather3A_329, %shift_left3A_331 : vector<16xi32>
        %bitcast_convert_type3A_333 = tpu.bitcast %shift_left3A_332 : vector<16xi32> -> vector<16xf32>
        %and3A_334 = vector.broadcast %scan3A_26 : i32 to vector<16xi32>
        %and3A_335 = arith.andi %gather3A_329, %and3A_334 : vector<16xi32>
        %bitcast_convert_type3A_336 = tpu.bitcast %and3A_335 : vector<16xi32> -> vector<16xf32>
        %mul3A_337 = arith.mulf %get3A_325, %bitcast_convert_type3A_333 : vector<16xf32>
        %mul3A_338 = arith.mulf %get3A_325, %bitcast_convert_type3A_336 : vector<16xf32>
        %pack3A_339 = tpu.pack_subelements %mul3A_337, %mul3A_338 {pack_format = #tpu.pack_format<interleaved>, positions = array<i32: 0, 1>} : vector<16xf32>, vector<16xf32> -> vector<32xbf16>
        %bitcast3A_340 = vector.bitcast %pack3A_339 : vector<32xbf16> to vector<16xi32>
        %add3A_341 = arith.constant 10240 : i32
        %add3A_342 = vector.broadcast %add3A_341 : i32 to vector<16xi32>
        %add3A_343 = arith.addi %get3A_317, %add3A_342 : vector<16xi32>
        %gather3A_344 = tpu.vector_load_idx %arg7[%add3A_343] : memref<40960xi32, #tpu.memory_space<vmem>>[vector<16xi32>], vector<16xi32>,
        %shift_left3A_345 = arith.constant 16 : i32
        %shift_left3A_346 = vector.broadcast %shift_left3A_345 : i32 to vector<16xi32>
        %shift_left3A_347 = arith.shli %gather3A_344, %shift_left3A_346 : vector<16xi32>
        %bitcast_convert_type3A_348 = tpu.bitcast %shift_left3A_347 : vector<16xi32> -> vector<16xf32>
        %and3A_349 = vector.broadcast %scan3A_26 : i32 to vector<16xi32>
        %and3A_350 = arith.andi %gather3A_344, %and3A_349 : vector<16xi32>
        %bitcast_convert_type3A_351 = tpu.bitcast %and3A_350 : vector<16xi32> -> vector<16xf32>
        %mul3A_352 = arith.mulf %get3A_325, %bitcast_convert_type3A_348 : vector<16xf32>
        %mul3A_353 = arith.mulf %get3A_325, %bitcast_convert_type3A_351 : vector<16xf32>
        %pack3A_354 = tpu.pack_subelements %mul3A_352, %mul3A_353 {pack_format = #tpu.pack_format<interleaved>, positions = array<i32: 0, 1>} : vector<16xf32>, vector<16xf32> -> vector<32xbf16>
        %bitcast3A_355 = vector.bitcast %pack3A_354 : vector<32xbf16> to vector<16xi32>
        %add3A_356 = arith.constant 20480 : i32
        %add3A_357 = vector.broadcast %add3A_356 : i32 to vector<16xi32>
        %add3A_358 = arith.addi %get3A_317, %add3A_357 : vector<16xi32>
        %gather3A_359 = tpu.vector_load_idx %arg7[%add3A_358] : memref<40960xi32, #tpu.memory_space<vmem>>[vector<16xi32>], vector<16xi32>,
        %shift_left3A_360 = arith.constant 16 : i32
        %shift_left3A_361 = vector.broadcast %shift_left3A_360 : i32 to vector<16xi32>
        %shift_left3A_362 = arith.shli %gather3A_359, %shift_left3A_361 : vector<16xi32>
        %bitcast_convert_type3A_363 = tpu.bitcast %shift_left3A_362 : vector<16xi32> -> vector<16xf32>
        %and3A_364 = vector.broadcast %scan3A_26 : i32 to vector<16xi32>
        %and3A_365 = arith.andi %gather3A_359, %and3A_364 : vector<16xi32>
        %bitcast_convert_type3A_366 = tpu.bitcast %and3A_365 : vector<16xi32> -> vector<16xf32>
        %mul3A_367 = arith.mulf %get3A_325, %bitcast_convert_type3A_363 : vector<16xf32>
        %mul3A_368 = arith.mulf %get3A_325, %bitcast_convert_type3A_366 : vector<16xf32>
        %pack3A_369 = tpu.pack_subelements %mul3A_367, %mul3A_368 {pack_format = #tpu.pack_format<interleaved>, positions = array<i32: 0, 1>} : vector<16xf32>, vector<16xf32> -> vector<32xbf16>
        %bitcast3A_370 = vector.bitcast %pack3A_369 : vector<32xbf16> to vector<16xi32>
        %add3A_371 = arith.constant 30720 : i32
        %add3A_372 = vector.broadcast %add3A_371 : i32 to vector<16xi32>
        %add3A_373 = arith.addi %get3A_317, %add3A_372 : vector<16xi32>
        %gather3A_374 = tpu.vector_load_idx %arg7[%add3A_373] : memref<40960xi32, #tpu.memory_space<vmem>>[vector<16xi32>], vector<16xi32>,
        %shift_left3A_375 = arith.constant 16 : i32
        %shift_left3A_376 = vector.broadcast %shift_left3A_375 : i32 to vector<16xi32>
        %shift_left3A_377 = arith.shli %gather3A_374, %shift_left3A_376 : vector<16xi32>
        %bitcast_convert_type3A_378 = tpu.bitcast %shift_left3A_377 : vector<16xi32> -> vector<16xf32>
        %and3A_379 = vector.broadcast %scan3A_26 : i32 to vector<16xi32>
        %and3A_380 = arith.andi %gather3A_374, %and3A_379 : vector<16xi32>
        %bitcast_convert_type3A_381 = tpu.bitcast %and3A_380 : vector<16xi32> -> vector<16xf32>
        %mul3A_382 = arith.mulf %get3A_325, %bitcast_convert_type3A_378 : vector<16xf32>
        %mul3A_383 = arith.mulf %get3A_325, %bitcast_convert_type3A_381 : vector<16xf32>
        %pack3A_384 = tpu.pack_subelements %mul3A_382, %mul3A_383 {pack_format = #tpu.pack_format<interleaved>, positions = array<i32: 0, 1>} : vector<16xf32>, vector<16xf32> -> vector<32xbf16>
        %bitcast3A_385 = vector.bitcast %pack3A_384 : vector<32xbf16> to vector<16xi32>
        %add3A_386 = arith.constant 0 : i32
        %add3A_387 = vector.broadcast %add3A_386 : i32 to vector<16xi32>
        %add3A_388 = arith.addi %iota3A, %add3A_387 : vector<16xi32>
        tpu.vector_store_idx %arg9[%get3A_99], %add3A_388 : memref<10000xi32, #tpu.memory_space<vmem>>[vector<16xi32>], vector<16xi32>,
        %add3A_389 = arith.constant 16 : i32
        %add3A_390 = vector.broadcast %add3A_389 : i32 to vector<16xi32>
        %add3A_391 = arith.addi %iota3A, %add3A_390 : vector<16xi32>
        tpu.vector_store_idx %arg9[%get3A_169], %add3A_391 : memref<10000xi32, #tpu.memory_space<vmem>>[vector<16xi32>], vector<16xi32>,
        %add3A_392 = arith.constant 32 : i32
        %add3A_393 = vector.broadcast %add3A_392 : i32 to vector<16xi32>
        %add3A_394 = arith.addi %iota3A, %add3A_393 : vector<16xi32>
        tpu.vector_store_idx %arg9[%get3A_245], %add3A_394 : memref<10000xi32, #tpu.memory_space<vmem>>[vector<16xi32>], vector<16xi32>,
        %add3A_395 = arith.constant 48 : i32
        %add3A_396 = vector.broadcast %add3A_395 : i32 to vector<16xi32>
        %add3A_397 = arith.addi %iota3A, %add3A_396 : vector<16xi32>
        tpu.vector_store_idx %arg9[%get3A_321], %add3A_397 : memref<10000xi32, #tpu.memory_space<vmem>>[vector<16xi32>], vector<16xi32>,
        %broadcast_in_dim3A_398 = arith.constant false
        %broadcast_in_dim3A_399 = vector.broadcast %broadcast_in_dim3A_398 : i1 to vector<16xi1>
        %gather3A_400 = tpu.vector_load_idx %arg9[%get3A_99] : memref<10000xi32, #tpu.memory_space<vmem>>[vector<16xi32>], vector<16xi32>,
        %add3A_401 = arith.constant 0 : i32
        %add3A_402 = vector.broadcast %add3A_401 : i32 to vector<16xi32>
        %add3A_403 = arith.addi %iota3A, %add3A_402 : vector<16xi32>
        %ne3A = arith.cmpi ne, %gather3A_400, %add3A_403 : vector<16xi32>
        %or3A = arith.ori %broadcast_in_dim3A_399, %ne3A : vector<16xi1>
        %gather3A_404 = tpu.vector_load_idx %arg9[%get3A_169] : memref<10000xi32, #tpu.memory_space<vmem>>[vector<16xi32>], vector<16xi32>,
        %add3A_405 = arith.constant 16 : i32
        %add3A_406 = vector.broadcast %add3A_405 : i32 to vector<16xi32>
        %add3A_407 = arith.addi %iota3A, %add3A_406 : vector<16xi32>
        %ne3A_408 = arith.cmpi ne, %gather3A_404, %add3A_407 : vector<16xi32>
        %or3A_409 = arith.ori %or3A, %ne3A_408 : vector<16xi1>
        %gather3A_410 = tpu.vector_load_idx %arg9[%get3A_245] : memref<10000xi32, #tpu.memory_space<vmem>>[vector<16xi32>], vector<16xi32>,
        %add3A_411 = arith.constant 32 : i32
        %add3A_412 = vector.broadcast %add3A_411 : i32 to vector<16xi32>
        %add3A_413 = arith.addi %iota3A, %add3A_412 : vector<16xi32>
        %ne3A_414 = arith.cmpi ne, %gather3A_410, %add3A_413 : vector<16xi32>
        %or3A_415 = arith.ori %or3A_409, %ne3A_414 : vector<16xi1>
        %gather3A_416 = tpu.vector_load_idx %arg9[%get3A_321] : memref<10000xi32, #tpu.memory_space<vmem>>[vector<16xi32>], vector<16xi32>,
        %add3A_417 = arith.constant 48 : i32
        %add3A_418 = vector.broadcast %add3A_417 : i32 to vector<16xi32>
        %add3A_419 = arith.addi %iota3A, %add3A_418 : vector<16xi32>
        %ne3A_420 = arith.cmpi ne, %gather3A_416, %add3A_419 : vector<16xi32>
        %or3A_421 = arith.ori %or3A_415, %ne3A_420 : vector<16xi1>
        %all_reduce_population_count3A = tpu.all_reduce %or3A_421 {dim = 0 : i64, kind = #tpu.reduction_kind<sum>} : vector<16xi1> -> vector<16xi32>
        %slice3A = vector.extract_strided_slice %all_reduce_population_count3A {offsets = [0], sizes = [1], strides = [1]} : vector<16xi32> to vector<1xi32>
        %squeeze3A = vector.extract %slice3A[0] : i32 from vector<1xi32>
        %eq3A = arith.constant 0 : i32
        %eq3A_422 = arith.cmpi eq, %squeeze3A, %eq3A : i32
        %convert_element_type3A_423 = arith.extui %eq3A_422 : i1 to i32
        %cond3A_424 = arith.constant 0 : i32
        %cond3A_425 = arith.constant 0 : i32
        %cond3A_426 = arith.cmpi ne, %convert_element_type3A_423, %cond3A_425 : i32
        %cond3A_427 = scf.if %cond3A_426 -> (i32) {
          %add3A_428 = arith.constant 0 : i32
          %add3A_429 = vector.broadcast %add3A_428 : i32 to vector<16xi32>
          %add3A_430 = arith.addi %get3A_99, %add3A_429 : vector<16xi32>
          %gather3A_431 = tpu.vector_load_idx %arg8[%add3A_430] : memref<40960xi32, #tpu.memory_space<vmem>>[vector<16xi32>], vector<16xi32>,
          %bitcast3A_432 = vector.bitcast %gather3A_431 : vector<16xi32> to vector<32xbf16>
          %bitcast3A_433 = vector.bitcast %bitcast3A : vector<16xi32> to vector<32xbf16>
          %min3A = arith.minimumf %bitcast3A_432, %bitcast3A_433 : vector<32xbf16>
          %bitcast3A_434 = vector.bitcast %min3A : vector<32xbf16> to vector<16xi32>
          tpu.vector_store_idx %arg8[%add3A_430], %bitcast3A_434 : memref<40960xi32, #tpu.memory_space<vmem>>[vector<16xi32>], vector<16xi32>,
          %add3A_435 = arith.constant 10240 : i32
          %add3A_436 = vector.broadcast %add3A_435 : i32 to vector<16xi32>
          %add3A_437 = arith.addi %get3A_99, %add3A_436 : vector<16xi32>
          %gather3A_438 = tpu.vector_load_idx %arg8[%add3A_437] : memref<40960xi32, #tpu.memory_space<vmem>>[vector<16xi32>], vector<16xi32>,
          %bitcast3A_439 = vector.bitcast %gather3A_438 : vector<16xi32> to vector<32xbf16>
          %bitcast3A_440 = vector.bitcast %bitcast3A_127 : vector<16xi32> to vector<32xbf16>
          %min3A_441 = arith.minimumf %bitcast3A_439, %bitcast3A_440 : vector<32xbf16>
          %bitcast3A_442 = vector.bitcast %min3A_441 : vector<32xbf16> to vector<16xi32>
          tpu.vector_store_idx %arg8[%add3A_437], %bitcast3A_442 : memref<40960xi32, #tpu.memory_space<vmem>>[vector<16xi32>], vector<16xi32>,
          %add3A_443 = arith.constant 20480 : i32
          %add3A_444 = vector.broadcast %add3A_443 : i32 to vector<16xi32>
          %add3A_445 = arith.addi %get3A_99, %add3A_444 : vector<16xi32>
          %gather3A_446 = tpu.vector_load_idx %arg8[%add3A_445] : memref<40960xi32, #tpu.memory_space<vmem>>[vector<16xi32>], vector<16xi32>,
          %bitcast3A_447 = vector.bitcast %gather3A_446 : vector<16xi32> to vector<32xbf16>
          %bitcast3A_448 = vector.bitcast %bitcast3A_142 : vector<16xi32> to vector<32xbf16>
          %min3A_449 = arith.minimumf %bitcast3A_447, %bitcast3A_448 : vector<32xbf16>
          %bitcast3A_450 = vector.bitcast %min3A_449 : vector<32xbf16> to vector<16xi32>
          tpu.vector_store_idx %arg8[%add3A_445], %bitcast3A_450 : memref<40960xi32, #tpu.memory_space<vmem>>[vector<16xi32>], vector<16xi32>,
          %add3A_451 = arith.constant 30720 : i32
          %add3A_452 = vector.broadcast %add3A_451 : i32 to vector<16xi32>
          %add3A_453 = arith.addi %get3A_99, %add3A_452 : vector<16xi32>
          %gather3A_454 = tpu.vector_load_idx %arg8[%add3A_453] : memref<40960xi32, #tpu.memory_space<vmem>>[vector<16xi32>], vector<16xi32>,
          %bitcast3A_455 = vector.bitcast %gather3A_454 : vector<16xi32> to vector<32xbf16>
          %bitcast3A_456 = vector.bitcast %bitcast3A_157 : vector<16xi32> to vector<32xbf16>
          %min3A_457 = arith.minimumf %bitcast3A_455, %bitcast3A_456 : vector<32xbf16>
          %bitcast3A_458 = vector.bitcast %min3A_457 : vector<32xbf16> to vector<16xi32>
          tpu.vector_store_idx %arg8[%add3A_453], %bitcast3A_458 : memref<40960xi32, #tpu.memory_space<vmem>>[vector<16xi32>], vector<16xi32>,
          %add3A_459 = arith.constant 0 : i32
          %add3A_460 = vector.broadcast %add3A_459 : i32 to vector<16xi32>
          %add3A_461 = arith.addi %get3A_169, %add3A_460 : vector<16xi32>
          %gather3A_462 = tpu.vector_load_idx %arg8[%add3A_461] : memref<40960xi32, #tpu.memory_space<vmem>>[vector<16xi32>], vector<16xi32>,
          %bitcast3A_463 = vector.bitcast %gather3A_462 : vector<16xi32> to vector<32xbf16>
          %bitcast3A_464 = vector.bitcast %bitcast3A_188 : vector<16xi32> to vector<32xbf16>
          %min3A_465 = arith.minimumf %bitcast3A_463, %bitcast3A_464 : vector<32xbf16>
          %bitcast3A_466 = vector.bitcast %min3A_465 : vector<32xbf16> to vector<16xi32>
          tpu.vector_store_idx %arg8[%add3A_461], %bitcast3A_466 : memref<40960xi32, #tpu.memory_space<vmem>>[vector<16xi32>], vector<16xi32>,
          %add3A_467 = arith.constant 10240 : i32
          %add3A_468 = vector.broadcast %add3A_467 : i32 to vector<16xi32>
          %add3A_469 = arith.addi %get3A_169, %add3A_468 : vector<16xi32>
          %gather3A_470 = tpu.vector_load_idx %arg8[%add3A_469] : memref<40960xi32, #tpu.memory_space<vmem>>[vector<16xi32>], vector<16xi32>,
          %bitcast3A_471 = vector.bitcast %gather3A_470 : vector<16xi32> to vector<32xbf16>
          %bitcast3A_472 = vector.bitcast %bitcast3A_203 : vector<16xi32> to vector<32xbf16>
          %min3A_473 = arith.minimumf %bitcast3A_471, %bitcast3A_472 : vector<32xbf16>
          %bitcast3A_474 = vector.bitcast %min3A_473 : vector<32xbf16> to vector<16xi32>
          tpu.vector_store_idx %arg8[%add3A_469], %bitcast3A_474 : memref<40960xi32, #tpu.memory_space<vmem>>[vector<16xi32>], vector<16xi32>,
          %add3A_475 = arith.constant 20480 : i32
          %add3A_476 = vector.broadcast %add3A_475 : i32 to vector<16xi32>
          %add3A_477 = arith.addi %get3A_169, %add3A_476 : vector<16xi32>
          %gather3A_478 = tpu.vector_load_idx %arg8[%add3A_477] : memref<40960xi32, #tpu.memory_space<vmem>>[vector<16xi32>], vector<16xi32>,
          %bitcast3A_479 = vector.bitcast %gather3A_478 : vector<16xi32> to vector<32xbf16>
          %bitcast3A_480 = vector.bitcast %bitcast3A_218 : vector<16xi32> to vector<32xbf16>
          %min3A_481 = arith.minimumf %bitcast3A_479, %bitcast3A_480 : vector<32xbf16>
          %bitcast3A_482 = vector.bitcast %min3A_481 : vector<32xbf16> to vector<16xi32>
          tpu.vector_store_idx %arg8[%add3A_477], %bitcast3A_482 : memref<40960xi32, #tpu.memory_space<vmem>>[vector<16xi32>], vector<16xi32>,
          %add3A_483 = arith.constant 30720 : i32
          %add3A_484 = vector.broadcast %add3A_483 : i32 to vector<16xi32>
          %add3A_485 = arith.addi %get3A_169, %add3A_484 : vector<16xi32>
          %gather3A_486 = tpu.vector_load_idx %arg8[%add3A_485] : memref<40960xi32, #tpu.memory_space<vmem>>[vector<16xi32>], vector<16xi32>,
          %bitcast3A_487 = vector.bitcast %gather3A_486 : vector<16xi32> to vector<32xbf16>
          %bitcast3A_488 = vector.bitcast %bitcast3A_233 : vector<16xi32> to vector<32xbf16>
          %min3A_489 = arith.minimumf %bitcast3A_487, %bitcast3A_488 : vector<32xbf16>
          %bitcast3A_490 = vector.bitcast %min3A_489 : vector<32xbf16> to vector<16xi32>
          tpu.vector_store_idx %arg8[%add3A_485], %bitcast3A_490 : memref<40960xi32, #tpu.memory_space<vmem>>[vector<16xi32>], vector<16xi32>,
          %add3A_491 = arith.constant 0 : i32
          %add3A_492 = vector.broadcast %add3A_491 : i32 to vector<16xi32>
          %add3A_493 = arith.addi %get3A_245, %add3A_492 : vector<16xi32>
          %gather3A_494 = tpu.vector_load_idx %arg8[%add3A_493] : memref<40960xi32, #tpu.memory_space<vmem>>[vector<16xi32>], vector<16xi32>,
          %bitcast3A_495 = vector.bitcast %gather3A_494 : vector<16xi32> to vector<32xbf16>
          %bitcast3A_496 = vector.bitcast %bitcast3A_264 : vector<16xi32> to vector<32xbf16>
          %min3A_497 = arith.minimumf %bitcast3A_495, %bitcast3A_496 : vector<32xbf16>
          %bitcast3A_498 = vector.bitcast %min3A_497 : vector<32xbf16> to vector<16xi32>
          tpu.vector_store_idx %arg8[%add3A_493], %bitcast3A_498 : memref<40960xi32, #tpu.memory_space<vmem>>[vector<16xi32>], vector<16xi32>,
          %add3A_499 = arith.constant 10240 : i32
          %add3A_500 = vector.broadcast %add3A_499 : i32 to vector<16xi32>
          %add3A_501 = arith.addi %get3A_245, %add3A_500 : vector<16xi32>
          %gather3A_502 = tpu.vector_load_idx %arg8[%add3A_501] : memref<40960xi32, #tpu.memory_space<vmem>>[vector<16xi32>], vector<16xi32>,
          %bitcast3A_503 = vector.bitcast %gather3A_502 : vector<16xi32> to vector<32xbf16>
          %bitcast3A_504 = vector.bitcast %bitcast3A_279 : vector<16xi32> to vector<32xbf16>
          %min3A_505 = arith.minimumf %bitcast3A_503, %bitcast3A_504 : vector<32xbf16>
          %bitcast3A_506 = vector.bitcast %min3A_505 : vector<32xbf16> to vector<16xi32>
          tpu.vector_store_idx %arg8[%add3A_501], %bitcast3A_506 : memref<40960xi32, #tpu.memory_space<vmem>>[vector<16xi32>], vector<16xi32>,
          %add3A_507 = arith.constant 20480 : i32
          %add3A_508 = vector.broadcast %add3A_507 : i32 to vector<16xi32>
          %add3A_509 = arith.addi %get3A_245, %add3A_508 : vector<16xi32>
          %gather3A_510 = tpu.vector_load_idx %arg8[%add3A_509] : memref<40960xi32, #tpu.memory_space<vmem>>[vector<16xi32>], vector<16xi32>,
          %bitcast3A_511 = vector.bitcast %gather3A_510 : vector<16xi32> to vector<32xbf16>
          %bitcast3A_512 = vector.bitcast %bitcast3A_294 : vector<16xi32> to vector<32xbf16>
          %min3A_513 = arith.minimumf %bitcast3A_511, %bitcast3A_512 : vector<32xbf16>
          %bitcast3A_514 = vector.bitcast %min3A_513 : vector<32xbf16> to vector<16xi32>
          tpu.vector_store_idx %arg8[%add3A_509], %bitcast3A_514 : memref<40960xi32, #tpu.memory_space<vmem>>[vector<16xi32>], vector<16xi32>,
          %add3A_515 = arith.constant 30720 : i32
          %add3A_516 = vector.broadcast %add3A_515 : i32 to vector<16xi32>
          %add3A_517 = arith.addi %get3A_245, %add3A_516 : vector<16xi32>
          %gather3A_518 = tpu.vector_load_idx %arg8[%add3A_517] : memref<40960xi32, #tpu.memory_space<vmem>>[vector<16xi32>], vector<16xi32>,
          %bitcast3A_519 = vector.bitcast %gather3A_518 : vector<16xi32> to vector<32xbf16>
          %bitcast3A_520 = vector.bitcast %bitcast3A_309 : vector<16xi32> to vector<32xbf16>
          %min3A_521 = arith.minimumf %bitcast3A_519, %bitcast3A_520 : vector<32xbf16>
          %bitcast3A_522 = vector.bitcast %min3A_521 : vector<32xbf16> to vector<16xi32>
          tpu.vector_store_idx %arg8[%add3A_517], %bitcast3A_522 : memref<40960xi32, #tpu.memory_space<vmem>>[vector<16xi32>], vector<16xi32>,
          %add3A_523 = arith.constant 0 : i32
          %add3A_524 = vector.broadcast %add3A_523 : i32 to vector<16xi32>
          %add3A_525 = arith.addi %get3A_321, %add3A_524 : vector<16xi32>
          %gather3A_526 = tpu.vector_load_idx %arg8[%add3A_525] : memref<40960xi32, #tpu.memory_space<vmem>>[vector<16xi32>], vector<16xi32>,
          %bitcast3A_527 = vector.bitcast %gather3A_526 : vector<16xi32> to vector<32xbf16>
          %bitcast3A_528 = vector.bitcast %bitcast3A_340 : vector<16xi32> to vector<32xbf16>
          %min3A_529 = arith.minimumf %bitcast3A_527, %bitcast3A_528 : vector<32xbf16>
          %bitcast3A_530 = vector.bitcast %min3A_529 : vector<32xbf16> to vector<16xi32>
          tpu.vector_store_idx %arg8[%add3A_525], %bitcast3A_530 : memref<40960xi32, #tpu.memory_space<vmem>>[vector<16xi32>], vector<16xi32>,
          %add3A_531 = arith.constant 10240 : i32
          %add3A_532 = vector.broadcast %add3A_531 : i32 to vector<16xi32>
          %add3A_533 = arith.addi %get3A_321, %add3A_532 : vector<16xi32>
          %gather3A_534 = tpu.vector_load_idx %arg8[%add3A_533] : memref<40960xi32, #tpu.memory_space<vmem>>[vector<16xi32>], vector<16xi32>,
          %bitcast3A_535 = vector.bitcast %gather3A_534 : vector<16xi32> to vector<32xbf16>
          %bitcast3A_536 = vector.bitcast %bitcast3A_355 : vector<16xi32> to vector<32xbf16>
          %min3A_537 = arith.minimumf %bitcast3A_535, %bitcast3A_536 : vector<32xbf16>
          %bitcast3A_538 = vector.bitcast %min3A_537 : vector<32xbf16> to vector<16xi32>
          tpu.vector_store_idx %arg8[%add3A_533], %bitcast3A_538 : memref<40960xi32, #tpu.memory_space<vmem>>[vector<16xi32>], vector<16xi32>,
          %add3A_539 = arith.constant 20480 : i32
          %add3A_540 = vector.broadcast %add3A_539 : i32 to vector<16xi32>
          %add3A_541 = arith.addi %get3A_321, %add3A_540 : vector<16xi32>
          %gather3A_542 = tpu.vector_load_idx %arg8[%add3A_541] : memref<40960xi32, #tpu.memory_space<vmem>>[vector<16xi32>], vector<16xi32>,
          %bitcast3A_543 = vector.bitcast %gather3A_542 : vector<16xi32> to vector<32xbf16>
          %bitcast3A_544 = vector.bitcast %bitcast3A_370 : vector<16xi32> to vector<32xbf16>
          %min3A_545 = arith.minimumf %bitcast3A_543, %bitcast3A_544 : vector<32xbf16>
          %bitcast3A_546 = vector.bitcast %min3A_545 : vector<32xbf16> to vector<16xi32>
          tpu.vector_store_idx %arg8[%add3A_541], %bitcast3A_546 : memref<40960xi32, #tpu.memory_space<vmem>>[vector<16xi32>], vector<16xi32>,
          %add3A_547 = arith.constant 30720 : i32
          %add3A_548 = vector.broadcast %add3A_547 : i32 to vector<16xi32>
          %add3A_549 = arith.addi %get3A_321, %add3A_548 : vector<16xi32>
          %gather3A_550 = tpu.vector_load_idx %arg8[%add3A_549] : memref<40960xi32, #tpu.memory_space<vmem>>[vector<16xi32>], vector<16xi32>,
          %bitcast3A_551 = vector.bitcast %gather3A_550 : vector<16xi32> to vector<32xbf16>
          %bitcast3A_552 = vector.bitcast %bitcast3A_385 : vector<16xi32> to vector<32xbf16>
          %min3A_553 = arith.minimumf %bitcast3A_551, %bitcast3A_552 : vector<32xbf16>
          %bitcast3A_554 = vector.bitcast %min3A_553 : vector<32xbf16> to vector<16xi32>
          tpu.vector_store_idx %arg8[%add3A_549], %bitcast3A_554 : memref<40960xi32, #tpu.memory_space<vmem>>[vector<16xi32>], vector<16xi32>,
          %cond3A_555 = arith.constant 0 : i32
          scf.yield %cond3A_555 : i32
        } else {
          %broadcast_in_dim3A_428 = arith.constant true
          %broadcast_in_dim3A_429 = vector.broadcast %broadcast_in_dim3A_428 : i1 to vector<16xi1>
          %while3A = scf.while (%while3A_440 = %broadcast_in_dim3A_429) : (vector<16xi1>) -> vector<16xi1> {
            %all_reduce_population_count3A_441 = tpu.all_reduce %while3A_440 {dim = 0 : i64, kind = #tpu.reduction_kind<sum>} : vector<16xi1> -> vector<16xi32>
            %slice3A_442 = vector.extract_strided_slice %all_reduce_population_count3A_441 {offsets = [0], sizes = [1], strides = [1]} : vector<16xi32> to vector<1xi32>
            %squeeze3A_443 = vector.extract %slice3A_442[0] : i32 from vector<1xi32>
            %gt3A = arith.constant 0 : i32
            %gt3A_444 = arith.cmpi sgt, %squeeze3A_443, %gt3A : i32
            scf.condition(%gt3A_444) %while3A_440 : vector<16xi1>
          } do {
          ^bb0(%while3A_440: vector<16xi1>):
            %broadcast_in_dim3A_441 = arith.constant false
            %broadcast_in_dim3A_442 = vector.broadcast %broadcast_in_dim3A_441 : i1 to vector<16xi1>
            %add3A_443 = arith.constant 0 : i32
            %add3A_444 = vector.broadcast %add3A_443 : i32 to vector<16xi32>
            %add3A_445 = arith.addi %get3A_99, %add3A_444 : vector<16xi32>
            %gather3A_446 = tpu.vector_load_idx %arg8[%add3A_445] masked %while3A_440 : memref<40960xi32, #tpu.memory_space<vmem>>[vector<16xi32>], vector<16xi32>, vector<16xi1>
            %bitcast3A_447 = vector.bitcast %gather3A_446 : vector<16xi32> to vector<32xbf16>
            %bitcast3A_448 = vector.bitcast %bitcast3A : vector<16xi32> to vector<32xbf16>
            %min3A = arith.minimumf %bitcast3A_447, %bitcast3A_448 : vector<32xbf16>
            %bitcast3A_449 = vector.bitcast %min3A : vector<32xbf16> to vector<16xi32>
            tpu.vector_store_idx %arg8[%add3A_445], %bitcast3A_449 masked %while3A_440 : memref<40960xi32, #tpu.memory_space<vmem>>[vector<16xi32>], vector<16xi32>, vector<16xi1>
            %gather3A_450 = tpu.vector_load_idx %arg8[%add3A_445] masked %while3A_440 : memref<40960xi32, #tpu.memory_space<vmem>>[vector<16xi32>], vector<16xi32>, vector<16xi1>
            %shift_left3A_451 = arith.constant 16 : i32
            %shift_left3A_452 = vector.broadcast %shift_left3A_451 : i32 to vector<16xi32>
            %shift_left3A_453 = arith.shli %gather3A_450, %shift_left3A_452 : vector<16xi32>
            %bitcast_convert_type3A_454 = tpu.bitcast %shift_left3A_453 : vector<16xi32> -> vector<16xf32>
            %and3A_455 = vector.broadcast %scan3A_26 : i32 to vector<16xi32>
            %and3A_456 = arith.andi %gather3A_450, %and3A_455 : vector<16xi32>
            %bitcast_convert_type3A_457 = tpu.bitcast %and3A_456 : vector<16xi32> -> vector<16xf32>
            %shift_left3A_458 = arith.constant 16 : i32
            %shift_left3A_459 = vector.broadcast %shift_left3A_458 : i32 to vector<16xi32>
            %shift_left3A_460 = arith.shli %bitcast3A_449, %shift_left3A_459 : vector<16xi32>
            %bitcast_convert_type3A_461 = tpu.bitcast %shift_left3A_460 : vector<16xi32> -> vector<16xf32>
            %and3A_462 = vector.broadcast %scan3A_26 : i32 to vector<16xi32>
            %and3A_463 = arith.andi %bitcast3A_449, %and3A_462 : vector<16xi32>
            %bitcast_convert_type3A_464 = tpu.bitcast %and3A_463 : vector<16xi32> -> vector<16xf32>
            %gt3A = arith.cmpf ogt, %bitcast_convert_type3A_454, %bitcast_convert_type3A_461 : vector<16xf32>
            %gt3A_465 = arith.cmpf ogt, %bitcast_convert_type3A_457, %bitcast_convert_type3A_464 : vector<16xf32>
            %or3A_466 = arith.ori %gt3A, %gt3A_465 : vector<16xi1>
            %and3A_467 = arith.andi %while3A_440, %or3A_466 : vector<16xi1>
            %or3A_468 = arith.ori %broadcast_in_dim3A_442, %and3A_467 : vector<16xi1>
            %add3A_469 = arith.constant 10240 : i32
            %add3A_470 = vector.broadcast %add3A_469 : i32 to vector<16xi32>
            %add3A_471 = arith.addi %get3A_99, %add3A_470 : vector<16xi32>
            %gather3A_472 = tpu.vector_load_idx %arg8[%add3A_471] masked %while3A_440 : memref<40960xi32, #tpu.memory_space<vmem>>[vector<16xi32>], vector<16xi32>, vector<16xi1>
            %bitcast3A_473 = vector.bitcast %gather3A_472 : vector<16xi32> to vector<32xbf16>
            %bitcast3A_474 = vector.bitcast %bitcast3A_127 : vector<16xi32> to vector<32xbf16>
            %min3A_475 = arith.minimumf %bitcast3A_473, %bitcast3A_474 : vector<32xbf16>
            %bitcast3A_476 = vector.bitcast %min3A_475 : vector<32xbf16> to vector<16xi32>
            tpu.vector_store_idx %arg8[%add3A_471], %bitcast3A_476 masked %while3A_440 : memref<40960xi32, #tpu.memory_space<vmem>>[vector<16xi32>], vector<16xi32>, vector<16xi1>
            %gather3A_477 = tpu.vector_load_idx %arg8[%add3A_471] masked %while3A_440 : memref<40960xi32, #tpu.memory_space<vmem>>[vector<16xi32>], vector<16xi32>, vector<16xi1>
            %shift_left3A_478 = arith.constant 16 : i32
            %shift_left3A_479 = vector.broadcast %shift_left3A_478 : i32 to vector<16xi32>
            %shift_left3A_480 = arith.shli %gather3A_477, %shift_left3A_479 : vector<16xi32>
            %bitcast_convert_type3A_481 = tpu.bitcast %shift_left3A_480 : vector<16xi32> -> vector<16xf32>
            %and3A_482 = vector.broadcast %scan3A_26 : i32 to vector<16xi32>
            %and3A_483 = arith.andi %gather3A_477, %and3A_482 : vector<16xi32>
            %bitcast_convert_type3A_484 = tpu.bitcast %and3A_483 : vector<16xi32> -> vector<16xf32>
            %shift_left3A_485 = arith.constant 16 : i32
            %shift_left3A_486 = vector.broadcast %shift_left3A_485 : i32 to vector<16xi32>
            %shift_left3A_487 = arith.shli %bitcast3A_476, %shift_left3A_486 : vector<16xi32>
            %bitcast_convert_type3A_488 = tpu.bitcast %shift_left3A_487 : vector<16xi32> -> vector<16xf32>
            %and3A_489 = vector.broadcast %scan3A_26 : i32 to vector<16xi32>
            %and3A_490 = arith.andi %bitcast3A_476, %and3A_489 : vector<16xi32>
            %bitcast_convert_type3A_491 = tpu.bitcast %and3A_490 : vector<16xi32> -> vector<16xf32>
            %gt3A_492 = arith.cmpf ogt, %bitcast_convert_type3A_481, %bitcast_convert_type3A_488 : vector<16xf32>
            %gt3A_493 = arith.cmpf ogt, %bitcast_convert_type3A_484, %bitcast_convert_type3A_491 : vector<16xf32>
            %or3A_494 = arith.ori %gt3A_492, %gt3A_493 : vector<16xi1>
            %and3A_495 = arith.andi %while3A_440, %or3A_494 : vector<16xi1>
            %or3A_496 = arith.ori %or3A_468, %and3A_495 : vector<16xi1>
            %add3A_497 = arith.constant 20480 : i32
            %add3A_498 = vector.broadcast %add3A_497 : i32 to vector<16xi32>
            %add3A_499 = arith.addi %get3A_99, %add3A_498 : vector<16xi32>
            %gather3A_500 = tpu.vector_load_idx %arg8[%add3A_499] masked %while3A_440 : memref<40960xi32, #tpu.memory_space<vmem>>[vector<16xi32>], vector<16xi32>, vector<16xi1>
            %bitcast3A_501 = vector.bitcast %gather3A_500 : vector<16xi32> to vector<32xbf16>
            %bitcast3A_502 = vector.bitcast %bitcast3A_142 : vector<16xi32> to vector<32xbf16>
            %min3A_503 = arith.minimumf %bitcast3A_501, %bitcast3A_502 : vector<32xbf16>
            %bitcast3A_504 = vector.bitcast %min3A_503 : vector<32xbf16> to vector<16xi32>
            tpu.vector_store_idx %arg8[%add3A_499], %bitcast3A_504 masked %while3A_440 : memref<40960xi32, #tpu.memory_space<vmem>>[vector<16xi32>], vector<16xi32>, vector<16xi1>
            %gather3A_505 = tpu.vector_load_idx %arg8[%add3A_499] masked %while3A_440 : memref<40960xi32, #tpu.memory_space<vmem>>[vector<16xi32>], vector<16xi32>, vector<16xi1>
            %shift_left3A_506 = arith.constant 16 : i32
            %shift_left3A_507 = vector.broadcast %shift_left3A_506 : i32 to vector<16xi32>
            %shift_left3A_508 = arith.shli %gather3A_505, %shift_left3A_507 : vector<16xi32>
            %bitcast_convert_type3A_509 = tpu.bitcast %shift_left3A_508 : vector<16xi32> -> vector<16xf32>
            %and3A_510 = vector.broadcast %scan3A_26 : i32 to vector<16xi32>
            %and3A_511 = arith.andi %gather3A_505, %and3A_510 : vector<16xi32>
            %bitcast_convert_type3A_512 = tpu.bitcast %and3A_511 : vector<16xi32> -> vector<16xf32>
            %shift_left3A_513 = arith.constant 16 : i32
            %shift_left3A_514 = vector.broadcast %shift_left3A_513 : i32 to vector<16xi32>
            %shift_left3A_515 = arith.shli %bitcast3A_504, %shift_left3A_514 : vector<16xi32>
            %bitcast_convert_type3A_516 = tpu.bitcast %shift_left3A_515 : vector<16xi32> -> vector<16xf32>
            %and3A_517 = vector.broadcast %scan3A_26 : i32 to vector<16xi32>
            %and3A_518 = arith.andi %bitcast3A_504, %and3A_517 : vector<16xi32>
            %bitcast_convert_type3A_519 = tpu.bitcast %and3A_518 : vector<16xi32> -> vector<16xf32>
            %gt3A_520 = arith.cmpf ogt, %bitcast_convert_type3A_509, %bitcast_convert_type3A_516 : vector<16xf32>
            %gt3A_521 = arith.cmpf ogt, %bitcast_convert_type3A_512, %bitcast_convert_type3A_519 : vector<16xf32>
            %or3A_522 = arith.ori %gt3A_520, %gt3A_521 : vector<16xi1>
            %and3A_523 = arith.andi %while3A_440, %or3A_522 : vector<16xi1>
            %or3A_524 = arith.ori %or3A_496, %and3A_523 : vector<16xi1>
            %add3A_525 = arith.constant 30720 : i32
            %add3A_526 = vector.broadcast %add3A_525 : i32 to vector<16xi32>
            %add3A_527 = arith.addi %get3A_99, %add3A_526 : vector<16xi32>
            %gather3A_528 = tpu.vector_load_idx %arg8[%add3A_527] masked %while3A_440 : memref<40960xi32, #tpu.memory_space<vmem>>[vector<16xi32>], vector<16xi32>, vector<16xi1>
            %bitcast3A_529 = vector.bitcast %gather3A_528 : vector<16xi32> to vector<32xbf16>
            %bitcast3A_530 = vector.bitcast %bitcast3A_157 : vector<16xi32> to vector<32xbf16>
            %min3A_531 = arith.minimumf %bitcast3A_529, %bitcast3A_530 : vector<32xbf16>
            %bitcast3A_532 = vector.bitcast %min3A_531 : vector<32xbf16> to vector<16xi32>
            tpu.vector_store_idx %arg8[%add3A_527], %bitcast3A_532 masked %while3A_440 : memref<40960xi32, #tpu.memory_space<vmem>>[vector<16xi32>], vector<16xi32>, vector<16xi1>
            %gather3A_533 = tpu.vector_load_idx %arg8[%add3A_527] masked %while3A_440 : memref<40960xi32, #tpu.memory_space<vmem>>[vector<16xi32>], vector<16xi32>, vector<16xi1>
            %shift_left3A_534 = arith.constant 16 : i32
            %shift_left3A_535 = vector.broadcast %shift_left3A_534 : i32 to vector<16xi32>
            %shift_left3A_536 = arith.shli %gather3A_533, %shift_left3A_535 : vector<16xi32>
            %bitcast_convert_type3A_537 = tpu.bitcast %shift_left3A_536 : vector<16xi32> -> vector<16xf32>
            %and3A_538 = vector.broadcast %scan3A_26 : i32 to vector<16xi32>
            %and3A_539 = arith.andi %gather3A_533, %and3A_538 : vector<16xi32>
            %bitcast_convert_type3A_540 = tpu.bitcast %and3A_539 : vector<16xi32> -> vector<16xf32>
            %shift_left3A_541 = arith.constant 16 : i32
            %shift_left3A_542 = vector.broadcast %shift_left3A_541 : i32 to vector<16xi32>
            %shift_left3A_543 = arith.shli %bitcast3A_532, %shift_left3A_542 : vector<16xi32>
            %bitcast_convert_type3A_544 = tpu.bitcast %shift_left3A_543 : vector<16xi32> -> vector<16xf32>
            %and3A_545 = vector.broadcast %scan3A_26 : i32 to vector<16xi32>
            %and3A_546 = arith.andi %bitcast3A_532, %and3A_545 : vector<16xi32>
            %bitcast_convert_type3A_547 = tpu.bitcast %and3A_546 : vector<16xi32> -> vector<16xf32>
            %gt3A_548 = arith.cmpf ogt, %bitcast_convert_type3A_537, %bitcast_convert_type3A_544 : vector<16xf32>
            %gt3A_549 = arith.cmpf ogt, %bitcast_convert_type3A_540, %bitcast_convert_type3A_547 : vector<16xf32>
            %or3A_550 = arith.ori %gt3A_548, %gt3A_549 : vector<16xi1>
            %and3A_551 = arith.andi %while3A_440, %or3A_550 : vector<16xi1>
            %or3A_552 = arith.ori %or3A_524, %and3A_551 : vector<16xi1>
            scf.yield %or3A_552 : vector<16xi1>
          }
          %broadcast_in_dim3A_430 = arith.constant true
          %broadcast_in_dim3A_431 = vector.broadcast %broadcast_in_dim3A_430 : i1 to vector<16xi1>
          %while3A_432 = scf.while (%while3A_440 = %broadcast_in_dim3A_431) : (vector<16xi1>) -> vector<16xi1> {
            %all_reduce_population_count3A_441 = tpu.all_reduce %while3A_440 {dim = 0 : i64, kind = #tpu.reduction_kind<sum>} : vector<16xi1> -> vector<16xi32>
            %slice3A_442 = vector.extract_strided_slice %all_reduce_population_count3A_441 {offsets = [0], sizes = [1], strides = [1]} : vector<16xi32> to vector<1xi32>
            %squeeze3A_443 = vector.extract %slice3A_442[0] : i32 from vector<1xi32>
            %gt3A = arith.constant 0 : i32
            %gt3A_444 = arith.cmpi sgt, %squeeze3A_443, %gt3A : i32
            scf.condition(%gt3A_444) %while3A_440 : vector<16xi1>
          } do {
          ^bb0(%while3A_440: vector<16xi1>):
            %broadcast_in_dim3A_441 = arith.constant false
            %broadcast_in_dim3A_442 = vector.broadcast %broadcast_in_dim3A_441 : i1 to vector<16xi1>
            %add3A_443 = arith.constant 0 : i32
            %add3A_444 = vector.broadcast %add3A_443 : i32 to vector<16xi32>
            %add3A_445 = arith.addi %get3A_169, %add3A_444 : vector<16xi32>
            %gather3A_446 = tpu.vector_load_idx %arg8[%add3A_445] masked %while3A_440 : memref<40960xi32, #tpu.memory_space<vmem>>[vector<16xi32>], vector<16xi32>, vector<16xi1>
            %bitcast3A_447 = vector.bitcast %gather3A_446 : vector<16xi32> to vector<32xbf16>
            %bitcast3A_448 = vector.bitcast %bitcast3A_188 : vector<16xi32> to vector<32xbf16>
            %min3A = arith.minimumf %bitcast3A_447, %bitcast3A_448 : vector<32xbf16>
            %bitcast3A_449 = vector.bitcast %min3A : vector<32xbf16> to vector<16xi32>
            tpu.vector_store_idx %arg8[%add3A_445], %bitcast3A_449 masked %while3A_440 : memref<40960xi32, #tpu.memory_space<vmem>>[vector<16xi32>], vector<16xi32>, vector<16xi1>
            %gather3A_450 = tpu.vector_load_idx %arg8[%add3A_445] masked %while3A_440 : memref<40960xi32, #tpu.memory_space<vmem>>[vector<16xi32>], vector<16xi32>, vector<16xi1>
            %shift_left3A_451 = arith.constant 16 : i32
            %shift_left3A_452 = vector.broadcast %shift_left3A_451 : i32 to vector<16xi32>
            %shift_left3A_453 = arith.shli %gather3A_450, %shift_left3A_452 : vector<16xi32>
            %bitcast_convert_type3A_454 = tpu.bitcast %shift_left3A_453 : vector<16xi32> -> vector<16xf32>
            %and3A_455 = vector.broadcast %scan3A_26 : i32 to vector<16xi32>
            %and3A_456 = arith.andi %gather3A_450, %and3A_455 : vector<16xi32>
            %bitcast_convert_type3A_457 = tpu.bitcast %and3A_456 : vector<16xi32> -> vector<16xf32>
            %shift_left3A_458 = arith.constant 16 : i32
            %shift_left3A_459 = vector.broadcast %shift_left3A_458 : i32 to vector<16xi32>
            %shift_left3A_460 = arith.shli %bitcast3A_449, %shift_left3A_459 : vector<16xi32>
            %bitcast_convert_type3A_461 = tpu.bitcast %shift_left3A_460 : vector<16xi32> -> vector<16xf32>
            %and3A_462 = vector.broadcast %scan3A_26 : i32 to vector<16xi32>
            %and3A_463 = arith.andi %bitcast3A_449, %and3A_462 : vector<16xi32>
            %bitcast_convert_type3A_464 = tpu.bitcast %and3A_463 : vector<16xi32> -> vector<16xf32>
            %gt3A = arith.cmpf ogt, %bitcast_convert_type3A_454, %bitcast_convert_type3A_461 : vector<16xf32>
            %gt3A_465 = arith.cmpf ogt, %bitcast_convert_type3A_457, %bitcast_convert_type3A_464 : vector<16xf32>
            %or3A_466 = arith.ori %gt3A, %gt3A_465 : vector<16xi1>
            %and3A_467 = arith.andi %while3A_440, %or3A_466 : vector<16xi1>
            %or3A_468 = arith.ori %broadcast_in_dim3A_442, %and3A_467 : vector<16xi1>
            %add3A_469 = arith.constant 10240 : i32
            %add3A_470 = vector.broadcast %add3A_469 : i32 to vector<16xi32>
            %add3A_471 = arith.addi %get3A_169, %add3A_470 : vector<16xi32>
            %gather3A_472 = tpu.vector_load_idx %arg8[%add3A_471] masked %while3A_440 : memref<40960xi32, #tpu.memory_space<vmem>>[vector<16xi32>], vector<16xi32>, vector<16xi1>
            %bitcast3A_473 = vector.bitcast %gather3A_472 : vector<16xi32> to vector<32xbf16>
            %bitcast3A_474 = vector.bitcast %bitcast3A_203 : vector<16xi32> to vector<32xbf16>
            %min3A_475 = arith.minimumf %bitcast3A_473, %bitcast3A_474 : vector<32xbf16>
            %bitcast3A_476 = vector.bitcast %min3A_475 : vector<32xbf16> to vector<16xi32>
            tpu.vector_store_idx %arg8[%add3A_471], %bitcast3A_476 masked %while3A_440 : memref<40960xi32, #tpu.memory_space<vmem>>[vector<16xi32>], vector<16xi32>, vector<16xi1>
            %gather3A_477 = tpu.vector_load_idx %arg8[%add3A_471] masked %while3A_440 : memref<40960xi32, #tpu.memory_space<vmem>>[vector<16xi32>], vector<16xi32>, vector<16xi1>
            %shift_left3A_478 = arith.constant 16 : i32
            %shift_left3A_479 = vector.broadcast %shift_left3A_478 : i32 to vector<16xi32>
            %shift_left3A_480 = arith.shli %gather3A_477, %shift_left3A_479 : vector<16xi32>
            %bitcast_convert_type3A_481 = tpu.bitcast %shift_left3A_480 : vector<16xi32> -> vector<16xf32>
            %and3A_482 = vector.broadcast %scan3A_26 : i32 to vector<16xi32>
            %and3A_483 = arith.andi %gather3A_477, %and3A_482 : vector<16xi32>
            %bitcast_convert_type3A_484 = tpu.bitcast %and3A_483 : vector<16xi32> -> vector<16xf32>
            %shift_left3A_485 = arith.constant 16 : i32
            %shift_left3A_486 = vector.broadcast %shift_left3A_485 : i32 to vector<16xi32>
            %shift_left3A_487 = arith.shli %bitcast3A_476, %shift_left3A_486 : vector<16xi32>
            %bitcast_convert_type3A_488 = tpu.bitcast %shift_left3A_487 : vector<16xi32> -> vector<16xf32>
            %and3A_489 = vector.broadcast %scan3A_26 : i32 to vector<16xi32>
            %and3A_490 = arith.andi %bitcast3A_476, %and3A_489 : vector<16xi32>
            %bitcast_convert_type3A_491 = tpu.bitcast %and3A_490 : vector<16xi32> -> vector<16xf32>
            %gt3A_492 = arith.cmpf ogt, %bitcast_convert_type3A_481, %bitcast_convert_type3A_488 : vector<16xf32>
            %gt3A_493 = arith.cmpf ogt, %bitcast_convert_type3A_484, %bitcast_convert_type3A_491 : vector<16xf32>
            %or3A_494 = arith.ori %gt3A_492, %gt3A_493 : vector<16xi1>
            %and3A_495 = arith.andi %while3A_440, %or3A_494 : vector<16xi1>
            %or3A_496 = arith.ori %or3A_468, %and3A_495 : vector<16xi1>
            %add3A_497 = arith.constant 20480 : i32
            %add3A_498 = vector.broadcast %add3A_497 : i32 to vector<16xi32>
            %add3A_499 = arith.addi %get3A_169, %add3A_498 : vector<16xi32>
            %gather3A_500 = tpu.vector_load_idx %arg8[%add3A_499] masked %while3A_440 : memref<40960xi32, #tpu.memory_space<vmem>>[vector<16xi32>], vector<16xi32>, vector<16xi1>
            %bitcast3A_501 = vector.bitcast %gather3A_500 : vector<16xi32> to vector<32xbf16>
            %bitcast3A_502 = vector.bitcast %bitcast3A_218 : vector<16xi32> to vector<32xbf16>
            %min3A_503 = arith.minimumf %bitcast3A_501, %bitcast3A_502 : vector<32xbf16>
            %bitcast3A_504 = vector.bitcast %min3A_503 : vector<32xbf16> to vector<16xi32>
            tpu.vector_store_idx %arg8[%add3A_499], %bitcast3A_504 masked %while3A_440 : memref<40960xi32, #tpu.memory_space<vmem>>[vector<16xi32>], vector<16xi32>, vector<16xi1>
            %gather3A_505 = tpu.vector_load_idx %arg8[%add3A_499] masked %while3A_440 : memref<40960xi32, #tpu.memory_space<vmem>>[vector<16xi32>], vector<16xi32>, vector<16xi1>
            %shift_left3A_506 = arith.constant 16 : i32
            %shift_left3A_507 = vector.broadcast %shift_left3A_506 : i32 to vector<16xi32>
            %shift_left3A_508 = arith.shli %gather3A_505, %shift_left3A_507 : vector<16xi32>
            %bitcast_convert_type3A_509 = tpu.bitcast %shift_left3A_508 : vector<16xi32> -> vector<16xf32>
            %and3A_510 = vector.broadcast %scan3A_26 : i32 to vector<16xi32>
            %and3A_511 = arith.andi %gather3A_505, %and3A_510 : vector<16xi32>
            %bitcast_convert_type3A_512 = tpu.bitcast %and3A_511 : vector<16xi32> -> vector<16xf32>
            %shift_left3A_513 = arith.constant 16 : i32
            %shift_left3A_514 = vector.broadcast %shift_left3A_513 : i32 to vector<16xi32>
            %shift_left3A_515 = arith.shli %bitcast3A_504, %shift_left3A_514 : vector<16xi32>
            %bitcast_convert_type3A_516 = tpu.bitcast %shift_left3A_515 : vector<16xi32> -> vector<16xf32>
            %and3A_517 = vector.broadcast %scan3A_26 : i32 to vector<16xi32>
            %and3A_518 = arith.andi %bitcast3A_504, %and3A_517 : vector<16xi32>
            %bitcast_convert_type3A_519 = tpu.bitcast %and3A_518 : vector<16xi32> -> vector<16xf32>
            %gt3A_520 = arith.cmpf ogt, %bitcast_convert_type3A_509, %bitcast_convert_type3A_516 : vector<16xf32>
            %gt3A_521 = arith.cmpf ogt, %bitcast_convert_type3A_512, %bitcast_convert_type3A_519 : vector<16xf32>
            %or3A_522 = arith.ori %gt3A_520, %gt3A_521 : vector<16xi1>
            %and3A_523 = arith.andi %while3A_440, %or3A_522 : vector<16xi1>
            %or3A_524 = arith.ori %or3A_496, %and3A_523 : vector<16xi1>
            %add3A_525 = arith.constant 30720 : i32
            %add3A_526 = vector.broadcast %add3A_525 : i32 to vector<16xi32>
            %add3A_527 = arith.addi %get3A_169, %add3A_526 : vector<16xi32>
            %gather3A_528 = tpu.vector_load_idx %arg8[%add3A_527] masked %while3A_440 : memref<40960xi32, #tpu.memory_space<vmem>>[vector<16xi32>], vector<16xi32>, vector<16xi1>
            %bitcast3A_529 = vector.bitcast %gather3A_528 : vector<16xi32> to vector<32xbf16>
            %bitcast3A_530 = vector.bitcast %bitcast3A_233 : vector<16xi32> to vector<32xbf16>
            %min3A_531 = arith.minimumf %bitcast3A_529, %bitcast3A_530 : vector<32xbf16>
            %bitcast3A_532 = vector.bitcast %min3A_531 : vector<32xbf16> to vector<16xi32>
            tpu.vector_store_idx %arg8[%add3A_527], %bitcast3A_532 masked %while3A_440 : memref<40960xi32, #tpu.memory_space<vmem>>[vector<16xi32>], vector<16xi32>, vector<16xi1>
            %gather3A_533 = tpu.vector_load_idx %arg8[%add3A_527] masked %while3A_440 : memref<40960xi32, #tpu.memory_space<vmem>>[vector<16xi32>], vector<16xi32>, vector<16xi1>
            %shift_left3A_534 = arith.constant 16 : i32
            %shift_left3A_535 = vector.broadcast %shift_left3A_534 : i32 to vector<16xi32>
            %shift_left3A_536 = arith.shli %gather3A_533, %shift_left3A_535 : vector<16xi32>
            %bitcast_convert_type3A_537 = tpu.bitcast %shift_left3A_536 : vector<16xi32> -> vector<16xf32>
            %and3A_538 = vector.broadcast %scan3A_26 : i32 to vector<16xi32>
            %and3A_539 = arith.andi %gather3A_533, %and3A_538 : vector<16xi32>
            %bitcast_convert_type3A_540 = tpu.bitcast %and3A_539 : vector<16xi32> -> vector<16xf32>
            %shift_left3A_541 = arith.constant 16 : i32
            %shift_left3A_542 = vector.broadcast %shift_left3A_541 : i32 to vector<16xi32>
            %shift_left3A_543 = arith.shli %bitcast3A_532, %shift_left3A_542 : vector<16xi32>
            %bitcast_convert_type3A_544 = tpu.bitcast %shift_left3A_543 : vector<16xi32> -> vector<16xf32>
            %and3A_545 = vector.broadcast %scan3A_26 : i32 to vector<16xi32>
            %and3A_546 = arith.andi %bitcast3A_532, %and3A_545 : vector<16xi32>
            %bitcast_convert_type3A_547 = tpu.bitcast %and3A_546 : vector<16xi32> -> vector<16xf32>
            %gt3A_548 = arith.cmpf ogt, %bitcast_convert_type3A_537, %bitcast_convert_type3A_544 : vector<16xf32>
            %gt3A_549 = arith.cmpf ogt, %bitcast_convert_type3A_540, %bitcast_convert_type3A_547 : vector<16xf32>
            %or3A_550 = arith.ori %gt3A_548, %gt3A_549 : vector<16xi1>
            %and3A_551 = arith.andi %while3A_440, %or3A_550 : vector<16xi1>
            %or3A_552 = arith.ori %or3A_524, %and3A_551 : vector<16xi1>
            scf.yield %or3A_552 : vector<16xi1>
          }
          %broadcast_in_dim3A_433 = arith.constant true
          %broadcast_in_dim3A_434 = vector.broadcast %broadcast_in_dim3A_433 : i1 to vector<16xi1>
          %while3A_435 = scf.while (%while3A_440 = %broadcast_in_dim3A_434) : (vector<16xi1>) -> vector<16xi1> {
            %all_reduce_population_count3A_441 = tpu.all_reduce %while3A_440 {dim = 0 : i64, kind = #tpu.reduction_kind<sum>} : vector<16xi1> -> vector<16xi32>
            %slice3A_442 = vector.extract_strided_slice %all_reduce_population_count3A_441 {offsets = [0], sizes = [1], strides = [1]} : vector<16xi32> to vector<1xi32>
            %squeeze3A_443 = vector.extract %slice3A_442[0] : i32 from vector<1xi32>
            %gt3A = arith.constant 0 : i32
            %gt3A_444 = arith.cmpi sgt, %squeeze3A_443, %gt3A : i32
            scf.condition(%gt3A_444) %while3A_440 : vector<16xi1>
          } do {
          ^bb0(%while3A_440: vector<16xi1>):
            %broadcast_in_dim3A_441 = arith.constant false
            %broadcast_in_dim3A_442 = vector.broadcast %broadcast_in_dim3A_441 : i1 to vector<16xi1>
            %add3A_443 = arith.constant 0 : i32
            %add3A_444 = vector.broadcast %add3A_443 : i32 to vector<16xi32>
            %add3A_445 = arith.addi %get3A_245, %add3A_444 : vector<16xi32>
            %gather3A_446 = tpu.vector_load_idx %arg8[%add3A_445] masked %while3A_440 : memref<40960xi32, #tpu.memory_space<vmem>>[vector<16xi32>], vector<16xi32>, vector<16xi1>
            %bitcast3A_447 = vector.bitcast %gather3A_446 : vector<16xi32> to vector<32xbf16>
            %bitcast3A_448 = vector.bitcast %bitcast3A_264 : vector<16xi32> to vector<32xbf16>
            %min3A = arith.minimumf %bitcast3A_447, %bitcast3A_448 : vector<32xbf16>
            %bitcast3A_449 = vector.bitcast %min3A : vector<32xbf16> to vector<16xi32>
            tpu.vector_store_idx %arg8[%add3A_445], %bitcast3A_449 masked %while3A_440 : memref<40960xi32, #tpu.memory_space<vmem>>[vector<16xi32>], vector<16xi32>, vector<16xi1>
            %gather3A_450 = tpu.vector_load_idx %arg8[%add3A_445] masked %while3A_440 : memref<40960xi32, #tpu.memory_space<vmem>>[vector<16xi32>], vector<16xi32>, vector<16xi1>
            %shift_left3A_451 = arith.constant 16 : i32
            %shift_left3A_452 = vector.broadcast %shift_left3A_451 : i32 to vector<16xi32>
            %shift_left3A_453 = arith.shli %gather3A_450, %shift_left3A_452 : vector<16xi32>
            %bitcast_convert_type3A_454 = tpu.bitcast %shift_left3A_453 : vector<16xi32> -> vector<16xf32>
            %and3A_455 = vector.broadcast %scan3A_26 : i32 to vector<16xi32>
            %and3A_456 = arith.andi %gather3A_450, %and3A_455 : vector<16xi32>
            %bitcast_convert_type3A_457 = tpu.bitcast %and3A_456 : vector<16xi32> -> vector<16xf32>
            %shift_left3A_458 = arith.constant 16 : i32
            %shift_left3A_459 = vector.broadcast %shift_left3A_458 : i32 to vector<16xi32>
            %shift_left3A_460 = arith.shli %bitcast3A_449, %shift_left3A_459 : vector<16xi32>
            %bitcast_convert_type3A_461 = tpu.bitcast %shift_left3A_460 : vector<16xi32> -> vector<16xf32>
            %and3A_462 = vector.broadcast %scan3A_26 : i32 to vector<16xi32>
            %and3A_463 = arith.andi %bitcast3A_449, %and3A_462 : vector<16xi32>
            %bitcast_convert_type3A_464 = tpu.bitcast %and3A_463 : vector<16xi32> -> vector<16xf32>
            %gt3A = arith.cmpf ogt, %bitcast_convert_type3A_454, %bitcast_convert_type3A_461 : vector<16xf32>
            %gt3A_465 = arith.cmpf ogt, %bitcast_convert_type3A_457, %bitcast_convert_type3A_464 : vector<16xf32>
            %or3A_466 = arith.ori %gt3A, %gt3A_465 : vector<16xi1>
            %and3A_467 = arith.andi %while3A_440, %or3A_466 : vector<16xi1>
            %or3A_468 = arith.ori %broadcast_in_dim3A_442, %and3A_467 : vector<16xi1>
            %add3A_469 = arith.constant 10240 : i32
            %add3A_470 = vector.broadcast %add3A_469 : i32 to vector<16xi32>
            %add3A_471 = arith.addi %get3A_245, %add3A_470 : vector<16xi32>
            %gather3A_472 = tpu.vector_load_idx %arg8[%add3A_471] masked %while3A_440 : memref<40960xi32, #tpu.memory_space<vmem>>[vector<16xi32>], vector<16xi32>, vector<16xi1>
            %bitcast3A_473 = vector.bitcast %gather3A_472 : vector<16xi32> to vector<32xbf16>
            %bitcast3A_474 = vector.bitcast %bitcast3A_279 : vector<16xi32> to vector<32xbf16>
            %min3A_475 = arith.minimumf %bitcast3A_473, %bitcast3A_474 : vector<32xbf16>
            %bitcast3A_476 = vector.bitcast %min3A_475 : vector<32xbf16> to vector<16xi32>
            tpu.vector_store_idx %arg8[%add3A_471], %bitcast3A_476 masked %while3A_440 : memref<40960xi32, #tpu.memory_space<vmem>>[vector<16xi32>], vector<16xi32>, vector<16xi1>
            %gather3A_477 = tpu.vector_load_idx %arg8[%add3A_471] masked %while3A_440 : memref<40960xi32, #tpu.memory_space<vmem>>[vector<16xi32>], vector<16xi32>, vector<16xi1>
            %shift_left3A_478 = arith.constant 16 : i32
            %shift_left3A_479 = vector.broadcast %shift_left3A_478 : i32 to vector<16xi32>
            %shift_left3A_480 = arith.shli %gather3A_477, %shift_left3A_479 : vector<16xi32>
            %bitcast_convert_type3A_481 = tpu.bitcast %shift_left3A_480 : vector<16xi32> -> vector<16xf32>
            %and3A_482 = vector.broadcast %scan3A_26 : i32 to vector<16xi32>
            %and3A_483 = arith.andi %gather3A_477, %and3A_482 : vector<16xi32>
            %bitcast_convert_type3A_484 = tpu.bitcast %and3A_483 : vector<16xi32> -> vector<16xf32>
            %shift_left3A_485 = arith.constant 16 : i32
            %shift_left3A_486 = vector.broadcast %shift_left3A_485 : i32 to vector<16xi32>
            %shift_left3A_487 = arith.shli %bitcast3A_476, %shift_left3A_486 : vector<16xi32>
            %bitcast_convert_type3A_488 = tpu.bitcast %shift_left3A_487 : vector<16xi32> -> vector<16xf32>
            %and3A_489 = vector.broadcast %scan3A_26 : i32 to vector<16xi32>
            %and3A_490 = arith.andi %bitcast3A_476, %and3A_489 : vector<16xi32>
            %bitcast_convert_type3A_491 = tpu.bitcast %and3A_490 : vector<16xi32> -> vector<16xf32>
            %gt3A_492 = arith.cmpf ogt, %bitcast_convert_type3A_481, %bitcast_convert_type3A_488 : vector<16xf32>
            %gt3A_493 = arith.cmpf ogt, %bitcast_convert_type3A_484, %bitcast_convert_type3A_491 : vector<16xf32>
            %or3A_494 = arith.ori %gt3A_492, %gt3A_493 : vector<16xi1>
            %and3A_495 = arith.andi %while3A_440, %or3A_494 : vector<16xi1>
            %or3A_496 = arith.ori %or3A_468, %and3A_495 : vector<16xi1>
            %add3A_497 = arith.constant 20480 : i32
            %add3A_498 = vector.broadcast %add3A_497 : i32 to vector<16xi32>
            %add3A_499 = arith.addi %get3A_245, %add3A_498 : vector<16xi32>
            %gather3A_500 = tpu.vector_load_idx %arg8[%add3A_499] masked %while3A_440 : memref<40960xi32, #tpu.memory_space<vmem>>[vector<16xi32>], vector<16xi32>, vector<16xi1>
            %bitcast3A_501 = vector.bitcast %gather3A_500 : vector<16xi32> to vector<32xbf16>
            %bitcast3A_502 = vector.bitcast %bitcast3A_294 : vector<16xi32> to vector<32xbf16>
            %min3A_503 = arith.minimumf %bitcast3A_501, %bitcast3A_502 : vector<32xbf16>
            %bitcast3A_504 = vector.bitcast %min3A_503 : vector<32xbf16> to vector<16xi32>
            tpu.vector_store_idx %arg8[%add3A_499], %bitcast3A_504 masked %while3A_440 : memref<40960xi32, #tpu.memory_space<vmem>>[vector<16xi32>], vector<16xi32>, vector<16xi1>
            %gather3A_505 = tpu.vector_load_idx %arg8[%add3A_499] masked %while3A_440 : memref<40960xi32, #tpu.memory_space<vmem>>[vector<16xi32>], vector<16xi32>, vector<16xi1>
            %shift_left3A_506 = arith.constant 16 : i32
            %shift_left3A_507 = vector.broadcast %shift_left3A_506 : i32 to vector<16xi32>
            %shift_left3A_508 = arith.shli %gather3A_505, %shift_left3A_507 : vector<16xi32>
            %bitcast_convert_type3A_509 = tpu.bitcast %shift_left3A_508 : vector<16xi32> -> vector<16xf32>
            %and3A_510 = vector.broadcast %scan3A_26 : i32 to vector<16xi32>
            %and3A_511 = arith.andi %gather3A_505, %and3A_510 : vector<16xi32>
            %bitcast_convert_type3A_512 = tpu.bitcast %and3A_511 : vector<16xi32> -> vector<16xf32>
            %shift_left3A_513 = arith.constant 16 : i32
            %shift_left3A_514 = vector.broadcast %shift_left3A_513 : i32 to vector<16xi32>
            %shift_left3A_515 = arith.shli %bitcast3A_504, %shift_left3A_514 : vector<16xi32>
            %bitcast_convert_type3A_516 = tpu.bitcast %shift_left3A_515 : vector<16xi32> -> vector<16xf32>
            %and3A_517 = vector.broadcast %scan3A_26 : i32 to vector<16xi32>
            %and3A_518 = arith.andi %bitcast3A_504, %and3A_517 : vector<16xi32>
            %bitcast_convert_type3A_519 = tpu.bitcast %and3A_518 : vector<16xi32> -> vector<16xf32>
            %gt3A_520 = arith.cmpf ogt, %bitcast_convert_type3A_509, %bitcast_convert_type3A_516 : vector<16xf32>
            %gt3A_521 = arith.cmpf ogt, %bitcast_convert_type3A_512, %bitcast_convert_type3A_519 : vector<16xf32>
            %or3A_522 = arith.ori %gt3A_520, %gt3A_521 : vector<16xi1>
            %and3A_523 = arith.andi %while3A_440, %or3A_522 : vector<16xi1>
            %or3A_524 = arith.ori %or3A_496, %and3A_523 : vector<16xi1>
            %add3A_525 = arith.constant 30720 : i32
            %add3A_526 = vector.broadcast %add3A_525 : i32 to vector<16xi32>
            %add3A_527 = arith.addi %get3A_245, %add3A_526 : vector<16xi32>
            %gather3A_528 = tpu.vector_load_idx %arg8[%add3A_527] masked %while3A_440 : memref<40960xi32, #tpu.memory_space<vmem>>[vector<16xi32>], vector<16xi32>, vector<16xi1>
            %bitcast3A_529 = vector.bitcast %gather3A_528 : vector<16xi32> to vector<32xbf16>
            %bitcast3A_530 = vector.bitcast %bitcast3A_309 : vector<16xi32> to vector<32xbf16>
            %min3A_531 = arith.minimumf %bitcast3A_529, %bitcast3A_530 : vector<32xbf16>
            %bitcast3A_532 = vector.bitcast %min3A_531 : vector<32xbf16> to vector<16xi32>
            tpu.vector_store_idx %arg8[%add3A_527], %bitcast3A_532 masked %while3A_440 : memref<40960xi32, #tpu.memory_space<vmem>>[vector<16xi32>], vector<16xi32>, vector<16xi1>
            %gather3A_533 = tpu.vector_load_idx %arg8[%add3A_527] masked %while3A_440 : memref<40960xi32, #tpu.memory_space<vmem>>[vector<16xi32>], vector<16xi32>, vector<16xi1>
            %shift_left3A_534 = arith.constant 16 : i32
            %shift_left3A_535 = vector.broadcast %shift_left3A_534 : i32 to vector<16xi32>
            %shift_left3A_536 = arith.shli %gather3A_533, %shift_left3A_535 : vector<16xi32>
            %bitcast_convert_type3A_537 = tpu.bitcast %shift_left3A_536 : vector<16xi32> -> vector<16xf32>
            %and3A_538 = vector.broadcast %scan3A_26 : i32 to vector<16xi32>
            %and3A_539 = arith.andi %gather3A_533, %and3A_538 : vector<16xi32>
            %bitcast_convert_type3A_540 = tpu.bitcast %and3A_539 : vector<16xi32> -> vector<16xf32>
            %shift_left3A_541 = arith.constant 16 : i32
            %shift_left3A_542 = vector.broadcast %shift_left3A_541 : i32 to vector<16xi32>
            %shift_left3A_543 = arith.shli %bitcast3A_532, %shift_left3A_542 : vector<16xi32>
            %bitcast_convert_type3A_544 = tpu.bitcast %shift_left3A_543 : vector<16xi32> -> vector<16xf32>
            %and3A_545 = vector.broadcast %scan3A_26 : i32 to vector<16xi32>
            %and3A_546 = arith.andi %bitcast3A_532, %and3A_545 : vector<16xi32>
            %bitcast_convert_type3A_547 = tpu.bitcast %and3A_546 : vector<16xi32> -> vector<16xf32>
            %gt3A_548 = arith.cmpf ogt, %bitcast_convert_type3A_537, %bitcast_convert_type3A_544 : vector<16xf32>
            %gt3A_549 = arith.cmpf ogt, %bitcast_convert_type3A_540, %bitcast_convert_type3A_547 : vector<16xf32>
            %or3A_550 = arith.ori %gt3A_548, %gt3A_549 : vector<16xi1>
            %and3A_551 = arith.andi %while3A_440, %or3A_550 : vector<16xi1>
            %or3A_552 = arith.ori %or3A_524, %and3A_551 : vector<16xi1>
            scf.yield %or3A_552 : vector<16xi1>
          }
          %broadcast_in_dim3A_436 = arith.constant true
          %broadcast_in_dim3A_437 = vector.broadcast %broadcast_in_dim3A_436 : i1 to vector<16xi1>
          %while3A_438 = scf.while (%while3A_440 = %broadcast_in_dim3A_437) : (vector<16xi1>) -> vector<16xi1> {
            %all_reduce_population_count3A_441 = tpu.all_reduce %while3A_440 {dim = 0 : i64, kind = #tpu.reduction_kind<sum>} : vector<16xi1> -> vector<16xi32>
            %slice3A_442 = vector.extract_strided_slice %all_reduce_population_count3A_441 {offsets = [0], sizes = [1], strides = [1]} : vector<16xi32> to vector<1xi32>
            %squeeze3A_443 = vector.extract %slice3A_442[0] : i32 from vector<1xi32>
            %gt3A = arith.constant 0 : i32
            %gt3A_444 = arith.cmpi sgt, %squeeze3A_443, %gt3A : i32
            scf.condition(%gt3A_444) %while3A_440 : vector<16xi1>
          } do {
          ^bb0(%while3A_440: vector<16xi1>):
            %broadcast_in_dim3A_441 = arith.constant false
            %broadcast_in_dim3A_442 = vector.broadcast %broadcast_in_dim3A_441 : i1 to vector<16xi1>
            %add3A_443 = arith.constant 0 : i32
            %add3A_444 = vector.broadcast %add3A_443 : i32 to vector<16xi32>
            %add3A_445 = arith.addi %get3A_321, %add3A_444 : vector<16xi32>
            %gather3A_446 = tpu.vector_load_idx %arg8[%add3A_445] masked %while3A_440 : memref<40960xi32, #tpu.memory_space<vmem>>[vector<16xi32>], vector<16xi32>, vector<16xi1>
            %bitcast3A_447 = vector.bitcast %gather3A_446 : vector<16xi32> to vector<32xbf16>
            %bitcast3A_448 = vector.bitcast %bitcast3A_340 : vector<16xi32> to vector<32xbf16>
            %min3A = arith.minimumf %bitcast3A_447, %bitcast3A_448 : vector<32xbf16>
            %bitcast3A_449 = vector.bitcast %min3A : vector<32xbf16> to vector<16xi32>
            tpu.vector_store_idx %arg8[%add3A_445], %bitcast3A_449 masked %while3A_440 : memref<40960xi32, #tpu.memory_space<vmem>>[vector<16xi32>], vector<16xi32>, vector<16xi1>
            %gather3A_450 = tpu.vector_load_idx %arg8[%add3A_445] masked %while3A_440 : memref<40960xi32, #tpu.memory_space<vmem>>[vector<16xi32>], vector<16xi32>, vector<16xi1>
            %shift_left3A_451 = arith.constant 16 : i32
            %shift_left3A_452 = vector.broadcast %shift_left3A_451 : i32 to vector<16xi32>
            %shift_left3A_453 = arith.shli %gather3A_450, %shift_left3A_452 : vector<16xi32>
            %bitcast_convert_type3A_454 = tpu.bitcast %shift_left3A_453 : vector<16xi32> -> vector<16xf32>
            %and3A_455 = vector.broadcast %scan3A_26 : i32 to vector<16xi32>
            %and3A_456 = arith.andi %gather3A_450, %and3A_455 : vector<16xi32>
            %bitcast_convert_type3A_457 = tpu.bitcast %and3A_456 : vector<16xi32> -> vector<16xf32>
            %shift_left3A_458 = arith.constant 16 : i32
            %shift_left3A_459 = vector.broadcast %shift_left3A_458 : i32 to vector<16xi32>
            %shift_left3A_460 = arith.shli %bitcast3A_449, %shift_left3A_459 : vector<16xi32>
            %bitcast_convert_type3A_461 = tpu.bitcast %shift_left3A_460 : vector<16xi32> -> vector<16xf32>
            %and3A_462 = vector.broadcast %scan3A_26 : i32 to vector<16xi32>
            %and3A_463 = arith.andi %bitcast3A_449, %and3A_462 : vector<16xi32>
            %bitcast_convert_type3A_464 = tpu.bitcast %and3A_463 : vector<16xi32> -> vector<16xf32>
            %gt3A = arith.cmpf ogt, %bitcast_convert_type3A_454, %bitcast_convert_type3A_461 : vector<16xf32>
            %gt3A_465 = arith.cmpf ogt, %bitcast_convert_type3A_457, %bitcast_convert_type3A_464 : vector<16xf32>
            %or3A_466 = arith.ori %gt3A, %gt3A_465 : vector<16xi1>
            %and3A_467 = arith.andi %while3A_440, %or3A_466 : vector<16xi1>
            %or3A_468 = arith.ori %broadcast_in_dim3A_442, %and3A_467 : vector<16xi1>
            %add3A_469 = arith.constant 10240 : i32
            %add3A_470 = vector.broadcast %add3A_469 : i32 to vector<16xi32>
            %add3A_471 = arith.addi %get3A_321, %add3A_470 : vector<16xi32>
            %gather3A_472 = tpu.vector_load_idx %arg8[%add3A_471] masked %while3A_440 : memref<40960xi32, #tpu.memory_space<vmem>>[vector<16xi32>], vector<16xi32>, vector<16xi1>
            %bitcast3A_473 = vector.bitcast %gather3A_472 : vector<16xi32> to vector<32xbf16>
            %bitcast3A_474 = vector.bitcast %bitcast3A_355 : vector<16xi32> to vector<32xbf16>
            %min3A_475 = arith.minimumf %bitcast3A_473, %bitcast3A_474 : vector<32xbf16>
            %bitcast3A_476 = vector.bitcast %min3A_475 : vector<32xbf16> to vector<16xi32>
            tpu.vector_store_idx %arg8[%add3A_471], %bitcast3A_476 masked %while3A_440 : memref<40960xi32, #tpu.memory_space<vmem>>[vector<16xi32>], vector<16xi32>, vector<16xi1>
            %gather3A_477 = tpu.vector_load_idx %arg8[%add3A_471] masked %while3A_440 : memref<40960xi32, #tpu.memory_space<vmem>>[vector<16xi32>], vector<16xi32>, vector<16xi1>
            %shift_left3A_478 = arith.constant 16 : i32
            %shift_left3A_479 = vector.broadcast %shift_left3A_478 : i32 to vector<16xi32>
            %shift_left3A_480 = arith.shli %gather3A_477, %shift_left3A_479 : vector<16xi32>
            %bitcast_convert_type3A_481 = tpu.bitcast %shift_left3A_480 : vector<16xi32> -> vector<16xf32>
            %and3A_482 = vector.broadcast %scan3A_26 : i32 to vector<16xi32>
            %and3A_483 = arith.andi %gather3A_477, %and3A_482 : vector<16xi32>
            %bitcast_convert_type3A_484 = tpu.bitcast %and3A_483 : vector<16xi32> -> vector<16xf32>
            %shift_left3A_485 = arith.constant 16 : i32
            %shift_left3A_486 = vector.broadcast %shift_left3A_485 : i32 to vector<16xi32>
            %shift_left3A_487 = arith.shli %bitcast3A_476, %shift_left3A_486 : vector<16xi32>
            %bitcast_convert_type3A_488 = tpu.bitcast %shift_left3A_487 : vector<16xi32> -> vector<16xf32>
            %and3A_489 = vector.broadcast %scan3A_26 : i32 to vector<16xi32>
            %and3A_490 = arith.andi %bitcast3A_476, %and3A_489 : vector<16xi32>
            %bitcast_convert_type3A_491 = tpu.bitcast %and3A_490 : vector<16xi32> -> vector<16xf32>
            %gt3A_492 = arith.cmpf ogt, %bitcast_convert_type3A_481, %bitcast_convert_type3A_488 : vector<16xf32>
            %gt3A_493 = arith.cmpf ogt, %bitcast_convert_type3A_484, %bitcast_convert_type3A_491 : vector<16xf32>
            %or3A_494 = arith.ori %gt3A_492, %gt3A_493 : vector<16xi1>
            %and3A_495 = arith.andi %while3A_440, %or3A_494 : vector<16xi1>
            %or3A_496 = arith.ori %or3A_468, %and3A_495 : vector<16xi1>
            %add3A_497 = arith.constant 20480 : i32
            %add3A_498 = vector.broadcast %add3A_497 : i32 to vector<16xi32>
            %add3A_499 = arith.addi %get3A_321, %add3A_498 : vector<16xi32>
            %gather3A_500 = tpu.vector_load_idx %arg8[%add3A_499] masked %while3A_440 : memref<40960xi32, #tpu.memory_space<vmem>>[vector<16xi32>], vector<16xi32>, vector<16xi1>
            %bitcast3A_501 = vector.bitcast %gather3A_500 : vector<16xi32> to vector<32xbf16>
            %bitcast3A_502 = vector.bitcast %bitcast3A_370 : vector<16xi32> to vector<32xbf16>
            %min3A_503 = arith.minimumf %bitcast3A_501, %bitcast3A_502 : vector<32xbf16>
            %bitcast3A_504 = vector.bitcast %min3A_503 : vector<32xbf16> to vector<16xi32>
            tpu.vector_store_idx %arg8[%add3A_499], %bitcast3A_504 masked %while3A_440 : memref<40960xi32, #tpu.memory_space<vmem>>[vector<16xi32>], vector<16xi32>, vector<16xi1>
            %gather3A_505 = tpu.vector_load_idx %arg8[%add3A_499] masked %while3A_440 : memref<40960xi32, #tpu.memory_space<vmem>>[vector<16xi32>], vector<16xi32>, vector<16xi1>
            %shift_left3A_506 = arith.constant 16 : i32
            %shift_left3A_507 = vector.broadcast %shift_left3A_506 : i32 to vector<16xi32>
            %shift_left3A_508 = arith.shli %gather3A_505, %shift_left3A_507 : vector<16xi32>
            %bitcast_convert_type3A_509 = tpu.bitcast %shift_left3A_508 : vector<16xi32> -> vector<16xf32>
            %and3A_510 = vector.broadcast %scan3A_26 : i32 to vector<16xi32>
            %and3A_511 = arith.andi %gather3A_505, %and3A_510 : vector<16xi32>
            %bitcast_convert_type3A_512 = tpu.bitcast %and3A_511 : vector<16xi32> -> vector<16xf32>
            %shift_left3A_513 = arith.constant 16 : i32
            %shift_left3A_514 = vector.broadcast %shift_left3A_513 : i32 to vector<16xi32>
            %shift_left3A_515 = arith.shli %bitcast3A_504, %shift_left3A_514 : vector<16xi32>
            %bitcast_convert_type3A_516 = tpu.bitcast %shift_left3A_515 : vector<16xi32> -> vector<16xf32>
            %and3A_517 = vector.broadcast %scan3A_26 : i32 to vector<16xi32>
            %and3A_518 = arith.andi %bitcast3A_504, %and3A_517 : vector<16xi32>
            %bitcast_convert_type3A_519 = tpu.bitcast %and3A_518 : vector<16xi32> -> vector<16xf32>
            %gt3A_520 = arith.cmpf ogt, %bitcast_convert_type3A_509, %bitcast_convert_type3A_516 : vector<16xf32>
            %gt3A_521 = arith.cmpf ogt, %bitcast_convert_type3A_512, %bitcast_convert_type3A_519 : vector<16xf32>
            %or3A_522 = arith.ori %gt3A_520, %gt3A_521 : vector<16xi1>
            %and3A_523 = arith.andi %while3A_440, %or3A_522 : vector<16xi1>
            %or3A_524 = arith.ori %or3A_496, %and3A_523 : vector<16xi1>
            %add3A_525 = arith.constant 30720 : i32
            %add3A_526 = vector.broadcast %add3A_525 : i32 to vector<16xi32>
            %add3A_527 = arith.addi %get3A_321, %add3A_526 : vector<16xi32>
            %gather3A_528 = tpu.vector_load_idx %arg8[%add3A_527] masked %while3A_440 : memref<40960xi32, #tpu.memory_space<vmem>>[vector<16xi32>], vector<16xi32>, vector<16xi1>
            %bitcast3A_529 = vector.bitcast %gather3A_528 : vector<16xi32> to vector<32xbf16>
            %bitcast3A_530 = vector.bitcast %bitcast3A_385 : vector<16xi32> to vector<32xbf16>
            %min3A_531 = arith.minimumf %bitcast3A_529, %bitcast3A_530 : vector<32xbf16>
            %bitcast3A_532 = vector.bitcast %min3A_531 : vector<32xbf16> to vector<16xi32>
            tpu.vector_store_idx %arg8[%add3A_527], %bitcast3A_532 masked %while3A_440 : memref<40960xi32, #tpu.memory_space<vmem>>[vector<16xi32>], vector<16xi32>, vector<16xi1>
            %gather3A_533 = tpu.vector_load_idx %arg8[%add3A_527] masked %while3A_440 : memref<40960xi32, #tpu.memory_space<vmem>>[vector<16xi32>], vector<16xi32>, vector<16xi1>
            %shift_left3A_534 = arith.constant 16 : i32
            %shift_left3A_535 = vector.broadcast %shift_left3A_534 : i32 to vector<16xi32>
            %shift_left3A_536 = arith.shli %gather3A_533, %shift_left3A_535 : vector<16xi32>
            %bitcast_convert_type3A_537 = tpu.bitcast %shift_left3A_536 : vector<16xi32> -> vector<16xf32>
            %and3A_538 = vector.broadcast %scan3A_26 : i32 to vector<16xi32>
            %and3A_539 = arith.andi %gather3A_533, %and3A_538 : vector<16xi32>
            %bitcast_convert_type3A_540 = tpu.bitcast %and3A_539 : vector<16xi32> -> vector<16xf32>
            %shift_left3A_541 = arith.constant 16 : i32
            %shift_left3A_542 = vector.broadcast %shift_left3A_541 : i32 to vector<16xi32>
            %shift_left3A_543 = arith.shli %bitcast3A_532, %shift_left3A_542 : vector<16xi32>
            %bitcast_convert_type3A_544 = tpu.bitcast %shift_left3A_543 : vector<16xi32> -> vector<16xf32>
            %and3A_545 = vector.broadcast %scan3A_26 : i32 to vector<16xi32>
            %and3A_546 = arith.andi %bitcast3A_532, %and3A_545 : vector<16xi32>
            %bitcast_convert_type3A_547 = tpu.bitcast %and3A_546 : vector<16xi32> -> vector<16xf32>
            %gt3A_548 = arith.cmpf ogt, %bitcast_convert_type3A_537, %bitcast_convert_type3A_544 : vector<16xf32>
            %gt3A_549 = arith.cmpf ogt, %bitcast_convert_type3A_540, %bitcast_convert_type3A_547 : vector<16xf32>
            %or3A_550 = arith.ori %gt3A_548, %gt3A_549 : vector<16xi1>
            %and3A_551 = arith.andi %while3A_440, %or3A_550 : vector<16xi1>
            %or3A_552 = arith.ori %or3A_524, %and3A_551 : vector<16xi1>
            scf.yield %or3A_552 : vector<16xi1>
          }
          %cond3A_439 = arith.constant 0 : i32
          scf.yield %cond3A_439 : i32
        }
      }
      %scan3A_80 = arith.constant 50 : i32
      %add3A_81 = arith.constant 2 : i32
      %add3A_82 = arith.addi %add3A_65, %add3A_81 : i32
      %lt3A_83 = arith.constant 50 : i32
      %lt3A_84 = arith.cmpi slt, %add3A_82, %lt3A_83 : i32
      %convert_element_type3A_85 = arith.extui %lt3A_84 : i1 to i32
      %cond3A_86 = arith.constant 0 : i32
      %cond3A_87 = arith.cmpi ne, %convert_element_type3A_85, %cond3A_86 : i32
      scf.if %cond3A_87 {
        %mul3A_88 = arith.constant 3200 : i32
        %mul3A_89 = arith.muli %add3A_82, %mul3A_88 : i32
        %add3A_90 = arith.addi %mul3A_10, %mul3A_89 : i32
        %dma_start3A_91 = tpu.memref_slice %arg2[%add3A_90] : memref<320000xi32, #tpu.memory_space<hbm>> -> memref<3200xi32, #tpu.memory_space<hbm>>
        %dma_start3A_92 = tpu.memref_slice %arg2[%add3A_90] : memref<320000xi32, #tpu.memory_space<hbm>> -> memref<3200xi32, #tpu.memory_space<hbm>>
        tpu.enqueue_dma source(%dma_start3A_92 : memref<3200xi32, #tpu.memory_space<hbm>>) target(%arg13 : memref<3200xi32, #tpu.memory_space<vmem>>) target_semaphore(%arg17 : memref<!tpu.dma_semaphore, #tpu.memory_space<semaphore_mem>>)
        %dma_start3A_93 = tpu.memref_slice %arg3[%add3A_90] : memref<320000xi32, #tpu.memory_space<hbm>> -> memref<3200xi32, #tpu.memory_space<hbm>>
        %dma_start3A_94 = tpu.memref_slice %arg3[%add3A_90] : memref<320000xi32, #tpu.memory_space<hbm>> -> memref<3200xi32, #tpu.memory_space<hbm>>
        tpu.enqueue_dma source(%dma_start3A_94 : memref<3200xi32, #tpu.memory_space<hbm>>) target(%arg14 : memref<3200xi32, #tpu.memory_space<vmem>>) target_semaphore(%arg17 : memref<!tpu.dma_semaphore, #tpu.memory_space<semaphore_mem>>)
        %dma_start3A_95 = tpu.memref_slice %arg4[%add3A_90] : memref<320000xf32, #tpu.memory_space<hbm>> -> memref<3200xf32, #tpu.memory_space<hbm>>
        %dma_start3A_96 = tpu.memref_slice %arg4[%add3A_90] : memref<320000xf32, #tpu.memory_space<hbm>> -> memref<3200xf32, #tpu.memory_space<hbm>>
        tpu.enqueue_dma source(%dma_start3A_96 : memref<3200xf32, #tpu.memory_space<hbm>>) target(%arg15 : memref<3200xf32, #tpu.memory_space<vmem>>) target_semaphore(%arg17 : memref<!tpu.dma_semaphore, #tpu.memory_space<semaphore_mem>>)
      } else {
      }
    }
    %scan3A_31 = arith.constant 25 : i32
    %mul3A_32 = arith.constant 16 : i32
    %mul3A_33 = arith.muli %arg0, %mul3A_32 : i32
    %add3A_34 = arith.addi %mul3A_33, %arg1 : i32
    %mul3A_35 = arith.constant 4 : i32
    %mul3A_36 = arith.muli %add3A_34, %mul3A_35 : i32
    %mul3A_37 = arith.constant 10240 : i32
    %mul3A_38 = arith.muli %mul3A_36, %mul3A_37 : i32
    "tpu.region"() ({
      %run_scoped3A = tpu.sem_alloc : memref<!tpu.dma_semaphore, #tpu.memory_space<semaphore_mem>>
      %dma_start3A_39 = tpu.memref_slice %arg6[%mul3A_38] : memref<1310720xi32, #tpu.memory_space<hbm>> -> memref<40960xi32, #tpu.memory_space<hbm>>
      %dma_start3A_40 = tpu.memref_slice %arg6[%mul3A_38] : memref<1310720xi32, #tpu.memory_space<hbm>> -> memref<40960xi32, #tpu.memory_space<hbm>>
      tpu.enqueue_dma source(%arg8 : memref<40960xi32, #tpu.memory_space<vmem>>) target(%dma_start3A_40 : memref<40960xi32, #tpu.memory_space<hbm>>) target_semaphore(%run_scoped3A : memref<!tpu.dma_semaphore, #tpu.memory_space<semaphore_mem>>)
      %dma_wait3A = tpu.memref_slice %arg6[%mul3A_38] : memref<1310720xi32, #tpu.memory_space<hbm>> -> memref<40960xi32, #tpu.memory_space<hbm>>
      %dma_wait3A_41 = tpu.memref_slice %arg6[%mul3A_38] : memref<1310720xi32, #tpu.memory_space<hbm>> -> memref<40960xi32, #tpu.memory_space<hbm>>
      tpu.wait_dma2 semaphore(%run_scoped3A : memref<!tpu.dma_semaphore, #tpu.memory_space<semaphore_mem>>) src(%arg8 : memref<40960xi32, #tpu.memory_space<vmem>>) dst(%dma_wait3A_41 : memref<40960xi32, #tpu.memory_space<hbm>>)
      tpu.yield
    }) : () -> ()
    return
  }
}

#map = affine_map<(d0, d1) -> (0)>
module attributes {stable_mosaic.version = 14 : i64} {
  func.func @_segsum_body(%arg0: i32, %arg1: i32, %arg2: memref<320000xi32, #tpu.memory_space<hbm>>, %arg3: memref<320000xi32, #tpu.memory_space<hbm>>, %arg4: memref<10000xf32, #tpu.memory_space<hbm>>, %arg5: memref<10240xf32, #tpu.memory_space<hbm>>, %arg6: memref<20480xf32, #tpu.memory_space<hbm>>, %arg7: memref<10000xf32, #tpu.memory_space<vmem>>, %arg8: memref<2000xi32, #tpu.memory_space<vmem>>, %arg9: memref<2000xi32, #tpu.memory_space<vmem>>, %arg10: memref<2000xf32, #tpu.memory_space<vmem>>, %arg11: memref<10240xf32, #tpu.memory_space<vmem_shared>>) attributes {dimension_semantics = [#tpu.dimension_semantics<core_parallel>, #tpu.dimension_semantics<subcore_parallel>], iteration_bounds = array<i64: 2, 16>, scalar_prefetch = 0 : i64, scratch_operands = 5 : i64, tpu.core_type = #tpu.core_type<sc_vector_subcore>, window_params = [{transform_indices = #map}, {transform_indices = #map}, {transform_indices = #map}, {transform_indices = #map}, {transform_indices = #map}]} {
    %mul3A = arith.constant 16 : i32
    %mul3A_0 = arith.muli %arg0, %mul3A : i32
    %add3A = arith.addi %mul3A_0, %arg1 : i32
    "tpu.region"() ({
      %run_scoped3A = tpu.sem_alloc : memref<!tpu.dma_semaphore, #tpu.memory_space<semaphore_mem>>
      tpu.enqueue_dma source(%arg4 : memref<10000xf32, #tpu.memory_space<hbm>>) target(%arg7 : memref<10000xf32, #tpu.memory_space<vmem>>) target_semaphore(%run_scoped3A : memref<!tpu.dma_semaphore, #tpu.memory_space<semaphore_mem>>)
      tpu.wait_dma2 semaphore(%run_scoped3A : memref<!tpu.dma_semaphore, #tpu.memory_space<semaphore_mem>>) src(%arg4 : memref<10000xf32, #tpu.memory_space<hbm>>) dst(%arg7 : memref<10000xf32, #tpu.memory_space<vmem>>)
      tpu.yield
    }) : () -> ()
    %eq3A = arith.constant 0 : i32
    %eq3A_1 = arith.cmpi eq, %arg1, %eq3A : i32
    %convert_element_type3A = arith.extui %eq3A_1 : i1 to i32
    %cond3A = arith.constant 0 : i32
    %cond3A_2 = arith.cmpi ne, %convert_element_type3A, %cond3A : i32
    scf.if %cond3A_2 {
      "tpu.region"() ({
        %run_scoped3A = tpu.sem_alloc : memref<!tpu.dma_semaphore, #tpu.memory_space<semaphore_mem>>
        tpu.enqueue_dma source(%arg5 : memref<10240xf32, #tpu.memory_space<hbm>>) target(%arg11 : memref<10240xf32, #tpu.memory_space<vmem_shared>>) target_semaphore(%run_scoped3A : memref<!tpu.dma_semaphore, #tpu.memory_space<semaphore_mem>>)
        tpu.wait_dma2 semaphore(%run_scoped3A : memref<!tpu.dma_semaphore, #tpu.memory_space<semaphore_mem>>) src(%arg5 : memref<10240xf32, #tpu.memory_space<hbm>>) dst(%arg11 : memref<10240xf32, #tpu.memory_space<vmem_shared>>)
        tpu.yield
      }) : () -> ()
    } else {
    }
    %barrier3A = arith.constant 0 : index
    tpu.barrier barrier_id(%barrier3A)
    %mul3A_3 = arith.constant 10000 : i32
    %mul3A_4 = arith.muli %add3A, %mul3A_3 : i32
    %scan3A = arith.constant 0 : i32
    %scan3A_5 = arith.constant 0 : i32
    %scan3A_6 = arith.constant 5 : i32
    %scan3A_7 = arith.addi %scan3A_5, %scan3A_6 : i32
    %scan3A_8 = arith.constant 1 : i32
    scf.for %scan3A_16 = %scan3A_5 to %scan3A_7 step %scan3A_8  : i32 {
      %mul3A_17 = arith.constant 2000 : i32
      %mul3A_18 = arith.muli %scan3A_16, %mul3A_17 : i32
      %add3A_19 = arith.addi %mul3A_4, %mul3A_18 : i32
      "tpu.region"() ({
        %run_scoped3A = tpu.sem_alloc : memref<!tpu.dma_semaphore, #tpu.memory_space<semaphore_mem>>
        %dma_start3A = tpu.memref_slice %arg2[%add3A_19] : memref<320000xi32, #tpu.memory_space<hbm>> -> memref<2000xi32, #tpu.memory_space<hbm>>
        %dma_start3A_26 = tpu.memref_slice %arg2[%add3A_19] : memref<320000xi32, #tpu.memory_space<hbm>> -> memref<2000xi32, #tpu.memory_space<hbm>>
        tpu.enqueue_dma source(%dma_start3A_26 : memref<2000xi32, #tpu.memory_space<hbm>>) target(%arg8 : memref<2000xi32, #tpu.memory_space<vmem>>) target_semaphore(%run_scoped3A : memref<!tpu.dma_semaphore, #tpu.memory_space<semaphore_mem>>)
        %dma_wait3A = tpu.memref_slice %arg2[%add3A_19] : memref<320000xi32, #tpu.memory_space<hbm>> -> memref<2000xi32, #tpu.memory_space<hbm>>
        %dma_wait3A_27 = tpu.memref_slice %arg2[%add3A_19] : memref<320000xi32, #tpu.memory_space<hbm>> -> memref<2000xi32, #tpu.memory_space<hbm>>
        tpu.wait_dma2 semaphore(%run_scoped3A : memref<!tpu.dma_semaphore, #tpu.memory_space<semaphore_mem>>) src(%dma_wait3A_27 : memref<2000xi32, #tpu.memory_space<hbm>>) dst(%arg8 : memref<2000xi32, #tpu.memory_space<vmem>>)
        tpu.yield
      }) : () -> ()
      "tpu.region"() ({
        %run_scoped3A = tpu.sem_alloc : memref<!tpu.dma_semaphore, #tpu.memory_space<semaphore_mem>>
        %dma_start3A = tpu.memref_slice %arg3[%add3A_19] : memref<320000xi32, #tpu.memory_space<hbm>> -> memref<2000xi32, #tpu.memory_space<hbm>>
        %dma_start3A_26 = tpu.memref_slice %arg3[%add3A_19] : memref<320000xi32, #tpu.memory_space<hbm>> -> memref<2000xi32, #tpu.memory_space<hbm>>
        tpu.enqueue_dma source(%dma_start3A_26 : memref<2000xi32, #tpu.memory_space<hbm>>) target(%arg9 : memref<2000xi32, #tpu.memory_space<vmem>>) target_semaphore(%run_scoped3A : memref<!tpu.dma_semaphore, #tpu.memory_space<semaphore_mem>>)
        %dma_wait3A = tpu.memref_slice %arg3[%add3A_19] : memref<320000xi32, #tpu.memory_space<hbm>> -> memref<2000xi32, #tpu.memory_space<hbm>>
        %dma_wait3A_27 = tpu.memref_slice %arg3[%add3A_19] : memref<320000xi32, #tpu.memory_space<hbm>> -> memref<2000xi32, #tpu.memory_space<hbm>>
        tpu.wait_dma2 semaphore(%run_scoped3A : memref<!tpu.dma_semaphore, #tpu.memory_space<semaphore_mem>>) src(%dma_wait3A_27 : memref<2000xi32, #tpu.memory_space<hbm>>) dst(%arg9 : memref<2000xi32, #tpu.memory_space<vmem>>)
        tpu.yield
      }) : () -> ()
      %scan3A_20 = arith.constant 0 : i32
      %scan3A_21 = arith.constant 0 : i32
      %scan3A_22 = arith.constant 125 : i32
      %scan3A_23 = arith.addi %scan3A_21, %scan3A_22 : i32
      %scan3A_24 = arith.constant 1 : i32
      scf.for %scan3A_26 = %scan3A_21 to %scan3A_23 step %scan3A_24  : i32 {
        %mul3A_27 = arith.constant 16 : i32
        %mul3A_28 = arith.muli %scan3A_26, %mul3A_27 : i32
        %get3A = arith.index_cast %mul3A_28 : i32 to index
        %get3A_29 = tpu.vector_load %arg8[%get3A] {strides = array<i32>} : memref<2000xi32, #tpu.memory_space<vmem>>, vector<16xi32>,
        %gather3A = tpu.vector_load_idx %arg7[%get3A_29] : memref<10000xf32, #tpu.memory_space<vmem>>[vector<16xi32>], vector<16xf32>,
        %exp3A = math.exp %gather3A : vector<16xf32>
        %mul3A_30 = arith.constant 16 : i32
        %mul3A_31 = arith.muli %scan3A_26, %mul3A_30 : i32
        %swap3A = arith.index_cast %mul3A_31 : i32 to index
        %swap3A_32 = tpu.vector_load %arg10[%swap3A] {strides = array<i32>} : memref<2000xf32, #tpu.memory_space<vmem>>, vector<16xf32>,
        tpu.vector_store %arg10[%swap3A], %exp3A {strides = array<i32>} : memref<2000xf32, #tpu.memory_space<vmem>>, vector<16xf32>,
      }
      %scan3A_25 = arith.constant 125 : i32
      "tpu.region"() ({
        %run_scoped3A = tpu.sem_alloc : memref<!tpu.dma_semaphore, #tpu.memory_space<semaphore_mem>>
        %dma_start3A = arith.constant 0 : i32
        %dma_start3A_26 = tpu.memref_slice %arg11[%dma_start3A] : memref<10240xf32, #tpu.memory_space<vmem_shared>> -> memref<10240xf32, #tpu.memory_space<vmem_shared>>
        tpu.enqueue_indirect_dma source(%arg10 : memref<2000xf32, #tpu.memory_space<vmem>>) target(%dma_start3A_26 : memref<10240xf32, #tpu.memory_space<vmem_shared>>) offsets(%arg9 : memref<2000xi32, #tpu.memory_space<vmem>>) semaphore(%run_scoped3A : memref<!tpu.dma_semaphore, #tpu.memory_space<semaphore_mem>>) {add = true}
        %dma_wait3A = arith.constant 0 : i32
        %dma_wait3A_27 = tpu.memref_slice %arg11[%dma_wait3A] : memref<10240xf32, #tpu.memory_space<vmem_shared>> -> memref<10240xf32, #tpu.memory_space<vmem_shared>>
        tpu.wait_indirect_dma semaphore(%run_scoped3A : memref<!tpu.dma_semaphore, #tpu.memory_space<semaphore_mem>>) src(%arg10 : memref<2000xf32, #tpu.memory_space<vmem>>) dst(%dma_wait3A_27 : memref<10240xf32, #tpu.memory_space<vmem_shared>>)
        tpu.yield
      }) : () -> ()
    }
    %scan3A_9 = arith.constant 5 : i32
    %barrier3A_10 = arith.constant 0 : index
    tpu.barrier barrier_id(%barrier3A_10)
    %eq3A_11 = arith.constant 0 : i32
    %eq3A_12 = arith.cmpi eq, %arg1, %eq3A_11 : i32
    %convert_element_type3A_13 = arith.extui %eq3A_12 : i1 to i32
    %cond3A_14 = arith.constant 0 : i32
    %cond3A_15 = arith.cmpi ne, %convert_element_type3A_13, %cond3A_14 : i32
    scf.if %cond3A_15 {
      %mul3A_16 = arith.constant 10240 : i32
      %mul3A_17 = arith.muli %arg0, %mul3A_16 : i32
      "tpu.region"() ({
        %run_scoped3A = tpu.sem_alloc : memref<!tpu.dma_semaphore, #tpu.memory_space<semaphore_mem>>
        %dma_start3A = tpu.memref_slice %arg6[%mul3A_17] : memref<20480xf32, #tpu.memory_space<hbm>> -> memref<10240xf32, #tpu.memory_space<hbm>>
        tpu.enqueue_dma source(%arg11 : memref<10240xf32, #tpu.memory_space<vmem_shared>>) target(%dma_start3A : memref<10240xf32, #tpu.memory_space<hbm>>) target_semaphore(%run_scoped3A : memref<!tpu.dma_semaphore, #tpu.memory_space<semaphore_mem>>)
        %dma_wait3A = tpu.memref_slice %arg6[%mul3A_17] : memref<20480xf32, #tpu.memory_space<hbm>> -> memref<10240xf32, #tpu.memory_space<hbm>>
        tpu.wait_dma2 semaphore(%run_scoped3A : memref<!tpu.dma_semaphore, #tpu.memory_space<semaphore_mem>>) src(%arg11 : memref<10240xf32, #tpu.memory_space<vmem_shared>>) dst(%dma_wait3A : memref<10240xf32, #tpu.memory_space<hbm>>)
        tpu.yield
      }) : () -> ()
    } else {
    }
    return
  }
}

#map = affine_map<(d0, d1) -> (0)>
module attributes {stable_mosaic.version = 14 : i64} {
  func.func @_edgew_body(%arg0: i32, %arg1: i32, %arg2: memref<320000xi32, #tpu.memory_space<hbm>>, %arg3: memref<320000xi32, #tpu.memory_space<hbm>>, %arg4: memref<10000xf32, #tpu.memory_space<hbm>>, %arg5: memref<20480xf32, #tpu.memory_space<hbm>>, %arg6: memref<320000xf32, #tpu.memory_space<hbm>>, %arg7: memref<10000xf32, #tpu.memory_space<vmem>>, %arg8: memref<10000xf32, #tpu.memory_space<vmem>>, %arg9: memref<2000xf32, #tpu.memory_space<vmem>>, %arg10: memref<2000xf32, #tpu.memory_space<vmem>>, %arg11: memref<2000xi32, #tpu.memory_space<vmem>>, %arg12: memref<2000xi32, #tpu.memory_space<vmem>>, %arg13: memref<2000xf32, #tpu.memory_space<vmem>>) attributes {dimension_semantics = [#tpu.dimension_semantics<core_parallel>, #tpu.dimension_semantics<subcore_parallel>], iteration_bounds = array<i64: 2, 16>, scalar_prefetch = 0 : i64, scratch_operands = 7 : i64, tpu.core_type = #tpu.core_type<sc_vector_subcore>, window_params = [{transform_indices = #map}, {transform_indices = #map}, {transform_indices = #map}, {transform_indices = #map}, {transform_indices = #map}]} {
    %mul3A = arith.constant 16 : i32
    %mul3A_0 = arith.muli %arg0, %mul3A : i32
    %add3A = arith.addi %mul3A_0, %arg1 : i32
    "tpu.region"() ({
      %run_scoped3A = tpu.sem_alloc : memref<!tpu.dma_semaphore, #tpu.memory_space<semaphore_mem>>
      tpu.enqueue_dma source(%arg4 : memref<10000xf32, #tpu.memory_space<hbm>>) target(%arg7 : memref<10000xf32, #tpu.memory_space<vmem>>) target_semaphore(%run_scoped3A : memref<!tpu.dma_semaphore, #tpu.memory_space<semaphore_mem>>)
      tpu.wait_dma2 semaphore(%run_scoped3A : memref<!tpu.dma_semaphore, #tpu.memory_space<semaphore_mem>>) src(%arg4 : memref<10000xf32, #tpu.memory_space<hbm>>) dst(%arg7 : memref<10000xf32, #tpu.memory_space<vmem>>)
      tpu.yield
    }) : () -> ()
    %scan3A = arith.constant 0 : i32
    %scan3A_1 = arith.constant 0 : i32
    %scan3A_2 = arith.constant 5 : i32
    %scan3A_3 = arith.addi %scan3A_1, %scan3A_2 : i32
    %scan3A_4 = arith.constant 1 : i32
    scf.for %scan3A_14 = %scan3A_1 to %scan3A_3 step %scan3A_4  : i32 {
      %mul3A_15 = arith.constant 2000 : i32
      %mul3A_16 = arith.muli %scan3A_14, %mul3A_15 : i32
      "tpu.region"() ({
        %run_scoped3A = tpu.sem_alloc : memref<!tpu.dma_semaphore, #tpu.memory_space<semaphore_mem>>
        %dma_start3A = tpu.memref_slice %arg5[%mul3A_16] : memref<20480xf32, #tpu.memory_space<hbm>> -> memref<2000xf32, #tpu.memory_space<hbm>>
        %dma_start3A_27 = tpu.memref_slice %arg5[%mul3A_16] : memref<20480xf32, #tpu.memory_space<hbm>> -> memref<2000xf32, #tpu.memory_space<hbm>>
        tpu.enqueue_dma source(%dma_start3A_27 : memref<2000xf32, #tpu.memory_space<hbm>>) target(%arg9 : memref<2000xf32, #tpu.memory_space<vmem>>) target_semaphore(%run_scoped3A : memref<!tpu.dma_semaphore, #tpu.memory_space<semaphore_mem>>)
        %dma_wait3A = tpu.memref_slice %arg5[%mul3A_16] : memref<20480xf32, #tpu.memory_space<hbm>> -> memref<2000xf32, #tpu.memory_space<hbm>>
        %dma_wait3A_28 = tpu.memref_slice %arg5[%mul3A_16] : memref<20480xf32, #tpu.memory_space<hbm>> -> memref<2000xf32, #tpu.memory_space<hbm>>
        tpu.wait_dma2 semaphore(%run_scoped3A : memref<!tpu.dma_semaphore, #tpu.memory_space<semaphore_mem>>) src(%dma_wait3A_28 : memref<2000xf32, #tpu.memory_space<hbm>>) dst(%arg9 : memref<2000xf32, #tpu.memory_space<vmem>>)
        tpu.yield
      }) : () -> ()
      %mul3A_17 = arith.constant 2000 : i32
      %mul3A_18 = arith.muli %scan3A_14, %mul3A_17 : i32
      %add3A_19 = arith.constant 10240 : i32
      %add3A_20 = arith.addi %add3A_19, %mul3A_18 : i32
      "tpu.region"() ({
        %run_scoped3A = tpu.sem_alloc : memref<!tpu.dma_semaphore, #tpu.memory_space<semaphore_mem>>
        %dma_start3A = tpu.memref_slice %arg5[%add3A_20] : memref<20480xf32, #tpu.memory_space<hbm>> -> memref<2000xf32, #tpu.memory_space<hbm>>
        %dma_start3A_27 = tpu.memref_slice %arg5[%add3A_20] : memref<20480xf32, #tpu.memory_space<hbm>> -> memref<2000xf32, #tpu.memory_space<hbm>>
        tpu.enqueue_dma source(%dma_start3A_27 : memref<2000xf32, #tpu.memory_space<hbm>>) target(%arg10 : memref<2000xf32, #tpu.memory_space<vmem>>) target_semaphore(%run_scoped3A : memref<!tpu.dma_semaphore, #tpu.memory_space<semaphore_mem>>)
        %dma_wait3A = tpu.memref_slice %arg5[%add3A_20] : memref<20480xf32, #tpu.memory_space<hbm>> -> memref<2000xf32, #tpu.memory_space<hbm>>
        %dma_wait3A_28 = tpu.memref_slice %arg5[%add3A_20] : memref<20480xf32, #tpu.memory_space<hbm>> -> memref<2000xf32, #tpu.memory_space<hbm>>
        tpu.wait_dma2 semaphore(%run_scoped3A : memref<!tpu.dma_semaphore, #tpu.memory_space<semaphore_mem>>) src(%dma_wait3A_28 : memref<2000xf32, #tpu.memory_space<hbm>>) dst(%arg10 : memref<2000xf32, #tpu.memory_space<vmem>>)
        tpu.yield
      }) : () -> ()
      %scan3A_21 = arith.constant 0 : i32
      %scan3A_22 = arith.constant 0 : i32
      %scan3A_23 = arith.constant 125 : i32
      %scan3A_24 = arith.addi %scan3A_22, %scan3A_23 : i32
      %scan3A_25 = arith.constant 1 : i32
      scf.for %scan3A_27 = %scan3A_22 to %scan3A_24 step %scan3A_25  : i32 {
        %mul3A_28 = arith.constant 16 : i32
        %mul3A_29 = arith.muli %scan3A_27, %mul3A_28 : i32
        %get3A = arith.index_cast %mul3A_29 : i32 to index
        %get3A_30 = tpu.vector_load %arg9[%get3A] {strides = array<i32>} : memref<2000xf32, #tpu.memory_space<vmem>>, vector<16xf32>,
        %mul3A_31 = arith.constant 16 : i32
        %mul3A_32 = arith.muli %scan3A_27, %mul3A_31 : i32
        %get3A_33 = arith.index_cast %mul3A_32 : i32 to index
        %get3A_34 = tpu.vector_load %arg10[%get3A_33] {strides = array<i32>} : memref<2000xf32, #tpu.memory_space<vmem>>, vector<16xf32>,
        %add3A_35 = arith.addf %get3A_30, %get3A_34 : vector<16xf32>
        %add3A_36 = arith.constant 1.000000e-16 : f32
        %add3A_37 = vector.broadcast %add3A_36 : f32 to vector<16xf32>
        %add3A_38 = arith.addf %add3A_35, %add3A_37 : vector<16xf32>
        %div3A = arith.constant 1.000000e+00 : f32
        %div3A_39 = vector.broadcast %div3A : f32 to vector<16xf32>
        %div3A_40 = arith.divf %div3A_39, %add3A_38 : vector<16xf32>
        %mul3A_41 = arith.constant 2000 : i32
        %mul3A_42 = arith.muli %scan3A_14, %mul3A_41 : i32
        %mul3A_43 = arith.constant 16 : i32
        %mul3A_44 = arith.muli %scan3A_27, %mul3A_43 : i32
        %add3A_45 = arith.addi %mul3A_42, %mul3A_44 : i32
        %swap3A = arith.index_cast %add3A_45 : i32 to index
        %swap3A_46 = tpu.vector_load %arg8[%swap3A] {strides = array<i32>} : memref<10000xf32, #tpu.memory_space<vmem>>, vector<16xf32>,
        tpu.vector_store %arg8[%swap3A], %div3A_40 {strides = array<i32>} : memref<10000xf32, #tpu.memory_space<vmem>>, vector<16xf32>,
      }
      %scan3A_26 = arith.constant 125 : i32
    }
    %scan3A_5 = arith.constant 5 : i32
    %mul3A_6 = arith.constant 10000 : i32
    %mul3A_7 = arith.muli %add3A, %mul3A_6 : i32
    %scan3A_8 = arith.constant 0 : i32
    %scan3A_9 = arith.constant 0 : i32
    %scan3A_10 = arith.constant 5 : i32
    %scan3A_11 = arith.addi %scan3A_9, %scan3A_10 : i32
    %scan3A_12 = arith.constant 1 : i32
    scf.for %scan3A_14 = %scan3A_9 to %scan3A_11 step %scan3A_12  : i32 {
      %mul3A_15 = arith.constant 2000 : i32
      %mul3A_16 = arith.muli %scan3A_14, %mul3A_15 : i32
      %add3A_17 = arith.addi %mul3A_7, %mul3A_16 : i32
      "tpu.region"() ({
        %run_scoped3A = tpu.sem_alloc : memref<!tpu.dma_semaphore, #tpu.memory_space<semaphore_mem>>
        %dma_start3A = tpu.memref_slice %arg2[%add3A_17] : memref<320000xi32, #tpu.memory_space<hbm>> -> memref<2000xi32, #tpu.memory_space<hbm>>
        %dma_start3A_24 = tpu.memref_slice %arg2[%add3A_17] : memref<320000xi32, #tpu.memory_space<hbm>> -> memref<2000xi32, #tpu.memory_space<hbm>>
        tpu.enqueue_dma source(%dma_start3A_24 : memref<2000xi32, #tpu.memory_space<hbm>>) target(%arg11 : memref<2000xi32, #tpu.memory_space<vmem>>) target_semaphore(%run_scoped3A : memref<!tpu.dma_semaphore, #tpu.memory_space<semaphore_mem>>)
        %dma_wait3A = tpu.memref_slice %arg2[%add3A_17] : memref<320000xi32, #tpu.memory_space<hbm>> -> memref<2000xi32, #tpu.memory_space<hbm>>
        %dma_wait3A_25 = tpu.memref_slice %arg2[%add3A_17] : memref<320000xi32, #tpu.memory_space<hbm>> -> memref<2000xi32, #tpu.memory_space<hbm>>
        tpu.wait_dma2 semaphore(%run_scoped3A : memref<!tpu.dma_semaphore, #tpu.memory_space<semaphore_mem>>) src(%dma_wait3A_25 : memref<2000xi32, #tpu.memory_space<hbm>>) dst(%arg11 : memref<2000xi32, #tpu.memory_space<vmem>>)
        tpu.yield
      }) : () -> ()
      "tpu.region"() ({
        %run_scoped3A = tpu.sem_alloc : memref<!tpu.dma_semaphore, #tpu.memory_space<semaphore_mem>>
        %dma_start3A = tpu.memref_slice %arg3[%add3A_17] : memref<320000xi32, #tpu.memory_space<hbm>> -> memref<2000xi32, #tpu.memory_space<hbm>>
        %dma_start3A_24 = tpu.memref_slice %arg3[%add3A_17] : memref<320000xi32, #tpu.memory_space<hbm>> -> memref<2000xi32, #tpu.memory_space<hbm>>
        tpu.enqueue_dma source(%dma_start3A_24 : memref<2000xi32, #tpu.memory_space<hbm>>) target(%arg12 : memref<2000xi32, #tpu.memory_space<vmem>>) target_semaphore(%run_scoped3A : memref<!tpu.dma_semaphore, #tpu.memory_space<semaphore_mem>>)
        %dma_wait3A = tpu.memref_slice %arg3[%add3A_17] : memref<320000xi32, #tpu.memory_space<hbm>> -> memref<2000xi32, #tpu.memory_space<hbm>>
        %dma_wait3A_25 = tpu.memref_slice %arg3[%add3A_17] : memref<320000xi32, #tpu.memory_space<hbm>> -> memref<2000xi32, #tpu.memory_space<hbm>>
        tpu.wait_dma2 semaphore(%run_scoped3A : memref<!tpu.dma_semaphore, #tpu.memory_space<semaphore_mem>>) src(%dma_wait3A_25 : memref<2000xi32, #tpu.memory_space<hbm>>) dst(%arg12 : memref<2000xi32, #tpu.memory_space<vmem>>)
        tpu.yield
      }) : () -> ()
      %scan3A_18 = arith.constant 0 : i32
      %scan3A_19 = arith.constant 0 : i32
      %scan3A_20 = arith.constant 125 : i32
      %scan3A_21 = arith.addi %scan3A_19, %scan3A_20 : i32
      %scan3A_22 = arith.constant 1 : i32
      scf.for %scan3A_24 = %scan3A_19 to %scan3A_21 step %scan3A_22  : i32 {
        %mul3A_25 = arith.constant 16 : i32
        %mul3A_26 = arith.muli %scan3A_24, %mul3A_25 : i32
        %get3A = arith.index_cast %mul3A_26 : i32 to index
        %get3A_27 = tpu.vector_load %arg11[%get3A] {strides = array<i32>} : memref<2000xi32, #tpu.memory_space<vmem>>, vector<16xi32>,
        %mul3A_28 = arith.constant 16 : i32
        %mul3A_29 = arith.muli %scan3A_24, %mul3A_28 : i32
        %get3A_30 = arith.index_cast %mul3A_29 : i32 to index
        %get3A_31 = tpu.vector_load %arg12[%get3A_30] {strides = array<i32>} : memref<2000xi32, #tpu.memory_space<vmem>>, vector<16xi32>,
        %gather3A = tpu.vector_load_idx %arg7[%get3A_27] : memref<10000xf32, #tpu.memory_space<vmem>>[vector<16xi32>], vector<16xf32>,
        %exp3A = math.exp %gather3A : vector<16xf32>
        %gather3A_32 = tpu.vector_load_idx %arg8[%get3A_31] : memref<10000xf32, #tpu.memory_space<vmem>>[vector<16xi32>], vector<16xf32>,
        %mul3A_33 = arith.mulf %exp3A, %gather3A_32 : vector<16xf32>
        %mul3A_34 = arith.constant 16 : i32
        %mul3A_35 = arith.muli %scan3A_24, %mul3A_34 : i32
        %swap3A = arith.index_cast %mul3A_35 : i32 to index
        %swap3A_36 = tpu.vector_load %arg13[%swap3A] {strides = array<i32>} : memref<2000xf32, #tpu.memory_space<vmem>>, vector<16xf32>,
        tpu.vector_store %arg13[%swap3A], %mul3A_33 {strides = array<i32>} : memref<2000xf32, #tpu.memory_space<vmem>>, vector<16xf32>,
      }
      %scan3A_23 = arith.constant 125 : i32
      "tpu.region"() ({
        %run_scoped3A = tpu.sem_alloc : memref<!tpu.dma_semaphore, #tpu.memory_space<semaphore_mem>>
        %dma_start3A = tpu.memref_slice %arg6[%add3A_17] : memref<320000xf32, #tpu.memory_space<hbm>> -> memref<2000xf32, #tpu.memory_space<hbm>>
        %dma_start3A_24 = tpu.memref_slice %arg6[%add3A_17] : memref<320000xf32, #tpu.memory_space<hbm>> -> memref<2000xf32, #tpu.memory_space<hbm>>
        tpu.enqueue_dma source(%arg13 : memref<2000xf32, #tpu.memory_space<vmem>>) target(%dma_start3A_24 : memref<2000xf32, #tpu.memory_space<hbm>>) target_semaphore(%run_scoped3A : memref<!tpu.dma_semaphore, #tpu.memory_space<semaphore_mem>>)
        %dma_wait3A = tpu.memref_slice %arg6[%add3A_17] : memref<320000xf32, #tpu.memory_space<hbm>> -> memref<2000xf32, #tpu.memory_space<hbm>>
        %dma_wait3A_25 = tpu.memref_slice %arg6[%add3A_17] : memref<320000xf32, #tpu.memory_space<hbm>> -> memref<2000xf32, #tpu.memory_space<hbm>>
        tpu.wait_dma2 semaphore(%run_scoped3A : memref<!tpu.dma_semaphore, #tpu.memory_space<semaphore_mem>>) src(%arg13 : memref<2000xf32, #tpu.memory_space<vmem>>) dst(%dma_wait3A_25 : memref<2000xf32, #tpu.memory_space<hbm>>)
        tpu.yield
      }) : () -> ()
    }
    %scan3A_13 = arith.constant 5 : i32
    return
  }
}

module attributes {stable_mosaic.version = 14 : i64} {
  func.func @_dense_body(%arg0: i32, %arg1: memref<1024x128xf32, #tpu.memory_space<vmem>>, %arg2: memref<128x128xf32, #tpu.memory_space<vmem>>, %arg3: memref<1x128xf32, #tpu.memory_space<vmem>>, %arg4: memref<128x1xf32, #tpu.memory_space<vmem>>, %arg5: memref<128x1024xf32, #tpu.memory_space<vmem>>, %arg6: memref<1x1024xf32, #tpu.memory_space<vmem>>, %arg7: memref<1x1xf32, #tpu.memory_space<smem>>) attributes {dimension_semantics = [#tpu.dimension_semantics<arbitrary>], iteration_bounds = array<i64: 10>, scalar_prefetch = 0 : i64, scratch_operands = 0 : i64, tpu.core_type = #tpu.core_type<tc>, window_params = [{transform_indices = @transform_0, window_bounds = array<i64: 1024, 128>}, {pipeline_mode = #tpu.pipeline_mode<synchronous>, transform_indices = @transform_1, window_bounds = array<i64: 128, 128>}, {pipeline_mode = #tpu.pipeline_mode<synchronous>, transform_indices = @transform_2, window_bounds = array<i64: 1, 128>}, {pipeline_mode = #tpu.pipeline_mode<synchronous>, transform_indices = @transform_3, window_bounds = array<i64: 128, 1>}, {transform_indices = @transform_4, window_bounds = array<i64: 128, 1024>}, {transform_indices = @transform_5, window_bounds = array<i64: 1, 1024>}, {transform_indices = @transform_6, window_bounds = array<i64: 1, 1>}]} {
    %get3A = arith.constant 0 : index
    %get3A_0 = arith.constant 0 : index
    %get3A_1 = vector.load %arg1[%get3A, %get3A_0] : memref<1024x128xf32, #tpu.memory_space<vmem>>, vector<1024x128xf32>
    %get3A_2 = arith.constant 0 : index
    %get3A_3 = arith.constant 0 : index
    %get3A_4 = vector.load %arg2[%get3A_2, %get3A_3] : memref<128x128xf32, #tpu.memory_space<vmem>>, vector<128x128xf32>
    %dot_general3A = arith.constant dense<0.000000e+00> : vector<1024x128xf32>
    %dot_general3A_5 = tpu.matmul %get3A_1, %get3A_4, %dot_general3A {dimension_numbers = #tpu.dot_dimension_numbers<[1], [0], [0], [1], [0, 0, 1, 1], [], []>, transpose_lhs_hint = false} : vector<1024x128xf32>, vector<128x128xf32>, vector<1024x128xf32> -> vector<1024x128xf32>
    %get3A_6 = arith.constant 0 : index
    %get3A_7 = arith.constant 0 : index
    %get3A_8 = vector.load %arg3[%get3A_6, %get3A_7] : memref<1x128xf32, #tpu.memory_space<vmem>>, vector<1x128xf32>
    %add3A = vector.broadcast %get3A_8 : vector<1x128xf32> to vector<1024x128xf32>
    %add3A_9 = arith.addf %dot_general3A_5, %add3A : vector<1024x128xf32>
    %transpose3A = tpu.transpose %add3A_9, [1, 0] : vector<1024x128xf32> -> vector<128x1024xf32>
    %swap3A = arith.constant 0 : index
    %swap3A_10 = arith.constant 0 : index
    %swap3A_11 = vector.load %arg5[%swap3A, %swap3A_10] : memref<128x1024xf32, #tpu.memory_space<vmem>>, vector<128x1024xf32>
    tpu.vector_store %arg5[%swap3A, %swap3A_10], %transpose3A {strides = array<i32>} : memref<128x1024xf32, #tpu.memory_space<vmem>>, vector<128x1024xf32>,
    %get3A_12 = arith.constant 0 : index
    %get3A_13 = arith.constant 0 : index
    %get3A_14 = vector.load %arg4[%get3A_12, %get3A_13] : memref<128x1xf32, #tpu.memory_space<vmem>>, vector<128x1xf32>
    %mul3A = vector.broadcast %get3A_14 : vector<128x1xf32> to vector<128x1024xf32>
    %mul3A_15 = arith.mulf %transpose3A, %mul3A : vector<128x1024xf32>
    %reduce_sum3A = arith.constant dense<0.000000e+00> : vector<1024xf32>
    %reduce_sum3A_16 = vector.multi_reduction <add>, %mul3A_15, %reduce_sum3A [0] : vector<128x1024xf32> to vector<1024xf32>
    %broadcast_in_dim3A = vector.shape_cast %reduce_sum3A_16 : vector<1024xf32> to vector<1x1024xf32>
    %gt3A = arith.constant 0.000000e+00 : f32
    %gt3A_17 = vector.broadcast %gt3A : f32 to vector<1x1024xf32>
    %gt3A_18 = arith.cmpf ogt, %broadcast_in_dim3A, %gt3A_17 : vector<1x1024xf32>
    %mul3A_19 = arith.constant 2.000000e-01 : f32
    %mul3A_20 = vector.broadcast %mul3A_19 : f32 to vector<1x1024xf32>
    %mul3A_21 = arith.mulf %mul3A_20, %broadcast_in_dim3A : vector<1x1024xf32>
    %select_n3A = arith.select %gt3A_18, %broadcast_in_dim3A, %mul3A_21 : vector<1x1024xi1>, vector<1x1024xf32>
    %swap3A_22 = arith.constant 0 : index
    %swap3A_23 = arith.constant 0 : index
    %swap3A_24 = vector.load %arg6[%swap3A_22, %swap3A_23] : memref<1x1024xf32, #tpu.memory_space<vmem>>, vector<1x1024xf32>
    tpu.vector_store %arg6[%swap3A_22, %swap3A_23], %select_n3A {strides = array<i32>} : memref<1x1024xf32, #tpu.memory_space<vmem>>, vector<1x1024xf32>,
    %reduce_max3A = vector.shape_cast %select_n3A : vector<1x1024xf32> to vector<1x1x1024xf32>
    %reduce_max3A_25 = arith.constant dense<0xFF800000> : vector<1xf32>
    %reduce_max3A_26 = vector.multi_reduction <maximumf>, %reduce_max3A, %reduce_max3A_25 [1, 2] : vector<1x1x1024xf32> to vector<1xf32>
    %reduce_max3A_27 = vector.shape_cast %reduce_max3A_26 : vector<1xf32> to vector<1x1x1xf32>
    %reduce_max3A_28 = vector.extract %reduce_max3A_27[0, 0, 0] : f32 from vector<1x1x1xf32>
    %eq3A = arith.constant 0 : i32
    %eq3A_29 = arith.cmpi eq, %arg0, %eq3A : i32
    %convert_element_type3A = arith.extui %eq3A_29 : i1 to i32
    %cond3A = arith.constant 0 : i32
    %cond3A_30 = arith.cmpi ne, %convert_element_type3A, %cond3A : i32
    scf.if %cond3A_30 {
      %swap3A_36 = arith.constant 0 : index
      %swap3A_37 = arith.constant 0 : index
      %swap3A_38 = memref.load %arg7[%swap3A_36, %swap3A_37] : memref<1x1xf32, #tpu.memory_space<smem>>
      memref.store %reduce_max3A_28, %arg7[%swap3A_36, %swap3A_37] : memref<1x1xf32, #tpu.memory_space<smem>>
    } else {
    }
    %gt3A_31 = arith.constant 0 : i32
    %gt3A_32 = arith.cmpi sgt, %arg0, %gt3A_31 : i32
    %convert_element_type3A_33 = arith.extui %gt3A_32 : i1 to i32
    %cond3A_34 = arith.constant 0 : i32
    %cond3A_35 = arith.cmpi ne, %convert_element_type3A_33, %cond3A_34 : i32
    scf.if %cond3A_35 {
      %get3A_36 = arith.constant 0 : index
      %get3A_37 = arith.constant 0 : index
      %get3A_38 = memref.load %arg7[%get3A_36, %get3A_37] : memref<1x1xf32, #tpu.memory_space<smem>>
      %max3A = arith.maximumf %get3A_38, %reduce_max3A_28 : f32
      %swap3A_39 = arith.constant 0 : index
      %swap3A_40 = arith.constant 0 : index
      %swap3A_41 = memref.load %arg7[%swap3A_39, %swap3A_40] : memref<1x1xf32, #tpu.memory_space<smem>>
      memref.store %max3A, %arg7[%swap3A_39, %swap3A_40] : memref<1x1xf32, #tpu.memory_space<smem>>
    } else {
    }
    return
  }
  func.func @transform_0(%arg0: i32) -> (i32, i32) {
    %c0_i32 = arith.constant 0 : i32
    %c0_i32_0 = arith.constant 0 : i32
    return %arg0, %c0_i32 : i32, i32
  }
  func.func @transform_1(%arg0: i32) -> (i32, i32) {
    %c0_i32 = arith.constant 0 : i32
    %c0_i32_0 = arith.constant 0 : i32
    %c0_i32_1 = arith.constant 0 : i32
    return %c0_i32, %c0_i32_0 : i32, i32
  }
  func.func @transform_2(%arg0: i32) -> (i32, i32) {
    %c0_i32 = arith.constant 0 : i32
    %c0_i32_0 = arith.constant 0 : i32
    %c0_i32_1 = arith.constant 0 : i32
    return %c0_i32, %c0_i32_0 : i32, i32
  }
  func.func @transform_3(%arg0: i32) -> (i32, i32) {
    %c0_i32 = arith.constant 0 : i32
    %c0_i32_0 = arith.constant 0 : i32
    %c0_i32_1 = arith.constant 0 : i32
    return %c0_i32, %c0_i32_0 : i32, i32
  }
  func.func @transform_4(%arg0: i32) -> (i32, i32) {
    %c0_i32 = arith.constant 0 : i32
    %c0_i32_0 = arith.constant 0 : i32
    return %c0_i32, %arg0 : i32, i32
  }
  func.func @transform_5(%arg0: i32) -> (i32, i32) {
    %c0_i32 = arith.constant 0 : i32
    %c0_i32_0 = arith.constant 0 : i32
    return %c0_i32, %arg0 : i32, i32
  }
  func.func @transform_6(%arg0: i32) -> (i32, i32) {
    %c0_i32 = arith.constant 0 : i32
    %c0_i32_0 = arith.constant 0 : i32
    %c0_i32_1 = arith.constant 0 : i32
    return %c0_i32, %c0_i32_0 : i32, i32
  }
}

module attributes {stable_mosaic.version = 14 : i64} {
  func.func @_epi_body(%arg0: i32, %arg1: memref<64x1024xi32, #tpu.memory_space<vmem>>, %arg2: memref<64x1024xi32, #tpu.memory_space<vmem>>, %arg3: memref<2x1024xf32, #tpu.memory_space<vmem>>, %arg4: memref<1024x128xf32, #tpu.memory_space<vmem>>, %arg5: memref<1024x128xf32, #tpu.memory_space<vmem>>) attributes {dimension_semantics = [#tpu.dimension_semantics<arbitrary>], iteration_bounds = array<i64: 10>, scalar_prefetch = 0 : i64, scratch_operands = 0 : i64, tpu.core_type = #tpu.core_type<tc>, window_params = [{transform_indices = @transform_0, window_bounds = array<i64: 64, 1024>}, {transform_indices = @transform_1, window_bounds = array<i64: 64, 1024>}, {transform_indices = @transform_2, window_bounds = array<i64: 2, 1024>}, {transform_indices = @transform_3, window_bounds = array<i64: 1024, 128>}, {transform_indices = @transform_4, window_bounds = array<i64: 1024, 128>}]} {
    %get3A = arith.constant 0 : index
    %get3A_0 = arith.constant 0 : index
    %get3A_1 = vector.load %arg1[%get3A, %get3A_0] : memref<64x1024xi32, #tpu.memory_space<vmem>>, vector<64x1024xi32>
    %get3A_2 = arith.constant 0 : index
    %get3A_3 = arith.constant 0 : index
    %get3A_4 = vector.load %arg2[%get3A_2, %get3A_3] : memref<64x1024xi32, #tpu.memory_space<vmem>>, vector<64x1024xi32>
    %shift_left3A = arith.constant 16 : i32
    %shift_left3A_5 = vector.broadcast %shift_left3A : i32 to vector<64x1024xi32>
    %shift_left3A_6 = arith.shli %get3A_1, %shift_left3A_5 : vector<64x1024xi32>
    %bitcast_convert_type3A = tpu.bitcast %shift_left3A_6 : vector<64x1024xi32> -> vector<64x1024xf32>
    %and3A = arith.constant -65536 : i32
    %and3A_7 = vector.broadcast %and3A : i32 to vector<64x1024xi32>
    %and3A_8 = arith.andi %get3A_1, %and3A_7 : vector<64x1024xi32>
    %bitcast_convert_type3A_9 = tpu.bitcast %and3A_8 : vector<64x1024xi32> -> vector<64x1024xf32>
    %shift_left3A_10 = arith.constant 16 : i32
    %shift_left3A_11 = vector.broadcast %shift_left3A_10 : i32 to vector<64x1024xi32>
    %shift_left3A_12 = arith.shli %get3A_4, %shift_left3A_11 : vector<64x1024xi32>
    %bitcast_convert_type3A_13 = tpu.bitcast %shift_left3A_12 : vector<64x1024xi32> -> vector<64x1024xf32>
    %and3A_14 = arith.constant -65536 : i32
    %and3A_15 = vector.broadcast %and3A_14 : i32 to vector<64x1024xi32>
    %and3A_16 = arith.andi %get3A_4, %and3A_15 : vector<64x1024xi32>
    %bitcast_convert_type3A_17 = tpu.bitcast %and3A_16 : vector<64x1024xi32> -> vector<64x1024xf32>
    %min3A = arith.minimumf %bitcast_convert_type3A, %bitcast_convert_type3A_13 : vector<64x1024xf32>
    %min3A_18 = arith.minimumf %bitcast_convert_type3A_9, %bitcast_convert_type3A_17 : vector<64x1024xf32>
    %get3A_19 = arith.constant 0 : index
    %get3A_20 = arith.constant 0 : index
    %get3A_21 = vector.load %arg3[%get3A_19, %get3A_20] : memref<2x1024xf32, #tpu.memory_space<vmem>>, vector<1x1024xf32>
    %get3A_22 = arith.constant 1 : index
    %get3A_23 = arith.constant 0 : index
    %get3A_24 = vector.load %arg3[%get3A_22, %get3A_23] : memref<2x1024xf32, #tpu.memory_space<vmem>>, vector<1x1024xf32>
    %add3A = arith.addf %get3A_21, %get3A_24 : vector<1x1024xf32>
    %gt3A = arith.constant 0.000000e+00 : f32
    %gt3A_25 = vector.broadcast %gt3A : f32 to vector<1x1024xf32>
    %gt3A_26 = arith.cmpf ogt, %add3A, %gt3A_25 : vector<1x1024xf32>
    %jit3A = arith.constant 0.000000e+00 : f32
    %broadcast_in_dim3A = vector.shape_cast %gt3A_26 : vector<1x1024xi1> to vector<1x1024xi1>
    %broadcast_in_dim3A_27 = vector.broadcast %broadcast_in_dim3A : vector<1x1024xi1> to vector<64x1024xi1>
    %broadcast_in_dim3A_28 = vector.broadcast %jit3A : f32 to vector<64x1024xf32>
    %select_n3A = arith.select %broadcast_in_dim3A_27, %min3A, %broadcast_in_dim3A_28 : vector<64x1024xi1>, vector<64x1024xf32>
    %gt3A_29 = arith.constant 0.000000e+00 : f32
    %gt3A_30 = vector.broadcast %gt3A_29 : f32 to vector<1x1024xf32>
    %gt3A_31 = arith.cmpf ogt, %add3A, %gt3A_30 : vector<1x1024xf32>
    %jit3A_32 = arith.constant 0.000000e+00 : f32
    %broadcast_in_dim3A_33 = vector.shape_cast %gt3A_31 : vector<1x1024xi1> to vector<1x1024xi1>
    %broadcast_in_dim3A_34 = vector.broadcast %broadcast_in_dim3A_33 : vector<1x1024xi1> to vector<64x1024xi1>
    %broadcast_in_dim3A_35 = vector.broadcast %jit3A_32 : f32 to vector<64x1024xf32>
    %select_n3A_36 = arith.select %broadcast_in_dim3A_34, %min3A_18, %broadcast_in_dim3A_35 : vector<64x1024xi1>, vector<64x1024xf32>
    %get3A_37 = arith.constant 0 : index
    %get3A_38 = arith.constant 0 : index
    %get3A_39 = vector.load %arg4[%get3A_37, %get3A_38] : memref<1024x128xf32, #tpu.memory_space<vmem>>, vector<1024x128xf32>
    %transpose3A = tpu.transpose %select_n3A, [1, 0] : vector<64x1024xf32> -> vector<1024x64xf32>
    %slice3A = vector.extract_strided_slice %get3A_39 {offsets = [0, 0], sizes = [1024, 64], strides = [1, 1]} : vector<1024x128xf32> to vector<1024x64xf32>
    %add3A_40 = arith.addf %transpose3A, %slice3A : vector<1024x64xf32>
    %swap3A = arith.constant 0 : index
    %swap3A_41 = arith.constant 0 : index
    %swap3A_42 = vector.load %arg5[%swap3A, %swap3A_41] : memref<1024x128xf32, #tpu.memory_space<vmem>>, vector<1024x64xf32>
    tpu.vector_store %arg5[%swap3A, %swap3A_41], %add3A_40 {strides = array<i32>} : memref<1024x128xf32, #tpu.memory_space<vmem>>, vector<1024x64xf32>,
    %transpose3A_43 = tpu.transpose %select_n3A_36, [1, 0] : vector<64x1024xf32> -> vector<1024x64xf32>
    %slice3A_44 = vector.extract_strided_slice %get3A_39 {offsets = [0, 64], sizes = [1024, 64], strides = [1, 1]} : vector<1024x128xf32> to vector<1024x64xf32>
    %add3A_45 = arith.addf %transpose3A_43, %slice3A_44 : vector<1024x64xf32>
    %swap3A_46 = arith.constant 0 : index
    %swap3A_47 = arith.constant 64 : index
    %swap3A_48 = vector.load %arg5[%swap3A_46, %swap3A_47] : memref<1024x128xf32, #tpu.memory_space<vmem>>, vector<1024x64xf32>
    tpu.vector_store %arg5[%swap3A_46, %swap3A_47], %add3A_45 {strides = array<i32>} : memref<1024x128xf32, #tpu.memory_space<vmem>>, vector<1024x64xf32>,
    return
  }
  func.func @transform_0(%arg0: i32) -> (i32, i32) {
    %c0_i32 = arith.constant 0 : i32
    %c0_i32_0 = arith.constant 0 : i32
    return %c0_i32, %arg0 : i32, i32
  }
  func.func @transform_1(%arg0: i32) -> (i32, i32) {
    %c0_i32 = arith.constant 0 : i32
    %c0_i32_0 = arith.constant 0 : i32
    return %c0_i32, %arg0 : i32, i32
  }
  func.func @transform_2(%arg0: i32) -> (i32, i32) {
    %c0_i32 = arith.constant 0 : i32
    %c0_i32_0 = arith.constant 0 : i32
    return %c0_i32, %arg0 : i32, i32
  }
  func.func @transform_3(%arg0: i32) -> (i32, i32) {
    %c0_i32 = arith.constant 0 : i32
    %c0_i32_0 = arith.constant 0 : i32
    return %arg0, %c0_i32 : i32, i32
  }
  func.func @transform_4(%arg0: i32) -> (i32, i32) {
    %c0_i32 = arith.constant 0 : i32
    %c0_i32_0 = arith.constant 0 : i32
    return %arg0, %c0_i32 : i32, i32
  }
}

</mosaic_0001>

<sc_bundles>
// kernel: kernel.10.cloned.1.call-start
scs
__scs_entry_jumppad:
0x0: {  	(pc) =	sbr.rel $0x88, $3  }
0x1: {  	(tag) =	ssettag $0x0;
	lr =	simm.s32 $0x1  }
0x2: {  	[smem:$0x3F9C] =	sst lr;
	_ =	strace $0xD0000000  }
0x3: {  	_ = 	snop  }
0x4: {  	_ = 	snop  }
0x5: {  	_ = 	snop  }
0x6: {  	_ = 	snop  }
0x7: {  	_ = 	snop  }
__scs_overlays_trampoline_lowered:
0x8: {  	[smem:$0x3FAB] =	sst s0  }
0x9: {  	[smem:$0x3FAC] =	sst s1  }
0xa: {  	[smem:$0x3FAD] =	sst s2  }
0xb: {  	[smem:$0x3FAE] =	sst s3  }
0xc: {  	[smem:$0x3FAF] =	sst s4  }
0xd: {  	[smem:$0x3FB0] =	sst s5  }
0xe: {  	[smem:$0x3FB1] =	sst s6  }
0xf: {  	[smem:$0x3FB2] =	sst s7  }
0x10: {  	[smem:$0x3FB3] =	sst s8  }
0x11: {  	[smem:$0x3FB4] =	sst s9;
	s0 =	simm.s32 @!p0 $0x0  }
0x12: {  	s1 =	sld [smem:$0x3F9A];
	s0 =	simm.s32 @p0 $0x1  }
0x13: {  	[smem:$0x3FB5] =	sst s0;
	s0 =	simm.s32 @!p1 $0x0  }
0x14: {  	s2 =	sld [smem:$0x3F99];
	s0 =	simm.s32 @p1 $0x1  }
0x15: {  	[smem:$0x3FB6] =	sst s0;
	s0 =	simm.s32 @!p2 $0x0  }
0x16: {  	s3 =	sld [smem:$0x3FDB];
	s0 =	simm.s32 @p2 $0x1  }
0x17: {  	s4 =	simm.s32 $0x1BF5;
	[smem:$0x3FB8] =	sst s0  }
0x18: {  	s0 =	sld [smem:$0x3F9B];
	_ =	swait.ge [sflag:s4], $0x0  }
0x19: {  	s7 =	sld [smem:$0x3F9C]  }
0x1a: {  	s8 =	sadd.s32 $0xFFFFE003, lr  }
0x1b: {  	s9 =	sadd.s32 $0xFFFFFEF7, lr;
	s5 =	simm.s32 $0xFFFFFFFF;
	p2 =	slt.u32 s8, $0xFFFFF086  }
0x1c: {  	p1 =	slt.u32 s9, $0xF7A;
	s5 =	simm.s32 @!p2 $0x0  }
0x1d: {  	s5 =	simm.s32 @p1 $0x1;
	p0 =	seq.s32 s7, s2  }
0x1e: {  	s7 =	smul.u32 @!p0 $0xF7A, s2;
	p2 =	seq.s32 @!p0 s5, $0x0  }
0x1f: {  	s9 =	smul.u32 $0xF7A, s1;
	s8 =	simm.s32 @!p0 $0x1BF5;
	p2 =	por !p2, p0  }
0x20: {  	[sflag:s8] =	ssyncset.s32 @!p0 $0xFFFFF086;
	s6 =	sadd.s32 @!p0 s3, s7;
	s7 =	simm.s32 @!p0 $0x108  }
0x21: {  	s3 =	sadd.s32 s3, s9;
	s6 =	sadd.s32 @!p0 $0x88, s6;
	s7 =	simm.s32 @p2 $0x1082  }
0x22: {  	[simem:s7], [sflag:s8] =	dma.local @!p0 [hbm:s6], $0xF7A  }
0x23: {  	s9 =	sor.u32 $0xD0000000, s2;
	s6 =	simm.s32 $0x108;
	_ =	swait.ge @!p0 [sflag:s8], $0x0  }
0x24: {  	s3 =	sadd.s32 $0x88, s3;
	s6 =	simm.s32 @!p1 $0x1082;
	[sflag:s4] =	ssyncset.s32 $0xFFFFF086  }
0x25: {  	[simem:s6], [sflag:s4] =	dma.local [hbm:s3], $0xF7A  }
0x26: {  	[smem:$0x3F9C] =	sst s1;
	(tag) =	ssettag s2;
	_ =	strace s9  }
0x27: {  	s1 =	sld [smem:$0x3FAC]  }
0x28: {  	s2 =	sld [smem:$0x3FAD]  }
0x29: {  	s4 =	sld [smem:$0x3FAF]  }
0x2a: {  	p0 =	seq.s32 s5, $0x0;
	s5 =	sld [smem:$0x3FB0]  }
0x2b: {  	s6 =	sld [smem:$0x3FB1]  }
0x2c: {  	s7 =	sld [smem:$0x3FB2]  }
0x2d: {  	s3 =	simm.s32 $0x108;
	s8 =	sld [smem:$0x3FB3]  }
0x2e: {  	s3 =	simm.s32 @!p0 $0x1082;
	s9 =	sld [smem:$0x3FB4]  }
0x2f: {  	lr =	sadd.s32 s0, s3;
	s0 =	sld [smem:$0x3FAB]  }
0x30: {  	s3 =	sld [smem:$0x3FAE]  }
0x31: {  	[smem:$0x3FB7] =	sst s10  }
0x32: {  	s10 =	sld [smem:$0x3FB5];
	_ =	sdelay $0x3  }
0x33: {  	p0 =	seq.s32 s10, $0x1;
	s10 =	sld [smem:$0x3FB7];
	_ =	sdelay $0x3  }
0x34: {  	[smem:$0x3FB7] =	sst s10  }
0x35: {  	s10 =	sld [smem:$0x3FB6];
	_ =	sdelay $0x3  }
0x36: {  	p1 =	seq.s32 s10, $0x1;
	s10 =	sld [smem:$0x3FB7];
	_ =	sdelay $0x3  }
0x37: {  	[smem:$0x3FB7] =	sst s10  }
0x38: {  	s10 =	sld [smem:$0x3FB8]  }
0x39: {  	_ = 	snop;
	(pc) =	sbr.ind lr, $3  }
0x3a: {  	_ = 	snop  }
0x3b: {  	_ = 	snop  }
0x3c: {  	p2 =	seq.s32 s10, $0x1;
	s10 =	sld [smem:$0x3FB7]  }
0x3d: {  	_ =	shalt  }
0x3e: {  	_ =	shalt  }
0x3f: {  	_ =	shalt  }
0x40: {  	_ =	shalt  }
0x41: {  	_ =	shalt  }
0x42: {  	_ =	shalt  }
0x43: {  	_ =	shalt  }
0x44: {  	_ =	shalt  }
0x45: {  	_ =	shalt  }
0x46: {  	_ =	shalt  }
0x47: {  	_ =	shalt  }
0x48: {  	_ =	shalt  }
0x49: {  	_ =	shalt  }
0x4a: {  	_ =	shalt  }
0x4b: {  	_ =	shalt  }
0x4c: {  	_ =	shalt  }
0x4d: {  	_ =	shalt  }
0x4e: {  	_ =	shalt  }
0x4f: {  	_ =	shalt  }
0x50: {  	_ =	shalt  }
0x51: {  	_ =	shalt  }
0x52: {  	_ =	shalt  }
0x53: {  	_ =	shalt  }
0x54: {  	_ =	shalt  }
0x55: {  	_ =	shalt  }
0x56: {  	_ =	shalt  }
0x57: {  	_ =	shalt  }
0x58: {  	_ =	shalt  }
0x59: {  	_ =	shalt  }
0x5a: {  	_ =	shalt  }
0x5b: {  	_ =	shalt  }
0x5c: {  	_ =	shalt  }
0x5d: {  	_ =	shalt  }
0x5e: {  	_ =	shalt  }
0x5f: {  	_ =	shalt  }
0x60: {  	_ =	shalt  }
0x61: {  	_ =	shalt  }
0x62: {  	_ =	shalt  }
0x63: {  	_ =	shalt  }
0x64: {  	_ =	shalt  }
0x65: {  	_ =	shalt  }
0x66: {  	_ =	shalt  }
0x67: {  	_ =	shalt  }
0x68: {  	_ =	shalt  }
0x69: {  	_ =	shalt  }
0x6a: {  	_ =	shalt  }
0x6b: {  	_ =	shalt  }
0x6c: {  	_ =	shalt  }
0x6d: {  	_ =	shalt  }
0x6e: {  	_ =	shalt  }
0x6f: {  	_ =	shalt  }
0x70: {  	_ =	shalt  }
0x71: {  	_ =	shalt  }
0x72: {  	_ =	shalt  }
0x73: {  	_ =	shalt  }
0x74: {  	_ =	shalt  }
0x75: {  	_ =	shalt  }
0x76: {  	_ =	shalt  }
0x77: {  	_ =	shalt  }
0x78: {  	_ =	shalt  }
0x79: {  	_ =	shalt  }
0x7a: {  	_ =	shalt  }
0x7b: {  	_ =	shalt  }
0x7c: {  	_ =	shalt  }
0x7d: {  	_ =	shalt  }
0x7e: {  	_ =	shalt  }
0x7f: {  	_ =	shalt  }
0x80: {  	_ =	shalt  }
0x81: {  	_ =	shalt  }
0x82: {  	_ =	shalt  }
0x83: {  	_ =	shalt  }
0x84: {  	_ =	shalt  }
0x85: {  	_ =	shalt  }
0x86: {  	_ =	shalt  }
0x87: {  	_ =	shalt  }
.Lfunc_end0:
.L_simem_size_0:
called_computation.1_lowered:
.L_overlay_start_0:
0x88: {  	s2 =	sld [smem:$0x3FD9]  }
0x89: {  	s3 =	sld [smem:$0x3FFE];
	_ =	sdelay $0x1  }
0x8a: {  	s1 =	srdreg.scid  }
0x8b: {  	s0 =	sand.u32 $0x1, s1  }
0x8c: {  	s16 =	sshll.u32 s0, $0xA;
	s2 =	sadd.s32 s3, s2  }
0x8d: {  	s2 =	sadd.s32 s2, s16  }
0x8e: {  	[smem:$0x3FC3] =	sst s2  }
0x8f: {  	_ = 	snop  }
0x90: {  	(tm) =	ssettm $0x1  }
0x91: {  	s17 =	sld [smem:$0x3FFB];
	_ =	sdelay $0x3  }
0x92: {  	_ =	strace s17  }
0x93: {  	s2 =	sld [smem:$0x3FFC];
	_ =	sdelay $0x3  }
0x94: {  	_ =	strace s2  }
0x95: {  	s2 =	sld [smem:$0x3FFD];
	_ =	sdelay $0x3  }
0x96: {  	_ =	strace s2  }
0x97: {  	_ =	strace $0x8FFFFFFF  }
0x98: {  	s18 =	sld [smem:$0x3FDB];
	_ =	sdelay $0x1  }
0x99: {  	s19 =	simm.s32 $_scs_section_size  }
0x9a: {  	s4 =	simm.s32 $_size__tile_overlayer_lowered;
	s5 =	simm.s32 $_tile_overlayer_lowered  }
0x9b: {  	s22 =	simm.s32 $0x1BFF;
	s21 =	sshll.u32 s5, $0x1;
	s2 =	sadd.s32 s19, s18  }
0x9c: {  	s6 =	simm.s32 $0x0;
	s20 =	sshll.u32 s4, $0x1;
	s4 =	sadd.s32 s21, s2  }
0x9d: {  	[timem:s6], [sflag:s22] =	dma.local [hbm:s4], s20  }
0x9e: {  	_ =	swait.ge [sflag:s22], s20  }
0x9f: {  	s3 =	ssub.s32 $0x0, s20;
	[sflag:s22] =	ssyncset.done $0x0  }
0xa0: {  	[sflag:s22] =	ssyncadd.s32 s3;
	_ =	sdelay $0x1  }
0xa1: {  	s23 =	simm.s32 $0x1B8B  }
0xa2: {  	_ =	swait.ge [sflag:s23], $0x1  }
0xa3: {  	[sflag:s23] =	ssyncset.done $0x0  }
0xa4: {  	s25 =	simm.s32 $0x1B8E;
	s24 =	sld [smem:$0x3FFE];
	[sflag:s23] =	ssyncadd.s32 $0xFFFFFFFF  }
0xa5: {  	s26 =	simm.s32 $execute0_lowered;
	[smem:$0x3FD2] =	sst s25  }
0xa6: {  	s4 =	sshll.u32 s26, $0x1;
	_ =	strace $0x80000049;
	[dreg:$0x1] =	wrdreg $0xFFFFFFFF  }
0xa7: {  	s28 =	simm.s32 $_size_execute0_lowered;
	s2 =	sadd.s32 s2, s4;
	[dreg:$0x0] =	wrdreg $0x0  }
0xa8: {  	s4 =	sshll.u32 s28, $0x1;
	[dreg:$0x2] =	wrdreg s2  }
0xa9: {  	[dreg:$0x3] =	wrdreg s4  }
0xaa: {  	[dreg:$0x4] =	wrdreg $0xC0  }
0xab: {  	_ =	task [dreg:s6], $0x5FFFF  }
0xac: {  	[dreg:$0x1] =	wrdreg $0xFFFFFFFF  }
0xad: {  	[dreg:$0x0] =	wrdreg $0x60  }
0xae: {  	[dreg:$0x2] =	wrdreg s24  }
0xaf: {  	[dreg:$0x3] =	wrdreg $0x9  }
0xb0: {  	_ =	task.clear_ibuf [dreg:s6], $0x4FFFF;
	_ =	strace $0x90000049  }
0xb1: {  	s29 =	simm.s32 $0x9;
	_ =	strace $0x8000004B  }
0xb2: {  	_ =	swait.ge [sflag:s29], $0x1  }
0xb3: {  	[sflag:s29] =	ssyncadd.s32 $0xFFFFFFFF  }
0xb4: {  	_ =	strace $0x9000004B  }
0xb5: {  	_ =	sfence  }
0xb6: {  	s30 =	sld [smem:$0x0];
	_ =	sdelay $0x2  }
0xb7: {  	s31 =	sshll.u32 s1, $0xD;
	s1 =	sshrl.u32 s1, $0x2  }
0xb8: {  	s3 =	sand.u32 $0x4000, s31;
	s1 =	sadd.s32 s1, s30  }
0xb9: {  	s0 =	sor.u32 s3, s0;
	s1 =	sshll.u32 s1, $0x11  }
0xba: {  	s0 =	sor.u32 s1, s0  }
0xbb: {  	s0 =	sadd.s32 $0x8F2B, s0  }
0xbc: {  	[sflag:s0] =	ssyncadd.remote.s32 $0x1  }
0xbd: {  	_ =	sfence.sel $0xFFFF  }
0xbe: {  	[dreg:$0x0] =	wrdreg $0xFFFFFFFF;
	(pc) =	sbr.abs _section_cstart, $3  }
0xbf: {  	[dreg:$0x1] =	wrdreg $0xFFFFFFFF  }
0xc0: {  	_ =	task.clear_ibuf [dreg:s6], $0x2FFFF;
	_ =	strace $0x9FFFFFFF  }
0xc1: {  	(tm) =	ssettm $0x7FFFFFFF  }
tec
execute0_lowered:
.L_overlay_start_1:
0x0: {  	(tag) =	ssettag $0x1  }
0x1: {  	s7 =	rddreg [dreg:$0x0]  }
0x2: {  	s0 =	rddreg [dreg:$0x1];
	s1 =	simm.s32 $0x0;
	s3 =	srdreg.scid  }
0x3: {  	s11 =	simm.s32 $0x4F00;
	s12 =	simm.s32 $0x5700;
	s13 =	simm.s32 $0x5F00  }
0x4: {  	s14 =	simm.s32 $0x6700;
	s15 =	simm.s32 $0x2780;
	s16 =	simm.s32 $0x6F00  }
0x5: {  	s17 =	simm.s32 $0x0;
	[smem:$0x7FF] =	sst s1;
	s2 =	sadd.s32 $0xAA00, s7  }
0x6: {  	s4 =	sadd.s32 $0xC00, s7;
	s5 =	sadd.s32 $0x14800, s7;
	s6 =	sand.u32 $0x1, s3  }
0x7: {  	s3 =	stileid.u32;
	_ =	strace $0x8000004A;
	s8 =	ssub.s32 $0x2, s6  }
0x8: {  	s9 =	sshll.u32 s6, $0x4;
	s6 =	sadd.s32 $0x14E00, s7;
	s10 =	sshrl.u32 s8, $0x1  }
0x9: {  	s7 =	sadd.s32 $0x15800, s7;
	s9 =	sor.u32 s3, s9;
	s10 =	ssub.s32 s8, s10  }
0xa: {  	s8 =	smul.u32 $0x2710, s9;
	s9 =	smax.u32 s10, $0x1;
	s10 =	simm.s32 $0x1  }
.LBB2_1:
0xb: {  	[tilespmem:s1], [sflag:$0x1] =	stream.linear.gather [hbm4b:s5+s1], $0x2780, $0x38;
	[tilespmem:$0x7700] =	vst v63  }
0xc: {  	_ =	swait.ge [sflag:s10], $0x2780  }
0xd: {  	[sflag:s10] =	ssyncset.done $0x0  }
0xe: {  	s19 =	simm.s32 $0x2780;
	s20 =	simm.s32 $0x0;
	[sflag:s10] =	ssyncadd.s32 $0xFFFFD880  }
.LBB2_2:
0xf: {  	s18 =	smul.u32 $0x7D0, s20;
	_ =	sdelay $0x1  }
0x10: {  	s18 =	sshrl.u32 s18, $0x3  }
0x11: {  	s21 =	simm.s32 $0x0;
	s18 =	sadd.s32 s6, s18  }
0x12: {  	[tilespmem:s11], [sflag:$0x1] =	stream.linear.gather [hbm4b:s18+s21], $0x7D0, $0x38;
	[tilespmem:$0x7700] =	vst v63  }
0x13: {  	_ =	swait.ge [sflag:s10], $0x7D0  }
0x14: {  	[sflag:s10] =	ssyncset.done $0x0  }
0x15: {  	s18 =	sadd.s32 $0x500, s18;
	[sflag:s10] =	ssyncadd.s32 $0xFFFFF830  }
0x16: {  	[tilespmem:s12], [sflag:$0x1] =	stream.linear.gather [hbm4b:s18+s21], $0x7D0, $0x38;
	[tilespmem:$0x7700] =	vst v63  }
0x17: {  	_ =	swait.ge [sflag:s10], $0x7D0  }
0x18: {  	[sflag:s10] =	ssyncset.done $0x0  }
0x19: {  	s18 =	simm.s32 $0x0;
	[sflag:s10] =	ssyncadd.s32 $0xFFFFF830  }
0x1a: {  	v0 =	vmov s19;
	s21 =	simm.s32 $0x40;
	v1 =	vld [tilespmem:s18+$0x5700]  }
.LBB2_3:
0x1b: {  	p0 =	sne.s32 s21, $0x1F00;
	v2 =	vld [tilespmem:s18+$0x4F00];
	_ =	sdelay $0x4  }
0x1c: {  	v1 =	vadd.f32 v1, v2;
	_ =	sdelay $0x1  }
0x1d: {  	v1 =	vadd.f32 $1.000000020e-16, v1;
	_ =	sdelay $0x1  }
0x1e: {  	(erf) = vrcp.f32 v1;
	_ =	sdelay $0x6  }
.Ltmp0:
0x1f: {  	(pc) =	sbr.rel @p0 .LBB2_3-.Ltmp0, $4  }
0x20: {  	_ = 	snop  }
0x21: {  	v1 =	vpop (erf)  }
0x22: {  	[tilespmem:v0+s18+$0x0 ss:$0x1] =	vst.idx.msk $0xffff, v1;
	s18 =	sshra.s32 s21, $0x2  }
0x23: {  	s21 =	sadd.s32 $0x40, s21;
	v1 =	vld [tilespmem:s18+$0x5700]  }
0x24: {  	v2 =	vld [tilespmem:s18+$0x4F00];
	_ =	sdelay $0x4  }
0x25: {  	v1 =	vadd.f32 v1, v2;
	_ =	sdelay $0x1  }
0x26: {  	v1 =	vadd.f32 $1.000000020e-16, v1;
	_ =	sdelay $0x1  }
0x27: {  	(erf) = vrcp.f32 v1;
	_ =	sdelay $0x3  }
0x28: {  	s20 =	sadd.s32 $0x1, s20  }
0x29: {  	p0 =	sne.s32 s20, $0x5  }
.Ltmp1:
0x2a: {  	_ = 	snop;
	(pc) =	sbr.rel @p0 .LBB2_2-.Ltmp1, $3  }
0x2b: {  	_ =	sdelay $0x1  }
0x2c: {  	v1 =	vpop (erf)  }
0x2d: {  	s19 =	sadd.s32 $0x7D0, s19;
	[tilespmem:v0+s18+$0x0 ss:$0x1] =	vst.idx.msk $0xffff, v1;
	s18 =	simm.s32 $0x0  }
0x2e: {  	s19 =	simm.s32 $0x0  }
.LBB2_6:
0x2f: {  	s20 =	smul.u32 $0x7D0, s19;
	_ =	sdelay $0x1  }
0x30: {  	s20 =	sadd.s32 s8, s20  }
0x31: {  	s20 =	sshrl.u32 s20, $0x3  }
0x32: {  	s21 =	sadd.s32 s2, s20  }
0x33: {  	[tilespmem:s13], [sflag:$0x1] =	stream.linear.gather [hbm4b:s21+s18], $0x7D0, $0x38;
	[tilespmem:$0x7700] =	vst v63  }
0x34: {  	_ =	swait.ge [sflag:s10], $0x7D0  }
0x35: {  	[sflag:s10] =	ssyncset.done $0x0  }
0x36: {  	s31 =	sadd.s32 s4, s20;
	[sflag:s10] =	ssyncadd.s32 $0xFFFFF830  }
0x37: {  	[tilespmem:s14], [sflag:$0x1] =	stream.linear.gather [hbm4b:s31+s18], $0x7D0, $0x38;
	[tilespmem:$0x7700] =	vst v63  }
0x38: {  	_ =	swait.ge [sflag:s10], $0x7D0  }
0x39: {  	[sflag:s10] =	ssyncset.done $0x0  }
0x3a: {  	s21 =	simm.s32 $0x0;
	[sflag:s10] =	ssyncadd.s32 $0xFFFFF830  }
0x3b: {  	v0 =	vld [tilespmem:s21+$0x5F00];
	_ =	sdelay $0x7  }
0x3c: {  	v0 =	vld.idx.msk [tilespmem:v0+s1+$0x0], $0xffff;
	_ =	sdelay $0x2  }
0x3d: {  	v1 =	vld [tilespmem:s21+$0x6700];
	_ =	sdelay $0x1  }
0x3e: {  	v0 =	vmul.f32 $1.442695020e+00, v0;
	_ =	sdelay $0x1  }
0x3f: {  	(erf) = vpow2.f32 v0;
	_ =	sdelay $0x3  }
0x40: {  	s23 =	simm.s32 $0x10;
	s22 =	simm.s32 $0x80;
	v0 =	vld.idx.msk [tilespmem:v1+s15+$0x0], $0xffff  }
.LBB2_7:
0x41: {  	p0 =	sne.s32 s22, $0x1F00;
	v1 =	vld [tilespmem:s23+$0x5F00];
	_ =	sdelay $0x3  }
0x42: {  	v2 =	vpop (erf)  }
0x43: {  	v0 =	vmul.f32 v2, v0;
	_ =	sdelay $0x1  }
0x44: {  	[tilespmem:s21+$0x6F00] =	vst v0;
	s21 =	smov.u32 s23  }
0x45: {  	v0 =	vld.idx.msk [tilespmem:v1+s1+$0x0], $0xffff;
	_ =	sdelay $0x3  }
0x46: {  	v1 =	vld [tilespmem:s21+$0x6700];
	_ =	sdelay $0x1  }
0x47: {  	v0 =	vmul.f32 $1.442695020e+00, v0;
	_ =	sdelay $0x1  }
.Ltmp2:
0x48: {  	(erf) = vpow2.f32 v0;
	(pc) =	sbr.rel @p0 .LBB2_7-.Ltmp2, $2  }
0x49: {  	_ =	sdelay $0x2  }
0x4a: {  	s23 =	sshra.s32 s22, $0x2;
	s22 =	sadd.s32 $0x40, s22;
	v0 =	vld.idx.msk [tilespmem:v1+s15+$0x0], $0xffff  }
0x4b: {  	v1 =	vld [tilespmem:s23+$0x5F00];
	_ =	sdelay $0x3  }
0x4c: {  	v2 =	vpop (erf)  }
0x4d: {  	v0 =	vmul.f32 v2, v0;
	_ =	sdelay $0x1  }
0x4e: {  	[tilespmem:s21+$0x6F00] =	vst v0  }
0x4f: {  	v0 =	vld.idx.msk [tilespmem:v1+s1+$0x0], $0xffff;
	_ =	sdelay $0x3  }
0x50: {  	v61 =	vld [tilespmem:s23+$0x6700]  }
0x51: {  	v0 =	vmul.f32 $1.442695020e+00, v0;
	_ =	sdelay $0x1  }
0x52: {  	(erf) = vpow2.f32 v0;
	_ =	sdelay $0x4  }
0x53: {  	v62 =	vld.idx.msk [tilespmem:v61+s15+$0x0], $0xffff;
	_ =	sdelay $0x3  }
0x54: {  	v63 =	vpop (erf)  }
0x55: {  	s19 =	sadd.s32 $0x1, s19;
	v0 =	vmul.f32 v63, v62  }
0x56: {  	p0 =	sne.s32 s19, $0x5  }
.Ltmp3:
0x57: {  	s20 =	sadd.s32 s7, s20;
	[tilespmem:s23+$0x6F00] =	vst v0;
	(pc) =	sbr.rel @p0 .LBB2_6-.Ltmp3, $4  }
0x58: {  	[hbm4b:s20+s1] =	stream.linear.scatter [tilespmem:s16], [sflag:$0x1], $0x7D0, $0x38;
	[tilespmem:$0x7700] =	vst v63  }
0x59: {  	_ =	swait.ge [sflag:s10], $0x7D0  }
0x5a: {  	[sflag:s10] =	ssyncset.done $0x0  }
0x5b: {  	[sflag:s10] =	ssyncadd.s32 $0xFFFFF830  }
0x5c: {  	s17 =	sadd.s32 $0x1, s17  }
0x5d: {  	p0 =	sne.s32 s17, s9  }
.Ltmp4:
0x5e: {  	_ = 	snop;
	(pc) =	sbr.rel @p0 .LBB2_1-.Ltmp4, $1  }
0x5f: {  	_ =	sdelay $0x3  }
0x60: {  	_ =	sfence.sel $0x180000  }
0x61: {  	[bflag:$0x0] =	sbarrier.arrive $0xFFFF  }
0x62: {  	p0 =	sne.s32 s3, $0x0;
	_ =	strace $0x9000004A  }
0x63: {  	s0 =	sadd.s32 @!p0 $0x100000, s0;
	[bflag:$0x2] =	sbarrier.arrive $0xFFFF  }
0x64: {  	[sflag:s0] =	ssyncadd.tile.s32 @!p0 $0x1;
	_ =	shalt  }
.Lfunc_end2:
_tile_overlayer_lowered:
.L_overlay_start_2:
0x65: {  	(tag) =	ssettag $0x2  }
0x66: {  	s0 =	rddreg [dreg:$0x0];
	s2 =	stileid.u32  }
0x67: {  	s1 =	rddreg [dreg:$0x1];
	p0 =	sne.s32 s2, $0x0  }
0x68: {  	s3 =	rddreg [dreg:$0x2];
	[bflag:$0x3] =	sbarrier.arrive $0xFFFF;
	s2 =	simm.s32 @!p0 $0x1C01  }
0x69: {  	[timem:s3], [sflag:s2] =	dma.local @!p0 [hbm:s0], s1  }
0x6a: {  	s0 =	simm.s32 @!p0 $0x1  }
0x6b: {  	_ =	swait.ge @!p0 [sflag:s0], s1  }
0x6c: {  	s1 =	ssub.s32 @!p0 $0x0, s1;
	[sflag:s0] =	ssyncset.done @!p0 $0x0  }
0x6d: {  	[sflag:s0] =	ssyncadd.s32 @!p0 s1  }
0x6e: {  	[bflag:$0x3] =	sbarrier.arrive $0xFFFF  }
0x6f: {  	_ =	shalt  }

// kernel: kernel.13.cloned.1.call-start
scs
__scs_entry_jumppad:
0x0: {  	(pc) =	sbr.rel $0x88, $3  }
0x1: {  	(tag) =	ssettag $0x0;
	lr =	simm.s32 $0x1  }
0x2: {  	[smem:$0x3F9C] =	sst lr;
	_ =	strace $0xD0000000  }
0x3: {  	_ = 	snop  }
0x4: {  	_ = 	snop  }
0x5: {  	_ = 	snop  }
0x6: {  	_ = 	snop  }
0x7: {  	_ = 	snop  }
__scs_overlays_trampoline_lowered:
0x8: {  	[smem:$0x3FAB] =	sst s0  }
0x9: {  	[smem:$0x3FAC] =	sst s1  }
0xa: {  	[smem:$0x3FAD] =	sst s2  }
0xb: {  	[smem:$0x3FAE] =	sst s3  }
0xc: {  	[smem:$0x3FAF] =	sst s4  }
0xd: {  	[smem:$0x3FB0] =	sst s5  }
0xe: {  	[smem:$0x3FB1] =	sst s6  }
0xf: {  	[smem:$0x3FB2] =	sst s7  }
0x10: {  	[smem:$0x3FB3] =	sst s8  }
0x11: {  	[smem:$0x3FB4] =	sst s9;
	s0 =	simm.s32 @!p0 $0x0  }
0x12: {  	s1 =	sld [smem:$0x3F9A];
	s0 =	simm.s32 @p0 $0x1  }
0x13: {  	[smem:$0x3FB5] =	sst s0;
	s0 =	simm.s32 @!p1 $0x0  }
0x14: {  	s2 =	sld [smem:$0x3F99];
	s0 =	simm.s32 @p1 $0x1  }
0x15: {  	[smem:$0x3FB6] =	sst s0;
	s0 =	simm.s32 @!p2 $0x0  }
0x16: {  	s3 =	sld [smem:$0x3FDB];
	s0 =	simm.s32 @p2 $0x1  }
0x17: {  	s4 =	simm.s32 $0x1BF5;
	[smem:$0x3FB8] =	sst s0  }
0x18: {  	s0 =	sld [smem:$0x3F9B];
	_ =	swait.ge [sflag:s4], $0x0  }
0x19: {  	s7 =	sld [smem:$0x3F9C]  }
0x1a: {  	s8 =	sadd.s32 $0xFFFFE003, lr  }
0x1b: {  	s9 =	sadd.s32 $0xFFFFFEF7, lr;
	s5 =	simm.s32 $0xFFFFFFFF;
	p2 =	slt.u32 s8, $0xFFFFF086  }
0x1c: {  	p1 =	slt.u32 s9, $0xF7A;
	s5 =	simm.s32 @!p2 $0x0  }
0x1d: {  	s5 =	simm.s32 @p1 $0x1;
	p0 =	seq.s32 s7, s2  }
0x1e: {  	s7 =	smul.u32 @!p0 $0xF7A, s2;
	p2 =	seq.s32 @!p0 s5, $0x0  }
0x1f: {  	s9 =	smul.u32 $0xF7A, s1;
	s8 =	simm.s32 @!p0 $0x1BF5;
	p2 =	por !p2, p0  }
0x20: {  	[sflag:s8] =	ssyncset.s32 @!p0 $0xFFFFF086;
	s6 =	sadd.s32 @!p0 s3, s7;
	s7 =	simm.s32 @!p0 $0x108  }
0x21: {  	s3 =	sadd.s32 s3, s9;
	s6 =	sadd.s32 @!p0 $0x88, s6;
	s7 =	simm.s32 @p2 $0x1082  }
0x22: {  	[simem:s7], [sflag:s8] =	dma.local @!p0 [hbm:s6], $0xF7A  }
0x23: {  	s9 =	sor.u32 $0xD0000000, s2;
	s6 =	simm.s32 $0x108;
	_ =	swait.ge @!p0 [sflag:s8], $0x0  }
0x24: {  	s3 =	sadd.s32 $0x88, s3;
	s6 =	simm.s32 @!p1 $0x1082;
	[sflag:s4] =	ssyncset.s32 $0xFFFFF086  }
0x25: {  	[simem:s6], [sflag:s4] =	dma.local [hbm:s3], $0xF7A  }
0x26: {  	[smem:$0x3F9C] =	sst s1;
	(tag) =	ssettag s2;
	_ =	strace s9  }
0x27: {  	s1 =	sld [smem:$0x3FAC]  }
0x28: {  	s2 =	sld [smem:$0x3FAD]  }
0x29: {  	s4 =	sld [smem:$0x3FAF]  }
0x2a: {  	p0 =	seq.s32 s5, $0x0;
	s5 =	sld [smem:$0x3FB0]  }
0x2b: {  	s6 =	sld [smem:$0x3FB1]  }
0x2c: {  	s7 =	sld [smem:$0x3FB2]  }
0x2d: {  	s3 =	simm.s32 $0x108;
	s8 =	sld [smem:$0x3FB3]  }
0x2e: {  	s3 =	simm.s32 @!p0 $0x1082;
	s9 =	sld [smem:$0x3FB4]  }
0x2f: {  	lr =	sadd.s32 s0, s3;
	s0 =	sld [smem:$0x3FAB]  }
0x30: {  	s3 =	sld [smem:$0x3FAE]  }
0x31: {  	[smem:$0x3FB7] =	sst s10  }
0x32: {  	s10 =	sld [smem:$0x3FB5];
	_ =	sdelay $0x3  }
0x33: {  	p0 =	seq.s32 s10, $0x1;
	s10 =	sld [smem:$0x3FB7];
	_ =	sdelay $0x3  }
0x34: {  	[smem:$0x3FB7] =	sst s10  }
0x35: {  	s10 =	sld [smem:$0x3FB6];
	_ =	sdelay $0x3  }
0x36: {  	p1 =	seq.s32 s10, $0x1;
	s10 =	sld [smem:$0x3FB7];
	_ =	sdelay $0x3  }
0x37: {  	[smem:$0x3FB7] =	sst s10  }
0x38: {  	s10 =	sld [smem:$0x3FB8]  }
0x39: {  	_ = 	snop;
	(pc) =	sbr.ind lr, $3  }
0x3a: {  	_ = 	snop  }
0x3b: {  	_ = 	snop  }
0x3c: {  	p2 =	seq.s32 s10, $0x1;
	s10 =	sld [smem:$0x3FB7]  }
0x3d: {  	_ =	shalt  }
0x3e: {  	_ =	shalt  }
0x3f: {  	_ =	shalt  }
0x40: {  	_ =	shalt  }
0x41: {  	_ =	shalt  }
0x42: {  	_ =	shalt  }
0x43: {  	_ =	shalt  }
0x44: {  	_ =	shalt  }
0x45: {  	_ =	shalt  }
0x46: {  	_ =	shalt  }
0x47: {  	_ =	shalt  }
0x48: {  	_ =	shalt  }
0x49: {  	_ =	shalt  }
0x4a: {  	_ =	shalt  }
0x4b: {  	_ =	shalt  }
0x4c: {  	_ =	shalt  }
0x4d: {  	_ =	shalt  }
0x4e: {  	_ =	shalt  }
0x4f: {  	_ =	shalt  }
0x50: {  	_ =	shalt  }
0x51: {  	_ =	shalt  }
0x52: {  	_ =	shalt  }
0x53: {  	_ =	shalt  }
0x54: {  	_ =	shalt  }
0x55: {  	_ =	shalt  }
0x56: {  	_ =	shalt  }
0x57: {  	_ =	shalt  }
0x58: {  	_ =	shalt  }
0x59: {  	_ =	shalt  }
0x5a: {  	_ =	shalt  }
0x5b: {  	_ =	shalt  }
0x5c: {  	_ =	shalt  }
0x5d: {  	_ =	shalt  }
0x5e: {  	_ =	shalt  }
0x5f: {  	_ =	shalt  }
0x60: {  	_ =	shalt  }
0x61: {  	_ =	shalt  }
0x62: {  	_ =	shalt  }
0x63: {  	_ =	shalt  }
0x64: {  	_ =	shalt  }
0x65: {  	_ =	shalt  }
0x66: {  	_ =	shalt  }
0x67: {  	_ =	shalt  }
0x68: {  	_ =	shalt  }
0x69: {  	_ =	shalt  }
0x6a: {  	_ =	shalt  }
0x6b: {  	_ =	shalt  }
0x6c: {  	_ =	shalt  }
0x6d: {  	_ =	shalt  }
0x6e: {  	_ =	shalt  }
0x6f: {  	_ =	shalt  }
0x70: {  	_ =	shalt  }
0x71: {  	_ =	shalt  }
0x72: {  	_ =	shalt  }
0x73: {  	_ =	shalt  }
0x74: {  	_ =	shalt  }
0x75: {  	_ =	shalt  }
0x76: {  	_ =	shalt  }
0x77: {  	_ =	shalt  }
0x78: {  	_ =	shalt  }
0x79: {  	_ =	shalt  }
0x7a: {  	_ =	shalt  }
0x7b: {  	_ =	shalt  }
0x7c: {  	_ =	shalt  }
0x7d: {  	_ =	shalt  }
0x7e: {  	_ =	shalt  }
0x7f: {  	_ =	shalt  }
0x80: {  	_ =	shalt  }
0x81: {  	_ =	shalt  }
0x82: {  	_ =	shalt  }
0x83: {  	_ =	shalt  }
0x84: {  	_ =	shalt  }
0x85: {  	_ =	shalt  }
0x86: {  	_ =	shalt  }
0x87: {  	_ =	shalt  }
.Lfunc_end0:
.L_simem_size_0:
called_computation.2_lowered:
.L_overlay_start_0:
0x88: {  	s2 =	sld [smem:$0x3FD9]  }
0x89: {  	s3 =	sld [smem:$0x3FFE];
	_ =	sdelay $0x1  }
0x8a: {  	s1 =	srdreg.scid  }
0x8b: {  	s0 =	sand.u32 $0x1, s1  }
0x8c: {  	s17 =	sshll.u32 s0, $0xA;
	s2 =	sadd.s32 s3, s2  }
0x8d: {  	s2 =	sadd.s32 s2, s17  }
0x8e: {  	[smem:$0x3FC3] =	sst s2  }
0x8f: {  	_ = 	snop  }
0x90: {  	s2 =	sld [smem:$0x3FD0];
	(tm) =	ssettm $0x1  }
0x91: {  	s18 =	sld [smem:$0x3FFB];
	_ =	sdelay $0x3  }
0x92: {  	_ =	strace s18  }
0x93: {  	s3 =	sld [smem:$0x3FFC];
	_ =	sdelay $0x3  }
0x94: {  	_ =	strace s3  }
0x95: {  	s3 =	sld [smem:$0x3FFD];
	_ =	sdelay $0x3  }
0x96: {  	_ =	strace s3  }
0x97: {  	_ =	strace $0x8FFFFFFF  }
0x98: {  	s19 =	sld [smem:$0x3FDB];
	_ =	sdelay $0x1  }
0x99: {  	s4 =	simm.s32 $_scs_section_size  }
0x9a: {  	s5 =	simm.s32 $_size__tile_overlayer_lowered;
	s6 =	simm.s32 $_tile_overlayer_lowered  }
0x9b: {  	s22 =	simm.s32 $0x1BFF;
	s21 =	sshll.u32 s6, $0x1;
	s3 =	sadd.s32 s4, s19  }
0x9c: {  	s7 =	simm.s32 $0x0;
	s20 =	sshll.u32 s5, $0x1;
	s5 =	sadd.s32 s21, s3  }
0x9d: {  	[timem:s7], [sflag:s22] =	dma.local [hbm:s5], s20  }
0x9e: {  	_ =	swait.ge [sflag:s22], s20  }
0x9f: {  	s4 =	ssub.s32 $0x0, s20;
	[sflag:s22] =	ssyncset.done $0x0  }
0xa0: {  	[sflag:s22] =	ssyncadd.s32 s4;
	_ =	sdelay $0x1  }
0xa1: {  	s23 =	simm.s32 $0x1B8B  }
0xa2: {  	_ =	swait.ge [sflag:s23], $0x1  }
0xa3: {  	[sflag:s23] =	ssyncset.done $0x0  }
0xa4: {  	s25 =	simm.s32 $0x1B8E;
	s24 =	sld [smem:$0x3FFE];
	[sflag:s23] =	ssyncadd.s32 $0xFFFFFFFF  }
0xa5: {  	s26 =	simm.s32 $execute0_lowered;
	[smem:$0x3FD2] =	sst s25  }
0xa6: {  	s5 =	sshll.u32 s26, $0x1;
	_ =	strace $0x8000004C;
	[dreg:$0x1] =	wrdreg $0xFFFFFFFF  }
0xa7: {  	s28 =	simm.s32 $_size_execute0_lowered;
	s3 =	sadd.s32 s3, s5;
	[dreg:$0x0] =	wrdreg $0x0  }
0xa8: {  	s5 =	sshll.u32 s28, $0x1;
	[dreg:$0x2] =	wrdreg s3  }
0xa9: {  	[dreg:$0x3] =	wrdreg s5  }
0xaa: {  	[dreg:$0x4] =	wrdreg $0xC0  }
0xab: {  	_ =	task [dreg:s7], $0x5FFFF  }
0xac: {  	[dreg:$0x1] =	wrdreg $0xFFFFFFFF  }
0xad: {  	[dreg:$0x0] =	wrdreg $0x60  }
0xae: {  	[dreg:$0x2] =	wrdreg s24  }
0xaf: {  	[dreg:$0x3] =	wrdreg s2  }
0xb0: {  	[dreg:$0x4] =	wrdreg $0x9  }
0xb1: {  	_ =	task.clear_ibuf [dreg:s7], $0x5FFFF;
	_ =	strace $0x9000004C  }
0xb2: {  	s29 =	simm.s32 $0x9;
	_ =	strace $0x8000004E  }
0xb3: {  	_ =	swait.ge [sflag:s29], $0x1  }
0xb4: {  	[sflag:s29] =	ssyncadd.s32 $0xFFFFFFFF  }
0xb5: {  	_ =	strace $0x9000004E  }
0xb6: {  	_ =	sfence  }
0xb7: {  	s30 =	sld [smem:$0x0];
	_ =	sdelay $0x2  }
0xb8: {  	s31 =	sshll.u32 s1, $0xD;
	s1 =	sshrl.u32 s1, $0x2  }
0xb9: {  	s3 =	sand.u32 $0x4000, s31;
	s1 =	sadd.s32 s1, s30  }
0xba: {  	s0 =	sor.u32 s3, s0;
	s1 =	sshll.u32 s1, $0x11  }
0xbb: {  	s0 =	sor.u32 s1, s0  }
0xbc: {  	s0 =	sadd.s32 $0x8F2B, s0  }
0xbd: {  	[sflag:s0] =	ssyncadd.remote.s32 $0x1  }
0xbe: {  	_ =	sfence.sel $0xFFFF  }
0xbf: {  	[dreg:$0x0] =	wrdreg $0xFFFFFFFF;
	(pc) =	sbr.abs _section_cstart, $3  }
0xc0: {  	[dreg:$0x1] =	wrdreg $0xFFFFFFFF  }
0xc1: {  	_ =	task.clear_ibuf [dreg:s7], $0x2FFFF;
	_ =	strace $0x9FFFFFFF  }
0xc2: {  	(tm) =	ssettm $0x7FFFFFFF  }
0xc3: {  	_ =	shalt  }
tec
execute0_lowered:
.L_overlay_start_1:
0x0: {  	(tag) =	ssettag $0x1  }
0x1: {  	s6 =	rddreg [dreg:$0x0]  }
0x2: {  	s7 =	rddreg [dreg:$0x1];
	s1 =	srdreg.scid  }
0x3: {  	s2 =	simm.s32 $0x0;
	s0 =	stileid.u32;
	s17 =	simm.s32 $0x3  }
0x4: {  	s19 =	simm.s32 $0x17400;
	s20 =	simm.s32 $0x18080;
	s21 =	simm.s32 $0x18D00  }
0x5: {  	s22 =	simm.s32 $0x19980;
	s23 =	simm.s32 $0x1A600;
	s24 =	simm.s32 $0x1  }
0x6: {  	s25 =	simm.s32 $0x14000;
	s26 =	simm.s32 $0xA000;
	s28 =	simm.s32 $0x2  }
0x7: {  	s29 =	simm.s32 $0x0;
	s5 =	sand.u32 $0x1, s1;
	[smem:$0x7FF] =	sst s2  }
0x8: {  	s11 =	smul.u32 $0x1400, s0;
	s3 =	sshll.u32 s5, $0x4;
	_ =	strace $0x8000004D  }
0x9: {  	s9 =	ssub.s32 $0x2, s5;
	s14 =	smul.u32 $0x27100, s5;
	s5 =	sadd.s32 $0x15800, s6  }
0xa: {  	s4 =	sor.u32 s0, s3;
	s3 =	sadd.s32 $0xAA00, s6;
	s10 =	sshrl.u32 s9, $0x1  }
0xb: {  	s8 =	smul.u32 $0x1400, s4;
	s4 =	sadd.s32 $0xC00, s6;
	s16 =	ssub.s32 s9, s10  }
.Ltmp0:
0xc: {  	s31 =	sshrl.u32 s14, $0x3;
	s13 =	sadd.s32 $0x1900, s14;
	(pc) =	sbr.rel .LBB2_1-.Ltmp0, $4  }
0xd: {  	s14 =	sadd.s32 $0x2580, s14;
	s12 =	sadd.s32 $0x190, s31;
	s9 =	sadd.s32 s5, s31  }
0xe: {  	s16 =	smax.u32 s16, $0x1;
	s15 =	sadd.s32 s8, s6;
	s6 =	sadd.s32 s7, s11  }
0xf: {  	v0 =	vimm.s32 $0x7F807F80;
	v1 =	vlaneseq.u32;
	s7 =	sadd.s32 s3, s31;
	s8 =	sadd.s32 s4, s31;
	s10 =	sadd.s32 s3, s12  }
0x10: {  	v2 =	vor.u32 $0x10, v1;
	v3 =	vor.u32 $0x20, v1;
	v4 =	vor.u32 $0x30, v1;
	s11 =	sadd.s32 s4, s12;
	s12 =	sadd.s32 s5, s12;
	s15 =	sadd.s32 $0x1F600, s15  }
.LBB2_30:
0x11: {  	s29 =	sadd.s32 $0x1, s29  }
0x12: {  	p0 =	sne.s32 s29, s16  }
.Ltmp1:
0x13: {  	_ = 	snop;
	(pc) =	sbr.rel @!p0 .LBB2_31-.Ltmp1, $4  }
0x14: {  	[hbm4b:s15+s2] =	stream.linear.scatter [tilespmem:s26], [sflag:$0x3], $0xA000, $0x38;
	[tilespmem:$0x1B280] =	vst v63  }
0x15: {  	_ =	swait.ge [sflag:s17], $0xA000  }
0x16: {  	[sflag:s17] =	ssyncset.done $0x0  }
0x17: {  	[sflag:s17] =	ssyncadd.s32 $0xFFFF6000  }
.LBB2_1:
0x18: {  	[tilespmem:s2], [sflag:$0x3] =	stream.linear.gather [hbm4b:s6+s2], $0xA000, $0x38;
	[tilespmem:$0x1B280] =	vst v63  }
0x19: {  	_ =	swait.ge [sflag:s17], $0xA000  }
0x1a: {  	[sflag:s17] =	ssyncset.done $0x0  }
0x1b: {  	s30 =	simm.s32 $0x40;
	s31 =	simm.s32 $0x0;
	[sflag:s17] =	ssyncadd.s32 $0xFFFF6000  }
.LBB2_2:
0x1c: {  	p0 =	sne.s32 s30, $0x27FC0;
	[tilespmem:s31+$0xA000] =	vst v0;
	s31 =	smov.u32 s30;
	s30 =	sadd.s32 $0x40, s30  }
.Ltmp2:
0x1d: {  	(pc) =	sbr.rel @p0 .LBB2_2-.Ltmp2, $2  }
0x1e: {  	_ =	sdelay $0x2  }
0x1f: {  	s31 =	sshra.s32 s31, $0x2  }
0x20: {  	[tilespmem:s31+$0xA000] =	vst v0;
	s30 =	simm.s32 $0x0;
	s0 =	simm.s32 $0x16780  }
0x21: {  	[tilespmem:s0], [sflag:$0x1] =	stream.linear.gather [hbm4b:s7+s30], $0xC80, $0x38;
	[tilespmem:$0x1B280] =	vst v63  }
0x22: {  	_ = 	snop  }
0x23: {  	[tilespmem:s19], [sflag:$0x1] =	stream.linear.gather [hbm4b:s8+s30], $0xC80, $0x38;
	[tilespmem:$0x1B280] =	vst v63  }
0x24: {  	_ = 	snop  }
0x25: {  	[tilespmem:s20], [sflag:$0x1] =	stream.linear.gather [hbm4b:s9+s30], $0xC80, $0x38;
	[tilespmem:$0x1B280] =	vst v63  }
0x26: {  	_ = 	snop  }
0x27: {  	[tilespmem:s21], [sflag:$0x2] =	stream.linear.gather [hbm4b:s10+s30], $0xC80, $0x38;
	[tilespmem:$0x1B280] =	vst v63  }
0x28: {  	_ = 	snop  }
0x29: {  	[tilespmem:s22], [sflag:$0x2] =	stream.linear.gather [hbm4b:s11+s30], $0xC80, $0x38;
	[tilespmem:$0x1B280] =	vst v63  }
0x2a: {  	_ = 	snop  }
0x2b: {  	[tilespmem:s23], [sflag:$0x2] =	stream.linear.gather [hbm4b:s12+s30], $0xC80, $0x38;
	[tilespmem:$0x1B280] =	vst v63  }
.LBB2_4:
0x2c: {  	_ =	swait.ge [sflag:s24], $0xC80  }
0x2d: {  	[sflag:s24] =	ssyncset.done $0x0  }
0x2e: {  	[sflag:s24] =	ssyncadd.s32 $0xFFFFF380  }
0x2f: {  	_ =	swait.ge [sflag:s24], $0xC80  }
.Ltmp3:
0x30: {  	[sflag:s24] =	ssyncset.done $0x0;
	(pc) =	sbr.rel .LBB2_5-.Ltmp3, $4  }
0x31: {  	[sflag:s24] =	ssyncadd.s32 $0xFFFFF380  }
0x32: {  	_ =	swait.ge [sflag:s24], $0xC80  }
0x33: {  	[sflag:s24] =	ssyncset.done $0x0  }
0x34: {  	s31 =	simm.s32 $0x0;
	[sflag:s24] =	ssyncadd.s32 $0xFFFFF380  }
.LBB2_32:
0x35: {  	_ =	sdelay $0x3  }
0x36: {  	v25 =	vld.idx.msk [tilespmem:v16+s26+$0x0], $0xffff;
	_ =	sdelay $0x1  }
0x37: {  	v26 =	vadd.s32 $0x2800, v16;
	_ =	sdelay $0x2  }
0x38: {  	v22 =	vmin.bf16 v25, v22  }
0x39: {  	[tilespmem:v16+s26+$0x0] =	vst.idx.msk $0xffff, v22  }
0x3a: {  	v22 =	vld.idx.msk [tilespmem:v26+s26+$0x0], $0xffff;
	_ =	sdelay $0x1  }
0x3b: {  	v55 =	vadd.s32 $0x5000, v16;
	_ =	sdelay $0x2  }
0x3c: {  	v21 =	vmin.bf16 v22, v21  }
0x3d: {  	[tilespmem:v26+s26+$0x0] =	vst.idx.msk $0xffff, v21  }
0x3e: {  	v21 =	vld.idx.msk [tilespmem:v55+s26+$0x0], $0xffff;
	_ =	sdelay $0x1  }
0x3f: {  	v56 =	vadd.s32 $0x7800, v16;
	_ =	sdelay $0x2  }
0x40: {  	v21 =	vmin.bf16 v21, v23  }
0x41: {  	[tilespmem:v55+s26+$0x0] =	vst.idx.msk $0xffff, v21  }
0x42: {  	v21 =	vld.idx.msk [tilespmem:v56+s26+$0x0], $0xffff;
	_ =	sdelay $0x4  }
0x43: {  	v21 =	vmin.bf16 v21, v24  }
0x44: {  	[tilespmem:v56+s26+$0x0] =	vst.idx.msk $0xffff, v21  }
0x45: {  	v16 =	vld.idx.msk [tilespmem:v11+s26+$0x0], $0xffff;
	_ =	sdelay $0x1  }
0x46: {  	v57 =	vadd.s32 $0x2800, v11;
	_ =	sdelay $0x2  }
0x47: {  	v16 =	vmin.bf16 v16, v20  }
0x48: {  	[tilespmem:v11+s26+$0x0] =	vst.idx.msk $0xffff, v16  }
0x49: {  	v16 =	vld.idx.msk [tilespmem:v57+s26+$0x0], $0xffff;
	_ =	sdelay $0x1  }
0x4a: {  	v58 =	vadd.s32 $0x5000, v11;
	_ =	sdelay $0x2  }
0x4b: {  	v16 =	vmin.bf16 v16, v19  }
0x4c: {  	[tilespmem:v57+s26+$0x0] =	vst.idx.msk $0xffff, v16  }
0x4d: {  	v16 =	vld.idx.msk [tilespmem:v58+s26+$0x0], $0xffff;
	_ =	sdelay $0x1  }
0x4e: {  	v59 =	vadd.s32 $0x7800, v11;
	_ =	sdelay $0x2  }
0x4f: {  	v16 =	vmin.bf16 v16, v18  }
0x50: {  	[tilespmem:v58+s26+$0x0] =	vst.idx.msk $0xffff, v16  }
0x51: {  	v16 =	vld.idx.msk [tilespmem:v59+s26+$0x0], $0xffff;
	_ =	sdelay $0x4  }
0x52: {  	v16 =	vmin.bf16 v16, v17  }
0x53: {  	[tilespmem:v59+s26+$0x0] =	vst.idx.msk $0xffff, v16  }
0x54: {  	v11 =	vld.idx.msk [tilespmem:v6+s26+$0x0], $0xffff;
	_ =	sdelay $0x1  }
0x55: {  	v60 =	vadd.s32 $0x2800, v6;
	_ =	sdelay $0x2  }
0x56: {  	v11 =	vmin.bf16 v11, v12  }
0x57: {  	[tilespmem:v6+s26+$0x0] =	vst.idx.msk $0xffff, v11  }
0x58: {  	v11 =	vld.idx.msk [tilespmem:v60+s26+$0x0], $0xffff;
	_ =	sdelay $0x1  }
0x59: {  	v61 =	vadd.s32 $0x5000, v6;
	_ =	sdelay $0x2  }
0x5a: {  	v11 =	vmin.bf16 v11, v14  }
0x5b: {  	[tilespmem:v60+s26+$0x0] =	vst.idx.msk $0xffff, v11  }
0x5c: {  	v11 =	vld.idx.msk [tilespmem:v61+s26+$0x0], $0xffff;
	_ =	sdelay $0x1  }
0x5d: {  	v6 =	vadd.s32 $0x7800, v6;
	_ =	sdelay $0x2  }
0x5e: {  	v11 =	vmin.bf16 v11, v15  }
0x5f: {  	[tilespmem:v61+s26+$0x0] =	vst.idx.msk $0xffff, v11  }
0x60: {  	v11 =	vld.idx.msk [tilespmem:v6+s26+$0x0], $0xffff;
	_ =	sdelay $0x4  }
0x61: {  	v11 =	vmin.bf16 v11, v13  }
0x62: {  	[tilespmem:v6+s26+$0x0] =	vst.idx.msk $0xffff, v11  }
0x63: {  	v6 =	vld.idx.msk [tilespmem:v5+s26+$0x0], $0xffff;
	_ =	sdelay $0x1  }
0x64: {  	v62 =	vadd.s32 $0x2800, v5;
	_ =	sdelay $0x2  }
0x65: {  	v6 =	vmin.bf16 v6, v10  }
0x66: {  	[tilespmem:v5+s26+$0x0] =	vst.idx.msk $0xffff, v6  }
0x67: {  	v6 =	vld.idx.msk [tilespmem:v62+s26+$0x0], $0xffff;
	_ =	sdelay $0x1  }
0x68: {  	v63 =	vadd.s32 $0x5000, v5;
	_ =	sdelay $0x2  }
0x69: {  	v6 =	vmin.bf16 v6, v9  }
0x6a: {  	[tilespmem:v62+s26+$0x0] =	vst.idx.msk $0xffff, v6  }
0x6b: {  	v6 =	vld.idx.msk [tilespmem:v63+s26+$0x0], $0xffff;
	_ =	sdelay $0x1  }
0x6c: {  	v5 =	vadd.s32 $0x7800, v5;
	_ =	sdelay $0x2  }
0x6d: {  	v6 =	vmin.bf16 v6, v8  }
0x6e: {  	[tilespmem:v63+s26+$0x0] =	vst.idx.msk $0xffff, v6  }
0x6f: {  	v6 =	vld.idx.msk [tilespmem:v5+s26+$0x0], $0xffff;
	_ =	sdelay $0x4  }
0x70: {  	v6 =	vmin.bf16 v6, v7  }
0x71: {  	[tilespmem:v5+s26+$0x0] =	vst.idx.msk $0xffff, v6  }
.LBB2_15:
0x72: {  	s31 =	sadd.s32 $0x1, s31  }
0x73: {  	p0 =	sne.s32 s31, $0x32  }
.Ltmp4:
0x74: {  	_ = 	snop;
	(pc) =	sbr.rel @!p0 .LBB2_16-.Ltmp4, $1  }
0x75: {  	_ =	sdelay $0x3  }
.LBB2_5:
0x76: {  	s0 =	sshll.u32 s31, $0x6  }
0x77: {  	v5 =	vld [tilespmem:s0+$0x16780]  }
0x78: {  	v16 =	vld [tilespmem:s0+$0x17400]  }
0x79: {  	v9 =	vld [tilespmem:s0+$0x16790]  }
0x7a: {  	v21 =	vld [tilespmem:s0+$0x167B0]  }
0x7b: {  	v10 =	vld [tilespmem:s0+$0x18080]  }
0x7c: {  	v11 =	vld [tilespmem:s0+$0x17410]  }
0x7d: {  	v15 =	vld [tilespmem:s0+$0x167A0]  }
0x7e: {  	v17 =	vld [tilespmem:s0+$0x18090];
	v6 =	vadd.s32 $0x2800, v5  }
0x7f: {  	v25 =	vld [tilespmem:s0+$0x180A0];
	v7 =	vadd.s32 $0x5000, v5  }
0x80: {  	v29 =	vld [tilespmem:s0+$0x180B0];
	v8 =	vadd.s32 $0x7800, v5  }
0x81: {  	v12 =	vld.idx.msk [tilespmem:v5+s2+$0x0], $0xffff  }
0x82: {  	v5 =	vadd.s32 $0x2800, v9;
	v30 =	vld.idx.msk [tilespmem:v21+s2+$0x0], $0xffff  }
0x83: {  	v20 =	vadd.s32 $0x5000, v15;
	v13 =	vld.idx.msk [tilespmem:v6+s2+$0x0], $0xffff  }
0x84: {  	v22 =	vadd.s32 $0x7800, v15;
	v7 =	vld.idx.msk [tilespmem:v7+s2+$0x0], $0xffff  }
0x85: {  	v8 =	vld.idx.msk [tilespmem:v8+s2+$0x0], $0xffff;
	v6 =	vadd.s32 $0x5000, v9  }
0x86: {  	v14 =	vadd.s32 $0x7800, v9;
	v9 =	vld.idx.msk [tilespmem:v9+s2+$0x0], $0xffff  }
0x87: {  	v18 =	vld.idx.msk [tilespmem:v5+s2+$0x0], $0xffff;
	v5 =	vadd.s32 $0x2800, v15  }
0x88: {  	v27 =	vld.idx.msk [tilespmem:v20+s2+$0x0], $0xffff  }
0x89: {  	v28 =	vld.idx.msk [tilespmem:v22+s2+$0x0], $0xffff  }
0x8a: {  	v23 =	vadd.s32 $0x7800, v21;
	v19 =	vld.idx.msk [tilespmem:v6+s2+$0x0], $0xffff  }
0x8b: {  	v6 =	vld [tilespmem:s0+$0x17420]  }
0x8c: {  	v20 =	vadd.s32 $0x2800, v21;
	v26 =	vld.idx.msk [tilespmem:v5+s2+$0x0], $0xffff  }
0x8d: {  	v22 =	vadd.s32 $0x5000, v21;
	v5 =	vld [tilespmem:s0+$0x17430]  }
0x8e: {  	v14 =	vld.idx.msk [tilespmem:v14+s2+$0x0], $0xffff  }
0x8f: {  	v33 =	vld.idx.msk [tilespmem:v23+s2+$0x0], $0xffff  }
0x90: {  	v15 =	vld.idx.msk [tilespmem:v15+s2+$0x0], $0xffff  }
0x91: {  	v31 =	vld.idx.msk [tilespmem:v20+s2+$0x0], $0xffff  }
0x92: {  	v32 =	vld.idx.msk [tilespmem:v22+s2+$0x0], $0xffff;
	[tilespmem:v16+s25+$0x0] =	vst.idx.msk $0xffff, v1  }
0x93: {  	[tilespmem:v11+s25+$0x0] =	vst.idx.msk $0xffff, v2  }
0x94: {  	[tilespmem:v6+s25+$0x0] =	vst.idx.msk $0xffff, v3  }
0x95: {  	[tilespmem:v5+s25+$0x0] =	vst.idx.msk $0xffff, v4  }
0x96: {  	v21 =	vshll.u32 v13, $0x10;
	v13 =	vand.u32 $0xFFFF0000, v13;
	v23 =	vld.idx.msk [tilespmem:v16+s25+$0x0], $0xffff  }
0x97: {  	v21 =	vmul.f32 v21, v10;
	v13 =	vmul.f32 v13, v10;
	v24 =	vld.idx.msk [tilespmem:v11+s25+$0x0], $0xffff  }
0x98: {  	v20 =	vshll.u32 v12, $0x10;
	v12 =	vand.u32 $0xFFFF0000, v12;
	v34 =	vld.idx.msk [tilespmem:v6+s25+$0x0], $0xffff  }
0x99: {  	v20 =	vmul.f32 v20, v10;
	v12 =	vmul.f32 v12, v10;
	v21 =	vpack.i.f32.bf16 v13, v21;
	v13 =	vld.idx.msk [tilespmem:v5+s25+$0x0], $0xffff;
	_ =	sdelay $0x1  }
0x9a: {  	v22 =	vpack.i.f32.bf16 v12, v20;
	v12 =	vshll.u32 v7, $0x10;
	v7 =	vand.u32 $0xFFFF0000, v7  }
0x9b: {  	v20 =	vshll.u32 v8, $0x10;
	vm0 =	vne.s32 v23, v1;
	vm1 =	vne.s32 v24, v2  }
0x9c: {  	v8 =	vand.u32 $0xFFFF0000, v8;
	vm14 =	vne.s32 v34, v3;
	vm0 =	vmor vm0, vm1  }
0x9d: {  	v12 =	vmul.f32 v12, v10;
	vm15 =	vne.s32 v13, v4;
	vm0 =	vmor vm0, vm14  }
0x9e: {  	v7 =	vmul.f32 v7, v10;
	v20 =	vmul.f32 v20, v10;
	vm0 =	vmor vm0, vm15  }
0x9f: {  	v8 =	vmul.f32 v8, v10;
	v10 =	vmpcnt.ones.xlane vm0;
	_ =	sdelay $0x1  }
0xa0: {  	(v2sf) =	vpush v10, $0x0  }
0xa1: {  	v23 =	vpack.i.f32.bf16 v7, v12;
	v24 =	vpack.i.f32.bf16 v8, v20  }
0xa2: {  	v7 =	vshll.u32 v9, $0x10;
	v8 =	vand.u32 $0xFFFF0000, v9;
	v9 =	vshll.u32 v18, $0x10  }
0xa3: {  	v12 =	vand.u32 $0xFFFF0000, v18;
	v13 =	vshll.u32 v19, $0x10;
	v7 =	vmul.f32 v7, v17  }
0xa4: {  	v18 =	vshll.u32 v14, $0x10;
	v8 =	vmul.f32 v8, v17;
	v9 =	vmul.f32 v9, v17  }
0xa5: {  	v14 =	vand.u32 $0xFFFF0000, v14;
	v12 =	vmul.f32 v12, v17;
	v13 =	vmul.f32 v13, v17  }
0xa6: {  	v60 =	vmul.f32 v18, v17;
	v14 =	vmul.f32 v14, v17;
	v10 =	vand.u32 $0xFFFF0000, v19  }
0xa7: {  	v19 =	vpack.i.f32.bf16 v12, v9;
	v9 =	vshll.u32 v27, $0x10;
	v10 =	vmul.f32 v10, v17  }
0xa8: {  	v17 =	vshll.u32 v15, $0x10;
	v15 =	vand.u32 $0xFFFF0000, v15;
	v9 =	vmul.f32 v9, v25  }
0xa9: {  	v20 =	vpack.i.f32.bf16 v8, v7;
	v7 =	vmul.f32 v17, v25;
	v8 =	vmul.f32 v15, v25  }
0xaa: {  	v17 =	vpack.i.f32.bf16 v14, v60;
	v14 =	vand.u32 $0xFFFF0000, v28;
	v15 =	vand.u32 $0xFFFF0000, v30  }
0xab: {  	v18 =	vpack.i.f32.bf16 v10, v13;
	v10 =	vand.u32 $0xFFFF0000, v27;
	v13 =	vshll.u32 v28, $0x10  }
0xac: {  	v27 =	vmul.f32 v15, v29;
	v15 =	vand.u32 $0xFFFF0000, v31;
	v12 =	vpack.i.f32.bf16 v8, v7  }
0xad: {  	v7 =	vshll.u32 v26, $0x10;
	v10 =	vmul.f32 v10, v25;
	v13 =	vmul.f32 v13, v25  }
0xae: {  	v8 =	vand.u32 $0xFFFF0000, v26;
	v62 =	vmul.f32 v15, v29;
	v7 =	vmul.f32 v7, v25  }
0xaf: {  	v8 =	vmul.f32 v8, v25;
	v25 =	vmul.f32 v14, v25;
	v14 =	vshll.u32 v30, $0x10;
	s18 =	spop (v2sf)  }
0xb0: {  	v15 =	vand.u32 $0xFFFF0000, v32;
	v26 =	vmul.f32 v14, v29;
	v14 =	vshll.u32 v31, $0x10;
	p0 =	seq.s32 s18, $0x0  }
.Ltmp5:
0xb1: {  	v61 =	vmul.f32 v14, v29;
	v14 =	vshll.u32 v32, $0x10;
	v32 =	vmul.f32 v15, v29;
	(pc) =	sbr.rel @p0 .LBB2_32-.Ltmp5, $4  }
0xb2: {  	v15 =	vshll.u32 v33, $0x10;
	v33 =	vand.u32 $0xFFFF0000, v33;
	v63 =	vmul.f32 v14, v29  }
0xb3: {  	v14 =	vpack.i.f32.bf16 v8, v7;
	v7 =	vmul.f32 v15, v29;
	v29 =	vmul.f32 v33, v29  }
0xb4: {  	v13 =	vpack.i.f32.bf16 v25, v13;
	v15 =	vpack.i.f32.bf16 v10, v9;
	v10 =	vpack.i.f32.bf16 v27, v26  }
0xb5: {  	v9 =	vpack.i.f32.bf16 v62, v61;
	v8 =	vpack.i.f32.bf16 v32, v63;
	v7 =	vpack.i.f32.bf16 v29, v7  }
0xb6: {  	vm0 =	vmmov $0xffff  }
0xb7: {  	v25 =	vmpcnt.ones.xlane vm0;
	_ =	sdelay $0x1  }
0xb8: {  	(v2sf) =	vpush v25, $0x0;
	_ =	sdelay $0xe  }
0xb9: {  	s0 =	spop (v2sf)  }
0xba: {  	p0 =	slt.s32 s0, $0x1  }
.Ltmp6:
0xbb: {  	_ = 	snop;
	(pc) =	sbr.rel @p0 .LBB2_15-.Ltmp6, $1  }
0xbc: {  	_ =	sdelay $0x3  }
0xbd: {  	v25 =	vadd.s32 $0x2800, v16;
	v26 =	vadd.s32 $0x5000, v16;
	v27 =	vadd.s32 $0x7800, v16  }
.LBB2_8:
0xbe: {  	v28 =	vld.idx.msk [tilespmem:v16+s26+$0x0], vm0;
	_ =	sdelay $0x4  }
0xbf: {  	v28 =	vmin.bf16 v28, v22  }
0xc0: {  	[tilespmem:v16+s26+$0x0] =	vst.idx.msk vm0, v28  }
0xc1: {  	v29 =	vld.idx.msk [tilespmem:v25+s26+$0x0], vm0;
	_ =	sdelay $0x4  }
0xc2: {  	v29 =	vmin.bf16 v29, v21  }
0xc3: {  	v30 =	vld.idx.msk [tilespmem:v16+s26+$0x0], vm0;
	[tilespmem:v25+s26+$0x0] =	vst.idx.msk vm0, v29  }
0xc4: {  	v31 =	vld.idx.msk [tilespmem:v26+s26+$0x0], vm0;
	_ =	sdelay $0x4  }
0xc5: {  	v31 =	vmin.bf16 v31, v23  }
0xc6: {  	v32 =	vld.idx.msk [tilespmem:v25+s26+$0x0], vm0;
	[tilespmem:v26+s26+$0x0] =	vst.idx.msk vm0, v31  }
0xc7: {  	v33 =	vld.idx.msk [tilespmem:v27+s26+$0x0], vm0;
	_ =	sdelay $0x3  }
0xc8: {  	v36 =	vshll.u32 v28, $0x10;
	v28 =	vand.u32 $0xFFFF0000, v28;
	v34 =	vld.idx.msk [tilespmem:v26+s26+$0x0], vm0  }
0xc9: {  	v35 =	vshll.u32 v30, $0x10;
	v30 =	vand.u32 $0xFFFF0000, v30;
	v33 =	vmin.bf16 v33, v24  }
0xca: {  	vm1 =	vgt.f32 v35, v36;
	vm2 =	vgt.f32 v30, v28;
	v60 =	vshll.u32 v29, $0x10;
	[tilespmem:v27+s26+$0x0] =	vst.idx.msk vm0, v33  }
0xcb: {  	v29 =	vand.u32 $0xFFFF0000, v29;
	v28 =	vshll.u32 v32, $0x10;
	v32 =	vand.u32 $0xFFFF0000, v32;
	v59 =	vld.idx.msk [tilespmem:v27+s26+$0x0], vm0  }
0xcc: {  	vm1 =	vmor vm1, vm2;
	vm3 =	vgt.f32 v28, v60;
	vm4 =	vgt.f32 v32, v29  }
0xcd: {  	v61 =	vshll.u32 v31, $0x10;
	vm3 =	vmor vm3, vm4;
	v28 =	vshll.u32 v34, $0x10  }
0xce: {  	v29 =	vand.u32 $0xFFFF0000, v31;
	vm1 =	vmor vm1, vm3;
	vm2 =	vgt.f32 v28, v61  }
0xcf: {  	v28 =	vand.u32 $0xFFFF0000, v34;
	v62 =	vshll.u32 v33, $0x10;
	v63 =	vand.u32 $0xFFFF0000, v33  }
0xd0: {  	vm3 =	vgt.f32 v28, v29;
	v28 =	vshll.u32 v59, $0x10;
	v29 =	vand.u32 $0xFFFF0000, v59  }
0xd1: {  	vm2 =	vmor vm2, vm3;
	vm3 =	vgt.f32 v28, v62;
	vm15 =	vgt.f32 v29, v63  }
0xd2: {  	vm1 =	vmor vm1, vm2;
	vm2 =	vmor vm3, vm15  }
0xd3: {  	vm1 =	vmor vm1, vm2  }
0xd4: {  	vm0 =	vmand vm0, vm1  }
0xd5: {  	v28 =	vmpcnt.ones.xlane vm0;
	_ =	sdelay $0x1  }
0xd6: {  	(v2sf) =	vpush v28, $0x0;
	_ =	sdelay $0xe  }
0xd7: {  	s0 =	spop (v2sf)  }
0xd8: {  	p0 =	sgt.s32 s0, $0x0  }
.Ltmp7:
0xd9: {  	_ = 	snop;
	(pc) =	sbr.rel @p0 .LBB2_8-.Ltmp7, $1  }
0xda: {  	_ =	sdelay $0x3  }
0xdb: {  	vm0 =	vmmov $0xffff;
	_ =	sdelay $0x4  }
0xdc: {  	v16 =	vadd.s32 $0x2800, v11;
	v21 =	vadd.s32 $0x5000, v11;
	v22 =	vadd.s32 $0x7800, v11  }
.LBB2_10:
0xdd: {  	v23 =	vld.idx.msk [tilespmem:v11+s26+$0x0], vm0;
	_ =	sdelay $0x4  }
0xde: {  	v23 =	vmin.bf16 v23, v20  }
0xdf: {  	[tilespmem:v11+s26+$0x0] =	vst.idx.msk vm0, v23  }
0xe0: {  	v24 =	vld.idx.msk [tilespmem:v16+s26+$0x0], vm0;
	_ =	sdelay $0x4  }
0xe1: {  	v24 =	vmin.bf16 v24, v19  }
0xe2: {  	v25 =	vld.idx.msk [tilespmem:v11+s26+$0x0], vm0;
	[tilespmem:v16+s26+$0x0] =	vst.idx.msk vm0, v24  }
0xe3: {  	v26 =	vld.idx.msk [tilespmem:v21+s26+$0x0], vm0;
	_ =	sdelay $0x4  }
0xe4: {  	v26 =	vmin.bf16 v26, v18  }
0xe5: {  	v27 =	vld.idx.msk [tilespmem:v16+s26+$0x0], vm0;
	[tilespmem:v21+s26+$0x0] =	vst.idx.msk vm0, v26  }
0xe6: {  	v28 =	vld.idx.msk [tilespmem:v22+s26+$0x0], vm0;
	_ =	sdelay $0x3  }
0xe7: {  	v31 =	vshll.u32 v23, $0x10;
	v23 =	vand.u32 $0xFFFF0000, v23;
	v29 =	vld.idx.msk [tilespmem:v21+s26+$0x0], vm0  }
0xe8: {  	v30 =	vshll.u32 v25, $0x10;
	v25 =	vand.u32 $0xFFFF0000, v25;
	v28 =	vmin.bf16 v28, v17  }
0xe9: {  	vm1 =	vgt.f32 v30, v31;
	vm2 =	vgt.f32 v25, v23;
	v58 =	vshll.u32 v24, $0x10;
	[tilespmem:v22+s26+$0x0] =	vst.idx.msk vm0, v28  }
0xea: {  	v24 =	vand.u32 $0xFFFF0000, v24;
	v23 =	vshll.u32 v27, $0x10;
	v27 =	vand.u32 $0xFFFF0000, v27;
	v57 =	vld.idx.msk [tilespmem:v22+s26+$0x0], vm0  }
0xeb: {  	vm1 =	vmor vm1, vm2;
	vm3 =	vgt.f32 v23, v58;
	vm4 =	vgt.f32 v27, v24  }
0xec: {  	v59 =	vshll.u32 v26, $0x10;
	vm3 =	vmor vm3, vm4;
	v23 =	vshll.u32 v29, $0x10  }
0xed: {  	v60 =	vand.u32 $0xFFFF0000, v26;
	vm1 =	vmor vm1, vm3;
	vm2 =	vgt.f32 v23, v59  }
0xee: {  	v23 =	vand.u32 $0xFFFF0000, v29;
	v62 =	vshll.u32 v28, $0x10;
	v63 =	vand.u32 $0xFFFF0000, v28  }
0xef: {  	vm3 =	vgt.f32 v23, v60;
	v23 =	vshll.u32 v57, $0x10;
	v61 =	vand.u32 $0xFFFF0000, v57  }
0xf0: {  	vm2 =	vmor vm2, vm3;
	vm3 =	vgt.f32 v23, v62;
	vm15 =	vgt.f32 v61, v63  }
0xf1: {  	vm1 =	vmor vm1, vm2;
	vm2 =	vmor vm3, vm15  }
0xf2: {  	vm1 =	vmor vm1, vm2  }
0xf3: {  	vm0 =	vmand vm0, vm1  }
0xf4: {  	v23 =	vmpcnt.ones.xlane vm0;
	_ =	sdelay $0x1  }
0xf5: {  	(v2sf) =	vpush v23, $0x0;
	_ =	sdelay $0xe  }
0xf6: {  	s0 =	spop (v2sf)  }
0xf7: {  	p0 =	sgt.s32 s0, $0x0  }
.Ltmp8:
0xf8: {  	_ = 	snop;
	(pc) =	sbr.rel @p0 .LBB2_10-.Ltmp8, $1  }
0xf9: {  	_ =	sdelay $0x3  }
0xfa: {  	vm0 =	vmmov $0xffff;
	_ =	sdelay $0x4  }
0xfb: {  	v11 =	vadd.s32 $0x2800, v6;
	v16 =	vadd.s32 $0x5000, v6;
	v17 =	vadd.s32 $0x7800, v6  }
.LBB2_12:
0xfc: {  	v18 =	vld.idx.msk [tilespmem:v6+s26+$0x0], vm0;
	_ =	sdelay $0x4  }
0xfd: {  	v18 =	vmin.bf16 v18, v12  }
0xfe: {  	[tilespmem:v6+s26+$0x0] =	vst.idx.msk vm0, v18  }
0xff: {  	v19 =	vld.idx.msk [tilespmem:v11+s26+$0x0], vm0;
	_ =	sdelay $0x4  }
0x100: {  	v19 =	vmin.bf16 v19, v14  }
0x101: {  	v20 =	vld.idx.msk [tilespmem:v6+s26+$0x0], vm0;
	[tilespmem:v11+s26+$0x0] =	vst.idx.msk vm0, v19  }
0x102: {  	v21 =	vld.idx.msk [tilespmem:v16+s26+$0x0], vm0;
	_ =	sdelay $0x4  }
0x103: {  	v21 =	vmin.bf16 v21, v15  }
0x104: {  	v22 =	vld.idx.msk [tilespmem:v11+s26+$0x0], vm0;
	[tilespmem:v16+s26+$0x0] =	vst.idx.msk vm0, v21  }
0x105: {  	v23 =	vld.idx.msk [tilespmem:v17+s26+$0x0], vm0;
	_ =	sdelay $0x3  }
0x106: {  	v26 =	vshll.u32 v18, $0x10;
	v18 =	vand.u32 $0xFFFF0000, v18;
	v24 =	vld.idx.msk [tilespmem:v16+s26+$0x0], vm0  }
0x107: {  	v25 =	vshll.u32 v20, $0x10;
	v20 =	vand.u32 $0xFFFF0000, v20;
	v23 =	vmin.bf16 v23, v13  }
0x108: {  	vm1 =	vgt.f32 v25, v26;
	vm2 =	vgt.f32 v20, v18;
	v60 =	vshll.u32 v19, $0x10;
	[tilespmem:v17+s26+$0x0] =	vst.idx.msk vm0, v23  }
0x109: {  	v19 =	vand.u32 $0xFFFF0000, v19;
	v18 =	vshll.u32 v22, $0x10;
	v22 =	vand.u32 $0xFFFF0000, v22;
	v59 =	vld.idx.msk [tilespmem:v17+s26+$0x0], vm0  }
0x10a: {  	vm1 =	vmor vm1, vm2;
	vm3 =	vgt.f32 v18, v60;
	vm4 =	vgt.f32 v22, v19  }
0x10b: {  	v61 =	vshll.u32 v21, $0x10;
	vm3 =	vmor vm3, vm4;
	v18 =	vshll.u32 v24, $0x10  }
0x10c: {  	v19 =	vand.u32 $0xFFFF0000, v21;
	vm1 =	vmor vm1, vm3;
	vm2 =	vgt.f32 v18, v61  }
0x10d: {  	v18 =	vand.u32 $0xFFFF0000, v24;
	v62 =	vshll.u32 v23, $0x10;
	v63 =	vand.u32 $0xFFFF0000, v23  }
0x10e: {  	vm3 =	vgt.f32 v18, v19;
	v18 =	vshll.u32 v59, $0x10;
	v19 =	vand.u32 $0xFFFF0000, v59  }
0x10f: {  	vm2 =	vmor vm2, vm3;
	vm3 =	vgt.f32 v18, v62;
	vm15 =	vgt.f32 v19, v63  }
0x110: {  	vm1 =	vmor vm1, vm2;
	vm2 =	vmor vm3, vm15  }
0x111: {  	vm1 =	vmor vm1, vm2  }
0x112: {  	vm0 =	vmand vm0, vm1  }
0x113: {  	v18 =	vmpcnt.ones.xlane vm0;
	_ =	sdelay $0x1  }
0x114: {  	(v2sf) =	vpush v18, $0x0;
	_ =	sdelay $0xe  }
0x115: {  	s0 =	spop (v2sf)  }
0x116: {  	p0 =	sgt.s32 s0, $0x0  }
.Ltmp9:
0x117: {  	_ = 	snop;
	(pc) =	sbr.rel @p0 .LBB2_12-.Ltmp9, $1  }
0x118: {  	_ =	sdelay $0x3  }
0x119: {  	vm0 =	vmmov $0xffff;
	_ =	sdelay $0x4  }
0x11a: {  	v6 =	vadd.s32 $0x2800, v5;
	v11 =	vadd.s32 $0x5000, v5;
	v12 =	vadd.s32 $0x7800, v5  }
.LBB2_14:
0x11b: {  	v13 =	vld.idx.msk [tilespmem:v5+s26+$0x0], vm0;
	_ =	sdelay $0x4  }
0x11c: {  	v13 =	vmin.bf16 v13, v10  }
0x11d: {  	[tilespmem:v5+s26+$0x0] =	vst.idx.msk vm0, v13  }
0x11e: {  	v14 =	vld.idx.msk [tilespmem:v6+s26+$0x0], vm0;
	_ =	sdelay $0x4  }
0x11f: {  	v14 =	vmin.bf16 v14, v9  }
0x120: {  	v15 =	vld.idx.msk [tilespmem:v5+s26+$0x0], vm0;
	[tilespmem:v6+s26+$0x0] =	vst.idx.msk vm0, v14  }
0x121: {  	v16 =	vld.idx.msk [tilespmem:v11+s26+$0x0], vm0;
	_ =	sdelay $0x4  }
0x122: {  	v16 =	vmin.bf16 v16, v8  }
0x123: {  	v17 =	vld.idx.msk [tilespmem:v6+s26+$0x0], vm0;
	[tilespmem:v11+s26+$0x0] =	vst.idx.msk vm0, v16  }
0x124: {  	v18 =	vld.idx.msk [tilespmem:v12+s26+$0x0], vm0;
	_ =	sdelay $0x3  }
0x125: {  	v21 =	vshll.u32 v13, $0x10;
	v13 =	vand.u32 $0xFFFF0000, v13;
	v19 =	vld.idx.msk [tilespmem:v11+s26+$0x0], vm0  }
0x126: {  	v20 =	vshll.u32 v15, $0x10;
	v15 =	vand.u32 $0xFFFF0000, v15;
	v18 =	vmin.bf16 v18, v7  }
0x127: {  	vm1 =	vgt.f32 v20, v21;
	vm2 =	vgt.f32 v15, v13;
	v61 =	vshll.u32 v14, $0x10;
	[tilespmem:v12+s26+$0x0] =	vst.idx.msk vm0, v18  }
0x128: {  	v14 =	vand.u32 $0xFFFF0000, v14;
	vm1 =	vmor vm1, vm2;
	v13 =	vshll.u32 v17, $0x10;
	v15 =	vld.idx.msk [tilespmem:v12+s26+$0x0], vm0  }
0x129: {  	v17 =	vand.u32 $0xFFFF0000, v17;
	vm3 =	vgt.f32 v13, v61;
	v62 =	vshll.u32 v16, $0x10  }
0x12a: {  	vm4 =	vgt.f32 v17, v14;
	v14 =	vand.u32 $0xFFFF0000, v16;
	v13 =	vshll.u32 v19, $0x10  }
0x12b: {  	vm3 =	vmor vm3, vm4;
	vm2 =	vgt.f32 v13, v62;
	v13 =	vand.u32 $0xFFFF0000, v19  }
0x12c: {  	vm1 =	vmor vm1, vm3;
	v63 =	vand.u32 $0xFFFF0000, v18;
	vm3 =	vgt.f32 v13, v14  }
0x12d: {  	v13 =	vshll.u32 v15, $0x10;
	v14 =	vand.u32 $0xFFFF0000, v15;
	v15 =	vshll.u32 v18, $0x10  }
0x12e: {  	vm2 =	vmor vm2, vm3;
	vm3 =	vgt.f32 v13, v15;
	vm15 =	vgt.f32 v14, v63  }
0x12f: {  	vm1 =	vmor vm1, vm2;
	vm2 =	vmor vm3, vm15  }
0x130: {  	vm1 =	vmor vm1, vm2  }
0x131: {  	vm0 =	vmand vm0, vm1  }
0x132: {  	v13 =	vmpcnt.ones.xlane vm0;
	_ =	sdelay $0x1  }
0x133: {  	(v2sf) =	vpush v13, $0x0;
	_ =	sdelay $0xe  }
0x134: {  	s0 =	spop (v2sf)  }
0x135: {  	p0 =	sgt.s32 s0, $0x0  }
.Ltmp10:
0x136: {  	_ = 	snop;
	(pc) =	sbr.rel @p0 .LBB2_14-.Ltmp10, $1  }
0x137: {  	_ =	sdelay $0x3  }
.Ltmp11:
0x138: {  	_ = 	snop;
	(pc) =	sbr.rel .LBB2_15-.Ltmp11, $1  }
0x139: {  	_ =	sdelay $0x3  }
.LBB2_16:
0x13a: {  	p0 =	seq.s32 s30, $0x18  }
0x13b: {  	s0 =	smul.u32 @!p0 $0x1900, s30;
	_ =	sdelay $0x1  }
0x13c: {  	s0 =	sadd.s32 @!p0 s0, s13  }
0x13d: {  	s0 =	sshrl.u32 @!p0 s0, $0x3  }
0x13e: {  	s1 =	simm.s32 @!p0 $0x0;
	s18 =	simm.s32 @!p0 $0x16780;
	s31 =	sadd.s32 @!p0 s3, s0  }
0x13f: {  	[tilespmem:s18], [sflag:$0x1] =	stream.linear.gather @!p0 [hbm4b:s31+s1], $0xC80, $0x38;
	[tilespmem:$0x1B280] =	vst v63  }
0x140: {  	s18 =	sadd.s32 @!p0 s4, s0;
	s31 =	simm.s32 @!p0 $0x17400  }
0x141: {  	[tilespmem:s31], [sflag:$0x1] =	stream.linear.gather @!p0 [hbm4b:s18+s1], $0xC80, $0x38;
	[tilespmem:$0x1B280] =	vst v63  }
0x142: {  	s0 =	sadd.s32 @!p0 s5, s0;
	s18 =	simm.s32 @!p0 $0x18080  }
0x143: {  	[tilespmem:s18], [sflag:$0x1] =	stream.linear.gather @!p0 [hbm4b:s0+s1], $0xC80, $0x38;
	[tilespmem:$0x1B280] =	vst v63  }
0x144: {  	_ =	swait.ge [sflag:s28], $0xC80  }
0x145: {  	[sflag:s28] =	ssyncset.done $0x0  }
0x146: {  	[sflag:s28] =	ssyncadd.s32 $0xFFFFF380  }
0x147: {  	_ =	swait.ge [sflag:s28], $0xC80  }
.Ltmp12:
0x148: {  	[sflag:s28] =	ssyncset.done $0x0;
	(pc) =	sbr.rel .LBB2_17-.Ltmp12, $4  }
0x149: {  	[sflag:s28] =	ssyncadd.s32 $0xFFFFF380  }
0x14a: {  	_ =	swait.ge [sflag:s28], $0xC80  }
0x14b: {  	[sflag:s28] =	ssyncset.done $0x0  }
0x14c: {  	s31 =	simm.s32 $0x0;
	[sflag:s28] =	ssyncadd.s32 $0xFFFFF380  }
.LBB2_33:
0x14d: {  	_ =	sdelay $0x3  }
0x14e: {  	v25 =	vld.idx.msk [tilespmem:v16+s26+$0x0], $0xffff;
	_ =	sdelay $0x1  }
0x14f: {  	v26 =	vadd.s32 $0x2800, v16;
	_ =	sdelay $0x2  }
0x150: {  	v22 =	vmin.bf16 v25, v22  }
0x151: {  	[tilespmem:v16+s26+$0x0] =	vst.idx.msk $0xffff, v22  }
0x152: {  	v22 =	vld.idx.msk [tilespmem:v26+s26+$0x0], $0xffff;
	_ =	sdelay $0x1  }
0x153: {  	v55 =	vadd.s32 $0x5000, v16;
	_ =	sdelay $0x2  }
0x154: {  	v21 =	vmin.bf16 v22, v21  }
0x155: {  	[tilespmem:v26+s26+$0x0] =	vst.idx.msk $0xffff, v21  }
0x156: {  	v21 =	vld.idx.msk [tilespmem:v55+s26+$0x0], $0xffff;
	_ =	sdelay $0x1  }
0x157: {  	v56 =	vadd.s32 $0x7800, v16;
	_ =	sdelay $0x2  }
0x158: {  	v21 =	vmin.bf16 v21, v23  }
0x159: {  	[tilespmem:v55+s26+$0x0] =	vst.idx.msk $0xffff, v21  }
0x15a: {  	v21 =	vld.idx.msk [tilespmem:v56+s26+$0x0], $0xffff;
	_ =	sdelay $0x4  }
0x15b: {  	v21 =	vmin.bf16 v21, v24  }
0x15c: {  	[tilespmem:v56+s26+$0x0] =	vst.idx.msk $0xffff, v21  }
0x15d: {  	v16 =	vld.idx.msk [tilespmem:v11+s26+$0x0], $0xffff;
	_ =	sdelay $0x1  }
0x15e: {  	v57 =	vadd.s32 $0x2800, v11;
	_ =	sdelay $0x2  }
0x15f: {  	v16 =	vmin.bf16 v16, v20  }
0x160: {  	[tilespmem:v11+s26+$0x0] =	vst.idx.msk $0xffff, v16  }
0x161: {  	v16 =	vld.idx.msk [tilespmem:v57+s26+$0x0], $0xffff;
	_ =	sdelay $0x1  }
0x162: {  	v58 =	vadd.s32 $0x5000, v11;
	_ =	sdelay $0x2  }
0x163: {  	v16 =	vmin.bf16 v16, v19  }
0x164: {  	[tilespmem:v57+s26+$0x0] =	vst.idx.msk $0xffff, v16  }
0x165: {  	v16 =	vld.idx.msk [tilespmem:v58+s26+$0x0], $0xffff;
	_ =	sdelay $0x1  }
0x166: {  	v59 =	vadd.s32 $0x7800, v11;
	_ =	sdelay $0x2  }
0x167: {  	v16 =	vmin.bf16 v16, v18  }
0x168: {  	[tilespmem:v58+s26+$0x0] =	vst.idx.msk $0xffff, v16  }
0x169: {  	v16 =	vld.idx.msk [tilespmem:v59+s26+$0x0], $0xffff;
	_ =	sdelay $0x4  }
0x16a: {  	v16 =	vmin.bf16 v16, v17  }
0x16b: {  	[tilespmem:v59+s26+$0x0] =	vst.idx.msk $0xffff, v16  }
0x16c: {  	v11 =	vld.idx.msk [tilespmem:v6+s26+$0x0], $0xffff;
	_ =	sdelay $0x1  }
0x16d: {  	v60 =	vadd.s32 $0x2800, v6;
	_ =	sdelay $0x2  }
0x16e: {  	v11 =	vmin.bf16 v11, v12  }
0x16f: {  	[tilespmem:v6+s26+$0x0] =	vst.idx.msk $0xffff, v11  }
0x170: {  	v11 =	vld.idx.msk [tilespmem:v60+s26+$0x0], $0xffff;
	_ =	sdelay $0x1  }
0x171: {  	v61 =	vadd.s32 $0x5000, v6;
	_ =	sdelay $0x2  }
0x172: {  	v11 =	vmin.bf16 v11, v14  }
0x173: {  	[tilespmem:v60+s26+$0x0] =	vst.idx.msk $0xffff, v11  }
0x174: {  	v11 =	vld.idx.msk [tilespmem:v61+s26+$0x0], $0xffff;
	_ =	sdelay $0x1  }
0x175: {  	v6 =	vadd.s32 $0x7800, v6;
	_ =	sdelay $0x2  }
0x176: {  	v11 =	vmin.bf16 v11, v15  }
0x177: {  	[tilespmem:v61+s26+$0x0] =	vst.idx.msk $0xffff, v11  }
0x178: {  	v11 =	vld.idx.msk [tilespmem:v6+s26+$0x0], $0xffff;
	_ =	sdelay $0x4  }
0x179: {  	v11 =	vmin.bf16 v11, v13  }
0x17a: {  	[tilespmem:v6+s26+$0x0] =	vst.idx.msk $0xffff, v11  }
0x17b: {  	v6 =	vld.idx.msk [tilespmem:v5+s26+$0x0], $0xffff;
	_ =	sdelay $0x1  }
0x17c: {  	v62 =	vadd.s32 $0x2800, v5;
	_ =	sdelay $0x2  }
0x17d: {  	v6 =	vmin.bf16 v6, v10  }
0x17e: {  	[tilespmem:v5+s26+$0x0] =	vst.idx.msk $0xffff, v6  }
0x17f: {  	v6 =	vld.idx.msk [tilespmem:v62+s26+$0x0], $0xffff;
	_ =	sdelay $0x1  }
0x180: {  	v63 =	vadd.s32 $0x5000, v5;
	_ =	sdelay $0x2  }
0x181: {  	v6 =	vmin.bf16 v6, v9  }
0x182: {  	[tilespmem:v62+s26+$0x0] =	vst.idx.msk $0xffff, v6  }
0x183: {  	v6 =	vld.idx.msk [tilespmem:v63+s26+$0x0], $0xffff;
	_ =	sdelay $0x1  }
0x184: {  	v5 =	vadd.s32 $0x7800, v5;
	_ =	sdelay $0x2  }
0x185: {  	v6 =	vmin.bf16 v6, v8  }
0x186: {  	[tilespmem:v63+s26+$0x0] =	vst.idx.msk $0xffff, v6  }
0x187: {  	v6 =	vld.idx.msk [tilespmem:v5+s26+$0x0], $0xffff;
	_ =	sdelay $0x4  }
0x188: {  	v6 =	vmin.bf16 v6, v7  }
0x189: {  	[tilespmem:v5+s26+$0x0] =	vst.idx.msk $0xffff, v6  }
.LBB2_27:
0x18a: {  	s31 =	sadd.s32 $0x1, s31  }
0x18b: {  	p1 =	sne.s32 s31, $0x32  }
.Ltmp13:
0x18c: {  	_ = 	snop;
	(pc) =	sbr.rel @!p1 .LBB2_28-.Ltmp13, $1  }
0x18d: {  	_ =	sdelay $0x3  }
.LBB2_17:
0x18e: {  	s0 =	sshll.u32 s31, $0x6  }
0x18f: {  	v5 =	vld [tilespmem:s0+$0x18D00]  }
0x190: {  	v16 =	vld [tilespmem:s0+$0x19980]  }
0x191: {  	v9 =	vld [tilespmem:s0+$0x18D10]  }
0x192: {  	v21 =	vld [tilespmem:s0+$0x18D30]  }
0x193: {  	v10 =	vld [tilespmem:s0+$0x1A600]  }
0x194: {  	v11 =	vld [tilespmem:s0+$0x19990]  }
0x195: {  	v15 =	vld [tilespmem:s0+$0x18D20]  }
0x196: {  	v17 =	vld [tilespmem:s0+$0x1A610];
	v6 =	vadd.s32 $0x2800, v5  }
0x197: {  	v25 =	vld [tilespmem:s0+$0x1A620];
	v7 =	vadd.s32 $0x5000, v5  }
0x198: {  	v29 =	vld [tilespmem:s0+$0x1A630];
	v8 =	vadd.s32 $0x7800, v5  }
0x199: {  	v12 =	vld.idx.msk [tilespmem:v5+s2+$0x0], $0xffff  }
0x19a: {  	v5 =	vadd.s32 $0x2800, v9;
	v30 =	vld.idx.msk [tilespmem:v21+s2+$0x0], $0xffff  }
0x19b: {  	v20 =	vadd.s32 $0x5000, v15;
	v13 =	vld.idx.msk [tilespmem:v6+s2+$0x0], $0xffff  }
0x19c: {  	v22 =	vadd.s32 $0x7800, v15;
	v7 =	vld.idx.msk [tilespmem:v7+s2+$0x0], $0xffff  }
0x19d: {  	v8 =	vld.idx.msk [tilespmem:v8+s2+$0x0], $0xffff;
	v6 =	vadd.s32 $0x5000, v9  }
0x19e: {  	v14 =	vadd.s32 $0x7800, v9;
	v9 =	vld.idx.msk [tilespmem:v9+s2+$0x0], $0xffff  }
0x19f: {  	v18 =	vld.idx.msk [tilespmem:v5+s2+$0x0], $0xffff;
	v5 =	vadd.s32 $0x2800, v15  }
0x1a0: {  	v27 =	vld.idx.msk [tilespmem:v20+s2+$0x0], $0xffff  }
0x1a1: {  	v28 =	vld.idx.msk [tilespmem:v22+s2+$0x0], $0xffff  }
0x1a2: {  	v23 =	vadd.s32 $0x7800, v21;
	v19 =	vld.idx.msk [tilespmem:v6+s2+$0x0], $0xffff  }
0x1a3: {  	v6 =	vld [tilespmem:s0+$0x199A0]  }
0x1a4: {  	v20 =	vadd.s32 $0x2800, v21;
	v26 =	vld.idx.msk [tilespmem:v5+s2+$0x0], $0xffff  }
0x1a5: {  	v22 =	vadd.s32 $0x5000, v21;
	v5 =	vld [tilespmem:s0+$0x199B0]  }
0x1a6: {  	v14 =	vld.idx.msk [tilespmem:v14+s2+$0x0], $0xffff  }
0x1a7: {  	v33 =	vld.idx.msk [tilespmem:v23+s2+$0x0], $0xffff  }
0x1a8: {  	v15 =	vld.idx.msk [tilespmem:v15+s2+$0x0], $0xffff  }
0x1a9: {  	v31 =	vld.idx.msk [tilespmem:v20+s2+$0x0], $0xffff  }
0x1aa: {  	v32 =	vld.idx.msk [tilespmem:v22+s2+$0x0], $0xffff;
	[tilespmem:v16+s25+$0x0] =	vst.idx.msk $0xffff, v1  }
0x1ab: {  	[tilespmem:v11+s25+$0x0] =	vst.idx.msk $0xffff, v2  }
0x1ac: {  	[tilespmem:v6+s25+$0x0] =	vst.idx.msk $0xffff, v3  }
0x1ad: {  	[tilespmem:v5+s25+$0x0] =	vst.idx.msk $0xffff, v4  }
0x1ae: {  	v21 =	vshll.u32 v13, $0x10;
	v13 =	vand.u32 $0xFFFF0000, v13;
	v23 =	vld.idx.msk [tilespmem:v16+s25+$0x0], $0xffff  }
0x1af: {  	v21 =	vmul.f32 v21, v10;
	v13 =	vmul.f32 v13, v10;
	v24 =	vld.idx.msk [tilespmem:v11+s25+$0x0], $0xffff  }
0x1b0: {  	v20 =	vshll.u32 v12, $0x10;
	v12 =	vand.u32 $0xFFFF0000, v12;
	v34 =	vld.idx.msk [tilespmem:v6+s25+$0x0], $0xffff  }
0x1b1: {  	v20 =	vmul.f32 v20, v10;
	v12 =	vmul.f32 v12, v10;
	v21 =	vpack.i.f32.bf16 v13, v21;
	v13 =	vld.idx.msk [tilespmem:v5+s25+$0x0], $0xffff;
	_ =	sdelay $0x1  }
0x1b2: {  	v22 =	vpack.i.f32.bf16 v12, v20;
	v12 =	vshll.u32 v7, $0x10;
	v7 =	vand.u32 $0xFFFF0000, v7  }
0x1b3: {  	v20 =	vshll.u32 v8, $0x10;
	vm0 =	vne.s32 v23, v1;
	vm1 =	vne.s32 v24, v2  }
0x1b4: {  	v8 =	vand.u32 $0xFFFF0000, v8;
	vm14 =	vne.s32 v34, v3;
	vm0 =	vmor vm0, vm1  }
0x1b5: {  	v12 =	vmul.f32 v12, v10;
	vm15 =	vne.s32 v13, v4;
	vm0 =	vmor vm0, vm14  }
0x1b6: {  	v7 =	vmul.f32 v7, v10;
	v20 =	vmul.f32 v20, v10;
	vm0 =	vmor vm0, vm15  }
0x1b7: {  	v8 =	vmul.f32 v8, v10;
	v10 =	vmpcnt.ones.xlane vm0;
	_ =	sdelay $0x1  }
0x1b8: {  	(v2sf) =	vpush v10, $0x0  }
0x1b9: {  	v23 =	vpack.i.f32.bf16 v7, v12;
	v24 =	vpack.i.f32.bf16 v8, v20  }
0x1ba: {  	v7 =	vshll.u32 v9, $0x10;
	v8 =	vand.u32 $0xFFFF0000, v9;
	v9 =	vshll.u32 v18, $0x10  }
0x1bb: {  	v12 =	vand.u32 $0xFFFF0000, v18;
	v13 =	vshll.u32 v19, $0x10;
	v7 =	vmul.f32 v7, v17  }
0x1bc: {  	v18 =	vshll.u32 v14, $0x10;
	v8 =	vmul.f32 v8, v17;
	v9 =	vmul.f32 v9, v17  }
0x1bd: {  	v14 =	vand.u32 $0xFFFF0000, v14;
	v12 =	vmul.f32 v12, v17;
	v13 =	vmul.f32 v13, v17  }
0x1be: {  	v60 =	vmul.f32 v18, v17;
	v14 =	vmul.f32 v14, v17;
	v10 =	vand.u32 $0xFFFF0000, v19  }
0x1bf: {  	v19 =	vpack.i.f32.bf16 v12, v9;
	v9 =	vshll.u32 v27, $0x10;
	v10 =	vmul.f32 v10, v17  }
0x1c0: {  	v17 =	vshll.u32 v15, $0x10;
	v15 =	vand.u32 $0xFFFF0000, v15;
	v9 =	vmul.f32 v9, v25  }
0x1c1: {  	v20 =	vpack.i.f32.bf16 v8, v7;
	v7 =	vmul.f32 v17, v25;
	v8 =	vmul.f32 v15, v25  }
0x1c2: {  	v17 =	vpack.i.f32.bf16 v14, v60;
	v14 =	vand.u32 $0xFFFF0000, v28;
	v15 =	vand.u32 $0xFFFF0000, v30  }
0x1c3: {  	v18 =	vpack.i.f32.bf16 v10, v13;
	v10 =	vand.u32 $0xFFFF0000, v27;
	v13 =	vshll.u32 v28, $0x10  }
0x1c4: {  	v27 =	vmul.f32 v15, v29;
	v15 =	vand.u32 $0xFFFF0000, v31;
	v12 =	vpack.i.f32.bf16 v8, v7  }
0x1c5: {  	v7 =	vshll.u32 v26, $0x10;
	v10 =	vmul.f32 v10, v25;
	v13 =	vmul.f32 v13, v25  }
0x1c6: {  	v8 =	vand.u32 $0xFFFF0000, v26;
	v62 =	vmul.f32 v15, v29;
	v7 =	vmul.f32 v7, v25  }
0x1c7: {  	v8 =	vmul.f32 v8, v25;
	v25 =	vmul.f32 v14, v25;
	v14 =	vshll.u32 v30, $0x10;
	s18 =	spop (v2sf)  }
0x1c8: {  	v15 =	vand.u32 $0xFFFF0000, v32;
	v26 =	vmul.f32 v14, v29;
	v14 =	vshll.u32 v31, $0x10;
	p1 =	seq.s32 s18, $0x0  }
.Ltmp14:
0x1c9: {  	v61 =	vmul.f32 v14, v29;
	v14 =	vshll.u32 v32, $0x10;
	v32 =	vmul.f32 v15, v29;
	(pc) =	sbr.rel @p1 .LBB2_33-.Ltmp14, $4  }
0x1ca: {  	v15 =	vshll.u32 v33, $0x10;
	v33 =	vand.u32 $0xFFFF0000, v33;
	v63 =	vmul.f32 v14, v29  }
0x1cb: {  	v14 =	vpack.i.f32.bf16 v8, v7;
	v7 =	vmul.f32 v15, v29;
	v29 =	vmul.f32 v33, v29  }
0x1cc: {  	v13 =	vpack.i.f32.bf16 v25, v13;
	v15 =	vpack.i.f32.bf16 v10, v9;
	v10 =	vpack.i.f32.bf16 v27, v26  }
0x1cd: {  	v9 =	vpack.i.f32.bf16 v62, v61;
	v8 =	vpack.i.f32.bf16 v32, v63;
	v7 =	vpack.i.f32.bf16 v29, v7  }
0x1ce: {  	vm0 =	vmmov $0xffff  }
0x1cf: {  	v25 =	vmpcnt.ones.xlane vm0;
	_ =	sdelay $0x1  }
0x1d0: {  	(v2sf) =	vpush v25, $0x0;
	_ =	sdelay $0xe  }
0x1d1: {  	s0 =	spop (v2sf)  }
0x1d2: {  	p1 =	slt.s32 s0, $0x1  }
.Ltmp15:
0x1d3: {  	_ = 	snop;
	(pc) =	sbr.rel @p1 .LBB2_27-.Ltmp15, $1  }
0x1d4: {  	_ =	sdelay $0x3  }
0x1d5: {  	v25 =	vadd.s32 $0x2800, v16;
	v26 =	vadd.s32 $0x5000, v16;
	v27 =	vadd.s32 $0x7800, v16  }
.LBB2_20:
0x1d6: {  	v28 =	vld.idx.msk [tilespmem:v16+s26+$0x0], vm0;
	_ =	sdelay $0x4  }
0x1d7: {  	v28 =	vmin.bf16 v28, v22  }
0x1d8: {  	[tilespmem:v16+s26+$0x0] =	vst.idx.msk vm0, v28  }
0x1d9: {  	v29 =	vld.idx.msk [tilespmem:v25+s26+$0x0], vm0;
	_ =	sdelay $0x4  }
0x1da: {  	v29 =	vmin.bf16 v29, v21  }
0x1db: {  	v30 =	vld.idx.msk [tilespmem:v16+s26+$0x0], vm0;
	[tilespmem:v25+s26+$0x0] =	vst.idx.msk vm0, v29  }
0x1dc: {  	v31 =	vld.idx.msk [tilespmem:v26+s26+$0x0], vm0;
	_ =	sdelay $0x4  }
0x1dd: {  	v31 =	vmin.bf16 v31, v23  }
0x1de: {  	v32 =	vld.idx.msk [tilespmem:v25+s26+$0x0], vm0;
	[tilespmem:v26+s26+$0x0] =	vst.idx.msk vm0, v31  }
0x1df: {  	v33 =	vld.idx.msk [tilespmem:v27+s26+$0x0], vm0;
	_ =	sdelay $0x3  }
0x1e0: {  	v36 =	vshll.u32 v28, $0x10;
	v28 =	vand.u32 $0xFFFF0000, v28;
	v34 =	vld.idx.msk [tilespmem:v26+s26+$0x0], vm0  }
0x1e1: {  	v35 =	vshll.u32 v30, $0x10;
	v30 =	vand.u32 $0xFFFF0000, v30;
	v33 =	vmin.bf16 v33, v24  }
0x1e2: {  	vm1 =	vgt.f32 v35, v36;
	vm2 =	vgt.f32 v30, v28;
	v60 =	vshll.u32 v29, $0x10;
	[tilespmem:v27+s26+$0x0] =	vst.idx.msk vm0, v33  }
0x1e3: {  	v29 =	vand.u32 $0xFFFF0000, v29;
	v28 =	vshll.u32 v32, $0x10;
	v32 =	vand.u32 $0xFFFF0000, v32;
	v59 =	vld.idx.msk [tilespmem:v27+s26+$0x0], vm0  }
0x1e4: {  	vm1 =	vmor vm1, vm2;
	vm3 =	vgt.f32 v28, v60;
	vm4 =	vgt.f32 v32, v29  }
0x1e5: {  	v61 =	vshll.u32 v31, $0x10;
	vm3 =	vmor vm3, vm4;
	v28 =	vshll.u32 v34, $0x10  }
0x1e6: {  	v29 =	vand.u32 $0xFFFF0000, v31;
	vm1 =	vmor vm1, vm3;
	vm2 =	vgt.f32 v28, v61  }
0x1e7: {  	v28 =	vand.u32 $0xFFFF0000, v34;
	v62 =	vshll.u32 v33, $0x10;
	v63 =	vand.u32 $0xFFFF0000, v33  }
0x1e8: {  	vm3 =	vgt.f32 v28, v29;
	v28 =	vshll.u32 v59, $0x10;
	v29 =	vand.u32 $0xFFFF0000, v59  }
0x1e9: {  	vm2 =	vmor vm2, vm3;
	vm3 =	vgt.f32 v28, v62;
	vm15 =	vgt.f32 v29, v63  }
0x1ea: {  	vm1 =	vmor vm1, vm2;
	vm2 =	vmor vm3, vm15  }
0x1eb: {  	vm1 =	vmor vm1, vm2  }
0x1ec: {  	vm0 =	vmand vm0, vm1  }
0x1ed: {  	v28 =	vmpcnt.ones.xlane vm0;
	_ =	sdelay $0x1  }
0x1ee: {  	(v2sf) =	vpush v28, $0x0;
	_ =	sdelay $0xe  }
0x1ef: {  	s0 =	spop (v2sf)  }
0x1f0: {  	p1 =	sgt.s32 s0, $0x0  }
.Ltmp16:
0x1f1: {  	_ = 	snop;
	(pc) =	sbr.rel @p1 .LBB2_20-.Ltmp16, $1  }
0x1f2: {  	_ =	sdelay $0x3  }
0x1f3: {  	vm0 =	vmmov $0xffff;
	_ =	sdelay $0x4  }
0x1f4: {  	v16 =	vadd.s32 $0x2800, v11;
	v21 =	vadd.s32 $0x5000, v11;
	v22 =	vadd.s32 $0x7800, v11  }
.LBB2_22:
0x1f5: {  	v23 =	vld.idx.msk [tilespmem:v11+s26+$0x0], vm0;
	_ =	sdelay $0x4  }
0x1f6: {  	v23 =	vmin.bf16 v23, v20  }
0x1f7: {  	[tilespmem:v11+s26+$0x0] =	vst.idx.msk vm0, v23  }
0x1f8: {  	v24 =	vld.idx.msk [tilespmem:v16+s26+$0x0], vm0;
	_ =	sdelay $0x4  }
0x1f9: {  	v24 =	vmin.bf16 v24, v19  }
0x1fa: {  	v25 =	vld.idx.msk [tilespmem:v11+s26+$0x0], vm0;
	[tilespmem:v16+s26+$0x0] =	vst.idx.msk vm0, v24  }
0x1fb: {  	v26 =	vld.idx.msk [tilespmem:v21+s26+$0x0], vm0;
	_ =	sdelay $0x4  }
0x1fc: {  	v26 =	vmin.bf16 v26, v18  }
0x1fd: {  	v27 =	vld.idx.msk [tilespmem:v16+s26+$0x0], vm0;
	[tilespmem:v21+s26+$0x0] =	vst.idx.msk vm0, v26  }
0x1fe: {  	v28 =	vld.idx.msk [tilespmem:v22+s26+$0x0], vm0;
	_ =	sdelay $0x3  }
0x1ff: {  	v31 =	vshll.u32 v23, $0x10;
	v23 =	vand.u32 $0xFFFF0000, v23;
	v29 =	vld.idx.msk [tilespmem:v21+s26+$0x0], vm0  }
0x200: {  	v30 =	vshll.u32 v25, $0x10;
	v25 =	vand.u32 $0xFFFF0000, v25;
	v28 =	vmin.bf16 v28, v17  }
0x201: {  	vm1 =	vgt.f32 v30, v31;
	vm2 =	vgt.f32 v25, v23;
	v58 =	vshll.u32 v24, $0x10;
	[tilespmem:v22+s26+$0x0] =	vst.idx.msk vm0, v28  }
0x202: {  	v24 =	vand.u32 $0xFFFF0000, v24;
	v23 =	vshll.u32 v27, $0x10;
	v27 =	vand.u32 $0xFFFF0000, v27;
	v57 =	vld.idx.msk [tilespmem:v22+s26+$0x0], vm0  }
0x203: {  	vm1 =	vmor vm1, vm2;
	vm3 =	vgt.f32 v23, v58;
	vm4 =	vgt.f32 v27, v24  }
0x204: {  	v59 =	vshll.u32 v26, $0x10;
	vm3 =	vmor vm3, vm4;
	v23 =	vshll.u32 v29, $0x10  }
0x205: {  	v60 =	vand.u32 $0xFFFF0000, v26;
	vm1 =	vmor vm1, vm3;
	vm2 =	vgt.f32 v23, v59  }
0x206: {  	v23 =	vand.u32 $0xFFFF0000, v29;
	v62 =	vshll.u32 v28, $0x10;
	v63 =	vand.u32 $0xFFFF0000, v28  }
0x207: {  	vm3 =	vgt.f32 v23, v60;
	v23 =	vshll.u32 v57, $0x10;
	v61 =	vand.u32 $0xFFFF0000, v57  }
0x208: {  	vm2 =	vmor vm2, vm3;
	vm3 =	vgt.f32 v23, v62;
	vm15 =	vgt.f32 v61, v63  }
0x209: {  	vm1 =	vmor vm1, vm2;
	vm2 =	vmor vm3, vm15  }
0x20a: {  	vm1 =	vmor vm1, vm2  }
0x20b: {  	vm0 =	vmand vm0, vm1  }
0x20c: {  	v23 =	vmpcnt.ones.xlane vm0;
	_ =	sdelay $0x1  }
0x20d: {  	(v2sf) =	vpush v23, $0x0;
	_ =	sdelay $0xe  }
0x20e: {  	s0 =	spop (v2sf)  }
0x20f: {  	p1 =	sgt.s32 s0, $0x0  }
.Ltmp17:
0x210: {  	_ = 	snop;
	(pc) =	sbr.rel @p1 .LBB2_22-.Ltmp17, $1  }
0x211: {  	_ =	sdelay $0x3  }
0x212: {  	vm0 =	vmmov $0xffff;
	_ =	sdelay $0x4  }
0x213: {  	v11 =	vadd.s32 $0x2800, v6;
	v16 =	vadd.s32 $0x5000, v6;
	v17 =	vadd.s32 $0x7800, v6  }
.LBB2_24:
0x214: {  	v18 =	vld.idx.msk [tilespmem:v6+s26+$0x0], vm0;
	_ =	sdelay $0x4  }
0x215: {  	v18 =	vmin.bf16 v18, v12  }
0x216: {  	[tilespmem:v6+s26+$0x0] =	vst.idx.msk vm0, v18  }
0x217: {  	v19 =	vld.idx.msk [tilespmem:v11+s26+$0x0], vm0;
	_ =	sdelay $0x4  }
0x218: {  	v19 =	vmin.bf16 v19, v14  }
0x219: {  	v20 =	vld.idx.msk [tilespmem:v6+s26+$0x0], vm0;
	[tilespmem:v11+s26+$0x0] =	vst.idx.msk vm0, v19  }
0x21a: {  	v21 =	vld.idx.msk [tilespmem:v16+s26+$0x0], vm0;
	_ =	sdelay $0x4  }
0x21b: {  	v21 =	vmin.bf16 v21, v15  }
0x21c: {  	v22 =	vld.idx.msk [tilespmem:v11+s26+$0x0], vm0;
	[tilespmem:v16+s26+$0x0] =	vst.idx.msk vm0, v21  }
0x21d: {  	v23 =	vld.idx.msk [tilespmem:v17+s26+$0x0], vm0;
	_ =	sdelay $0x3  }
0x21e: {  	v26 =	vshll.u32 v18, $0x10;
	v18 =	vand.u32 $0xFFFF0000, v18;
	v24 =	vld.idx.msk [tilespmem:v16+s26+$0x0], vm0  }
0x21f: {  	v25 =	vshll.u32 v20, $0x10;
	v20 =	vand.u32 $0xFFFF0000, v20;
	v23 =	vmin.bf16 v23, v13  }
0x220: {  	vm1 =	vgt.f32 v25, v26;
	vm2 =	vgt.f32 v20, v18;
	v60 =	vshll.u32 v19, $0x10;
	[tilespmem:v17+s26+$0x0] =	vst.idx.msk vm0, v23  }
0x221: {  	v19 =	vand.u32 $0xFFFF0000, v19;
	v18 =	vshll.u32 v22, $0x10;
	v22 =	vand.u32 $0xFFFF0000, v22;
	v59 =	vld.idx.msk [tilespmem:v17+s26+$0x0], vm0  }
0x222: {  	vm1 =	vmor vm1, vm2;
	vm3 =	vgt.f32 v18, v60;
	vm4 =	vgt.f32 v22, v19  }
0x223: {  	v61 =	vshll.u32 v21, $0x10;
	vm3 =	vmor vm3, vm4;
	v18 =	vshll.u32 v24, $0x10  }
0x224: {  	v19 =	vand.u32 $0xFFFF0000, v21;
	vm1 =	vmor vm1, vm3;
	vm2 =	vgt.f32 v18, v61  }
0x225: {  	v18 =	vand.u32 $0xFFFF0000, v24;
	v62 =	vshll.u32 v23, $0x10;
	v63 =	vand.u32 $0xFFFF0000, v23  }
0x226: {  	vm3 =	vgt.f32 v18, v19;
	v18 =	vshll.u32 v59, $0x10;
	v19 =	vand.u32 $0xFFFF0000, v59  }
0x227: {  	vm2 =	vmor vm2, vm3;
	vm3 =	vgt.f32 v18, v62;
	vm15 =	vgt.f32 v19, v63  }
0x228: {  	vm1 =	vmor vm1, vm2;
	vm2 =	vmor vm3, vm15  }
0x229: {  	vm1 =	vmor vm1, vm2  }
0x22a: {  	vm0 =	vmand vm0, vm1  }
0x22b: {  	v18 =	vmpcnt.ones.xlane vm0;
	_ =	sdelay $0x1  }
0x22c: {  	(v2sf) =	vpush v18, $0x0;
	_ =	sdelay $0xe  }
0x22d: {  	s0 =	spop (v2sf)  }
0x22e: {  	p1 =	sgt.s32 s0, $0x0  }
.Ltmp18:
0x22f: {  	_ = 	snop;
	(pc) =	sbr.rel @p1 .LBB2_24-.Ltmp18, $1  }
0x230: {  	_ =	sdelay $0x3  }
0x231: {  	vm0 =	vmmov $0xffff;
	_ =	sdelay $0x4  }
0x232: {  	v6 =	vadd.s32 $0x2800, v5;
	v11 =	vadd.s32 $0x5000, v5;
	v12 =	vadd.s32 $0x7800, v5  }
.LBB2_26:
0x233: {  	v13 =	vld.idx.msk [tilespmem:v5+s26+$0x0], vm0;
	_ =	sdelay $0x4  }
0x234: {  	v13 =	vmin.bf16 v13, v10  }
0x235: {  	[tilespmem:v5+s26+$0x0] =	vst.idx.msk vm0, v13  }
0x236: {  	v14 =	vld.idx.msk [tilespmem:v6+s26+$0x0], vm0;
	_ =	sdelay $0x4  }
0x237: {  	v14 =	vmin.bf16 v14, v9  }
0x238: {  	v15 =	vld.idx.msk [tilespmem:v5+s26+$0x0], vm0;
	[tilespmem:v6+s26+$0x0] =	vst.idx.msk vm0, v14  }
0x239: {  	v16 =	vld.idx.msk [tilespmem:v11+s26+$0x0], vm0;
	_ =	sdelay $0x4  }
0x23a: {  	v16 =	vmin.bf16 v16, v8  }
0x23b: {  	v17 =	vld.idx.msk [tilespmem:v6+s26+$0x0], vm0;
	[tilespmem:v11+s26+$0x0] =	vst.idx.msk vm0, v16  }
0x23c: {  	v18 =	vld.idx.msk [tilespmem:v12+s26+$0x0], vm0;
	_ =	sdelay $0x3  }
0x23d: {  	v21 =	vshll.u32 v13, $0x10;
	v13 =	vand.u32 $0xFFFF0000, v13;
	v19 =	vld.idx.msk [tilespmem:v11+s26+$0x0], vm0  }
0x23e: {  	v20 =	vshll.u32 v15, $0x10;
	v15 =	vand.u32 $0xFFFF0000, v15;
	v18 =	vmin.bf16 v18, v7  }
0x23f: {  	vm1 =	vgt.f32 v20, v21;
	vm2 =	vgt.f32 v15, v13;
	v61 =	vshll.u32 v14, $0x10;
	[tilespmem:v12+s26+$0x0] =	vst.idx.msk vm0, v18  }
0x240: {  	v14 =	vand.u32 $0xFFFF0000, v14;
	vm1 =	vmor vm1, vm2;
	v13 =	vshll.u32 v17, $0x10;
	v15 =	vld.idx.msk [tilespmem:v12+s26+$0x0], vm0  }
0x241: {  	v17 =	vand.u32 $0xFFFF0000, v17;
	vm3 =	vgt.f32 v13, v61;
	v62 =	vshll.u32 v16, $0x10  }
0x242: {  	vm4 =	vgt.f32 v17, v14;
	v14 =	vand.u32 $0xFFFF0000, v16;
	v13 =	vshll.u32 v19, $0x10  }
0x243: {  	vm3 =	vmor vm3, vm4;
	vm2 =	vgt.f32 v13, v62;
	v13 =	vand.u32 $0xFFFF0000, v19  }
0x244: {  	vm1 =	vmor vm1, vm3;
	v63 =	vand.u32 $0xFFFF0000, v18;
	vm3 =	vgt.f32 v13, v14  }
0x245: {  	v13 =	vshll.u32 v15, $0x10;
	v14 =	vand.u32 $0xFFFF0000, v15;
	v15 =	vshll.u32 v18, $0x10  }
0x246: {  	vm2 =	vmor vm2, vm3;
	vm3 =	vgt.f32 v13, v15;
	vm15 =	vgt.f32 v14, v63  }
0x247: {  	vm1 =	vmor vm1, vm2;
	vm2 =	vmor vm3, vm15  }
0x248: {  	vm1 =	vmor vm1, vm2  }
0x249: {  	vm0 =	vmand vm0, vm1  }
0x24a: {  	v13 =	vmpcnt.ones.xlane vm0;
	_ =	sdelay $0x1  }
0x24b: {  	(v2sf) =	vpush v13, $0x0;
	_ =	sdelay $0xe  }
0x24c: {  	s0 =	spop (v2sf)  }
0x24d: {  	p1 =	sgt.s32 s0, $0x0  }
.Ltmp19:
0x24e: {  	_ = 	snop;
	(pc) =	sbr.rel @p1 .LBB2_26-.Ltmp19, $1  }
0x24f: {  	_ =	sdelay $0x3  }
.Ltmp20:
0x250: {  	_ = 	snop;
	(pc) =	sbr.rel .LBB2_27-.Ltmp20, $1  }
0x251: {  	_ =	sdelay $0x3  }
.LBB2_28:
.Ltmp21:
0x252: {  	(pc) =	sbr.rel @p0 .LBB2_30-.Ltmp21, $1  }
0x253: {  	_ =	sdelay $0x3  }
0x254: {  	s0 =	smul.u32 $0x1900, s30;
	_ =	sdelay $0x1  }
0x255: {  	s0 =	sadd.s32 s0, s14  }
0x256: {  	s0 =	sshrl.u32 s0, $0x3  }
0x257: {  	s1 =	sadd.s32 s3, s0  }
0x258: {  	[tilespmem:s21], [sflag:$0x2] =	stream.linear.gather [hbm4b:s1+s2], $0xC80, $0x38;
	[tilespmem:$0x1B280] =	vst v63  }
.Ltmp22:
0x259: {  	_ = 	snop;
	(pc) =	sbr.rel .LBB2_4-.Ltmp22, $4  }
0x25a: {  	s31 =	sadd.s32 s4, s0  }
0x25b: {  	[tilespmem:s22], [sflag:$0x2] =	stream.linear.gather [hbm4b:s31+s2], $0xC80, $0x38;
	[tilespmem:$0x1B280] =	vst v63  }
0x25c: {  	s30 =	sadd.s32 $0x1, s30;
	s0 =	sadd.s32 s5, s0  }
0x25d: {  	[tilespmem:s23], [sflag:$0x2] =	stream.linear.gather [hbm4b:s0+s2], $0xC80, $0x38;
	[tilespmem:$0x1B280] =	vst v63  }
.LBB2_31:
0x25e: {  	_ =	sfence.sel $0x180000  }
0x25f: {  	[bflag:$0x0] =	sbarrier.arrive $0xFFFF  }
0x260: {  	_ =	strace $0x9000004D  }
0x261: {  	s0 =	stileid.u32;
	[bflag:$0x2] =	sbarrier.arrive $0xFFFF  }
0x262: {  	p0 =	sne.s32 s0, $0x0;
	s0 =	rddreg [dreg:$0x2]  }
0x263: {  	s0 =	sadd.s32 @!p0 $0x100000, s0  }
0x264: {  	[sflag:s0] =	ssyncadd.tile.s32 @!p0 $0x1;
	_ =	shalt  }
.Lfunc_end2:
_tile_overlayer_lowered:
.L_overlay_start_2:
0x265: {  	(tag) =	ssettag $0x2  }
0x266: {  	s0 =	rddreg [dreg:$0x0];
	s2 =	stileid.u32  }
0x267: {  	s1 =	rddreg [dreg:$0x1];
	p0 =	sne.s32 s2, $0x0  }
0x268: {  	s3 =	rddreg [dreg:$0x2];
	[bflag:$0x3] =	sbarrier.arrive $0xFFFF;
	s2 =	simm.s32 @!p0 $0x1C03  }
0x269: {  	[timem:s3], [sflag:s2] =	dma.local @!p0 [hbm:s0], s1  }
0x26a: {  	s0 =	simm.s32 @!p0 $0x3  }
0x26b: {  	_ =	swait.ge @!p0 [sflag:s0], s1  }
0x26c: {  	s1 =	ssub.s32 @!p0 $0x0, s1;
	[sflag:s0] =	ssyncset.done @!p0 $0x0  }
0x26d: {  	[sflag:s0] =	ssyncadd.s32 @!p0 s1  }
0x26e: {  	[bflag:$0x3] =	sbarrier.arrive $0xFFFF  }
0x26f: {  	_ =	shalt  }

// kernel: kernel.7.cloned.1.call-start
scs
__scs_entry_jumppad:
0x0: {  	(pc) =	sbr.rel $0x88, $3  }
0x1: {  	(tag) =	ssettag $0x0;
	lr =	simm.s32 $0x1  }
0x2: {  	[smem:$0x3F9C] =	sst lr;
	_ =	strace $0xD0000000  }
0x3: {  	_ = 	snop  }
0x4: {  	_ = 	snop  }
0x5: {  	_ = 	snop  }
0x6: {  	_ = 	snop  }
0x7: {  	_ = 	snop  }
__scs_overlays_trampoline_lowered:
0x8: {  	[smem:$0x3FAB] =	sst s0  }
0x9: {  	[smem:$0x3FAC] =	sst s1  }
0xa: {  	[smem:$0x3FAD] =	sst s2  }
0xb: {  	[smem:$0x3FAE] =	sst s3  }
0xc: {  	[smem:$0x3FAF] =	sst s4  }
0xd: {  	[smem:$0x3FB0] =	sst s5  }
0xe: {  	[smem:$0x3FB1] =	sst s6  }
0xf: {  	[smem:$0x3FB2] =	sst s7  }
0x10: {  	[smem:$0x3FB3] =	sst s8  }
0x11: {  	[smem:$0x3FB4] =	sst s9;
	s0 =	simm.s32 @!p0 $0x0  }
0x12: {  	s1 =	sld [smem:$0x3F9A];
	s0 =	simm.s32 @p0 $0x1  }
0x13: {  	[smem:$0x3FB5] =	sst s0;
	s0 =	simm.s32 @!p1 $0x0  }
0x14: {  	s2 =	sld [smem:$0x3F99];
	s0 =	simm.s32 @p1 $0x1  }
0x15: {  	[smem:$0x3FB6] =	sst s0;
	s0 =	simm.s32 @!p2 $0x0  }
0x16: {  	s3 =	sld [smem:$0x3FDB];
	s0 =	simm.s32 @p2 $0x1  }
0x17: {  	s4 =	simm.s32 $0x1BF5;
	[smem:$0x3FB8] =	sst s0  }
0x18: {  	s0 =	sld [smem:$0x3F9B];
	_ =	swait.ge [sflag:s4], $0x0  }
0x19: {  	s7 =	sld [smem:$0x3F9C]  }
0x1a: {  	s8 =	sadd.s32 $0xFFFFE003, lr  }
0x1b: {  	s9 =	sadd.s32 $0xFFFFFEF7, lr;
	s5 =	simm.s32 $0xFFFFFFFF;
	p2 =	slt.u32 s8, $0xFFFFF086  }
0x1c: {  	p1 =	slt.u32 s9, $0xF7A;
	s5 =	simm.s32 @!p2 $0x0  }
0x1d: {  	s5 =	simm.s32 @p1 $0x1;
	p0 =	seq.s32 s7, s2  }
0x1e: {  	s7 =	smul.u32 @!p0 $0xF7A, s2;
	p2 =	seq.s32 @!p0 s5, $0x0  }
0x1f: {  	s9 =	smul.u32 $0xF7A, s1;
	s8 =	simm.s32 @!p0 $0x1BF5;
	p2 =	por !p2, p0  }
0x20: {  	[sflag:s8] =	ssyncset.s32 @!p0 $0xFFFFF086;
	s6 =	sadd.s32 @!p0 s3, s7;
	s7 =	simm.s32 @!p0 $0x108  }
0x21: {  	s3 =	sadd.s32 s3, s9;
	s6 =	sadd.s32 @!p0 $0x88, s6;
	s7 =	simm.s32 @p2 $0x1082  }
0x22: {  	[simem:s7], [sflag:s8] =	dma.local @!p0 [hbm:s6], $0xF7A  }
0x23: {  	s9 =	sor.u32 $0xD0000000, s2;
	s6 =	simm.s32 $0x108;
	_ =	swait.ge @!p0 [sflag:s8], $0x0  }
0x24: {  	s3 =	sadd.s32 $0x88, s3;
	s6 =	simm.s32 @!p1 $0x1082;
	[sflag:s4] =	ssyncset.s32 $0xFFFFF086  }
0x25: {  	[simem:s6], [sflag:s4] =	dma.local [hbm:s3], $0xF7A  }
0x26: {  	[smem:$0x3F9C] =	sst s1;
	(tag) =	ssettag s2;
	_ =	strace s9  }
0x27: {  	s1 =	sld [smem:$0x3FAC]  }
0x28: {  	s2 =	sld [smem:$0x3FAD]  }
0x29: {  	s4 =	sld [smem:$0x3FAF]  }
0x2a: {  	p0 =	seq.s32 s5, $0x0;
	s5 =	sld [smem:$0x3FB0]  }
0x2b: {  	s6 =	sld [smem:$0x3FB1]  }
0x2c: {  	s7 =	sld [smem:$0x3FB2]  }
0x2d: {  	s3 =	simm.s32 $0x108;
	s8 =	sld [smem:$0x3FB3]  }
0x2e: {  	s3 =	simm.s32 @!p0 $0x1082;
	s9 =	sld [smem:$0x3FB4]  }
0x2f: {  	lr =	sadd.s32 s0, s3;
	s0 =	sld [smem:$0x3FAB]  }
0x30: {  	s3 =	sld [smem:$0x3FAE]  }
0x31: {  	[smem:$0x3FB7] =	sst s10  }
0x32: {  	s10 =	sld [smem:$0x3FB5];
	_ =	sdelay $0x3  }
0x33: {  	p0 =	seq.s32 s10, $0x1;
	s10 =	sld [smem:$0x3FB7];
	_ =	sdelay $0x3  }
0x34: {  	[smem:$0x3FB7] =	sst s10  }
0x35: {  	s10 =	sld [smem:$0x3FB6];
	_ =	sdelay $0x3  }
0x36: {  	p1 =	seq.s32 s10, $0x1;
	s10 =	sld [smem:$0x3FB7];
	_ =	sdelay $0x3  }
0x37: {  	[smem:$0x3FB7] =	sst s10  }
0x38: {  	s10 =	sld [smem:$0x3FB8]  }
0x39: {  	_ = 	snop;
	(pc) =	sbr.ind lr, $3  }
0x3a: {  	_ = 	snop  }
0x3b: {  	_ = 	snop  }
0x3c: {  	p2 =	seq.s32 s10, $0x1;
	s10 =	sld [smem:$0x3FB7]  }
0x3d: {  	_ =	shalt  }
0x3e: {  	_ =	shalt  }
0x3f: {  	_ =	shalt  }
0x40: {  	_ =	shalt  }
0x41: {  	_ =	shalt  }
0x42: {  	_ =	shalt  }
0x43: {  	_ =	shalt  }
0x44: {  	_ =	shalt  }
0x45: {  	_ =	shalt  }
0x46: {  	_ =	shalt  }
0x47: {  	_ =	shalt  }
0x48: {  	_ =	shalt  }
0x49: {  	_ =	shalt  }
0x4a: {  	_ =	shalt  }
0x4b: {  	_ =	shalt  }
0x4c: {  	_ =	shalt  }
0x4d: {  	_ =	shalt  }
0x4e: {  	_ =	shalt  }
0x4f: {  	_ =	shalt  }
0x50: {  	_ =	shalt  }
0x51: {  	_ =	shalt  }
0x52: {  	_ =	shalt  }
0x53: {  	_ =	shalt  }
0x54: {  	_ =	shalt  }
0x55: {  	_ =	shalt  }
0x56: {  	_ =	shalt  }
0x57: {  	_ =	shalt  }
0x58: {  	_ =	shalt  }
0x59: {  	_ =	shalt  }
0x5a: {  	_ =	shalt  }
0x5b: {  	_ =	shalt  }
0x5c: {  	_ =	shalt  }
0x5d: {  	_ =	shalt  }
0x5e: {  	_ =	shalt  }
0x5f: {  	_ =	shalt  }
0x60: {  	_ =	shalt  }
0x61: {  	_ =	shalt  }
0x62: {  	_ =	shalt  }
0x63: {  	_ =	shalt  }
0x64: {  	_ =	shalt  }
0x65: {  	_ =	shalt  }
0x66: {  	_ =	shalt  }
0x67: {  	_ =	shalt  }
0x68: {  	_ =	shalt  }
0x69: {  	_ =	shalt  }
0x6a: {  	_ =	shalt  }
0x6b: {  	_ =	shalt  }
0x6c: {  	_ =	shalt  }
0x6d: {  	_ =	shalt  }
0x6e: {  	_ =	shalt  }
0x6f: {  	_ =	shalt  }
0x70: {  	_ =	shalt  }
0x71: {  	_ =	shalt  }
0x72: {  	_ =	shalt  }
0x73: {  	_ =	shalt  }
0x74: {  	_ =	shalt  }
0x75: {  	_ =	shalt  }
0x76: {  	_ =	shalt  }
0x77: {  	_ =	shalt  }
0x78: {  	_ =	shalt  }
0x79: {  	_ =	shalt  }
0x7a: {  	_ =	shalt  }
0x7b: {  	_ =	shalt  }
0x7c: {  	_ =	shalt  }
0x7d: {  	_ =	shalt  }
0x7e: {  	_ =	shalt  }
0x7f: {  	_ =	shalt  }
0x80: {  	_ =	shalt  }
0x81: {  	_ =	shalt  }
0x82: {  	_ =	shalt  }
0x83: {  	_ =	shalt  }
0x84: {  	_ =	shalt  }
0x85: {  	_ =	shalt  }
0x86: {  	_ =	shalt  }
0x87: {  	_ =	shalt  }
.Lfunc_end0:
.L_simem_size_0:
called_computation_lowered:
.L_overlay_start_0:
0x88: {  	s2 =	sld [smem:$0x3FD9]  }
0x89: {  	s3 =	sld [smem:$0x3FFE];
	_ =	sdelay $0x1  }
0x8a: {  	s1 =	srdreg.scid  }
0x8b: {  	s0 =	sand.u32 $0x1, s1  }
0x8c: {  	s17 =	sshll.u32 s0, $0xA;
	s2 =	sadd.s32 s3, s2  }
0x8d: {  	s2 =	sadd.s32 s2, s17  }
0x8e: {  	[smem:$0x3FC3] =	sst s2  }
0x8f: {  	_ = 	snop  }
0x90: {  	s2 =	sld [smem:$0x3FD0];
	(tm) =	ssettm $0x1  }
0x91: {  	s18 =	sld [smem:$0x3FFB];
	_ =	sdelay $0x3  }
0x92: {  	_ =	strace s18  }
0x93: {  	s3 =	sld [smem:$0x3FFC];
	_ =	sdelay $0x3  }
0x94: {  	_ =	strace s3  }
0x95: {  	s3 =	sld [smem:$0x3FFD];
	_ =	sdelay $0x3  }
0x96: {  	_ =	strace s3  }
0x97: {  	_ =	strace $0x8FFFFFFF  }
0x98: {  	s19 =	sld [smem:$0x3FDB];
	_ =	sdelay $0x1  }
0x99: {  	s4 =	simm.s32 $_scs_section_size  }
0x9a: {  	s5 =	simm.s32 $_size__tile_overlayer_lowered;
	s6 =	simm.s32 $_tile_overlayer_lowered  }
0x9b: {  	s22 =	simm.s32 $0x1BFF;
	s21 =	sshll.u32 s6, $0x1;
	s3 =	sadd.s32 s4, s19  }
0x9c: {  	s7 =	simm.s32 $0x0;
	s20 =	sshll.u32 s5, $0x1;
	s5 =	sadd.s32 s21, s3  }
0x9d: {  	[timem:s7], [sflag:s22] =	dma.local [hbm:s5], s20  }
0x9e: {  	_ =	swait.ge [sflag:s22], s20  }
0x9f: {  	s4 =	ssub.s32 $0x0, s20;
	[sflag:s22] =	ssyncset.done $0x0  }
0xa0: {  	[sflag:s22] =	ssyncadd.s32 s4;
	_ =	sdelay $0x1  }
0xa1: {  	s23 =	simm.s32 $0x1B8B  }
0xa2: {  	_ =	swait.ge [sflag:s23], $0x1  }
0xa3: {  	[sflag:s23] =	ssyncset.done $0x0  }
0xa4: {  	s25 =	simm.s32 $0x1B8E;
	s24 =	sld [smem:$0x3FFE];
	[sflag:s23] =	ssyncadd.s32 $0xFFFFFFFF  }
0xa5: {  	s26 =	simm.s32 $execute0_lowered;
	[smem:$0x3FD2] =	sst s25  }
0xa6: {  	s5 =	sshll.u32 s26, $0x1;
	_ =	strace $0x80000046;
	[dreg:$0x1] =	wrdreg $0xFFFFFFFF  }
0xa7: {  	s28 =	simm.s32 $_size_execute0_lowered;
	s3 =	sadd.s32 s3, s5;
	[dreg:$0x0] =	wrdreg $0x0  }
0xa8: {  	s5 =	sshll.u32 s28, $0x1;
	[dreg:$0x2] =	wrdreg s3  }
0xa9: {  	[dreg:$0x3] =	wrdreg s5  }
0xaa: {  	[dreg:$0x4] =	wrdreg $0xC0  }
0xab: {  	_ =	task [dreg:s7], $0x5FFFF  }
0xac: {  	[dreg:$0x1] =	wrdreg $0xFFFFFFFF  }
0xad: {  	[dreg:$0x0] =	wrdreg $0x60  }
0xae: {  	[dreg:$0x2] =	wrdreg s24  }
0xaf: {  	[dreg:$0x3] =	wrdreg s2  }
0xb0: {  	[dreg:$0x4] =	wrdreg $0x3F800  }
0xb1: {  	[dreg:$0x5] =	wrdreg $0x9  }
0xb2: {  	_ =	task.clear_ibuf [dreg:s7], $0x6FFFF;
	_ =	strace $0x90000046  }
0xb3: {  	s29 =	simm.s32 $0x9;
	_ =	strace $0x80000048  }
0xb4: {  	_ =	swait.ge [sflag:s29], $0x1  }
0xb5: {  	[sflag:s29] =	ssyncadd.s32 $0xFFFFFFFF  }
0xb6: {  	_ =	strace $0x90000048  }
0xb7: {  	_ =	sfence  }
0xb8: {  	s30 =	sld [smem:$0x0];
	_ =	sdelay $0x2  }
0xb9: {  	s31 =	sshll.u32 s1, $0xD;
	s1 =	sshrl.u32 s1, $0x2  }
0xba: {  	s3 =	sand.u32 $0x4000, s31;
	s1 =	sadd.s32 s1, s30  }
0xbb: {  	s0 =	sor.u32 s3, s0;
	s1 =	sshll.u32 s1, $0x11  }
0xbc: {  	s0 =	sor.u32 s1, s0  }
0xbd: {  	s0 =	sadd.s32 $0x8F2B, s0  }
0xbe: {  	[sflag:s0] =	ssyncadd.remote.s32 $0x1  }
0xbf: {  	_ =	sfence.sel $0xFFFF  }
0xc0: {  	[dreg:$0x0] =	wrdreg $0xFFFFFFFF;
	(pc) =	sbr.abs _section_cstart, $3  }
0xc1: {  	[dreg:$0x1] =	wrdreg $0xFFFFFFFF  }
0xc2: {  	_ =	task.clear_ibuf [dreg:s7], $0x2FFFF;
	_ =	strace $0x9FFFFFFF  }
0xc3: {  	(tm) =	ssettm $0x7FFFFFFF  }
tec
execute0_lowered:
.L_overlay_start_1:
0x0: {  	(tag) =	ssettag $0x1  }
0x1: {  	s7 =	rddreg [dreg:$0x0]  }
0x2: {  	s1 =	rddreg [dreg:$0x1]  }
0x3: {  	s2 =	rddreg [dreg:$0x2]  }
0x4: {  	s0 =	rddreg [dreg:$0x3]  }
0x5: {  	s3 =	simm.s32 $0x0;
	s5 =	srdreg.scid;
	s10 =	stileid.u32  }
0x6: {  	s12 =	simm.s32 $0x2780;
	s13 =	simm.s32 $0x2F80;
	s14 =	simm.s32 $0x7D0  }
0x7: {  	s15 =	simm.s32 $0x3780;
	s16 =	simm.s32 $0x0;
	[smem:$0x7FF] =	sst s3  }
0x8: {  	s4 =	sadd.s32 $0xAA00, s7;
	s8 =	sand.u32 $0x1, s5;
	s5 =	sadd.s32 $0xC00, s7  }
0x9: {  	s6 =	sadd.s32 $0x14800, s7;
	p0 =	sne.s32 s10, $0x0;
	_ =	strace $0x80000047  }
0xa: {  	s9 =	smul.u32 $0x500, s8;
	s11 =	ssub.s32 $0x2, s8;
	s8 =	sshll.u32 s8, $0x4  }
0xb: {  	s31 =	sshrl.u32 s11, $0x1;
	s8 =	sor.u32 s10, s8;
	s10 =	simm.s32 $0x1  }
0xc: {  	s9 =	sadd.s32 s9, s7;
	s11 =	ssub.s32 s11, s31;
	s7 =	smul.u32 $0x2710, s8  }
0xd: {  	s8 =	sadd.s32 $0x14E00, s9;
	s9 =	smax.u32 s11, $0x1;
	s11 =	sshrl.u32 @!p0 s2, $0x3  }
.LBB2_1:
0xe: {  	[tilespmem:s3], [sflag:$0x1] =	stream.linear.gather [hbm4b:s6+s3], $0x2780, $0x38;
	[tilespmem:$0x4200] =	vst v63  }
0xf: {  	_ =	swait.ge [sflag:s10], $0x2780  }
0x10: {  	[sflag:s10] =	ssyncset.done $0x0  }
0x11: {  	s17 =	simm.s32 @!p0 $0x1C01;
	[sflag:s10] =	ssyncadd.s32 $0xFFFFD880  }
0x12: {  	[spmem:s11], [sflag:s17] =	dma.local @!p0 [hbm:s1], $0x500  }
0x13: {  	s17 =	simm.s32 @!p0 $0x1  }
0x14: {  	_ =	swait.ge @!p0 [sflag:s17], $0x500  }
0x15: {  	[sflag:s17] =	ssyncset.done @!p0 $0x0  }
0x16: {  	[sflag:s17] =	ssyncadd.s32 @!p0 $0xFFFFFB00  }
0x17: {  	s17 =	simm.s32 $0x0;
	[bflag:$0x0] =	sbarrier.arrive $0xFFFF  }
.LBB2_2:
0x18: {  	s18 =	smul.u32 $0x7D0, s17;
	_ =	sdelay $0x1  }
0x19: {  	s18 =	sadd.s32 s7, s18  }
0x1a: {  	s18 =	sshrl.u32 s18, $0x3  }
0x1b: {  	s20 =	simm.s32 $0x0;
	s19 =	sadd.s32 s4, s18  }
0x1c: {  	[tilespmem:s12], [sflag:$0x1] =	stream.linear.gather [hbm4b:s19+s20], $0x7D0, $0x38;
	[tilespmem:$0x4200] =	vst v63  }
0x1d: {  	_ =	swait.ge [sflag:s10], $0x7D0  }
0x1e: {  	[sflag:s10] =	ssyncset.done $0x0  }
0x1f: {  	s18 =	sadd.s32 s5, s18;
	[sflag:s10] =	ssyncadd.s32 $0xFFFFF830  }
0x20: {  	[tilespmem:s13], [sflag:$0x1] =	stream.linear.gather [hbm4b:s18+s20], $0x7D0, $0x38;
	[tilespmem:$0x4200] =	vst v63  }
0x21: {  	_ =	swait.ge [sflag:s10], $0x7D0  }
0x22: {  	[sflag:s10] =	ssyncset.done $0x0  }
0x23: {  	s18 =	simm.s32 $0x0;
	[sflag:s10] =	ssyncadd.s32 $0xFFFFF830  }
0x24: {  	v0 =	vld [tilespmem:s18+$0x2780];
	_ =	sdelay $0x7  }
0x25: {  	v0 =	vld.idx.msk [tilespmem:v0+s3+$0x0], $0xffff;
	_ =	sdelay $0x4  }
0x26: {  	v0 =	vmul.f32 $1.442695020e+00, v0;
	_ =	sdelay $0x1  }
0x27: {  	(erf) = vpow2.f32 v0;
	_ =	sdelay $0x1  }
0x28: {  	s19 =	simm.s32 $0x80;
	s20 =	simm.s32 $0x10  }
.LBB2_3:
0x29: {  	p1 =	sne.s32 s19, $0x1F00;
	v0 =	vld [tilespmem:s20+$0x2780];
	_ =	sdelay $0x5  }
0x2a: {  	v1 =	vpop (erf)  }
0x2b: {  	[tilespmem:s18+$0x3780] =	vst v1;
	s18 =	smov.u32 s20  }
0x2c: {  	v0 =	vld.idx.msk [tilespmem:v0+s3+$0x0], $0xffff;
	_ =	sdelay $0x5  }
.Ltmp0:
0x2d: {  	v0 =	vmul.f32 $1.442695020e+00, v0;
	(pc) =	sbr.rel @p1 .LBB2_3-.Ltmp0, $3  }
0x2e: {  	_ = 	snop  }
0x2f: {  	(erf) = vpow2.f32 v0;
	_ =	sdelay $0x1  }
0x30: {  	s20 =	sshra.s32 s19, $0x2;
	s19 =	sadd.s32 $0x40, s19  }
0x31: {  	v0 =	vld [tilespmem:s20+$0x2780];
	_ =	sdelay $0x5  }
0x32: {  	v1 =	vpop (erf)  }
0x33: {  	[tilespmem:s18+$0x3780] =	vst v1  }
0x34: {  	v0 =	vld.idx.msk [tilespmem:v0+s3+$0x0], $0xffff;
	_ =	sdelay $0x4  }
0x35: {  	v0 =	vmul.f32 $1.442695020e+00, v0;
	_ =	sdelay $0x1  }
0x36: {  	(erf) = vpow2.f32 v0;
	_ =	sdelay $0x7  }
0x37: {  	s17 =	sadd.s32 $0x1, s17  }
0x38: {  	p1 =	sne.s32 s17, $0x5;
	v0 =	vpop (erf)  }
.Ltmp1:
0x39: {  	[tilespmem:s20+$0x3780] =	vst v0;
	(pc) =	sbr.rel @p1 .LBB2_2-.Ltmp1, $4  }
0x3a: {  	[spmem:s2] =	stream.indirect.scatter.add.f32 [tilespmem:s15], [sflag:$0x1], $0x1, s13, s14, $0xb8;
	[tilespmem:$0x4200] =	vst v63  }
0x3b: {  	_ =	swait.ge [sflag:s10], $0x7D0  }
0x3c: {  	[sflag:s10] =	ssyncset.done $0x0  }
0x3d: {  	[sflag:s10] =	ssyncadd.s32 $0xFFFFF830  }
0x3e: {  	[bflag:$0x0] =	sbarrier.arrive $0xFFFF;
	s17 =	simm.s32 @!p0 $0x1C01;
	s16 =	sadd.s32 $0x1, s16  }
0x3f: {  	[hbm:s8], [sflag:s17] =	dma.local @!p0 [spmem:s11], $0x500  }
0x40: {  	p1 =	sne.s32 s16, s9  }
.Ltmp2:
0x41: {  	_ = 	snop;
	(pc) =	sbr.rel @p1 .LBB2_1-.Ltmp2, $4  }
0x42: {  	s17 =	simm.s32 @!p0 $0x1  }
0x43: {  	_ =	swait.ge @!p0 [sflag:s17], $0x500  }
0x44: {  	[sflag:s17] =	ssyncset.done @!p0 $0x0  }
0x45: {  	[sflag:s17] =	ssyncadd.s32 @!p0 $0xFFFFFB00  }
0x46: {  	_ =	sfence.sel $0x180000  }
0x47: {  	[bflag:$0x0] =	sbarrier.arrive $0xFFFF  }
0x48: {  	_ =	strace $0x90000047  }
0x49: {  	s0 =	sadd.s32 @!p0 $0x100000, s0;
	[bflag:$0x2] =	sbarrier.arrive $0xFFFF  }
0x4a: {  	[sflag:s0] =	ssyncadd.tile.s32 @!p0 $0x1;
	_ =	shalt  }
.Lfunc_end2:
_tile_overlayer_lowered:
.L_overlay_start_2:
0x4b: {  	(tag) =	ssettag $0x2  }
0x4c: {  	s0 =	rddreg [dreg:$0x0];
	s2 =	stileid.u32  }
0x4d: {  	s1 =	rddreg [dreg:$0x1];
	p0 =	sne.s32 s2, $0x0  }
0x4e: {  	s3 =	rddreg [dreg:$0x2];
	[bflag:$0x3] =	sbarrier.arrive $0xFFFF;
	s2 =	simm.s32 @!p0 $0x1C01  }
0x4f: {  	[timem:s3], [sflag:s2] =	dma.local @!p0 [hbm:s0], s1  }
0x50: {  	s0 =	simm.s32 @!p0 $0x1  }
0x51: {  	_ =	swait.ge @!p0 [sflag:s0], s1  }
0x52: {  	s1 =	ssub.s32 @!p0 $0x0, s1;
	[sflag:s0] =	ssyncset.done @!p0 $0x0  }
0x53: {  	[sflag:s0] =	ssyncadd.s32 @!p0 s1  }
0x54: {  	[bflag:$0x3] =	sbarrier.arrive $0xFFFF  }
0x55: {  	_ =	shalt  }

</sc_bundles>
